<compile_context>
chip_gen: v7x
topology: tpu7x:2x2x1
jax: 0.10.2.dev20260603
libtpu: 0.0.44.dev20260713+nightly
codegen_flags: <defaults>
</compile_context>

<pallas_src>
import functools

import jax
import jax.numpy as jnp
import numpy as np
from jax import lax
from jax.experimental import pallas as pl
from jax.experimental.pallas import tpu as pltpu
from jax.experimental.pallas import tpu_sc as plsc

XMIN = 0.0
XMAX = 1.0

NC = 2
NS = 16
L = 16
NW = NC * NS

D = 16
C = 2048
GROUP = 128
G = C // GROUP
JJ = C // L

CBR = 496
BCH = 8
RB = CBR * BCH
INW = 8 * CBR + 16


def _build_body(cpad8_hbm, c2x_hbm, out0_v, out1_v, sem, osem):
    wid = lax.axis_index("s") * NC + lax.axis_index("c")
    rbase = wid * RB
    outs = (out0_v, out1_v)

    def fill(cb, out_v):
        roff = rbase + cb * CBR
        a = pltpu.async_copy(cpad8_hbm.at[pl.ds(roff, CBR)],
                             out_v.at[:, pl.ds(0, 8)], sem)
        b = pltpu.async_copy(cpad8_hbm.at[pl.ds(roff + 1, CBR)],
                             out_v.at[:, pl.ds(8, 8)], sem)
        a.wait()
        b.wait()

    def flush(cb, out_v):
        pltpu.async_copy(out_v, c2x_hbm.at[pl.ds((rbase + cb * CBR), CBR)],
                         osem)

    def drain(out_v):
        pltpu.make_async_copy(cpad8_hbm.at[pl.ds(0, CBR)],
                              out_v.at[:, pl.ds(0, 8)], osem).wait()
        pltpu.make_async_copy(cpad8_hbm.at[pl.ds(0, CBR)],
                              out_v.at[:, pl.ds(8, 8)], osem).wait()

    def pair_body(cb2, carry):
        cb = 2 * cb2
        fill(cb, outs[0])
        flush(cb, outs[0])
        fill(cb + 1, outs[1])
        flush(cb + 1, outs[1])
        drain(outs[0])
        drain(outs[1])
        return carry

    lax.fori_loop(0, BCH // 2, pair_body, 0)


def _spline_body(n, nbr, pt, x_hbm, tbl_hbm, y_hbm, *refs):
    (x_a, q_a, pos_a, w0_a, w1_a, w2_a, w3_a, rows_a, y_a,
     x_b, q_b, pos_b, w0_b, w1_b, w2_b, w3_b, rows_b, y_b,
     sem_a, sem_b, xsem_a, xsem_b) = refs
    sets = (
        (x_a, q_a, pos_a, (w0_a, w1_a, w2_a, w3_a), rows_a, y_a, sem_a,
         xsem_a),
        (x_b, q_b, pos_b, (w0_b, w1_b, w2_b, w3_b), rows_b, y_b, sem_b,
         xsem_b),
    )
    inv_h = (n - 1) / (XMAX - XMIN)
    sixth = 1.0 / 6.0
    eps = float(np.finfo(np.float32).eps)
    wid = lax.axis_index("s") * NC + lax.axis_index("c")
    base = wid * pt
    nch = pt // C

    def stage1(g, s, first=False):
        x_v, q_v, pos_v, wv4, rows_v, _, sem, xsem = sets[s]
        if first:
            pltpu.sync_copy(x_hbm.at[pl.ds(base + g * C, C)], x_v)
        else:
            pltpu.make_async_copy(x_hbm.at[pl.ds(0, C)], x_v, xsem).wait()

        @plsc.parallel_loop(0, JJ, unroll=8)
        def p1a(j):
            sl = pl.ds(j * L, L)
            xv = x_v[sl]
            t = xv * inv_h if XMIN == 0.0 else (xv - XMIN) * inv_h
            ii = t.astype(jnp.int32)
            ii = jnp.minimum(jnp.maximum(ii, 0), n - 1)
            q = jnp.minimum(jnp.maximum((ii - 1) >> 3, 0), nbr - 1)
            qd = q * 8
            p0 = jnp.maximum(ii - 1, 0) - qd
            p1_ = ii - qd
            p2_ = ii + 1 - qd
            p3 = jnp.minimum(ii + 2, n - 1) - qd
            pos_v[sl] = p0 | (p1_ << 4) | (p2_ << 8) | (p3 << 12)
            q_v[sl] = q

        for b in range(G):
            gsl = pl.ds(b * GROUP, GROUP)
            pltpu.async_copy(tbl_hbm.at[q_v.at[gsl]], rows_v.at[gsl], sem)

        @plsc.parallel_loop(0, JJ, unroll=8)
        def p1b(j):
            sl = pl.ds(j * L, L)
            xv = x_v[sl]
            t = xv * inv_h if XMIN == 0.0 else (xv - XMIN) * inv_h
            ii = t.astype(jnp.int32)
            u = jnp.minimum(jnp.maximum(t - ii.astype(jnp.float32), 0.0),
                            1.0 - eps)
            u2 = u * u
            u3 = u2 * u
            sm = 1.0 - u
            wv4[0][sl] = sm * sm * sm * sixth
            wv4[1][sl] = (3.0 * u3 - 6.0 * u2 + 4.0) * sixth
            wv4[2][sl] = (-3.0 * u3 + 3.0 * u2 + 3.0 * u + 1.0) * sixth
            wv4[3][sl] = u3 * sixth

    def stage2(g, s):
        x_v, _, pos_v, wv4, rows_v, y_v, sem, xsem = sets[s]
        off = base + g * C

        @pl.when(g + 2 < nch)
        def _():
            pltpu.async_copy(x_hbm.at[pl.ds(off + 2 * C, C)], x_v, xsem)

        pltpu.make_async_copy(tbl_hbm.at[pl.ds(0, C)], rows_v, sem).wait()

        @plsc.parallel_loop(0, JJ, unroll=8)
        def p2(j):
            sl = pl.ds(j * L, L)
            pv = j * L + lax.iota(jnp.int32, L)
            packed = pos_v[sl]
            acc = None
            for k in range(4):
                pk = (packed >> (4 * k)) & 15
                ck = plsc.load_gather(rows_v, [pv, pk])
                wk = wv4[k][sl]
                acc = wk * ck if acc is None else acc + wk * ck
            y_v[sl] = acc
        pltpu.sync_copy(y_v, y_hbm.at[pl.ds(off, C)])

    pltpu.async_copy(x_hbm.at[pl.ds(base + C, C)], sets[1][0], sets[1][7])
    stage1(0, 0, first=True)

    def pair(g2, carry):
        ga = 2 * g2
        gb = ga + 1
        stage1(gb, 1)
        stage2(ga, 0)

        @pl.when(g2 + 1 < nch // 2)
        def _():
            stage1(ga + 2, 0)

        stage2(gb, 1)
        return carry

    lax.fori_loop(0, nch // 2, pair, 0)


def kernel(x, coeff):
    n = coeff.shape[0]
    shape = x.shape
    xf = x.reshape(-1)
    p = xf.shape[0]
    per_tile = 2 * C
    tile_pts = -(-p // (NW * per_tile)) * per_tile
    p_pad = tile_pts * NW
    if p_pad != p:
        xf = jnp.pad(xf, (0, p_pad - p))

    nbr = NW * RB
    cr = coeff
    if n % 8:
        cr = jnp.pad(coeff, (0, 8 - n % 8), mode="edge")
    rows8 = cr.reshape(-1, 8)
    cpad8 = jnp.pad(rows8, ((0, nbr + 1 - rows8.shape[0]), (0, 0)),
                    mode="edge")

    mesh = plsc.VectorSubcoreMesh(core_axis_name="c", subcore_axis_name="s")
    params = pltpu.CompilerParams(
        use_tc_tiling_on_sc=False, needs_layout_passes=False)

    build = pl.kernel(
        _build_body,
        out_type=jax.ShapeDtypeStruct((nbr, D), jnp.float32),
        mesh=mesh,
        compiler_params=params,
        scratch_types=[
            pltpu.VMEM((CBR, D), jnp.float32),
            pltpu.VMEM((CBR, D), jnp.float32),
            pltpu.SemaphoreType.DMA,
            pltpu.SemaphoreType.DMA,
        ],
    )
    tbl = build(cpad8)

    buf_set = [
        pltpu.VMEM((C,), jnp.float32),
        pltpu.VMEM((C,), jnp.int32),
        pltpu.VMEM((C,), jnp.int32),
        pltpu.VMEM((C,), jnp.float32),
        pltpu.VMEM((C,), jnp.float32),
        pltpu.VMEM((C,), jnp.float32),
        pltpu.VMEM((C,), jnp.float32),
        pltpu.VMEM((C, D), jnp.float32),
        pltpu.VMEM((C,), jnp.float32),
    ]
    run = pl.kernel(
        functools.partial(_spline_body, n, nbr, tile_pts),
        out_type=jax.ShapeDtypeStruct((p_pad,), jnp.float32),
        mesh=mesh,
        compiler_params=params,
        scratch_types=buf_set + buf_set
        + [pltpu.SemaphoreType.DMA, pltpu.SemaphoreType.DMA,
           pltpu.SemaphoreType.DMA, pltpu.SemaphoreType.DMA],
    )
    y = run(xf, tbl)
    if p_pad != p:
        y = y[:p]
    return y.reshape(shape)

# --- scband reference (transcript-rebuilt; emitter-appended) ---
"""Pipeline reference for scband-bspline1-d-49898930045643 (READ-ONLY COPY).

The authoritative reference and input builder live on the scoring server;
editing this copy changes nothing except your own understanding.
"""

import jax, jax.numpy as jnp
import numpy as np

N_COEFF = 1000000
XMIN = 0.0
XMAX = 1.0
H = (XMAX - XMIN) / (N_COEFF - 1)


def setup_inputs(seed: int = 0) -> dict:
    key = jax.random.key(seed)
    k1, k2 = jax.random.split(key)
    x = jax.random.uniform(k1, (16384, 200), dtype=jnp.float32)
    coeff = jax.random.normal(k2, (N_COEFF,), dtype=jnp.float32)
    return {"x": x, "coeff": coeff}


def reference(x, coeff):
    n = coeff.shape[0]
    t = (x - XMIN) / H
    i = jnp.floor(t).astype(jnp.int32)
    eps = jnp.finfo(x.dtype).eps
    u = jnp.clip(t - i.astype(x.dtype), 0.0, 1.0 - eps)
    u2 = u * u
    u3 = u2 * u
    w0 = (1.0 - u) ** 3 / 6.0
    w1 = (3.0 * u3 - 6.0 * u2 + 4.0) / 6.0
    w2 = (-3.0 * u3 + 3.0 * u2 + 3.0 * u + 1.0) / 6.0
    w3 = u3 / 6.0
    idx = jnp.stack([i - 1, i, i + 1, i + 2], axis=-1)
    w = jnp.stack([w0, w1, w2, w3], axis=-1)
    # boundary == 'clamp'
    idx = jnp.clip(idx, 0, n - 1)
    c = jnp.take(coeff, idx, axis=0)
    y = (w * c).sum(axis=-1)
    return y

if __name__ == "__main__":
    import jax
    _d = setup_inputs()
    print(jax.jit(kernel)(*tuple(_d.values())))

</pallas_src>

<mosaic_0001>
#map = affine_map<(d0, d1) -> (0, 0)>
module attributes {stable_mosaic.version = 14 : i64} {
  func.func @_build_body(%arg0: i32, %arg1: i32, %arg2: memref<126977x8xf32, #tpu.memory_space<hbm>>, %arg3: memref<126976x16xf32, #tpu.memory_space<hbm>>, %arg4: memref<496x16xf32, #tpu.memory_space<vmem>>, %arg5: memref<496x16xf32, #tpu.memory_space<vmem>>, %arg6: memref<!tpu.dma_semaphore, #tpu.memory_space<semaphore_mem>>, %arg7: memref<!tpu.dma_semaphore, #tpu.memory_space<semaphore_mem>>) attributes {dimension_semantics = [#tpu.dimension_semantics<core_parallel>, #tpu.dimension_semantics<subcore_parallel>], iteration_bounds = array<i64: 2, 16>, scalar_prefetch = 0 : i64, scratch_operands = 4 : i64, tpu.core_type = #tpu.core_type<sc_vector_subcore>, window_params = [{transform_indices = #map}, {transform_indices = #map}]} {
    %mul3A = arith.constant 2 : i32
    %mul3A_0 = arith.muli %arg1, %mul3A : i32
    %add3A = arith.addi %mul3A_0, %arg0 : i32
    %mul3A_1 = arith.constant 3968 : i32
    %mul3A_2 = arith.muli %add3A, %mul3A_1 : i32
    %scan3A = arith.constant 0 : i32
    %scan3A_3 = arith.constant 0 : i32
    %scan3A_4 = arith.constant 4 : i32
    %scan3A_5 = arith.addi %scan3A_3, %scan3A_4 : i32
    %scan3A_6 = arith.constant 1 : i32
    scf.for %scan3A_8 = %scan3A_3 to %scan3A_5 step %scan3A_6  : i32 {
      %mul3A_9 = arith.constant 2 : i32
      %mul3A_10 = arith.muli %mul3A_9, %scan3A_8 : i32
      %mul3A_11 = arith.constant 496 : i32
      %mul3A_12 = arith.muli %mul3A_10, %mul3A_11 : i32
      %add3A_13 = arith.addi %mul3A_2, %mul3A_12 : i32
      %dma_start3A = arith.constant 0 : i32
      %dma_start3A_14 = arith.constant 0 : i32
      %dma_start3A_15 = tpu.memref_slice %arg4[%dma_start3A, %dma_start3A_14] : memref<496x16xf32, #tpu.memory_space<vmem>> -> memref<496x8xf32, #tpu.memory_space<vmem>>
      %dma_start3A_16 = arith.constant 0 : i32
      %dma_start3A_17 = tpu.memref_slice %arg2[%add3A_13, %dma_start3A_16] : memref<126977x8xf32, #tpu.memory_space<hbm>> -> memref<496x8xf32, #tpu.memory_space<hbm>>
      %dma_start3A_18 = arith.constant 0 : i32
      %dma_start3A_19 = arith.constant 0 : i32
      %dma_start3A_20 = tpu.memref_slice %arg4[%dma_start3A_18, %dma_start3A_19] : memref<496x16xf32, #tpu.memory_space<vmem>> -> memref<496x8xf32, #tpu.memory_space<vmem>>
      %dma_start3A_21 = arith.constant 0 : i32
      %dma_start3A_22 = tpu.memref_slice %arg2[%add3A_13, %dma_start3A_21] : memref<126977x8xf32, #tpu.memory_space<hbm>> -> memref<496x8xf32, #tpu.memory_space<hbm>>
      tpu.enqueue_dma source(%dma_start3A_22 : memref<496x8xf32, #tpu.memory_space<hbm>>) target(%dma_start3A_20 : memref<496x8xf32, #tpu.memory_space<vmem>>) target_semaphore(%arg6 : memref<!tpu.dma_semaphore, #tpu.memory_space<semaphore_mem>>)
      %add3A_23 = arith.constant 1 : i32
      %add3A_24 = arith.addi %add3A_13, %add3A_23 : i32
      %dma_start3A_25 = arith.constant 0 : i32
      %dma_start3A_26 = arith.constant 8 : i32
      %dma_start3A_27 = tpu.memref_slice %arg4[%dma_start3A_25, %dma_start3A_26] : memref<496x16xf32, #tpu.memory_space<vmem>> -> memref<496x8xf32, #tpu.memory_space<vmem>>
      %dma_start3A_28 = arith.constant 0 : i32
      %dma_start3A_29 = tpu.memref_slice %arg2[%add3A_24, %dma_start3A_28] : memref<126977x8xf32, #tpu.memory_space<hbm>> -> memref<496x8xf32, #tpu.memory_space<hbm>>
      %dma_start3A_30 = arith.constant 0 : i32
      %dma_start3A_31 = arith.constant 8 : i32
      %dma_start3A_32 = tpu.memref_slice %arg4[%dma_start3A_30, %dma_start3A_31] : memref<496x16xf32, #tpu.memory_space<vmem>> -> memref<496x8xf32, #tpu.memory_space<vmem>>
      %dma_start3A_33 = arith.constant 0 : i32
      %dma_start3A_34 = tpu.memref_slice %arg2[%add3A_24, %dma_start3A_33] : memref<126977x8xf32, #tpu.memory_space<hbm>> -> memref<496x8xf32, #tpu.memory_space<hbm>>
      tpu.enqueue_dma source(%dma_start3A_34 : memref<496x8xf32, #tpu.memory_space<hbm>>) target(%dma_start3A_32 : memref<496x8xf32, #tpu.memory_space<vmem>>) target_semaphore(%arg6 : memref<!tpu.dma_semaphore, #tpu.memory_space<semaphore_mem>>)
      %dma_wait3A = arith.constant 0 : i32
      %dma_wait3A_35 = arith.constant 0 : i32
      %dma_wait3A_36 = tpu.memref_slice %arg4[%dma_wait3A, %dma_wait3A_35] : memref<496x16xf32, #tpu.memory_space<vmem>> -> memref<496x8xf32, #tpu.memory_space<vmem>>
      %dma_wait3A_37 = arith.constant 0 : i32
      %dma_wait3A_38 = tpu.memref_slice %arg2[%add3A_13, %dma_wait3A_37] : memref<126977x8xf32, #tpu.memory_space<hbm>> -> memref<496x8xf32, #tpu.memory_space<hbm>>
      %dma_wait3A_39 = arith.constant 0 : i32
      %dma_wait3A_40 = arith.constant 0 : i32
      %dma_wait3A_41 = tpu.memref_slice %arg4[%dma_wait3A_39, %dma_wait3A_40] : memref<496x16xf32, #tpu.memory_space<vmem>> -> memref<496x8xf32, #tpu.memory_space<vmem>>
      %dma_wait3A_42 = arith.constant 0 : i32
      %dma_wait3A_43 = tpu.memref_slice %arg2[%add3A_13, %dma_wait3A_42] : memref<126977x8xf32, #tpu.memory_space<hbm>> -> memref<496x8xf32, #tpu.memory_space<hbm>>
      tpu.wait_dma2 semaphore(%arg6 : memref<!tpu.dma_semaphore, #tpu.memory_space<semaphore_mem>>) src(%dma_wait3A_43 : memref<496x8xf32, #tpu.memory_space<hbm>>) dst(%dma_wait3A_41 : memref<496x8xf32, #tpu.memory_space<vmem>>)
      %dma_wait3A_44 = arith.constant 0 : i32
      %dma_wait3A_45 = arith.constant 8 : i32
      %dma_wait3A_46 = tpu.memref_slice %arg4[%dma_wait3A_44, %dma_wait3A_45] : memref<496x16xf32, #tpu.memory_space<vmem>> -> memref<496x8xf32, #tpu.memory_space<vmem>>
      %dma_wait3A_47 = arith.constant 0 : i32
      %dma_wait3A_48 = tpu.memref_slice %arg2[%add3A_24, %dma_wait3A_47] : memref<126977x8xf32, #tpu.memory_space<hbm>> -> memref<496x8xf32, #tpu.memory_space<hbm>>
      %dma_wait3A_49 = arith.constant 0 : i32
      %dma_wait3A_50 = arith.constant 8 : i32
      %dma_wait3A_51 = tpu.memref_slice %arg4[%dma_wait3A_49, %dma_wait3A_50] : memref<496x16xf32, #tpu.memory_space<vmem>> -> memref<496x8xf32, #tpu.memory_space<vmem>>
      %dma_wait3A_52 = arith.constant 0 : i32
      %dma_wait3A_53 = tpu.memref_slice %arg2[%add3A_24, %dma_wait3A_52] : memref<126977x8xf32, #tpu.memory_space<hbm>> -> memref<496x8xf32, #tpu.memory_space<hbm>>
      tpu.wait_dma2 semaphore(%arg6 : memref<!tpu.dma_semaphore, #tpu.memory_space<semaphore_mem>>) src(%dma_wait3A_53 : memref<496x8xf32, #tpu.memory_space<hbm>>) dst(%dma_wait3A_51 : memref<496x8xf32, #tpu.memory_space<vmem>>)
      %mul3A_54 = arith.constant 496 : i32
      %mul3A_55 = arith.muli %mul3A_10, %mul3A_54 : i32
      %add3A_56 = arith.addi %mul3A_2, %mul3A_55 : i32
      %dma_start3A_57 = arith.constant 0 : i32
      %dma_start3A_58 = tpu.memref_slice %arg3[%add3A_56, %dma_start3A_57] : memref<126976x16xf32, #tpu.memory_space<hbm>> -> memref<496x16xf32, #tpu.memory_space<hbm>>
      %dma_start3A_59 = arith.constant 0 : i32
      %dma_start3A_60 = tpu.memref_slice %arg3[%add3A_56, %dma_start3A_59] : memref<126976x16xf32, #tpu.memory_space<hbm>> -> memref<496x16xf32, #tpu.memory_space<hbm>>
      tpu.enqueue_dma source(%arg4 : memref<496x16xf32, #tpu.memory_space<vmem>>) target(%dma_start3A_60 : memref<496x16xf32, #tpu.memory_space<hbm>>) target_semaphore(%arg7 : memref<!tpu.dma_semaphore, #tpu.memory_space<semaphore_mem>>)
      %add3A_61 = arith.constant 1 : i32
      %add3A_62 = arith.addi %mul3A_10, %add3A_61 : i32
      %mul3A_63 = arith.constant 496 : i32
      %mul3A_64 = arith.muli %add3A_62, %mul3A_63 : i32
      %add3A_65 = arith.addi %mul3A_2, %mul3A_64 : i32
      %dma_start3A_66 = arith.constant 0 : i32
      %dma_start3A_67 = arith.constant 0 : i32
      %dma_start3A_68 = tpu.memref_slice %arg5[%dma_start3A_66, %dma_start3A_67] : memref<496x16xf32, #tpu.memory_space<vmem>> -> memref<496x8xf32, #tpu.memory_space<vmem>>
      %dma_start3A_69 = arith.constant 0 : i32
      %dma_start3A_70 = tpu.memref_slice %arg2[%add3A_65, %dma_start3A_69] : memref<126977x8xf32, #tpu.memory_space<hbm>> -> memref<496x8xf32, #tpu.memory_space<hbm>>
      %dma_start3A_71 = arith.constant 0 : i32
      %dma_start3A_72 = arith.constant 0 : i32
      %dma_start3A_73 = tpu.memref_slice %arg5[%dma_start3A_71, %dma_start3A_72] : memref<496x16xf32, #tpu.memory_space<vmem>> -> memref<496x8xf32, #tpu.memory_space<vmem>>
      %dma_start3A_74 = arith.constant 0 : i32
      %dma_start3A_75 = tpu.memref_slice %arg2[%add3A_65, %dma_start3A_74] : memref<126977x8xf32, #tpu.memory_space<hbm>> -> memref<496x8xf32, #tpu.memory_space<hbm>>
      tpu.enqueue_dma source(%dma_start3A_75 : memref<496x8xf32, #tpu.memory_space<hbm>>) target(%dma_start3A_73 : memref<496x8xf32, #tpu.memory_space<vmem>>) target_semaphore(%arg6 : memref<!tpu.dma_semaphore, #tpu.memory_space<semaphore_mem>>)
      %add3A_76 = arith.constant 1 : i32
      %add3A_77 = arith.addi %add3A_65, %add3A_76 : i32
      %dma_start3A_78 = arith.constant 0 : i32
      %dma_start3A_79 = arith.constant 8 : i32
      %dma_start3A_80 = tpu.memref_slice %arg5[%dma_start3A_78, %dma_start3A_79] : memref<496x16xf32, #tpu.memory_space<vmem>> -> memref<496x8xf32, #tpu.memory_space<vmem>>
      %dma_start3A_81 = arith.constant 0 : i32
      %dma_start3A_82 = tpu.memref_slice %arg2[%add3A_77, %dma_start3A_81] : memref<126977x8xf32, #tpu.memory_space<hbm>> -> memref<496x8xf32, #tpu.memory_space<hbm>>
      %dma_start3A_83 = arith.constant 0 : i32
      %dma_start3A_84 = arith.constant 8 : i32
      %dma_start3A_85 = tpu.memref_slice %arg5[%dma_start3A_83, %dma_start3A_84] : memref<496x16xf32, #tpu.memory_space<vmem>> -> memref<496x8xf32, #tpu.memory_space<vmem>>
      %dma_start3A_86 = arith.constant 0 : i32
      %dma_start3A_87 = tpu.memref_slice %arg2[%add3A_77, %dma_start3A_86] : memref<126977x8xf32, #tpu.memory_space<hbm>> -> memref<496x8xf32, #tpu.memory_space<hbm>>
      tpu.enqueue_dma source(%dma_start3A_87 : memref<496x8xf32, #tpu.memory_space<hbm>>) target(%dma_start3A_85 : memref<496x8xf32, #tpu.memory_space<vmem>>) target_semaphore(%arg6 : memref<!tpu.dma_semaphore, #tpu.memory_space<semaphore_mem>>)
      %dma_wait3A_88 = arith.constant 0 : i32
      %dma_wait3A_89 = arith.constant 0 : i32
      %dma_wait3A_90 = tpu.memref_slice %arg5[%dma_wait3A_88, %dma_wait3A_89] : memref<496x16xf32, #tpu.memory_space<vmem>> -> memref<496x8xf32, #tpu.memory_space<vmem>>
      %dma_wait3A_91 = arith.constant 0 : i32
      %dma_wait3A_92 = tpu.memref_slice %arg2[%add3A_65, %dma_wait3A_91] : memref<126977x8xf32, #tpu.memory_space<hbm>> -> memref<496x8xf32, #tpu.memory_space<hbm>>
      %dma_wait3A_93 = arith.constant 0 : i32
      %dma_wait3A_94 = arith.constant 0 : i32
      %dma_wait3A_95 = tpu.memref_slice %arg5[%dma_wait3A_93, %dma_wait3A_94] : memref<496x16xf32, #tpu.memory_space<vmem>> -> memref<496x8xf32, #tpu.memory_space<vmem>>
      %dma_wait3A_96 = arith.constant 0 : i32
      %dma_wait3A_97 = tpu.memref_slice %arg2[%add3A_65, %dma_wait3A_96] : memref<126977x8xf32, #tpu.memory_space<hbm>> -> memref<496x8xf32, #tpu.memory_space<hbm>>
      tpu.wait_dma2 semaphore(%arg6 : memref<!tpu.dma_semaphore, #tpu.memory_space<semaphore_mem>>) src(%dma_wait3A_97 : memref<496x8xf32, #tpu.memory_space<hbm>>) dst(%dma_wait3A_95 : memref<496x8xf32, #tpu.memory_space<vmem>>)
      %dma_wait3A_98 = arith.constant 0 : i32
      %dma_wait3A_99 = arith.constant 8 : i32
      %dma_wait3A_100 = tpu.memref_slice %arg5[%dma_wait3A_98, %dma_wait3A_99] : memref<496x16xf32, #tpu.memory_space<vmem>> -> memref<496x8xf32, #tpu.memory_space<vmem>>
      %dma_wait3A_101 = arith.constant 0 : i32
      %dma_wait3A_102 = tpu.memref_slice %arg2[%add3A_77, %dma_wait3A_101] : memref<126977x8xf32, #tpu.memory_space<hbm>> -> memref<496x8xf32, #tpu.memory_space<hbm>>
      %dma_wait3A_103 = arith.constant 0 : i32
      %dma_wait3A_104 = arith.constant 8 : i32
      %dma_wait3A_105 = tpu.memref_slice %arg5[%dma_wait3A_103, %dma_wait3A_104] : memref<496x16xf32, #tpu.memory_space<vmem>> -> memref<496x8xf32, #tpu.memory_space<vmem>>
      %dma_wait3A_106 = arith.constant 0 : i32
      %dma_wait3A_107 = tpu.memref_slice %arg2[%add3A_77, %dma_wait3A_106] : memref<126977x8xf32, #tpu.memory_space<hbm>> -> memref<496x8xf32, #tpu.memory_space<hbm>>
      tpu.wait_dma2 semaphore(%arg6 : memref<!tpu.dma_semaphore, #tpu.memory_space<semaphore_mem>>) src(%dma_wait3A_107 : memref<496x8xf32, #tpu.memory_space<hbm>>) dst(%dma_wait3A_105 : memref<496x8xf32, #tpu.memory_space<vmem>>)
      %add3A_108 = arith.constant 1 : i32
      %add3A_109 = arith.addi %mul3A_10, %add3A_108 : i32
      %mul3A_110 = arith.constant 496 : i32
      %mul3A_111 = arith.muli %add3A_109, %mul3A_110 : i32
      %add3A_112 = arith.addi %mul3A_2, %mul3A_111 : i32
      %dma_start3A_113 = arith.constant 0 : i32
      %dma_start3A_114 = tpu.memref_slice %arg3[%add3A_112, %dma_start3A_113] : memref<126976x16xf32, #tpu.memory_space<hbm>> -> memref<496x16xf32, #tpu.memory_space<hbm>>
      %dma_start3A_115 = arith.constant 0 : i32
      %dma_start3A_116 = tpu.memref_slice %arg3[%add3A_112, %dma_start3A_115] : memref<126976x16xf32, #tpu.memory_space<hbm>> -> memref<496x16xf32, #tpu.memory_space<hbm>>
      tpu.enqueue_dma source(%arg5 : memref<496x16xf32, #tpu.memory_space<vmem>>) target(%dma_start3A_116 : memref<496x16xf32, #tpu.memory_space<hbm>>) target_semaphore(%arg7 : memref<!tpu.dma_semaphore, #tpu.memory_space<semaphore_mem>>)
      %dma_wait3A_117 = arith.constant 0 : i32
      %dma_wait3A_118 = arith.constant 0 : i32
      %dma_wait3A_119 = tpu.memref_slice %arg4[%dma_wait3A_117, %dma_wait3A_118] : memref<496x16xf32, #tpu.memory_space<vmem>> -> memref<496x8xf32, #tpu.memory_space<vmem>>
      %dma_wait3A_120 = arith.constant 0 : i32
      %dma_wait3A_121 = arith.constant 0 : i32
      %dma_wait3A_122 = tpu.memref_slice %arg2[%dma_wait3A_120, %dma_wait3A_121] : memref<126977x8xf32, #tpu.memory_space<hbm>> -> memref<496x8xf32, #tpu.memory_space<hbm>>
      %dma_wait3A_123 = arith.constant 0 : i32
      %dma_wait3A_124 = arith.constant 0 : i32
      %dma_wait3A_125 = tpu.memref_slice %arg4[%dma_wait3A_123, %dma_wait3A_124] : memref<496x16xf32, #tpu.memory_space<vmem>> -> memref<496x8xf32, #tpu.memory_space<vmem>>
      %dma_wait3A_126 = arith.constant 0 : i32
      %dma_wait3A_127 = arith.constant 0 : i32
      %dma_wait3A_128 = tpu.memref_slice %arg2[%dma_wait3A_126, %dma_wait3A_127] : memref<126977x8xf32, #tpu.memory_space<hbm>> -> memref<496x8xf32, #tpu.memory_space<hbm>>
      tpu.wait_dma2 semaphore(%arg7 : memref<!tpu.dma_semaphore, #tpu.memory_space<semaphore_mem>>) src(%dma_wait3A_128 : memref<496x8xf32, #tpu.memory_space<hbm>>) dst(%dma_wait3A_125 : memref<496x8xf32, #tpu.memory_space<vmem>>)
      %dma_wait3A_129 = arith.constant 0 : i32
      %dma_wait3A_130 = arith.constant 8 : i32
      %dma_wait3A_131 = tpu.memref_slice %arg4[%dma_wait3A_129, %dma_wait3A_130] : memref<496x16xf32, #tpu.memory_space<vmem>> -> memref<496x8xf32, #tpu.memory_space<vmem>>
      %dma_wait3A_132 = arith.constant 0 : i32
      %dma_wait3A_133 = arith.constant 0 : i32
      %dma_wait3A_134 = tpu.memref_slice %arg2[%dma_wait3A_132, %dma_wait3A_133] : memref<126977x8xf32, #tpu.memory_space<hbm>> -> memref<496x8xf32, #tpu.memory_space<hbm>>
      %dma_wait3A_135 = arith.constant 0 : i32
      %dma_wait3A_136 = arith.constant 8 : i32
      %dma_wait3A_137 = tpu.memref_slice %arg4[%dma_wait3A_135, %dma_wait3A_136] : memref<496x16xf32, #tpu.memory_space<vmem>> -> memref<496x8xf32, #tpu.memory_space<vmem>>
      %dma_wait3A_138 = arith.constant 0 : i32
      %dma_wait3A_139 = arith.constant 0 : i32
      %dma_wait3A_140 = tpu.memref_slice %arg2[%dma_wait3A_138, %dma_wait3A_139] : memref<126977x8xf32, #tpu.memory_space<hbm>> -> memref<496x8xf32, #tpu.memory_space<hbm>>
      tpu.wait_dma2 semaphore(%arg7 : memref<!tpu.dma_semaphore, #tpu.memory_space<semaphore_mem>>) src(%dma_wait3A_140 : memref<496x8xf32, #tpu.memory_space<hbm>>) dst(%dma_wait3A_137 : memref<496x8xf32, #tpu.memory_space<vmem>>)
      %dma_wait3A_141 = arith.constant 0 : i32
      %dma_wait3A_142 = arith.constant 0 : i32
      %dma_wait3A_143 = tpu.memref_slice %arg5[%dma_wait3A_141, %dma_wait3A_142] : memref<496x16xf32, #tpu.memory_space<vmem>> -> memref<496x8xf32, #tpu.memory_space<vmem>>
      %dma_wait3A_144 = arith.constant 0 : i32
      %dma_wait3A_145 = arith.constant 0 : i32
      %dma_wait3A_146 = tpu.memref_slice %arg2[%dma_wait3A_144, %dma_wait3A_145] : memref<126977x8xf32, #tpu.memory_space<hbm>> -> memref<496x8xf32, #tpu.memory_space<hbm>>
      %dma_wait3A_147 = arith.constant 0 : i32
      %dma_wait3A_148 = arith.constant 0 : i32
      %dma_wait3A_149 = tpu.memref_slice %arg5[%dma_wait3A_147, %dma_wait3A_148] : memref<496x16xf32, #tpu.memory_space<vmem>> -> memref<496x8xf32, #tpu.memory_space<vmem>>
      %dma_wait3A_150 = arith.constant 0 : i32
      %dma_wait3A_151 = arith.constant 0 : i32
      %dma_wait3A_152 = tpu.memref_slice %arg2[%dma_wait3A_150, %dma_wait3A_151] : memref<126977x8xf32, #tpu.memory_space<hbm>> -> memref<496x8xf32, #tpu.memory_space<hbm>>
      tpu.wait_dma2 semaphore(%arg7 : memref<!tpu.dma_semaphore, #tpu.memory_space<semaphore_mem>>) src(%dma_wait3A_152 : memref<496x8xf32, #tpu.memory_space<hbm>>) dst(%dma_wait3A_149 : memref<496x8xf32, #tpu.memory_space<vmem>>)
      %dma_wait3A_153 = arith.constant 0 : i32
      %dma_wait3A_154 = arith.constant 8 : i32
      %dma_wait3A_155 = tpu.memref_slice %arg5[%dma_wait3A_153, %dma_wait3A_154] : memref<496x16xf32, #tpu.memory_space<vmem>> -> memref<496x8xf32, #tpu.memory_space<vmem>>
      %dma_wait3A_156 = arith.constant 0 : i32
      %dma_wait3A_157 = arith.constant 0 : i32
      %dma_wait3A_158 = tpu.memref_slice %arg2[%dma_wait3A_156, %dma_wait3A_157] : memref<126977x8xf32, #tpu.memory_space<hbm>> -> memref<496x8xf32, #tpu.memory_space<hbm>>
      %dma_wait3A_159 = arith.constant 0 : i32
      %dma_wait3A_160 = arith.constant 8 : i32
      %dma_wait3A_161 = tpu.memref_slice %arg5[%dma_wait3A_159, %dma_wait3A_160] : memref<496x16xf32, #tpu.memory_space<vmem>> -> memref<496x8xf32, #tpu.memory_space<vmem>>
      %dma_wait3A_162 = arith.constant 0 : i32
      %dma_wait3A_163 = arith.constant 0 : i32
      %dma_wait3A_164 = tpu.memref_slice %arg2[%dma_wait3A_162, %dma_wait3A_163] : memref<126977x8xf32, #tpu.memory_space<hbm>> -> memref<496x8xf32, #tpu.memory_space<hbm>>
      tpu.wait_dma2 semaphore(%arg7 : memref<!tpu.dma_semaphore, #tpu.memory_space<semaphore_mem>>) src(%dma_wait3A_164 : memref<496x8xf32, #tpu.memory_space<hbm>>) dst(%dma_wait3A_161 : memref<496x8xf32, #tpu.memory_space<vmem>>)
    }
    %scan3A_7 = arith.constant 4 : i32
    return
  }
}

#map = affine_map<(d0, d1) -> (0)>
#map1 = affine_map<(d0, d1) -> (0, 0)>
module attributes {stable_mosaic.version = 14 : i64} {
  func.func @_spline_body(%arg0: i32, %arg1: i32, %arg2: memref<3276800xf32, #tpu.memory_space<hbm>>, %arg3: memref<126976x16xf32, #tpu.memory_space<hbm>>, %arg4: memref<3276800xf32, #tpu.memory_space<hbm>>, %arg5: memref<2048xf32, #tpu.memory_space<vmem>>, %arg6: memref<2048xi32, #tpu.memory_space<vmem>>, %arg7: memref<2048xi32, #tpu.memory_space<vmem>>, %arg8: memref<2048xf32, #tpu.memory_space<vmem>>, %arg9: memref<2048xf32, #tpu.memory_space<vmem>>, %arg10: memref<2048xf32, #tpu.memory_space<vmem>>, %arg11: memref<2048xf32, #tpu.memory_space<vmem>>, %arg12: memref<2048x16xf32, #tpu.memory_space<vmem>>, %arg13: memref<2048xf32, #tpu.memory_space<vmem>>, %arg14: memref<2048xf32, #tpu.memory_space<vmem>>, %arg15: memref<2048xi32, #tpu.memory_space<vmem>>, %arg16: memref<2048xi32, #tpu.memory_space<vmem>>, %arg17: memref<2048xf32, #tpu.memory_space<vmem>>, %arg18: memref<2048xf32, #tpu.memory_space<vmem>>, %arg19: memref<2048xf32, #tpu.memory_space<vmem>>, %arg20: memref<2048xf32, #tpu.memory_space<vmem>>, %arg21: memref<2048x16xf32, #tpu.memory_space<vmem>>, %arg22: memref<2048xf32, #tpu.memory_space<vmem>>, %arg23: memref<!tpu.dma_semaphore, #tpu.memory_space<semaphore_mem>>, %arg24: memref<!tpu.dma_semaphore, #tpu.memory_space<semaphore_mem>>, %arg25: memref<!tpu.dma_semaphore, #tpu.memory_space<semaphore_mem>>, %arg26: memref<!tpu.dma_semaphore, #tpu.memory_space<semaphore_mem>>) attributes {dimension_semantics = [#tpu.dimension_semantics<core_parallel>, #tpu.dimension_semantics<subcore_parallel>], iteration_bounds = array<i64: 2, 16>, scalar_prefetch = 0 : i64, scratch_operands = 22 : i64, tpu.core_type = #tpu.core_type<sc_vector_subcore>, window_params = [{transform_indices = #map}, {transform_indices = #map1}, {transform_indices = #map}]} {
    %mul3A = arith.constant 2 : i32
    %mul3A_0 = arith.muli %arg1, %mul3A : i32
    %add3A = arith.addi %mul3A_0, %arg0 : i32
    %mul3A_1 = arith.constant 102400 : i32
    %mul3A_2 = arith.muli %add3A, %mul3A_1 : i32
    %add3A_3 = arith.constant 2048 : i32
    %add3A_4 = arith.addi %mul3A_2, %add3A_3 : i32
    %dma_start3A = tpu.memref_slice %arg2[%add3A_4] : memref<3276800xf32, #tpu.memory_space<hbm>> -> memref<2048xf32, #tpu.memory_space<hbm>>
    %dma_start3A_5 = tpu.memref_slice %arg2[%add3A_4] : memref<3276800xf32, #tpu.memory_space<hbm>> -> memref<2048xf32, #tpu.memory_space<hbm>>
    tpu.enqueue_dma source(%dma_start3A_5 : memref<2048xf32, #tpu.memory_space<hbm>>) target(%arg14 : memref<2048xf32, #tpu.memory_space<vmem>>) target_semaphore(%arg26 : memref<!tpu.dma_semaphore, #tpu.memory_space<semaphore_mem>>)
    %add3A_6 = arith.constant 0 : i32
    %add3A_7 = arith.addi %mul3A_2, %add3A_6 : i32
    "tpu.region"() ({
      %run_scoped3A = tpu.sem_alloc : memref<!tpu.dma_semaphore, #tpu.memory_space<semaphore_mem>>
      %dma_start3A_146 = tpu.memref_slice %arg2[%add3A_7] : memref<3276800xf32, #tpu.memory_space<hbm>> -> memref<2048xf32, #tpu.memory_space<hbm>>
      %dma_start3A_147 = tpu.memref_slice %arg2[%add3A_7] : memref<3276800xf32, #tpu.memory_space<hbm>> -> memref<2048xf32, #tpu.memory_space<hbm>>
      tpu.enqueue_dma source(%dma_start3A_147 : memref<2048xf32, #tpu.memory_space<hbm>>) target(%arg5 : memref<2048xf32, #tpu.memory_space<vmem>>) target_semaphore(%run_scoped3A : memref<!tpu.dma_semaphore, #tpu.memory_space<semaphore_mem>>)
      %dma_wait3A = tpu.memref_slice %arg2[%add3A_7] : memref<3276800xf32, #tpu.memory_space<hbm>> -> memref<2048xf32, #tpu.memory_space<hbm>>
      %dma_wait3A_148 = tpu.memref_slice %arg2[%add3A_7] : memref<3276800xf32, #tpu.memory_space<hbm>> -> memref<2048xf32, #tpu.memory_space<hbm>>
      tpu.wait_dma2 semaphore(%run_scoped3A : memref<!tpu.dma_semaphore, #tpu.memory_space<semaphore_mem>>) src(%dma_wait3A_148 : memref<2048xf32, #tpu.memory_space<hbm>>) dst(%arg5 : memref<2048xf32, #tpu.memory_space<vmem>>)
      tpu.yield
    }) : () -> ()
    %parallel_loop3A = arith.constant 0 : i32
    %parallel_loop3A_8 = arith.constant 128 : i32
    %parallel_loop3A_9 = arith.constant 1 : i32
    scf.for %parallel_loop3A_146 = %parallel_loop3A to %parallel_loop3A_8 step %parallel_loop3A_9  : i32 {
      %parallel_loop3A_147 = arith.constant 16 : i32
      %parallel_loop3A_148 = arith.muli %parallel_loop3A_146, %parallel_loop3A_147 : i32
      %parallel_loop3A_149 = arith.index_cast %parallel_loop3A_148 : i32 to index
      %parallel_loop3A_150 = tpu.vector_load %arg5[%parallel_loop3A_149] {strides = array<i32>} : memref<2048xf32, #tpu.memory_space<vmem>>, vector<16xf32>,
      %parallel_loop3A_151 = arith.constant 9.999990e+05 : f32
      %parallel_loop3A_152 = vector.broadcast %parallel_loop3A_151 : f32 to vector<16xf32>
      %parallel_loop3A_153 = arith.mulf %parallel_loop3A_150, %parallel_loop3A_152 : vector<16xf32>
      %parallel_loop3A_154 = arith.fptosi %parallel_loop3A_153 : vector<16xf32> to vector<16xi32>
      %parallel_loop3A_155 = arith.constant 0 : i32
      %parallel_loop3A_156 = vector.broadcast %parallel_loop3A_155 : i32 to vector<16xi32>
      %parallel_loop3A_157 = arith.maxsi %parallel_loop3A_154, %parallel_loop3A_156 : vector<16xi32>
      %parallel_loop3A_158 = arith.constant 999999 : i32
      %parallel_loop3A_159 = vector.broadcast %parallel_loop3A_158 : i32 to vector<16xi32>
      %parallel_loop3A_160 = arith.minsi %parallel_loop3A_157, %parallel_loop3A_159 : vector<16xi32>
      %parallel_loop3A_161 = arith.constant 1 : i32
      %parallel_loop3A_162 = vector.broadcast %parallel_loop3A_161 : i32 to vector<16xi32>
      %parallel_loop3A_163 = arith.subi %parallel_loop3A_160, %parallel_loop3A_162 : vector<16xi32>
      %parallel_loop3A_164 = arith.constant 3 : i32
      %parallel_loop3A_165 = vector.broadcast %parallel_loop3A_164 : i32 to vector<16xi32>
      %parallel_loop3A_166 = arith.shrsi %parallel_loop3A_163, %parallel_loop3A_165 : vector<16xi32>
      %parallel_loop3A_167 = arith.constant 0 : i32
      %parallel_loop3A_168 = vector.broadcast %parallel_loop3A_167 : i32 to vector<16xi32>
      %parallel_loop3A_169 = arith.maxsi %parallel_loop3A_166, %parallel_loop3A_168 : vector<16xi32>
      %parallel_loop3A_170 = arith.constant 126975 : i32
      %parallel_loop3A_171 = vector.broadcast %parallel_loop3A_170 : i32 to vector<16xi32>
      %parallel_loop3A_172 = arith.minsi %parallel_loop3A_169, %parallel_loop3A_171 : vector<16xi32>
      %parallel_loop3A_173 = arith.constant 8 : i32
      %parallel_loop3A_174 = vector.broadcast %parallel_loop3A_173 : i32 to vector<16xi32>
      %parallel_loop3A_175 = arith.muli %parallel_loop3A_172, %parallel_loop3A_174 : vector<16xi32>
      %parallel_loop3A_176 = arith.constant 1 : i32
      %parallel_loop3A_177 = vector.broadcast %parallel_loop3A_176 : i32 to vector<16xi32>
      %parallel_loop3A_178 = arith.subi %parallel_loop3A_160, %parallel_loop3A_177 : vector<16xi32>
      %parallel_loop3A_179 = arith.constant 0 : i32
      %parallel_loop3A_180 = vector.broadcast %parallel_loop3A_179 : i32 to vector<16xi32>
      %parallel_loop3A_181 = arith.maxsi %parallel_loop3A_178, %parallel_loop3A_180 : vector<16xi32>
      %parallel_loop3A_182 = arith.subi %parallel_loop3A_181, %parallel_loop3A_175 : vector<16xi32>
      %parallel_loop3A_183 = arith.subi %parallel_loop3A_160, %parallel_loop3A_175 : vector<16xi32>
      %parallel_loop3A_184 = arith.constant 1 : i32
      %parallel_loop3A_185 = vector.broadcast %parallel_loop3A_184 : i32 to vector<16xi32>
      %parallel_loop3A_186 = arith.addi %parallel_loop3A_160, %parallel_loop3A_185 : vector<16xi32>
      %parallel_loop3A_187 = arith.subi %parallel_loop3A_186, %parallel_loop3A_175 : vector<16xi32>
      %parallel_loop3A_188 = arith.constant 2 : i32
      %parallel_loop3A_189 = vector.broadcast %parallel_loop3A_188 : i32 to vector<16xi32>
      %parallel_loop3A_190 = arith.addi %parallel_loop3A_160, %parallel_loop3A_189 : vector<16xi32>
      %parallel_loop3A_191 = arith.constant 999999 : i32
      %parallel_loop3A_192 = vector.broadcast %parallel_loop3A_191 : i32 to vector<16xi32>
      %parallel_loop3A_193 = arith.minsi %parallel_loop3A_190, %parallel_loop3A_192 : vector<16xi32>
      %parallel_loop3A_194 = arith.subi %parallel_loop3A_193, %parallel_loop3A_175 : vector<16xi32>
      %parallel_loop3A_195 = arith.constant 4 : i32
      %parallel_loop3A_196 = vector.broadcast %parallel_loop3A_195 : i32 to vector<16xi32>
      %parallel_loop3A_197 = arith.shli %parallel_loop3A_183, %parallel_loop3A_196 : vector<16xi32>
      %parallel_loop3A_198 = arith.ori %parallel_loop3A_182, %parallel_loop3A_197 : vector<16xi32>
      %parallel_loop3A_199 = arith.constant 8 : i32
      %parallel_loop3A_200 = vector.broadcast %parallel_loop3A_199 : i32 to vector<16xi32>
      %parallel_loop3A_201 = arith.shli %parallel_loop3A_187, %parallel_loop3A_200 : vector<16xi32>
      %parallel_loop3A_202 = arith.ori %parallel_loop3A_198, %parallel_loop3A_201 : vector<16xi32>
      %parallel_loop3A_203 = arith.constant 12 : i32
      %parallel_loop3A_204 = vector.broadcast %parallel_loop3A_203 : i32 to vector<16xi32>
      %parallel_loop3A_205 = arith.shli %parallel_loop3A_194, %parallel_loop3A_204 : vector<16xi32>
      %parallel_loop3A_206 = arith.ori %parallel_loop3A_202, %parallel_loop3A_205 : vector<16xi32>
      %parallel_loop3A_207 = arith.index_cast %parallel_loop3A_148 : i32 to index
      %parallel_loop3A_208 = tpu.vector_load %arg7[%parallel_loop3A_207] {strides = array<i32>} : memref<2048xi32, #tpu.memory_space<vmem>>, vector<16xi32>,
      tpu.vector_store %arg7[%parallel_loop3A_207], %parallel_loop3A_206 {strides = array<i32>} : memref<2048xi32, #tpu.memory_space<vmem>>, vector<16xi32>,
      %parallel_loop3A_209 = arith.index_cast %parallel_loop3A_148 : i32 to index
      %parallel_loop3A_210 = tpu.vector_load %arg6[%parallel_loop3A_209] {strides = array<i32>} : memref<2048xi32, #tpu.memory_space<vmem>>, vector<16xi32>,
      tpu.vector_store %arg6[%parallel_loop3A_209], %parallel_loop3A_172 {strides = array<i32>} : memref<2048xi32, #tpu.memory_space<vmem>>, vector<16xi32>,
    } {sc.loop_unroll_factor = 8 : i64, sc.parallel_access}
    %dma_start3A_10 = arith.constant 0 : i32
    %dma_start3A_11 = arith.constant 0 : i32
    %dma_start3A_12 = tpu.memref_slice %arg12[%dma_start3A_10, %dma_start3A_11] : memref<2048x16xf32, #tpu.memory_space<vmem>> -> memref<128x16xf32, #tpu.memory_space<vmem>>
    %dma_start3A_13 = arith.constant 0 : i32
    %dma_start3A_14 = tpu.memref_slice %arg6[%dma_start3A_13] : memref<2048xi32, #tpu.memory_space<vmem>> -> memref<128xi32, #tpu.memory_space<vmem>>
    %dma_start3A_15 = arith.constant 0 : i32
    %dma_start3A_16 = arith.constant 0 : i32
    %dma_start3A_17 = tpu.memref_slice %arg3[%dma_start3A_15, %dma_start3A_16] : memref<126976x16xf32, #tpu.memory_space<hbm>> -> memref<126976x16xf32, #tpu.memory_space<hbm>>
    tpu.enqueue_indirect_dma source(%dma_start3A_17 : memref<126976x16xf32, #tpu.memory_space<hbm>>) target(%dma_start3A_12 : memref<128x16xf32, #tpu.memory_space<vmem>>) offsets(%dma_start3A_14 : memref<128xi32, #tpu.memory_space<vmem>>) semaphore(%arg23 : memref<!tpu.dma_semaphore, #tpu.memory_space<semaphore_mem>>)
    %dma_start3A_18 = arith.constant 128 : i32
    %dma_start3A_19 = arith.constant 0 : i32
    %dma_start3A_20 = tpu.memref_slice %arg12[%dma_start3A_18, %dma_start3A_19] : memref<2048x16xf32, #tpu.memory_space<vmem>> -> memref<128x16xf32, #tpu.memory_space<vmem>>
    %dma_start3A_21 = arith.constant 128 : i32
    %dma_start3A_22 = tpu.memref_slice %arg6[%dma_start3A_21] : memref<2048xi32, #tpu.memory_space<vmem>> -> memref<128xi32, #tpu.memory_space<vmem>>
    %dma_start3A_23 = arith.constant 0 : i32
    %dma_start3A_24 = arith.constant 0 : i32
    %dma_start3A_25 = tpu.memref_slice %arg3[%dma_start3A_23, %dma_start3A_24] : memref<126976x16xf32, #tpu.memory_space<hbm>> -> memref<126976x16xf32, #tpu.memory_space<hbm>>
    tpu.enqueue_indirect_dma source(%dma_start3A_25 : memref<126976x16xf32, #tpu.memory_space<hbm>>) target(%dma_start3A_20 : memref<128x16xf32, #tpu.memory_space<vmem>>) offsets(%dma_start3A_22 : memref<128xi32, #tpu.memory_space<vmem>>) semaphore(%arg23 : memref<!tpu.dma_semaphore, #tpu.memory_space<semaphore_mem>>)
    %dma_start3A_26 = arith.constant 256 : i32
    %dma_start3A_27 = arith.constant 0 : i32
    %dma_start3A_28 = tpu.memref_slice %arg12[%dma_start3A_26, %dma_start3A_27] : memref<2048x16xf32, #tpu.memory_space<vmem>> -> memref<128x16xf32, #tpu.memory_space<vmem>>
    %dma_start3A_29 = arith.constant 256 : i32
    %dma_start3A_30 = tpu.memref_slice %arg6[%dma_start3A_29] : memref<2048xi32, #tpu.memory_space<vmem>> -> memref<128xi32, #tpu.memory_space<vmem>>
    %dma_start3A_31 = arith.constant 0 : i32
    %dma_start3A_32 = arith.constant 0 : i32
    %dma_start3A_33 = tpu.memref_slice %arg3[%dma_start3A_31, %dma_start3A_32] : memref<126976x16xf32, #tpu.memory_space<hbm>> -> memref<126976x16xf32, #tpu.memory_space<hbm>>
    tpu.enqueue_indirect_dma source(%dma_start3A_33 : memref<126976x16xf32, #tpu.memory_space<hbm>>) target(%dma_start3A_28 : memref<128x16xf32, #tpu.memory_space<vmem>>) offsets(%dma_start3A_30 : memref<128xi32, #tpu.memory_space<vmem>>) semaphore(%arg23 : memref<!tpu.dma_semaphore, #tpu.memory_space<semaphore_mem>>)
    %dma_start3A_34 = arith.constant 384 : i32
    %dma_start3A_35 = arith.constant 0 : i32
    %dma_start3A_36 = tpu.memref_slice %arg12[%dma_start3A_34, %dma_start3A_35] : memref<2048x16xf32, #tpu.memory_space<vmem>> -> memref<128x16xf32, #tpu.memory_space<vmem>>
    %dma_start3A_37 = arith.constant 384 : i32
    %dma_start3A_38 = tpu.memref_slice %arg6[%dma_start3A_37] : memref<2048xi32, #tpu.memory_space<vmem>> -> memref<128xi32, #tpu.memory_space<vmem>>
    %dma_start3A_39 = arith.constant 0 : i32
    %dma_start3A_40 = arith.constant 0 : i32
    %dma_start3A_41 = tpu.memref_slice %arg3[%dma_start3A_39, %dma_start3A_40] : memref<126976x16xf32, #tpu.memory_space<hbm>> -> memref<126976x16xf32, #tpu.memory_space<hbm>>
    tpu.enqueue_indirect_dma source(%dma_start3A_41 : memref<126976x16xf32, #tpu.memory_space<hbm>>) target(%dma_start3A_36 : memref<128x16xf32, #tpu.memory_space<vmem>>) offsets(%dma_start3A_38 : memref<128xi32, #tpu.memory_space<vmem>>) semaphore(%arg23 : memref<!tpu.dma_semaphore, #tpu.memory_space<semaphore_mem>>)
    %dma_start3A_42 = arith.constant 512 : i32
    %dma_start3A_43 = arith.constant 0 : i32
    %dma_start3A_44 = tpu.memref_slice %arg12[%dma_start3A_42, %dma_start3A_43] : memref<2048x16xf32, #tpu.memory_space<vmem>> -> memref<128x16xf32, #tpu.memory_space<vmem>>
    %dma_start3A_45 = arith.constant 512 : i32
    %dma_start3A_46 = tpu.memref_slice %arg6[%dma_start3A_45] : memref<2048xi32, #tpu.memory_space<vmem>> -> memref<128xi32, #tpu.memory_space<vmem>>
    %dma_start3A_47 = arith.constant 0 : i32
    %dma_start3A_48 = arith.constant 0 : i32
    %dma_start3A_49 = tpu.memref_slice %arg3[%dma_start3A_47, %dma_start3A_48] : memref<126976x16xf32, #tpu.memory_space<hbm>> -> memref<126976x16xf32, #tpu.memory_space<hbm>>
    tpu.enqueue_indirect_dma source(%dma_start3A_49 : memref<126976x16xf32, #tpu.memory_space<hbm>>) target(%dma_start3A_44 : memref<128x16xf32, #tpu.memory_space<vmem>>) offsets(%dma_start3A_46 : memref<128xi32, #tpu.memory_space<vmem>>) semaphore(%arg23 : memref<!tpu.dma_semaphore, #tpu.memory_space<semaphore_mem>>)
    %dma_start3A_50 = arith.constant 640 : i32
    %dma_start3A_51 = arith.constant 0 : i32
    %dma_start3A_52 = tpu.memref_slice %arg12[%dma_start3A_50, %dma_start3A_51] : memref<2048x16xf32, #tpu.memory_space<vmem>> -> memref<128x16xf32, #tpu.memory_space<vmem>>
    %dma_start3A_53 = arith.constant 640 : i32
    %dma_start3A_54 = tpu.memref_slice %arg6[%dma_start3A_53] : memref<2048xi32, #tpu.memory_space<vmem>> -> memref<128xi32, #tpu.memory_space<vmem>>
    %dma_start3A_55 = arith.constant 0 : i32
    %dma_start3A_56 = arith.constant 0 : i32
    %dma_start3A_57 = tpu.memref_slice %arg3[%dma_start3A_55, %dma_start3A_56] : memref<126976x16xf32, #tpu.memory_space<hbm>> -> memref<126976x16xf32, #tpu.memory_space<hbm>>
    tpu.enqueue_indirect_dma source(%dma_start3A_57 : memref<126976x16xf32, #tpu.memory_space<hbm>>) target(%dma_start3A_52 : memref<128x16xf32, #tpu.memory_space<vmem>>) offsets(%dma_start3A_54 : memref<128xi32, #tpu.memory_space<vmem>>) semaphore(%arg23 : memref<!tpu.dma_semaphore, #tpu.memory_space<semaphore_mem>>)
    %dma_start3A_58 = arith.constant 768 : i32
    %dma_start3A_59 = arith.constant 0 : i32
    %dma_start3A_60 = tpu.memref_slice %arg12[%dma_start3A_58, %dma_start3A_59] : memref<2048x16xf32, #tpu.memory_space<vmem>> -> memref<128x16xf32, #tpu.memory_space<vmem>>
    %dma_start3A_61 = arith.constant 768 : i32
    %dma_start3A_62 = tpu.memref_slice %arg6[%dma_start3A_61] : memref<2048xi32, #tpu.memory_space<vmem>> -> memref<128xi32, #tpu.memory_space<vmem>>
    %dma_start3A_63 = arith.constant 0 : i32
    %dma_start3A_64 = arith.constant 0 : i32
    %dma_start3A_65 = tpu.memref_slice %arg3[%dma_start3A_63, %dma_start3A_64] : memref<126976x16xf32, #tpu.memory_space<hbm>> -> memref<126976x16xf32, #tpu.memory_space<hbm>>
    tpu.enqueue_indirect_dma source(%dma_start3A_65 : memref<126976x16xf32, #tpu.memory_space<hbm>>) target(%dma_start3A_60 : memref<128x16xf32, #tpu.memory_space<vmem>>) offsets(%dma_start3A_62 : memref<128xi32, #tpu.memory_space<vmem>>) semaphore(%arg23 : memref<!tpu.dma_semaphore, #tpu.memory_space<semaphore_mem>>)
    %dma_start3A_66 = arith.constant 896 : i32
    %dma_start3A_67 = arith.constant 0 : i32
    %dma_start3A_68 = tpu.memref_slice %arg12[%dma_start3A_66, %dma_start3A_67] : memref<2048x16xf32, #tpu.memory_space<vmem>> -> memref<128x16xf32, #tpu.memory_space<vmem>>
    %dma_start3A_69 = arith.constant 896 : i32
    %dma_start3A_70 = tpu.memref_slice %arg6[%dma_start3A_69] : memref<2048xi32, #tpu.memory_space<vmem>> -> memref<128xi32, #tpu.memory_space<vmem>>
    %dma_start3A_71 = arith.constant 0 : i32
    %dma_start3A_72 = arith.constant 0 : i32
    %dma_start3A_73 = tpu.memref_slice %arg3[%dma_start3A_71, %dma_start3A_72] : memref<126976x16xf32, #tpu.memory_space<hbm>> -> memref<126976x16xf32, #tpu.memory_space<hbm>>
    tpu.enqueue_indirect_dma source(%dma_start3A_73 : memref<126976x16xf32, #tpu.memory_space<hbm>>) target(%dma_start3A_68 : memref<128x16xf32, #tpu.memory_space<vmem>>) offsets(%dma_start3A_70 : memref<128xi32, #tpu.memory_space<vmem>>) semaphore(%arg23 : memref<!tpu.dma_semaphore, #tpu.memory_space<semaphore_mem>>)
    %dma_start3A_74 = arith.constant 1024 : i32
    %dma_start3A_75 = arith.constant 0 : i32
    %dma_start3A_76 = tpu.memref_slice %arg12[%dma_start3A_74, %dma_start3A_75] : memref<2048x16xf32, #tpu.memory_space<vmem>> -> memref<128x16xf32, #tpu.memory_space<vmem>>
    %dma_start3A_77 = arith.constant 1024 : i32
    %dma_start3A_78 = tpu.memref_slice %arg6[%dma_start3A_77] : memref<2048xi32, #tpu.memory_space<vmem>> -> memref<128xi32, #tpu.memory_space<vmem>>
    %dma_start3A_79 = arith.constant 0 : i32
    %dma_start3A_80 = arith.constant 0 : i32
    %dma_start3A_81 = tpu.memref_slice %arg3[%dma_start3A_79, %dma_start3A_80] : memref<126976x16xf32, #tpu.memory_space<hbm>> -> memref<126976x16xf32, #tpu.memory_space<hbm>>
    tpu.enqueue_indirect_dma source(%dma_start3A_81 : memref<126976x16xf32, #tpu.memory_space<hbm>>) target(%dma_start3A_76 : memref<128x16xf32, #tpu.memory_space<vmem>>) offsets(%dma_start3A_78 : memref<128xi32, #tpu.memory_space<vmem>>) semaphore(%arg23 : memref<!tpu.dma_semaphore, #tpu.memory_space<semaphore_mem>>)
    %dma_start3A_82 = arith.constant 1152 : i32
    %dma_start3A_83 = arith.constant 0 : i32
    %dma_start3A_84 = tpu.memref_slice %arg12[%dma_start3A_82, %dma_start3A_83] : memref<2048x16xf32, #tpu.memory_space<vmem>> -> memref<128x16xf32, #tpu.memory_space<vmem>>
    %dma_start3A_85 = arith.constant 1152 : i32
    %dma_start3A_86 = tpu.memref_slice %arg6[%dma_start3A_85] : memref<2048xi32, #tpu.memory_space<vmem>> -> memref<128xi32, #tpu.memory_space<vmem>>
    %dma_start3A_87 = arith.constant 0 : i32
    %dma_start3A_88 = arith.constant 0 : i32
    %dma_start3A_89 = tpu.memref_slice %arg3[%dma_start3A_87, %dma_start3A_88] : memref<126976x16xf32, #tpu.memory_space<hbm>> -> memref<126976x16xf32, #tpu.memory_space<hbm>>
    tpu.enqueue_indirect_dma source(%dma_start3A_89 : memref<126976x16xf32, #tpu.memory_space<hbm>>) target(%dma_start3A_84 : memref<128x16xf32, #tpu.memory_space<vmem>>) offsets(%dma_start3A_86 : memref<128xi32, #tpu.memory_space<vmem>>) semaphore(%arg23 : memref<!tpu.dma_semaphore, #tpu.memory_space<semaphore_mem>>)
    %dma_start3A_90 = arith.constant 1280 : i32
    %dma_start3A_91 = arith.constant 0 : i32
    %dma_start3A_92 = tpu.memref_slice %arg12[%dma_start3A_90, %dma_start3A_91] : memref<2048x16xf32, #tpu.memory_space<vmem>> -> memref<128x16xf32, #tpu.memory_space<vmem>>
    %dma_start3A_93 = arith.constant 1280 : i32
    %dma_start3A_94 = tpu.memref_slice %arg6[%dma_start3A_93] : memref<2048xi32, #tpu.memory_space<vmem>> -> memref<128xi32, #tpu.memory_space<vmem>>
    %dma_start3A_95 = arith.constant 0 : i32
    %dma_start3A_96 = arith.constant 0 : i32
    %dma_start3A_97 = tpu.memref_slice %arg3[%dma_start3A_95, %dma_start3A_96] : memref<126976x16xf32, #tpu.memory_space<hbm>> -> memref<126976x16xf32, #tpu.memory_space<hbm>>
    tpu.enqueue_indirect_dma source(%dma_start3A_97 : memref<126976x16xf32, #tpu.memory_space<hbm>>) target(%dma_start3A_92 : memref<128x16xf32, #tpu.memory_space<vmem>>) offsets(%dma_start3A_94 : memref<128xi32, #tpu.memory_space<vmem>>) semaphore(%arg23 : memref<!tpu.dma_semaphore, #tpu.memory_space<semaphore_mem>>)
    %dma_start3A_98 = arith.constant 1408 : i32
    %dma_start3A_99 = arith.constant 0 : i32
    %dma_start3A_100 = tpu.memref_slice %arg12[%dma_start3A_98, %dma_start3A_99] : memref<2048x16xf32, #tpu.memory_space<vmem>> -> memref<128x16xf32, #tpu.memory_space<vmem>>
    %dma_start3A_101 = arith.constant 1408 : i32
    %dma_start3A_102 = tpu.memref_slice %arg6[%dma_start3A_101] : memref<2048xi32, #tpu.memory_space<vmem>> -> memref<128xi32, #tpu.memory_space<vmem>>
    %dma_start3A_103 = arith.constant 0 : i32
    %dma_start3A_104 = arith.constant 0 : i32
    %dma_start3A_105 = tpu.memref_slice %arg3[%dma_start3A_103, %dma_start3A_104] : memref<126976x16xf32, #tpu.memory_space<hbm>> -> memref<126976x16xf32, #tpu.memory_space<hbm>>
    tpu.enqueue_indirect_dma source(%dma_start3A_105 : memref<126976x16xf32, #tpu.memory_space<hbm>>) target(%dma_start3A_100 : memref<128x16xf32, #tpu.memory_space<vmem>>) offsets(%dma_start3A_102 : memref<128xi32, #tpu.memory_space<vmem>>) semaphore(%arg23 : memref<!tpu.dma_semaphore, #tpu.memory_space<semaphore_mem>>)
    %dma_start3A_106 = arith.constant 1536 : i32
    %dma_start3A_107 = arith.constant 0 : i32
    %dma_start3A_108 = tpu.memref_slice %arg12[%dma_start3A_106, %dma_start3A_107] : memref<2048x16xf32, #tpu.memory_space<vmem>> -> memref<128x16xf32, #tpu.memory_space<vmem>>
    %dma_start3A_109 = arith.constant 1536 : i32
    %dma_start3A_110 = tpu.memref_slice %arg6[%dma_start3A_109] : memref<2048xi32, #tpu.memory_space<vmem>> -> memref<128xi32, #tpu.memory_space<vmem>>
    %dma_start3A_111 = arith.constant 0 : i32
    %dma_start3A_112 = arith.constant 0 : i32
    %dma_start3A_113 = tpu.memref_slice %arg3[%dma_start3A_111, %dma_start3A_112] : memref<126976x16xf32, #tpu.memory_space<hbm>> -> memref<126976x16xf32, #tpu.memory_space<hbm>>
    tpu.enqueue_indirect_dma source(%dma_start3A_113 : memref<126976x16xf32, #tpu.memory_space<hbm>>) target(%dma_start3A_108 : memref<128x16xf32, #tpu.memory_space<vmem>>) offsets(%dma_start3A_110 : memref<128xi32, #tpu.memory_space<vmem>>) semaphore(%arg23 : memref<!tpu.dma_semaphore, #tpu.memory_space<semaphore_mem>>)
    %dma_start3A_114 = arith.constant 1664 : i32
    %dma_start3A_115 = arith.constant 0 : i32
    %dma_start3A_116 = tpu.memref_slice %arg12[%dma_start3A_114, %dma_start3A_115] : memref<2048x16xf32, #tpu.memory_space<vmem>> -> memref<128x16xf32, #tpu.memory_space<vmem>>
    %dma_start3A_117 = arith.constant 1664 : i32
    %dma_start3A_118 = tpu.memref_slice %arg6[%dma_start3A_117] : memref<2048xi32, #tpu.memory_space<vmem>> -> memref<128xi32, #tpu.memory_space<vmem>>
    %dma_start3A_119 = arith.constant 0 : i32
    %dma_start3A_120 = arith.constant 0 : i32
    %dma_start3A_121 = tpu.memref_slice %arg3[%dma_start3A_119, %dma_start3A_120] : memref<126976x16xf32, #tpu.memory_space<hbm>> -> memref<126976x16xf32, #tpu.memory_space<hbm>>
    tpu.enqueue_indirect_dma source(%dma_start3A_121 : memref<126976x16xf32, #tpu.memory_space<hbm>>) target(%dma_start3A_116 : memref<128x16xf32, #tpu.memory_space<vmem>>) offsets(%dma_start3A_118 : memref<128xi32, #tpu.memory_space<vmem>>) semaphore(%arg23 : memref<!tpu.dma_semaphore, #tpu.memory_space<semaphore_mem>>)
    %dma_start3A_122 = arith.constant 1792 : i32
    %dma_start3A_123 = arith.constant 0 : i32
    %dma_start3A_124 = tpu.memref_slice %arg12[%dma_start3A_122, %dma_start3A_123] : memref<2048x16xf32, #tpu.memory_space<vmem>> -> memref<128x16xf32, #tpu.memory_space<vmem>>
    %dma_start3A_125 = arith.constant 1792 : i32
    %dma_start3A_126 = tpu.memref_slice %arg6[%dma_start3A_125] : memref<2048xi32, #tpu.memory_space<vmem>> -> memref<128xi32, #tpu.memory_space<vmem>>
    %dma_start3A_127 = arith.constant 0 : i32
    %dma_start3A_128 = arith.constant 0 : i32
    %dma_start3A_129 = tpu.memref_slice %arg3[%dma_start3A_127, %dma_start3A_128] : memref<126976x16xf32, #tpu.memory_space<hbm>> -> memref<126976x16xf32, #tpu.memory_space<hbm>>
    tpu.enqueue_indirect_dma source(%dma_start3A_129 : memref<126976x16xf32, #tpu.memory_space<hbm>>) target(%dma_start3A_124 : memref<128x16xf32, #tpu.memory_space<vmem>>) offsets(%dma_start3A_126 : memref<128xi32, #tpu.memory_space<vmem>>) semaphore(%arg23 : memref<!tpu.dma_semaphore, #tpu.memory_space<semaphore_mem>>)
    %dma_start3A_130 = arith.constant 1920 : i32
    %dma_start3A_131 = arith.constant 0 : i32
    %dma_start3A_132 = tpu.memref_slice %arg12[%dma_start3A_130, %dma_start3A_131] : memref<2048x16xf32, #tpu.memory_space<vmem>> -> memref<128x16xf32, #tpu.memory_space<vmem>>
    %dma_start3A_133 = arith.constant 1920 : i32
    %dma_start3A_134 = tpu.memref_slice %arg6[%dma_start3A_133] : memref<2048xi32, #tpu.memory_space<vmem>> -> memref<128xi32, #tpu.memory_space<vmem>>
    %dma_start3A_135 = arith.constant 0 : i32
    %dma_start3A_136 = arith.constant 0 : i32
    %dma_start3A_137 = tpu.memref_slice %arg3[%dma_start3A_135, %dma_start3A_136] : memref<126976x16xf32, #tpu.memory_space<hbm>> -> memref<126976x16xf32, #tpu.memory_space<hbm>>
    tpu.enqueue_indirect_dma source(%dma_start3A_137 : memref<126976x16xf32, #tpu.memory_space<hbm>>) target(%dma_start3A_132 : memref<128x16xf32, #tpu.memory_space<vmem>>) offsets(%dma_start3A_134 : memref<128xi32, #tpu.memory_space<vmem>>) semaphore(%arg23 : memref<!tpu.dma_semaphore, #tpu.memory_space<semaphore_mem>>)
    %parallel_loop3A_138 = arith.constant 0 : i32
    %parallel_loop3A_139 = arith.constant 128 : i32
    %parallel_loop3A_140 = arith.constant 1 : i32
    scf.for %parallel_loop3A_146 = %parallel_loop3A_138 to %parallel_loop3A_139 step %parallel_loop3A_140  : i32 {
      %parallel_loop3A_147 = arith.constant 16 : i32
      %parallel_loop3A_148 = arith.muli %parallel_loop3A_146, %parallel_loop3A_147 : i32
      %parallel_loop3A_149 = arith.index_cast %parallel_loop3A_148 : i32 to index
      %parallel_loop3A_150 = tpu.vector_load %arg5[%parallel_loop3A_149] {strides = array<i32>} : memref<2048xf32, #tpu.memory_space<vmem>>, vector<16xf32>,
      %parallel_loop3A_151 = arith.constant 9.999990e+05 : f32
      %parallel_loop3A_152 = vector.broadcast %parallel_loop3A_151 : f32 to vector<16xf32>
      %parallel_loop3A_153 = arith.mulf %parallel_loop3A_150, %parallel_loop3A_152 : vector<16xf32>
      %parallel_loop3A_154 = arith.fptosi %parallel_loop3A_153 : vector<16xf32> to vector<16xi32>
      %parallel_loop3A_155 = arith.sitofp %parallel_loop3A_154 : vector<16xi32> to vector<16xf32>
      %parallel_loop3A_156 = arith.subf %parallel_loop3A_153, %parallel_loop3A_155 : vector<16xf32>
      %parallel_loop3A_157 = arith.constant 0.000000e+00 : f32
      %parallel_loop3A_158 = vector.broadcast %parallel_loop3A_157 : f32 to vector<16xf32>
      %parallel_loop3A_159 = arith.maximumf %parallel_loop3A_156, %parallel_loop3A_158 : vector<16xf32>
      %parallel_loop3A_160 = arith.constant 0.99999988 : f32
      %parallel_loop3A_161 = vector.broadcast %parallel_loop3A_160 : f32 to vector<16xf32>
      %parallel_loop3A_162 = arith.minimumf %parallel_loop3A_159, %parallel_loop3A_161 : vector<16xf32>
      %parallel_loop3A_163 = arith.mulf %parallel_loop3A_162, %parallel_loop3A_162 : vector<16xf32>
      %parallel_loop3A_164 = arith.mulf %parallel_loop3A_163, %parallel_loop3A_162 : vector<16xf32>
      %parallel_loop3A_165 = arith.constant 1.000000e+00 : f32
      %parallel_loop3A_166 = vector.broadcast %parallel_loop3A_165 : f32 to vector<16xf32>
      %parallel_loop3A_167 = arith.subf %parallel_loop3A_166, %parallel_loop3A_162 : vector<16xf32>
      %parallel_loop3A_168 = arith.mulf %parallel_loop3A_167, %parallel_loop3A_167 : vector<16xf32>
      %parallel_loop3A_169 = arith.mulf %parallel_loop3A_168, %parallel_loop3A_167 : vector<16xf32>
      %parallel_loop3A_170 = arith.constant 0.166666672 : f32
      %parallel_loop3A_171 = vector.broadcast %parallel_loop3A_170 : f32 to vector<16xf32>
      %parallel_loop3A_172 = arith.mulf %parallel_loop3A_169, %parallel_loop3A_171 : vector<16xf32>
      %parallel_loop3A_173 = arith.index_cast %parallel_loop3A_148 : i32 to index
      %parallel_loop3A_174 = tpu.vector_load %arg8[%parallel_loop3A_173] {strides = array<i32>} : memref<2048xf32, #tpu.memory_space<vmem>>, vector<16xf32>,
      tpu.vector_store %arg8[%parallel_loop3A_173], %parallel_loop3A_172 {strides = array<i32>} : memref<2048xf32, #tpu.memory_space<vmem>>, vector<16xf32>,
      %parallel_loop3A_175 = arith.constant 3.000000e+00 : f32
      %parallel_loop3A_176 = vector.broadcast %parallel_loop3A_175 : f32 to vector<16xf32>
      %parallel_loop3A_177 = arith.mulf %parallel_loop3A_176, %parallel_loop3A_164 : vector<16xf32>
      %parallel_loop3A_178 = arith.constant 6.000000e+00 : f32
      %parallel_loop3A_179 = vector.broadcast %parallel_loop3A_178 : f32 to vector<16xf32>
      %parallel_loop3A_180 = arith.mulf %parallel_loop3A_179, %parallel_loop3A_163 : vector<16xf32>
      %parallel_loop3A_181 = arith.subf %parallel_loop3A_177, %parallel_loop3A_180 : vector<16xf32>
      %parallel_loop3A_182 = arith.constant 4.000000e+00 : f32
      %parallel_loop3A_183 = vector.broadcast %parallel_loop3A_182 : f32 to vector<16xf32>
      %parallel_loop3A_184 = arith.addf %parallel_loop3A_181, %parallel_loop3A_183 : vector<16xf32>
      %parallel_loop3A_185 = arith.constant 0.166666672 : f32
      %parallel_loop3A_186 = vector.broadcast %parallel_loop3A_185 : f32 to vector<16xf32>
      %parallel_loop3A_187 = arith.mulf %parallel_loop3A_184, %parallel_loop3A_186 : vector<16xf32>
      %parallel_loop3A_188 = arith.index_cast %parallel_loop3A_148 : i32 to index
      %parallel_loop3A_189 = tpu.vector_load %arg9[%parallel_loop3A_188] {strides = array<i32>} : memref<2048xf32, #tpu.memory_space<vmem>>, vector<16xf32>,
      tpu.vector_store %arg9[%parallel_loop3A_188], %parallel_loop3A_187 {strides = array<i32>} : memref<2048xf32, #tpu.memory_space<vmem>>, vector<16xf32>,
      %parallel_loop3A_190 = arith.constant -3.000000e+00 : f32
      %parallel_loop3A_191 = vector.broadcast %parallel_loop3A_190 : f32 to vector<16xf32>
      %parallel_loop3A_192 = arith.mulf %parallel_loop3A_191, %parallel_loop3A_164 : vector<16xf32>
      %parallel_loop3A_193 = arith.constant 3.000000e+00 : f32
      %parallel_loop3A_194 = vector.broadcast %parallel_loop3A_193 : f32 to vector<16xf32>
      %parallel_loop3A_195 = arith.mulf %parallel_loop3A_194, %parallel_loop3A_163 : vector<16xf32>
      %parallel_loop3A_196 = arith.addf %parallel_loop3A_192, %parallel_loop3A_195 : vector<16xf32>
      %parallel_loop3A_197 = arith.constant 3.000000e+00 : f32
      %parallel_loop3A_198 = vector.broadcast %parallel_loop3A_197 : f32 to vector<16xf32>
      %parallel_loop3A_199 = arith.mulf %parallel_loop3A_198, %parallel_loop3A_162 : vector<16xf32>
      %parallel_loop3A_200 = arith.addf %parallel_loop3A_196, %parallel_loop3A_199 : vector<16xf32>
      %parallel_loop3A_201 = arith.constant 1.000000e+00 : f32
      %parallel_loop3A_202 = vector.broadcast %parallel_loop3A_201 : f32 to vector<16xf32>
      %parallel_loop3A_203 = arith.addf %parallel_loop3A_200, %parallel_loop3A_202 : vector<16xf32>
      %parallel_loop3A_204 = arith.constant 0.166666672 : f32
      %parallel_loop3A_205 = vector.broadcast %parallel_loop3A_204 : f32 to vector<16xf32>
      %parallel_loop3A_206 = arith.mulf %parallel_loop3A_203, %parallel_loop3A_205 : vector<16xf32>
      %parallel_loop3A_207 = arith.index_cast %parallel_loop3A_148 : i32 to index
      %parallel_loop3A_208 = tpu.vector_load %arg10[%parallel_loop3A_207] {strides = array<i32>} : memref<2048xf32, #tpu.memory_space<vmem>>, vector<16xf32>,
      tpu.vector_store %arg10[%parallel_loop3A_207], %parallel_loop3A_206 {strides = array<i32>} : memref<2048xf32, #tpu.memory_space<vmem>>, vector<16xf32>,
      %parallel_loop3A_209 = arith.constant 0.166666672 : f32
      %parallel_loop3A_210 = vector.broadcast %parallel_loop3A_209 : f32 to vector<16xf32>
      %parallel_loop3A_211 = arith.mulf %parallel_loop3A_164, %parallel_loop3A_210 : vector<16xf32>
      %parallel_loop3A_212 = arith.index_cast %parallel_loop3A_148 : i32 to index
      %parallel_loop3A_213 = tpu.vector_load %arg11[%parallel_loop3A_212] {strides = array<i32>} : memref<2048xf32, #tpu.memory_space<vmem>>, vector<16xf32>,
      tpu.vector_store %arg11[%parallel_loop3A_212], %parallel_loop3A_211 {strides = array<i32>} : memref<2048xf32, #tpu.memory_space<vmem>>, vector<16xf32>,
    } {sc.loop_unroll_factor = 8 : i64, sc.parallel_access}
    %scan3A = arith.constant 0 : i32
    %scan3A_141 = arith.constant 0 : i32
    %scan3A_142 = arith.constant 25 : i32
    %scan3A_143 = arith.addi %scan3A_141, %scan3A_142 : i32
    %scan3A_144 = arith.constant 1 : i32
    scf.for %scan3A_146 = %scan3A_141 to %scan3A_143 step %scan3A_144  : i32 {
      %mul3A_147 = arith.constant 2 : i32
      %mul3A_148 = arith.muli %mul3A_147, %scan3A_146 : i32
      %add3A_149 = arith.constant 1 : i32
      %add3A_150 = arith.addi %mul3A_148, %add3A_149 : i32
      %dma_wait3A = arith.constant 0 : i32
      %dma_wait3A_151 = tpu.memref_slice %arg2[%dma_wait3A] : memref<3276800xf32, #tpu.memory_space<hbm>> -> memref<2048xf32, #tpu.memory_space<hbm>>
      %dma_wait3A_152 = arith.constant 0 : i32
      %dma_wait3A_153 = tpu.memref_slice %arg2[%dma_wait3A_152] : memref<3276800xf32, #tpu.memory_space<hbm>> -> memref<2048xf32, #tpu.memory_space<hbm>>
      tpu.wait_dma2 semaphore(%arg26 : memref<!tpu.dma_semaphore, #tpu.memory_space<semaphore_mem>>) src(%dma_wait3A_153 : memref<2048xf32, #tpu.memory_space<hbm>>) dst(%arg14 : memref<2048xf32, #tpu.memory_space<vmem>>)
      %parallel_loop3A_154 = arith.constant 0 : i32
      %parallel_loop3A_155 = arith.constant 128 : i32
      %parallel_loop3A_156 = arith.constant 1 : i32
      scf.for %parallel_loop3A_330 = %parallel_loop3A_154 to %parallel_loop3A_155 step %parallel_loop3A_156  : i32 {
        %parallel_loop3A_331 = arith.constant 16 : i32
        %parallel_loop3A_332 = arith.muli %parallel_loop3A_330, %parallel_loop3A_331 : i32
        %parallel_loop3A_333 = arith.index_cast %parallel_loop3A_332 : i32 to index
        %parallel_loop3A_334 = tpu.vector_load %arg14[%parallel_loop3A_333] {strides = array<i32>} : memref<2048xf32, #tpu.memory_space<vmem>>, vector<16xf32>,
        %parallel_loop3A_335 = arith.constant 9.999990e+05 : f32
        %parallel_loop3A_336 = vector.broadcast %parallel_loop3A_335 : f32 to vector<16xf32>
        %parallel_loop3A_337 = arith.mulf %parallel_loop3A_334, %parallel_loop3A_336 : vector<16xf32>
        %parallel_loop3A_338 = arith.fptosi %parallel_loop3A_337 : vector<16xf32> to vector<16xi32>
        %parallel_loop3A_339 = arith.constant 0 : i32
        %parallel_loop3A_340 = vector.broadcast %parallel_loop3A_339 : i32 to vector<16xi32>
        %parallel_loop3A_341 = arith.maxsi %parallel_loop3A_338, %parallel_loop3A_340 : vector<16xi32>
        %parallel_loop3A_342 = arith.constant 999999 : i32
        %parallel_loop3A_343 = vector.broadcast %parallel_loop3A_342 : i32 to vector<16xi32>
        %parallel_loop3A_344 = arith.minsi %parallel_loop3A_341, %parallel_loop3A_343 : vector<16xi32>
        %parallel_loop3A_345 = arith.constant 1 : i32
        %parallel_loop3A_346 = vector.broadcast %parallel_loop3A_345 : i32 to vector<16xi32>
        %parallel_loop3A_347 = arith.subi %parallel_loop3A_344, %parallel_loop3A_346 : vector<16xi32>
        %parallel_loop3A_348 = arith.constant 3 : i32
        %parallel_loop3A_349 = vector.broadcast %parallel_loop3A_348 : i32 to vector<16xi32>
        %parallel_loop3A_350 = arith.shrsi %parallel_loop3A_347, %parallel_loop3A_349 : vector<16xi32>
        %parallel_loop3A_351 = arith.constant 0 : i32
        %parallel_loop3A_352 = vector.broadcast %parallel_loop3A_351 : i32 to vector<16xi32>
        %parallel_loop3A_353 = arith.maxsi %parallel_loop3A_350, %parallel_loop3A_352 : vector<16xi32>
        %parallel_loop3A_354 = arith.constant 126975 : i32
        %parallel_loop3A_355 = vector.broadcast %parallel_loop3A_354 : i32 to vector<16xi32>
        %parallel_loop3A_356 = arith.minsi %parallel_loop3A_353, %parallel_loop3A_355 : vector<16xi32>
        %parallel_loop3A_357 = arith.constant 8 : i32
        %parallel_loop3A_358 = vector.broadcast %parallel_loop3A_357 : i32 to vector<16xi32>
        %parallel_loop3A_359 = arith.muli %parallel_loop3A_356, %parallel_loop3A_358 : vector<16xi32>
        %parallel_loop3A_360 = arith.constant 1 : i32
        %parallel_loop3A_361 = vector.broadcast %parallel_loop3A_360 : i32 to vector<16xi32>
        %parallel_loop3A_362 = arith.subi %parallel_loop3A_344, %parallel_loop3A_361 : vector<16xi32>
        %parallel_loop3A_363 = arith.constant 0 : i32
        %parallel_loop3A_364 = vector.broadcast %parallel_loop3A_363 : i32 to vector<16xi32>
        %parallel_loop3A_365 = arith.maxsi %parallel_loop3A_362, %parallel_loop3A_364 : vector<16xi32>
        %parallel_loop3A_366 = arith.subi %parallel_loop3A_365, %parallel_loop3A_359 : vector<16xi32>
        %parallel_loop3A_367 = arith.subi %parallel_loop3A_344, %parallel_loop3A_359 : vector<16xi32>
        %parallel_loop3A_368 = arith.constant 1 : i32
        %parallel_loop3A_369 = vector.broadcast %parallel_loop3A_368 : i32 to vector<16xi32>
        %parallel_loop3A_370 = arith.addi %parallel_loop3A_344, %parallel_loop3A_369 : vector<16xi32>
        %parallel_loop3A_371 = arith.subi %parallel_loop3A_370, %parallel_loop3A_359 : vector<16xi32>
        %parallel_loop3A_372 = arith.constant 2 : i32
        %parallel_loop3A_373 = vector.broadcast %parallel_loop3A_372 : i32 to vector<16xi32>
        %parallel_loop3A_374 = arith.addi %parallel_loop3A_344, %parallel_loop3A_373 : vector<16xi32>
        %parallel_loop3A_375 = arith.constant 999999 : i32
        %parallel_loop3A_376 = vector.broadcast %parallel_loop3A_375 : i32 to vector<16xi32>
        %parallel_loop3A_377 = arith.minsi %parallel_loop3A_374, %parallel_loop3A_376 : vector<16xi32>
        %parallel_loop3A_378 = arith.subi %parallel_loop3A_377, %parallel_loop3A_359 : vector<16xi32>
        %parallel_loop3A_379 = arith.constant 4 : i32
        %parallel_loop3A_380 = vector.broadcast %parallel_loop3A_379 : i32 to vector<16xi32>
        %parallel_loop3A_381 = arith.shli %parallel_loop3A_367, %parallel_loop3A_380 : vector<16xi32>
        %parallel_loop3A_382 = arith.ori %parallel_loop3A_366, %parallel_loop3A_381 : vector<16xi32>
        %parallel_loop3A_383 = arith.constant 8 : i32
        %parallel_loop3A_384 = vector.broadcast %parallel_loop3A_383 : i32 to vector<16xi32>
        %parallel_loop3A_385 = arith.shli %parallel_loop3A_371, %parallel_loop3A_384 : vector<16xi32>
        %parallel_loop3A_386 = arith.ori %parallel_loop3A_382, %parallel_loop3A_385 : vector<16xi32>
        %parallel_loop3A_387 = arith.constant 12 : i32
        %parallel_loop3A_388 = vector.broadcast %parallel_loop3A_387 : i32 to vector<16xi32>
        %parallel_loop3A_389 = arith.shli %parallel_loop3A_378, %parallel_loop3A_388 : vector<16xi32>
        %parallel_loop3A_390 = arith.ori %parallel_loop3A_386, %parallel_loop3A_389 : vector<16xi32>
        %parallel_loop3A_391 = arith.index_cast %parallel_loop3A_332 : i32 to index
        %parallel_loop3A_392 = tpu.vector_load %arg16[%parallel_loop3A_391] {strides = array<i32>} : memref<2048xi32, #tpu.memory_space<vmem>>, vector<16xi32>,
        tpu.vector_store %arg16[%parallel_loop3A_391], %parallel_loop3A_390 {strides = array<i32>} : memref<2048xi32, #tpu.memory_space<vmem>>, vector<16xi32>,
        %parallel_loop3A_393 = arith.index_cast %parallel_loop3A_332 : i32 to index
        %parallel_loop3A_394 = tpu.vector_load %arg15[%parallel_loop3A_393] {strides = array<i32>} : memref<2048xi32, #tpu.memory_space<vmem>>, vector<16xi32>,
        tpu.vector_store %arg15[%parallel_loop3A_393], %parallel_loop3A_356 {strides = array<i32>} : memref<2048xi32, #tpu.memory_space<vmem>>, vector<16xi32>,
      } {sc.loop_unroll_factor = 8 : i64, sc.parallel_access}
      %dma_start3A_157 = arith.constant 0 : i32
      %dma_start3A_158 = arith.constant 0 : i32
      %dma_start3A_159 = tpu.memref_slice %arg21[%dma_start3A_157, %dma_start3A_158] : memref<2048x16xf32, #tpu.memory_space<vmem>> -> memref<128x16xf32, #tpu.memory_space<vmem>>
      %dma_start3A_160 = arith.constant 0 : i32
      %dma_start3A_161 = tpu.memref_slice %arg15[%dma_start3A_160] : memref<2048xi32, #tpu.memory_space<vmem>> -> memref<128xi32, #tpu.memory_space<vmem>>
      %dma_start3A_162 = arith.constant 0 : i32
      %dma_start3A_163 = arith.constant 0 : i32
      %dma_start3A_164 = tpu.memref_slice %arg3[%dma_start3A_162, %dma_start3A_163] : memref<126976x16xf32, #tpu.memory_space<hbm>> -> memref<126976x16xf32, #tpu.memory_space<hbm>>
      tpu.enqueue_indirect_dma source(%dma_start3A_164 : memref<126976x16xf32, #tpu.memory_space<hbm>>) target(%dma_start3A_159 : memref<128x16xf32, #tpu.memory_space<vmem>>) offsets(%dma_start3A_161 : memref<128xi32, #tpu.memory_space<vmem>>) semaphore(%arg24 : memref<!tpu.dma_semaphore, #tpu.memory_space<semaphore_mem>>)
      %dma_start3A_165 = arith.constant 128 : i32
      %dma_start3A_166 = arith.constant 0 : i32
      %dma_start3A_167 = tpu.memref_slice %arg21[%dma_start3A_165, %dma_start3A_166] : memref<2048x16xf32, #tpu.memory_space<vmem>> -> memref<128x16xf32, #tpu.memory_space<vmem>>
      %dma_start3A_168 = arith.constant 128 : i32
      %dma_start3A_169 = tpu.memref_slice %arg15[%dma_start3A_168] : memref<2048xi32, #tpu.memory_space<vmem>> -> memref<128xi32, #tpu.memory_space<vmem>>
      %dma_start3A_170 = arith.constant 0 : i32
      %dma_start3A_171 = arith.constant 0 : i32
      %dma_start3A_172 = tpu.memref_slice %arg3[%dma_start3A_170, %dma_start3A_171] : memref<126976x16xf32, #tpu.memory_space<hbm>> -> memref<126976x16xf32, #tpu.memory_space<hbm>>
      tpu.enqueue_indirect_dma source(%dma_start3A_172 : memref<126976x16xf32, #tpu.memory_space<hbm>>) target(%dma_start3A_167 : memref<128x16xf32, #tpu.memory_space<vmem>>) offsets(%dma_start3A_169 : memref<128xi32, #tpu.memory_space<vmem>>) semaphore(%arg24 : memref<!tpu.dma_semaphore, #tpu.memory_space<semaphore_mem>>)
      %dma_start3A_173 = arith.constant 256 : i32
      %dma_start3A_174 = arith.constant 0 : i32
      %dma_start3A_175 = tpu.memref_slice %arg21[%dma_start3A_173, %dma_start3A_174] : memref<2048x16xf32, #tpu.memory_space<vmem>> -> memref<128x16xf32, #tpu.memory_space<vmem>>
      %dma_start3A_176 = arith.constant 256 : i32
      %dma_start3A_177 = tpu.memref_slice %arg15[%dma_start3A_176] : memref<2048xi32, #tpu.memory_space<vmem>> -> memref<128xi32, #tpu.memory_space<vmem>>
      %dma_start3A_178 = arith.constant 0 : i32
      %dma_start3A_179 = arith.constant 0 : i32
      %dma_start3A_180 = tpu.memref_slice %arg3[%dma_start3A_178, %dma_start3A_179] : memref<126976x16xf32, #tpu.memory_space<hbm>> -> memref<126976x16xf32, #tpu.memory_space<hbm>>
      tpu.enqueue_indirect_dma source(%dma_start3A_180 : memref<126976x16xf32, #tpu.memory_space<hbm>>) target(%dma_start3A_175 : memref<128x16xf32, #tpu.memory_space<vmem>>) offsets(%dma_start3A_177 : memref<128xi32, #tpu.memory_space<vmem>>) semaphore(%arg24 : memref<!tpu.dma_semaphore, #tpu.memory_space<semaphore_mem>>)
      %dma_start3A_181 = arith.constant 384 : i32
      %dma_start3A_182 = arith.constant 0 : i32
      %dma_start3A_183 = tpu.memref_slice %arg21[%dma_start3A_181, %dma_start3A_182] : memref<2048x16xf32, #tpu.memory_space<vmem>> -> memref<128x16xf32, #tpu.memory_space<vmem>>
      %dma_start3A_184 = arith.constant 384 : i32
      %dma_start3A_185 = tpu.memref_slice %arg15[%dma_start3A_184] : memref<2048xi32, #tpu.memory_space<vmem>> -> memref<128xi32, #tpu.memory_space<vmem>>
      %dma_start3A_186 = arith.constant 0 : i32
      %dma_start3A_187 = arith.constant 0 : i32
      %dma_start3A_188 = tpu.memref_slice %arg3[%dma_start3A_186, %dma_start3A_187] : memref<126976x16xf32, #tpu.memory_space<hbm>> -> memref<126976x16xf32, #tpu.memory_space<hbm>>
      tpu.enqueue_indirect_dma source(%dma_start3A_188 : memref<126976x16xf32, #tpu.memory_space<hbm>>) target(%dma_start3A_183 : memref<128x16xf32, #tpu.memory_space<vmem>>) offsets(%dma_start3A_185 : memref<128xi32, #tpu.memory_space<vmem>>) semaphore(%arg24 : memref<!tpu.dma_semaphore, #tpu.memory_space<semaphore_mem>>)
      %dma_start3A_189 = arith.constant 512 : i32
      %dma_start3A_190 = arith.constant 0 : i32
      %dma_start3A_191 = tpu.memref_slice %arg21[%dma_start3A_189, %dma_start3A_190] : memref<2048x16xf32, #tpu.memory_space<vmem>> -> memref<128x16xf32, #tpu.memory_space<vmem>>
      %dma_start3A_192 = arith.constant 512 : i32
      %dma_start3A_193 = tpu.memref_slice %arg15[%dma_start3A_192] : memref<2048xi32, #tpu.memory_space<vmem>> -> memref<128xi32, #tpu.memory_space<vmem>>
      %dma_start3A_194 = arith.constant 0 : i32
      %dma_start3A_195 = arith.constant 0 : i32
      %dma_start3A_196 = tpu.memref_slice %arg3[%dma_start3A_194, %dma_start3A_195] : memref<126976x16xf32, #tpu.memory_space<hbm>> -> memref<126976x16xf32, #tpu.memory_space<hbm>>
      tpu.enqueue_indirect_dma source(%dma_start3A_196 : memref<126976x16xf32, #tpu.memory_space<hbm>>) target(%dma_start3A_191 : memref<128x16xf32, #tpu.memory_space<vmem>>) offsets(%dma_start3A_193 : memref<128xi32, #tpu.memory_space<vmem>>) semaphore(%arg24 : memref<!tpu.dma_semaphore, #tpu.memory_space<semaphore_mem>>)
      %dma_start3A_197 = arith.constant 640 : i32
      %dma_start3A_198 = arith.constant 0 : i32
      %dma_start3A_199 = tpu.memref_slice %arg21[%dma_start3A_197, %dma_start3A_198] : memref<2048x16xf32, #tpu.memory_space<vmem>> -> memref<128x16xf32, #tpu.memory_space<vmem>>
      %dma_start3A_200 = arith.constant 640 : i32
      %dma_start3A_201 = tpu.memref_slice %arg15[%dma_start3A_200] : memref<2048xi32, #tpu.memory_space<vmem>> -> memref<128xi32, #tpu.memory_space<vmem>>
      %dma_start3A_202 = arith.constant 0 : i32
      %dma_start3A_203 = arith.constant 0 : i32
      %dma_start3A_204 = tpu.memref_slice %arg3[%dma_start3A_202, %dma_start3A_203] : memref<126976x16xf32, #tpu.memory_space<hbm>> -> memref<126976x16xf32, #tpu.memory_space<hbm>>
      tpu.enqueue_indirect_dma source(%dma_start3A_204 : memref<126976x16xf32, #tpu.memory_space<hbm>>) target(%dma_start3A_199 : memref<128x16xf32, #tpu.memory_space<vmem>>) offsets(%dma_start3A_201 : memref<128xi32, #tpu.memory_space<vmem>>) semaphore(%arg24 : memref<!tpu.dma_semaphore, #tpu.memory_space<semaphore_mem>>)
      %dma_start3A_205 = arith.constant 768 : i32
      %dma_start3A_206 = arith.constant 0 : i32
      %dma_start3A_207 = tpu.memref_slice %arg21[%dma_start3A_205, %dma_start3A_206] : memref<2048x16xf32, #tpu.memory_space<vmem>> -> memref<128x16xf32, #tpu.memory_space<vmem>>
      %dma_start3A_208 = arith.constant 768 : i32
      %dma_start3A_209 = tpu.memref_slice %arg15[%dma_start3A_208] : memref<2048xi32, #tpu.memory_space<vmem>> -> memref<128xi32, #tpu.memory_space<vmem>>
      %dma_start3A_210 = arith.constant 0 : i32
      %dma_start3A_211 = arith.constant 0 : i32
      %dma_start3A_212 = tpu.memref_slice %arg3[%dma_start3A_210, %dma_start3A_211] : memref<126976x16xf32, #tpu.memory_space<hbm>> -> memref<126976x16xf32, #tpu.memory_space<hbm>>
      tpu.enqueue_indirect_dma source(%dma_start3A_212 : memref<126976x16xf32, #tpu.memory_space<hbm>>) target(%dma_start3A_207 : memref<128x16xf32, #tpu.memory_space<vmem>>) offsets(%dma_start3A_209 : memref<128xi32, #tpu.memory_space<vmem>>) semaphore(%arg24 : memref<!tpu.dma_semaphore, #tpu.memory_space<semaphore_mem>>)
      %dma_start3A_213 = arith.constant 896 : i32
      %dma_start3A_214 = arith.constant 0 : i32
      %dma_start3A_215 = tpu.memref_slice %arg21[%dma_start3A_213, %dma_start3A_214] : memref<2048x16xf32, #tpu.memory_space<vmem>> -> memref<128x16xf32, #tpu.memory_space<vmem>>
      %dma_start3A_216 = arith.constant 896 : i32
      %dma_start3A_217 = tpu.memref_slice %arg15[%dma_start3A_216] : memref<2048xi32, #tpu.memory_space<vmem>> -> memref<128xi32, #tpu.memory_space<vmem>>
      %dma_start3A_218 = arith.constant 0 : i32
      %dma_start3A_219 = arith.constant 0 : i32
      %dma_start3A_220 = tpu.memref_slice %arg3[%dma_start3A_218, %dma_start3A_219] : memref<126976x16xf32, #tpu.memory_space<hbm>> -> memref<126976x16xf32, #tpu.memory_space<hbm>>
      tpu.enqueue_indirect_dma source(%dma_start3A_220 : memref<126976x16xf32, #tpu.memory_space<hbm>>) target(%dma_start3A_215 : memref<128x16xf32, #tpu.memory_space<vmem>>) offsets(%dma_start3A_217 : memref<128xi32, #tpu.memory_space<vmem>>) semaphore(%arg24 : memref<!tpu.dma_semaphore, #tpu.memory_space<semaphore_mem>>)
      %dma_start3A_221 = arith.constant 1024 : i32
      %dma_start3A_222 = arith.constant 0 : i32
      %dma_start3A_223 = tpu.memref_slice %arg21[%dma_start3A_221, %dma_start3A_222] : memref<2048x16xf32, #tpu.memory_space<vmem>> -> memref<128x16xf32, #tpu.memory_space<vmem>>
      %dma_start3A_224 = arith.constant 1024 : i32
      %dma_start3A_225 = tpu.memref_slice %arg15[%dma_start3A_224] : memref<2048xi32, #tpu.memory_space<vmem>> -> memref<128xi32, #tpu.memory_space<vmem>>
      %dma_start3A_226 = arith.constant 0 : i32
      %dma_start3A_227 = arith.constant 0 : i32
      %dma_start3A_228 = tpu.memref_slice %arg3[%dma_start3A_226, %dma_start3A_227] : memref<126976x16xf32, #tpu.memory_space<hbm>> -> memref<126976x16xf32, #tpu.memory_space<hbm>>
      tpu.enqueue_indirect_dma source(%dma_start3A_228 : memref<126976x16xf32, #tpu.memory_space<hbm>>) target(%dma_start3A_223 : memref<128x16xf32, #tpu.memory_space<vmem>>) offsets(%dma_start3A_225 : memref<128xi32, #tpu.memory_space<vmem>>) semaphore(%arg24 : memref<!tpu.dma_semaphore, #tpu.memory_space<semaphore_mem>>)
      %dma_start3A_229 = arith.constant 1152 : i32
      %dma_start3A_230 = arith.constant 0 : i32
      %dma_start3A_231 = tpu.memref_slice %arg21[%dma_start3A_229, %dma_start3A_230] : memref<2048x16xf32, #tpu.memory_space<vmem>> -> memref<128x16xf32, #tpu.memory_space<vmem>>
      %dma_start3A_232 = arith.constant 1152 : i32
      %dma_start3A_233 = tpu.memref_slice %arg15[%dma_start3A_232] : memref<2048xi32, #tpu.memory_space<vmem>> -> memref<128xi32, #tpu.memory_space<vmem>>
      %dma_start3A_234 = arith.constant 0 : i32
      %dma_start3A_235 = arith.constant 0 : i32
      %dma_start3A_236 = tpu.memref_slice %arg3[%dma_start3A_234, %dma_start3A_235] : memref<126976x16xf32, #tpu.memory_space<hbm>> -> memref<126976x16xf32, #tpu.memory_space<hbm>>
      tpu.enqueue_indirect_dma source(%dma_start3A_236 : memref<126976x16xf32, #tpu.memory_space<hbm>>) target(%dma_start3A_231 : memref<128x16xf32, #tpu.memory_space<vmem>>) offsets(%dma_start3A_233 : memref<128xi32, #tpu.memory_space<vmem>>) semaphore(%arg24 : memref<!tpu.dma_semaphore, #tpu.memory_space<semaphore_mem>>)
      %dma_start3A_237 = arith.constant 1280 : i32
      %dma_start3A_238 = arith.constant 0 : i32
      %dma_start3A_239 = tpu.memref_slice %arg21[%dma_start3A_237, %dma_start3A_238] : memref<2048x16xf32, #tpu.memory_space<vmem>> -> memref<128x16xf32, #tpu.memory_space<vmem>>
      %dma_start3A_240 = arith.constant 1280 : i32
      %dma_start3A_241 = tpu.memref_slice %arg15[%dma_start3A_240] : memref<2048xi32, #tpu.memory_space<vmem>> -> memref<128xi32, #tpu.memory_space<vmem>>
      %dma_start3A_242 = arith.constant 0 : i32
      %dma_start3A_243 = arith.constant 0 : i32
      %dma_start3A_244 = tpu.memref_slice %arg3[%dma_start3A_242, %dma_start3A_243] : memref<126976x16xf32, #tpu.memory_space<hbm>> -> memref<126976x16xf32, #tpu.memory_space<hbm>>
      tpu.enqueue_indirect_dma source(%dma_start3A_244 : memref<126976x16xf32, #tpu.memory_space<hbm>>) target(%dma_start3A_239 : memref<128x16xf32, #tpu.memory_space<vmem>>) offsets(%dma_start3A_241 : memref<128xi32, #tpu.memory_space<vmem>>) semaphore(%arg24 : memref<!tpu.dma_semaphore, #tpu.memory_space<semaphore_mem>>)
      %dma_start3A_245 = arith.constant 1408 : i32
      %dma_start3A_246 = arith.constant 0 : i32
      %dma_start3A_247 = tpu.memref_slice %arg21[%dma_start3A_245, %dma_start3A_246] : memref<2048x16xf32, #tpu.memory_space<vmem>> -> memref<128x16xf32, #tpu.memory_space<vmem>>
      %dma_start3A_248 = arith.constant 1408 : i32
      %dma_start3A_249 = tpu.memref_slice %arg15[%dma_start3A_248] : memref<2048xi32, #tpu.memory_space<vmem>> -> memref<128xi32, #tpu.memory_space<vmem>>
      %dma_start3A_250 = arith.constant 0 : i32
      %dma_start3A_251 = arith.constant 0 : i32
      %dma_start3A_252 = tpu.memref_slice %arg3[%dma_start3A_250, %dma_start3A_251] : memref<126976x16xf32, #tpu.memory_space<hbm>> -> memref<126976x16xf32, #tpu.memory_space<hbm>>
      tpu.enqueue_indirect_dma source(%dma_start3A_252 : memref<126976x16xf32, #tpu.memory_space<hbm>>) target(%dma_start3A_247 : memref<128x16xf32, #tpu.memory_space<vmem>>) offsets(%dma_start3A_249 : memref<128xi32, #tpu.memory_space<vmem>>) semaphore(%arg24 : memref<!tpu.dma_semaphore, #tpu.memory_space<semaphore_mem>>)
      %dma_start3A_253 = arith.constant 1536 : i32
      %dma_start3A_254 = arith.constant 0 : i32
      %dma_start3A_255 = tpu.memref_slice %arg21[%dma_start3A_253, %dma_start3A_254] : memref<2048x16xf32, #tpu.memory_space<vmem>> -> memref<128x16xf32, #tpu.memory_space<vmem>>
      %dma_start3A_256 = arith.constant 1536 : i32
      %dma_start3A_257 = tpu.memref_slice %arg15[%dma_start3A_256] : memref<2048xi32, #tpu.memory_space<vmem>> -> memref<128xi32, #tpu.memory_space<vmem>>
      %dma_start3A_258 = arith.constant 0 : i32
      %dma_start3A_259 = arith.constant 0 : i32
      %dma_start3A_260 = tpu.memref_slice %arg3[%dma_start3A_258, %dma_start3A_259] : memref<126976x16xf32, #tpu.memory_space<hbm>> -> memref<126976x16xf32, #tpu.memory_space<hbm>>
      tpu.enqueue_indirect_dma source(%dma_start3A_260 : memref<126976x16xf32, #tpu.memory_space<hbm>>) target(%dma_start3A_255 : memref<128x16xf32, #tpu.memory_space<vmem>>) offsets(%dma_start3A_257 : memref<128xi32, #tpu.memory_space<vmem>>) semaphore(%arg24 : memref<!tpu.dma_semaphore, #tpu.memory_space<semaphore_mem>>)
      %dma_start3A_261 = arith.constant 1664 : i32
      %dma_start3A_262 = arith.constant 0 : i32
      %dma_start3A_263 = tpu.memref_slice %arg21[%dma_start3A_261, %dma_start3A_262] : memref<2048x16xf32, #tpu.memory_space<vmem>> -> memref<128x16xf32, #tpu.memory_space<vmem>>
      %dma_start3A_264 = arith.constant 1664 : i32
      %dma_start3A_265 = tpu.memref_slice %arg15[%dma_start3A_264] : memref<2048xi32, #tpu.memory_space<vmem>> -> memref<128xi32, #tpu.memory_space<vmem>>
      %dma_start3A_266 = arith.constant 0 : i32
      %dma_start3A_267 = arith.constant 0 : i32
      %dma_start3A_268 = tpu.memref_slice %arg3[%dma_start3A_266, %dma_start3A_267] : memref<126976x16xf32, #tpu.memory_space<hbm>> -> memref<126976x16xf32, #tpu.memory_space<hbm>>
      tpu.enqueue_indirect_dma source(%dma_start3A_268 : memref<126976x16xf32, #tpu.memory_space<hbm>>) target(%dma_start3A_263 : memref<128x16xf32, #tpu.memory_space<vmem>>) offsets(%dma_start3A_265 : memref<128xi32, #tpu.memory_space<vmem>>) semaphore(%arg24 : memref<!tpu.dma_semaphore, #tpu.memory_space<semaphore_mem>>)
      %dma_start3A_269 = arith.constant 1792 : i32
      %dma_start3A_270 = arith.constant 0 : i32
      %dma_start3A_271 = tpu.memref_slice %arg21[%dma_start3A_269, %dma_start3A_270] : memref<2048x16xf32, #tpu.memory_space<vmem>> -> memref<128x16xf32, #tpu.memory_space<vmem>>
      %dma_start3A_272 = arith.constant 1792 : i32
      %dma_start3A_273 = tpu.memref_slice %arg15[%dma_start3A_272] : memref<2048xi32, #tpu.memory_space<vmem>> -> memref<128xi32, #tpu.memory_space<vmem>>
      %dma_start3A_274 = arith.constant 0 : i32
      %dma_start3A_275 = arith.constant 0 : i32
      %dma_start3A_276 = tpu.memref_slice %arg3[%dma_start3A_274, %dma_start3A_275] : memref<126976x16xf32, #tpu.memory_space<hbm>> -> memref<126976x16xf32, #tpu.memory_space<hbm>>
      tpu.enqueue_indirect_dma source(%dma_start3A_276 : memref<126976x16xf32, #tpu.memory_space<hbm>>) target(%dma_start3A_271 : memref<128x16xf32, #tpu.memory_space<vmem>>) offsets(%dma_start3A_273 : memref<128xi32, #tpu.memory_space<vmem>>) semaphore(%arg24 : memref<!tpu.dma_semaphore, #tpu.memory_space<semaphore_mem>>)
      %dma_start3A_277 = arith.constant 1920 : i32
      %dma_start3A_278 = arith.constant 0 : i32
      %dma_start3A_279 = tpu.memref_slice %arg21[%dma_start3A_277, %dma_start3A_278] : memref<2048x16xf32, #tpu.memory_space<vmem>> -> memref<128x16xf32, #tpu.memory_space<vmem>>
      %dma_start3A_280 = arith.constant 1920 : i32
      %dma_start3A_281 = tpu.memref_slice %arg15[%dma_start3A_280] : memref<2048xi32, #tpu.memory_space<vmem>> -> memref<128xi32, #tpu.memory_space<vmem>>
      %dma_start3A_282 = arith.constant 0 : i32
      %dma_start3A_283 = arith.constant 0 : i32
      %dma_start3A_284 = tpu.memref_slice %arg3[%dma_start3A_282, %dma_start3A_283] : memref<126976x16xf32, #tpu.memory_space<hbm>> -> memref<126976x16xf32, #tpu.memory_space<hbm>>
      tpu.enqueue_indirect_dma source(%dma_start3A_284 : memref<126976x16xf32, #tpu.memory_space<hbm>>) target(%dma_start3A_279 : memref<128x16xf32, #tpu.memory_space<vmem>>) offsets(%dma_start3A_281 : memref<128xi32, #tpu.memory_space<vmem>>) semaphore(%arg24 : memref<!tpu.dma_semaphore, #tpu.memory_space<semaphore_mem>>)
      %parallel_loop3A_285 = arith.constant 0 : i32
      %parallel_loop3A_286 = arith.constant 128 : i32
      %parallel_loop3A_287 = arith.constant 1 : i32
      scf.for %parallel_loop3A_330 = %parallel_loop3A_285 to %parallel_loop3A_286 step %parallel_loop3A_287  : i32 {
        %parallel_loop3A_331 = arith.constant 16 : i32
        %parallel_loop3A_332 = arith.muli %parallel_loop3A_330, %parallel_loop3A_331 : i32
        %parallel_loop3A_333 = arith.index_cast %parallel_loop3A_332 : i32 to index
        %parallel_loop3A_334 = tpu.vector_load %arg14[%parallel_loop3A_333] {strides = array<i32>} : memref<2048xf32, #tpu.memory_space<vmem>>, vector<16xf32>,
        %parallel_loop3A_335 = arith.constant 9.999990e+05 : f32
        %parallel_loop3A_336 = vector.broadcast %parallel_loop3A_335 : f32 to vector<16xf32>
        %parallel_loop3A_337 = arith.mulf %parallel_loop3A_334, %parallel_loop3A_336 : vector<16xf32>
        %parallel_loop3A_338 = arith.fptosi %parallel_loop3A_337 : vector<16xf32> to vector<16xi32>
        %parallel_loop3A_339 = arith.sitofp %parallel_loop3A_338 : vector<16xi32> to vector<16xf32>
        %parallel_loop3A_340 = arith.subf %parallel_loop3A_337, %parallel_loop3A_339 : vector<16xf32>
        %parallel_loop3A_341 = arith.constant 0.000000e+00 : f32
        %parallel_loop3A_342 = vector.broadcast %parallel_loop3A_341 : f32 to vector<16xf32>
        %parallel_loop3A_343 = arith.maximumf %parallel_loop3A_340, %parallel_loop3A_342 : vector<16xf32>
        %parallel_loop3A_344 = arith.constant 0.99999988 : f32
        %parallel_loop3A_345 = vector.broadcast %parallel_loop3A_344 : f32 to vector<16xf32>
        %parallel_loop3A_346 = arith.minimumf %parallel_loop3A_343, %parallel_loop3A_345 : vector<16xf32>
        %parallel_loop3A_347 = arith.mulf %parallel_loop3A_346, %parallel_loop3A_346 : vector<16xf32>
        %parallel_loop3A_348 = arith.mulf %parallel_loop3A_347, %parallel_loop3A_346 : vector<16xf32>
        %parallel_loop3A_349 = arith.constant 1.000000e+00 : f32
        %parallel_loop3A_350 = vector.broadcast %parallel_loop3A_349 : f32 to vector<16xf32>
        %parallel_loop3A_351 = arith.subf %parallel_loop3A_350, %parallel_loop3A_346 : vector<16xf32>
        %parallel_loop3A_352 = arith.mulf %parallel_loop3A_351, %parallel_loop3A_351 : vector<16xf32>
        %parallel_loop3A_353 = arith.mulf %parallel_loop3A_352, %parallel_loop3A_351 : vector<16xf32>
        %parallel_loop3A_354 = arith.constant 0.166666672 : f32
        %parallel_loop3A_355 = vector.broadcast %parallel_loop3A_354 : f32 to vector<16xf32>
        %parallel_loop3A_356 = arith.mulf %parallel_loop3A_353, %parallel_loop3A_355 : vector<16xf32>
        %parallel_loop3A_357 = arith.index_cast %parallel_loop3A_332 : i32 to index
        %parallel_loop3A_358 = tpu.vector_load %arg17[%parallel_loop3A_357] {strides = array<i32>} : memref<2048xf32, #tpu.memory_space<vmem>>, vector<16xf32>,
        tpu.vector_store %arg17[%parallel_loop3A_357], %parallel_loop3A_356 {strides = array<i32>} : memref<2048xf32, #tpu.memory_space<vmem>>, vector<16xf32>,
        %parallel_loop3A_359 = arith.constant 3.000000e+00 : f32
        %parallel_loop3A_360 = vector.broadcast %parallel_loop3A_359 : f32 to vector<16xf32>
        %parallel_loop3A_361 = arith.mulf %parallel_loop3A_360, %parallel_loop3A_348 : vector<16xf32>
        %parallel_loop3A_362 = arith.constant 6.000000e+00 : f32
        %parallel_loop3A_363 = vector.broadcast %parallel_loop3A_362 : f32 to vector<16xf32>
        %parallel_loop3A_364 = arith.mulf %parallel_loop3A_363, %parallel_loop3A_347 : vector<16xf32>
        %parallel_loop3A_365 = arith.subf %parallel_loop3A_361, %parallel_loop3A_364 : vector<16xf32>
        %parallel_loop3A_366 = arith.constant 4.000000e+00 : f32
        %parallel_loop3A_367 = vector.broadcast %parallel_loop3A_366 : f32 to vector<16xf32>
        %parallel_loop3A_368 = arith.addf %parallel_loop3A_365, %parallel_loop3A_367 : vector<16xf32>
        %parallel_loop3A_369 = arith.constant 0.166666672 : f32
        %parallel_loop3A_370 = vector.broadcast %parallel_loop3A_369 : f32 to vector<16xf32>
        %parallel_loop3A_371 = arith.mulf %parallel_loop3A_368, %parallel_loop3A_370 : vector<16xf32>
        %parallel_loop3A_372 = arith.index_cast %parallel_loop3A_332 : i32 to index
        %parallel_loop3A_373 = tpu.vector_load %arg18[%parallel_loop3A_372] {strides = array<i32>} : memref<2048xf32, #tpu.memory_space<vmem>>, vector<16xf32>,
        tpu.vector_store %arg18[%parallel_loop3A_372], %parallel_loop3A_371 {strides = array<i32>} : memref<2048xf32, #tpu.memory_space<vmem>>, vector<16xf32>,
        %parallel_loop3A_374 = arith.constant -3.000000e+00 : f32
        %parallel_loop3A_375 = vector.broadcast %parallel_loop3A_374 : f32 to vector<16xf32>
        %parallel_loop3A_376 = arith.mulf %parallel_loop3A_375, %parallel_loop3A_348 : vector<16xf32>
        %parallel_loop3A_377 = arith.constant 3.000000e+00 : f32
        %parallel_loop3A_378 = vector.broadcast %parallel_loop3A_377 : f32 to vector<16xf32>
        %parallel_loop3A_379 = arith.mulf %parallel_loop3A_378, %parallel_loop3A_347 : vector<16xf32>
        %parallel_loop3A_380 = arith.addf %parallel_loop3A_376, %parallel_loop3A_379 : vector<16xf32>
        %parallel_loop3A_381 = arith.constant 3.000000e+00 : f32
        %parallel_loop3A_382 = vector.broadcast %parallel_loop3A_381 : f32 to vector<16xf32>
        %parallel_loop3A_383 = arith.mulf %parallel_loop3A_382, %parallel_loop3A_346 : vector<16xf32>
        %parallel_loop3A_384 = arith.addf %parallel_loop3A_380, %parallel_loop3A_383 : vector<16xf32>
        %parallel_loop3A_385 = arith.constant 1.000000e+00 : f32
        %parallel_loop3A_386 = vector.broadcast %parallel_loop3A_385 : f32 to vector<16xf32>
        %parallel_loop3A_387 = arith.addf %parallel_loop3A_384, %parallel_loop3A_386 : vector<16xf32>
        %parallel_loop3A_388 = arith.constant 0.166666672 : f32
        %parallel_loop3A_389 = vector.broadcast %parallel_loop3A_388 : f32 to vector<16xf32>
        %parallel_loop3A_390 = arith.mulf %parallel_loop3A_387, %parallel_loop3A_389 : vector<16xf32>
        %parallel_loop3A_391 = arith.index_cast %parallel_loop3A_332 : i32 to index
        %parallel_loop3A_392 = tpu.vector_load %arg19[%parallel_loop3A_391] {strides = array<i32>} : memref<2048xf32, #tpu.memory_space<vmem>>, vector<16xf32>,
        tpu.vector_store %arg19[%parallel_loop3A_391], %parallel_loop3A_390 {strides = array<i32>} : memref<2048xf32, #tpu.memory_space<vmem>>, vector<16xf32>,
        %parallel_loop3A_393 = arith.constant 0.166666672 : f32
        %parallel_loop3A_394 = vector.broadcast %parallel_loop3A_393 : f32 to vector<16xf32>
        %parallel_loop3A_395 = arith.mulf %parallel_loop3A_348, %parallel_loop3A_394 : vector<16xf32>
        %parallel_loop3A_396 = arith.index_cast %parallel_loop3A_332 : i32 to index
        %parallel_loop3A_397 = tpu.vector_load %arg20[%parallel_loop3A_396] {strides = array<i32>} : memref<2048xf32, #tpu.memory_space<vmem>>, vector<16xf32>,
        tpu.vector_store %arg20[%parallel_loop3A_396], %parallel_loop3A_395 {strides = array<i32>} : memref<2048xf32, #tpu.memory_space<vmem>>, vector<16xf32>,
      } {sc.loop_unroll_factor = 8 : i64, sc.parallel_access}
      %mul3A_288 = arith.constant 2048 : i32
      %mul3A_289 = arith.muli %mul3A_148, %mul3A_288 : i32
      %add3A_290 = arith.addi %mul3A_2, %mul3A_289 : i32
      %add3A_291 = arith.constant 2 : i32
      %add3A_292 = arith.addi %mul3A_148, %add3A_291 : i32
      %lt3A = arith.constant 50 : i32
      %lt3A_293 = arith.cmpi slt, %add3A_292, %lt3A : i32
      %convert_element_type3A = arith.extui %lt3A_293 : i1 to i32
      %cond3A = arith.constant 0 : i32
      %cond3A_294 = arith.cmpi ne, %convert_element_type3A, %cond3A : i32
      scf.if %cond3A_294 {
        %add3A_330 = arith.constant 4096 : i32
        %add3A_331 = arith.addi %add3A_290, %add3A_330 : i32
        %dma_start3A_332 = tpu.memref_slice %arg2[%add3A_331] : memref<3276800xf32, #tpu.memory_space<hbm>> -> memref<2048xf32, #tpu.memory_space<hbm>>
        %dma_start3A_333 = tpu.memref_slice %arg2[%add3A_331] : memref<3276800xf32, #tpu.memory_space<hbm>> -> memref<2048xf32, #tpu.memory_space<hbm>>
        tpu.enqueue_dma source(%dma_start3A_333 : memref<2048xf32, #tpu.memory_space<hbm>>) target(%arg5 : memref<2048xf32, #tpu.memory_space<vmem>>) target_semaphore(%arg25 : memref<!tpu.dma_semaphore, #tpu.memory_space<semaphore_mem>>)
      } else {
      }
      %dma_wait3A_295 = arith.constant 0 : i32
      %dma_wait3A_296 = arith.constant 0 : i32
      %dma_wait3A_297 = tpu.memref_slice %arg3[%dma_wait3A_295, %dma_wait3A_296] : memref<126976x16xf32, #tpu.memory_space<hbm>> -> memref<2048x16xf32, #tpu.memory_space<hbm>>
      %dma_wait3A_298 = arith.constant 0 : i32
      %dma_wait3A_299 = arith.constant 0 : i32
      %dma_wait3A_300 = tpu.memref_slice %arg3[%dma_wait3A_298, %dma_wait3A_299] : memref<126976x16xf32, #tpu.memory_space<hbm>> -> memref<2048x16xf32, #tpu.memory_space<hbm>>
      tpu.wait_dma2 semaphore(%arg23 : memref<!tpu.dma_semaphore, #tpu.memory_space<semaphore_mem>>) src(%dma_wait3A_300 : memref<2048x16xf32, #tpu.memory_space<hbm>>) dst(%arg12 : memref<2048x16xf32, #tpu.memory_space<vmem>>)
      %parallel_loop3A_301 = arith.constant 0 : i32
      %parallel_loop3A_302 = arith.constant 128 : i32
      %parallel_loop3A_303 = arith.constant 1 : i32
      scf.for %parallel_loop3A_330 = %parallel_loop3A_301 to %parallel_loop3A_302 step %parallel_loop3A_303  : i32 {
        %parallel_loop3A_331 = arith.constant 16 : i32
        %parallel_loop3A_332 = arith.muli %parallel_loop3A_330, %parallel_loop3A_331 : i32
        %parallel_loop3A_333 = arith.constant 16 : i32
        %parallel_loop3A_334 = arith.muli %parallel_loop3A_330, %parallel_loop3A_333 : i32
        %parallel_loop3A_335 = tpu.iota {dimensions = array<i32: 0>} : vector<16xi32>
        %parallel_loop3A_336 = vector.broadcast %parallel_loop3A_334 : i32 to vector<16xi32>
        %parallel_loop3A_337 = arith.addi %parallel_loop3A_336, %parallel_loop3A_335 : vector<16xi32>
        %parallel_loop3A_338 = arith.index_cast %parallel_loop3A_332 : i32 to index
        %parallel_loop3A_339 = tpu.vector_load %arg7[%parallel_loop3A_338] {strides = array<i32>} : memref<2048xi32, #tpu.memory_space<vmem>>, vector<16xi32>,
        %parallel_loop3A_340 = arith.constant 0 : i32
        %parallel_loop3A_341 = vector.broadcast %parallel_loop3A_340 : i32 to vector<16xi32>
        %parallel_loop3A_342 = arith.shrsi %parallel_loop3A_339, %parallel_loop3A_341 : vector<16xi32>
        %parallel_loop3A_343 = arith.constant 15 : i32
        %parallel_loop3A_344 = vector.broadcast %parallel_loop3A_343 : i32 to vector<16xi32>
        %parallel_loop3A_345 = arith.andi %parallel_loop3A_342, %parallel_loop3A_344 : vector<16xi32>
        %parallel_loop3A_346 = tpu.vector_load_idx %arg12[%parallel_loop3A_337, %parallel_loop3A_345] : memref<2048x16xf32, #tpu.memory_space<vmem>>[vector<16xi32>, vector<16xi32>], vector<16xf32>,
        %parallel_loop3A_347 = arith.index_cast %parallel_loop3A_332 : i32 to index
        %parallel_loop3A_348 = tpu.vector_load %arg8[%parallel_loop3A_347] {strides = array<i32>} : memref<2048xf32, #tpu.memory_space<vmem>>, vector<16xf32>,
        %parallel_loop3A_349 = arith.mulf %parallel_loop3A_348, %parallel_loop3A_346 : vector<16xf32>
        %parallel_loop3A_350 = arith.constant 4 : i32
        %parallel_loop3A_351 = vector.broadcast %parallel_loop3A_350 : i32 to vector<16xi32>
        %parallel_loop3A_352 = arith.shrsi %parallel_loop3A_339, %parallel_loop3A_351 : vector<16xi32>
        %parallel_loop3A_353 = arith.constant 15 : i32
        %parallel_loop3A_354 = vector.broadcast %parallel_loop3A_353 : i32 to vector<16xi32>
        %parallel_loop3A_355 = arith.andi %parallel_loop3A_352, %parallel_loop3A_354 : vector<16xi32>
        %parallel_loop3A_356 = tpu.vector_load_idx %arg12[%parallel_loop3A_337, %parallel_loop3A_355] : memref<2048x16xf32, #tpu.memory_space<vmem>>[vector<16xi32>, vector<16xi32>], vector<16xf32>,
        %parallel_loop3A_357 = arith.index_cast %parallel_loop3A_332 : i32 to index
        %parallel_loop3A_358 = tpu.vector_load %arg9[%parallel_loop3A_357] {strides = array<i32>} : memref<2048xf32, #tpu.memory_space<vmem>>, vector<16xf32>,
        %parallel_loop3A_359 = arith.mulf %parallel_loop3A_358, %parallel_loop3A_356 : vector<16xf32>
        %parallel_loop3A_360 = arith.addf %parallel_loop3A_349, %parallel_loop3A_359 : vector<16xf32>
        %parallel_loop3A_361 = arith.constant 8 : i32
        %parallel_loop3A_362 = vector.broadcast %parallel_loop3A_361 : i32 to vector<16xi32>
        %parallel_loop3A_363 = arith.shrsi %parallel_loop3A_339, %parallel_loop3A_362 : vector<16xi32>
        %parallel_loop3A_364 = arith.constant 15 : i32
        %parallel_loop3A_365 = vector.broadcast %parallel_loop3A_364 : i32 to vector<16xi32>
        %parallel_loop3A_366 = arith.andi %parallel_loop3A_363, %parallel_loop3A_365 : vector<16xi32>
        %parallel_loop3A_367 = tpu.vector_load_idx %arg12[%parallel_loop3A_337, %parallel_loop3A_366] : memref<2048x16xf32, #tpu.memory_space<vmem>>[vector<16xi32>, vector<16xi32>], vector<16xf32>,
        %parallel_loop3A_368 = arith.index_cast %parallel_loop3A_332 : i32 to index
        %parallel_loop3A_369 = tpu.vector_load %arg10[%parallel_loop3A_368] {strides = array<i32>} : memref<2048xf32, #tpu.memory_space<vmem>>, vector<16xf32>,
        %parallel_loop3A_370 = arith.mulf %parallel_loop3A_369, %parallel_loop3A_367 : vector<16xf32>
        %parallel_loop3A_371 = arith.addf %parallel_loop3A_360, %parallel_loop3A_370 : vector<16xf32>
        %parallel_loop3A_372 = arith.constant 12 : i32
        %parallel_loop3A_373 = vector.broadcast %parallel_loop3A_372 : i32 to vector<16xi32>
        %parallel_loop3A_374 = arith.shrsi %parallel_loop3A_339, %parallel_loop3A_373 : vector<16xi32>
        %parallel_loop3A_375 = arith.constant 15 : i32
        %parallel_loop3A_376 = vector.broadcast %parallel_loop3A_375 : i32 to vector<16xi32>
        %parallel_loop3A_377 = arith.andi %parallel_loop3A_374, %parallel_loop3A_376 : vector<16xi32>
        %parallel_loop3A_378 = tpu.vector_load_idx %arg12[%parallel_loop3A_337, %parallel_loop3A_377] : memref<2048x16xf32, #tpu.memory_space<vmem>>[vector<16xi32>, vector<16xi32>], vector<16xf32>,
        %parallel_loop3A_379 = arith.index_cast %parallel_loop3A_332 : i32 to index
        %parallel_loop3A_380 = tpu.vector_load %arg11[%parallel_loop3A_379] {strides = array<i32>} : memref<2048xf32, #tpu.memory_space<vmem>>, vector<16xf32>,
        %parallel_loop3A_381 = arith.mulf %parallel_loop3A_380, %parallel_loop3A_378 : vector<16xf32>
        %parallel_loop3A_382 = arith.addf %parallel_loop3A_371, %parallel_loop3A_381 : vector<16xf32>
        %parallel_loop3A_383 = arith.index_cast %parallel_loop3A_332 : i32 to index
        %parallel_loop3A_384 = tpu.vector_load %arg13[%parallel_loop3A_383] {strides = array<i32>} : memref<2048xf32, #tpu.memory_space<vmem>>, vector<16xf32>,
        tpu.vector_store %arg13[%parallel_loop3A_383], %parallel_loop3A_382 {strides = array<i32>} : memref<2048xf32, #tpu.memory_space<vmem>>, vector<16xf32>,
      } {sc.loop_unroll_factor = 8 : i64, sc.parallel_access}
      "tpu.region"() ({
        %run_scoped3A = tpu.sem_alloc : memref<!tpu.dma_semaphore, #tpu.memory_space<semaphore_mem>>
        %dma_start3A_330 = tpu.memref_slice %arg4[%add3A_290] : memref<3276800xf32, #tpu.memory_space<hbm>> -> memref<2048xf32, #tpu.memory_space<hbm>>
        %dma_start3A_331 = tpu.memref_slice %arg4[%add3A_290] : memref<3276800xf32, #tpu.memory_space<hbm>> -> memref<2048xf32, #tpu.memory_space<hbm>>
        tpu.enqueue_dma source(%arg13 : memref<2048xf32, #tpu.memory_space<vmem>>) target(%dma_start3A_331 : memref<2048xf32, #tpu.memory_space<hbm>>) target_semaphore(%run_scoped3A : memref<!tpu.dma_semaphore, #tpu.memory_space<semaphore_mem>>)
        %dma_wait3A_332 = tpu.memref_slice %arg4[%add3A_290] : memref<3276800xf32, #tpu.memory_space<hbm>> -> memref<2048xf32, #tpu.memory_space<hbm>>
        %dma_wait3A_333 = tpu.memref_slice %arg4[%add3A_290] : memref<3276800xf32, #tpu.memory_space<hbm>> -> memref<2048xf32, #tpu.memory_space<hbm>>
        tpu.wait_dma2 semaphore(%run_scoped3A : memref<!tpu.dma_semaphore, #tpu.memory_space<semaphore_mem>>) src(%arg13 : memref<2048xf32, #tpu.memory_space<vmem>>) dst(%dma_wait3A_333 : memref<2048xf32, #tpu.memory_space<hbm>>)
        tpu.yield
      }) : () -> ()
      %add3A_304 = arith.constant 1 : i32
      %add3A_305 = arith.addi %scan3A_146, %add3A_304 : i32
      %lt3A_306 = arith.constant 25 : i32
      %lt3A_307 = arith.cmpi slt, %add3A_305, %lt3A_306 : i32
      %convert_element_type3A_308 = arith.extui %lt3A_307 : i1 to i32
      %cond3A_309 = arith.constant 0 : i32
      %cond3A_310 = arith.cmpi ne, %convert_element_type3A_308, %cond3A_309 : i32
      scf.if %cond3A_310 {
        %add3A_330 = arith.constant 2 : i32
        %add3A_331 = arith.addi %mul3A_148, %add3A_330 : i32
        %dma_wait3A_332 = arith.constant 0 : i32
        %dma_wait3A_333 = tpu.memref_slice %arg2[%dma_wait3A_332] : memref<3276800xf32, #tpu.memory_space<hbm>> -> memref<2048xf32, #tpu.memory_space<hbm>>
        %dma_wait3A_334 = arith.constant 0 : i32
        %dma_wait3A_335 = tpu.memref_slice %arg2[%dma_wait3A_334] : memref<3276800xf32, #tpu.memory_space<hbm>> -> memref<2048xf32, #tpu.memory_space<hbm>>
        tpu.wait_dma2 semaphore(%arg25 : memref<!tpu.dma_semaphore, #tpu.memory_space<semaphore_mem>>) src(%dma_wait3A_335 : memref<2048xf32, #tpu.memory_space<hbm>>) dst(%arg5 : memref<2048xf32, #tpu.memory_space<vmem>>)
        %parallel_loop3A_336 = arith.constant 0 : i32
        %parallel_loop3A_337 = arith.constant 128 : i32
        %parallel_loop3A_338 = arith.constant 1 : i32
        scf.for %parallel_loop3A_470 = %parallel_loop3A_336 to %parallel_loop3A_337 step %parallel_loop3A_338  : i32 {
          %parallel_loop3A_471 = arith.constant 16 : i32
          %parallel_loop3A_472 = arith.muli %parallel_loop3A_470, %parallel_loop3A_471 : i32
          %parallel_loop3A_473 = arith.index_cast %parallel_loop3A_472 : i32 to index
          %parallel_loop3A_474 = tpu.vector_load %arg5[%parallel_loop3A_473] {strides = array<i32>} : memref<2048xf32, #tpu.memory_space<vmem>>, vector<16xf32>,
          %parallel_loop3A_475 = arith.constant 9.999990e+05 : f32
          %parallel_loop3A_476 = vector.broadcast %parallel_loop3A_475 : f32 to vector<16xf32>
          %parallel_loop3A_477 = arith.mulf %parallel_loop3A_474, %parallel_loop3A_476 : vector<16xf32>
          %parallel_loop3A_478 = arith.fptosi %parallel_loop3A_477 : vector<16xf32> to vector<16xi32>
          %parallel_loop3A_479 = arith.constant 0 : i32
          %parallel_loop3A_480 = vector.broadcast %parallel_loop3A_479 : i32 to vector<16xi32>
          %parallel_loop3A_481 = arith.maxsi %parallel_loop3A_478, %parallel_loop3A_480 : vector<16xi32>
          %parallel_loop3A_482 = arith.constant 999999 : i32
          %parallel_loop3A_483 = vector.broadcast %parallel_loop3A_482 : i32 to vector<16xi32>
          %parallel_loop3A_484 = arith.minsi %parallel_loop3A_481, %parallel_loop3A_483 : vector<16xi32>
          %parallel_loop3A_485 = arith.constant 1 : i32
          %parallel_loop3A_486 = vector.broadcast %parallel_loop3A_485 : i32 to vector<16xi32>
          %parallel_loop3A_487 = arith.subi %parallel_loop3A_484, %parallel_loop3A_486 : vector<16xi32>
          %parallel_loop3A_488 = arith.constant 3 : i32
          %parallel_loop3A_489 = vector.broadcast %parallel_loop3A_488 : i32 to vector<16xi32>
          %parallel_loop3A_490 = arith.shrsi %parallel_loop3A_487, %parallel_loop3A_489 : vector<16xi32>
          %parallel_loop3A_491 = arith.constant 0 : i32
          %parallel_loop3A_492 = vector.broadcast %parallel_loop3A_491 : i32 to vector<16xi32>
          %parallel_loop3A_493 = arith.maxsi %parallel_loop3A_490, %parallel_loop3A_492 : vector<16xi32>
          %parallel_loop3A_494 = arith.constant 126975 : i32
          %parallel_loop3A_495 = vector.broadcast %parallel_loop3A_494 : i32 to vector<16xi32>
          %parallel_loop3A_496 = arith.minsi %parallel_loop3A_493, %parallel_loop3A_495 : vector<16xi32>
          %parallel_loop3A_497 = arith.constant 8 : i32
          %parallel_loop3A_498 = vector.broadcast %parallel_loop3A_497 : i32 to vector<16xi32>
          %parallel_loop3A_499 = arith.muli %parallel_loop3A_496, %parallel_loop3A_498 : vector<16xi32>
          %parallel_loop3A_500 = arith.constant 1 : i32
          %parallel_loop3A_501 = vector.broadcast %parallel_loop3A_500 : i32 to vector<16xi32>
          %parallel_loop3A_502 = arith.subi %parallel_loop3A_484, %parallel_loop3A_501 : vector<16xi32>
          %parallel_loop3A_503 = arith.constant 0 : i32
          %parallel_loop3A_504 = vector.broadcast %parallel_loop3A_503 : i32 to vector<16xi32>
          %parallel_loop3A_505 = arith.maxsi %parallel_loop3A_502, %parallel_loop3A_504 : vector<16xi32>
          %parallel_loop3A_506 = arith.subi %parallel_loop3A_505, %parallel_loop3A_499 : vector<16xi32>
          %parallel_loop3A_507 = arith.subi %parallel_loop3A_484, %parallel_loop3A_499 : vector<16xi32>
          %parallel_loop3A_508 = arith.constant 1 : i32
          %parallel_loop3A_509 = vector.broadcast %parallel_loop3A_508 : i32 to vector<16xi32>
          %parallel_loop3A_510 = arith.addi %parallel_loop3A_484, %parallel_loop3A_509 : vector<16xi32>
          %parallel_loop3A_511 = arith.subi %parallel_loop3A_510, %parallel_loop3A_499 : vector<16xi32>
          %parallel_loop3A_512 = arith.constant 2 : i32
          %parallel_loop3A_513 = vector.broadcast %parallel_loop3A_512 : i32 to vector<16xi32>
          %parallel_loop3A_514 = arith.addi %parallel_loop3A_484, %parallel_loop3A_513 : vector<16xi32>
          %parallel_loop3A_515 = arith.constant 999999 : i32
          %parallel_loop3A_516 = vector.broadcast %parallel_loop3A_515 : i32 to vector<16xi32>
          %parallel_loop3A_517 = arith.minsi %parallel_loop3A_514, %parallel_loop3A_516 : vector<16xi32>
          %parallel_loop3A_518 = arith.subi %parallel_loop3A_517, %parallel_loop3A_499 : vector<16xi32>
          %parallel_loop3A_519 = arith.constant 4 : i32
          %parallel_loop3A_520 = vector.broadcast %parallel_loop3A_519 : i32 to vector<16xi32>
          %parallel_loop3A_521 = arith.shli %parallel_loop3A_507, %parallel_loop3A_520 : vector<16xi32>
          %parallel_loop3A_522 = arith.ori %parallel_loop3A_506, %parallel_loop3A_521 : vector<16xi32>
          %parallel_loop3A_523 = arith.constant 8 : i32
          %parallel_loop3A_524 = vector.broadcast %parallel_loop3A_523 : i32 to vector<16xi32>
          %parallel_loop3A_525 = arith.shli %parallel_loop3A_511, %parallel_loop3A_524 : vector<16xi32>
          %parallel_loop3A_526 = arith.ori %parallel_loop3A_522, %parallel_loop3A_525 : vector<16xi32>
          %parallel_loop3A_527 = arith.constant 12 : i32
          %parallel_loop3A_528 = vector.broadcast %parallel_loop3A_527 : i32 to vector<16xi32>
          %parallel_loop3A_529 = arith.shli %parallel_loop3A_518, %parallel_loop3A_528 : vector<16xi32>
          %parallel_loop3A_530 = arith.ori %parallel_loop3A_526, %parallel_loop3A_529 : vector<16xi32>
          %parallel_loop3A_531 = arith.index_cast %parallel_loop3A_472 : i32 to index
          %parallel_loop3A_532 = tpu.vector_load %arg7[%parallel_loop3A_531] {strides = array<i32>} : memref<2048xi32, #tpu.memory_space<vmem>>, vector<16xi32>,
          tpu.vector_store %arg7[%parallel_loop3A_531], %parallel_loop3A_530 {strides = array<i32>} : memref<2048xi32, #tpu.memory_space<vmem>>, vector<16xi32>,
          %parallel_loop3A_533 = arith.index_cast %parallel_loop3A_472 : i32 to index
          %parallel_loop3A_534 = tpu.vector_load %arg6[%parallel_loop3A_533] {strides = array<i32>} : memref<2048xi32, #tpu.memory_space<vmem>>, vector<16xi32>,
          tpu.vector_store %arg6[%parallel_loop3A_533], %parallel_loop3A_496 {strides = array<i32>} : memref<2048xi32, #tpu.memory_space<vmem>>, vector<16xi32>,
        } {sc.loop_unroll_factor = 8 : i64, sc.parallel_access}
        %dma_start3A_339 = arith.constant 0 : i32
        %dma_start3A_340 = arith.constant 0 : i32
        %dma_start3A_341 = tpu.memref_slice %arg12[%dma_start3A_339, %dma_start3A_340] : memref<2048x16xf32, #tpu.memory_space<vmem>> -> memref<128x16xf32, #tpu.memory_space<vmem>>
        %dma_start3A_342 = arith.constant 0 : i32
        %dma_start3A_343 = tpu.memref_slice %arg6[%dma_start3A_342] : memref<2048xi32, #tpu.memory_space<vmem>> -> memref<128xi32, #tpu.memory_space<vmem>>
        %dma_start3A_344 = arith.constant 0 : i32
        %dma_start3A_345 = arith.constant 0 : i32
        %dma_start3A_346 = tpu.memref_slice %arg3[%dma_start3A_344, %dma_start3A_345] : memref<126976x16xf32, #tpu.memory_space<hbm>> -> memref<126976x16xf32, #tpu.memory_space<hbm>>
        tpu.enqueue_indirect_dma source(%dma_start3A_346 : memref<126976x16xf32, #tpu.memory_space<hbm>>) target(%dma_start3A_341 : memref<128x16xf32, #tpu.memory_space<vmem>>) offsets(%dma_start3A_343 : memref<128xi32, #tpu.memory_space<vmem>>) semaphore(%arg23 : memref<!tpu.dma_semaphore, #tpu.memory_space<semaphore_mem>>)
        %dma_start3A_347 = arith.constant 128 : i32
        %dma_start3A_348 = arith.constant 0 : i32
        %dma_start3A_349 = tpu.memref_slice %arg12[%dma_start3A_347, %dma_start3A_348] : memref<2048x16xf32, #tpu.memory_space<vmem>> -> memref<128x16xf32, #tpu.memory_space<vmem>>
        %dma_start3A_350 = arith.constant 128 : i32
        %dma_start3A_351 = tpu.memref_slice %arg6[%dma_start3A_350] : memref<2048xi32, #tpu.memory_space<vmem>> -> memref<128xi32, #tpu.memory_space<vmem>>
        %dma_start3A_352 = arith.constant 0 : i32
        %dma_start3A_353 = arith.constant 0 : i32
        %dma_start3A_354 = tpu.memref_slice %arg3[%dma_start3A_352, %dma_start3A_353] : memref<126976x16xf32, #tpu.memory_space<hbm>> -> memref<126976x16xf32, #tpu.memory_space<hbm>>
        tpu.enqueue_indirect_dma source(%dma_start3A_354 : memref<126976x16xf32, #tpu.memory_space<hbm>>) target(%dma_start3A_349 : memref<128x16xf32, #tpu.memory_space<vmem>>) offsets(%dma_start3A_351 : memref<128xi32, #tpu.memory_space<vmem>>) semaphore(%arg23 : memref<!tpu.dma_semaphore, #tpu.memory_space<semaphore_mem>>)
        %dma_start3A_355 = arith.constant 256 : i32
        %dma_start3A_356 = arith.constant 0 : i32
        %dma_start3A_357 = tpu.memref_slice %arg12[%dma_start3A_355, %dma_start3A_356] : memref<2048x16xf32, #tpu.memory_space<vmem>> -> memref<128x16xf32, #tpu.memory_space<vmem>>
        %dma_start3A_358 = arith.constant 256 : i32
        %dma_start3A_359 = tpu.memref_slice %arg6[%dma_start3A_358] : memref<2048xi32, #tpu.memory_space<vmem>> -> memref<128xi32, #tpu.memory_space<vmem>>
        %dma_start3A_360 = arith.constant 0 : i32
        %dma_start3A_361 = arith.constant 0 : i32
        %dma_start3A_362 = tpu.memref_slice %arg3[%dma_start3A_360, %dma_start3A_361] : memref<126976x16xf32, #tpu.memory_space<hbm>> -> memref<126976x16xf32, #tpu.memory_space<hbm>>
        tpu.enqueue_indirect_dma source(%dma_start3A_362 : memref<126976x16xf32, #tpu.memory_space<hbm>>) target(%dma_start3A_357 : memref<128x16xf32, #tpu.memory_space<vmem>>) offsets(%dma_start3A_359 : memref<128xi32, #tpu.memory_space<vmem>>) semaphore(%arg23 : memref<!tpu.dma_semaphore, #tpu.memory_space<semaphore_mem>>)
        %dma_start3A_363 = arith.constant 384 : i32
        %dma_start3A_364 = arith.constant 0 : i32
        %dma_start3A_365 = tpu.memref_slice %arg12[%dma_start3A_363, %dma_start3A_364] : memref<2048x16xf32, #tpu.memory_space<vmem>> -> memref<128x16xf32, #tpu.memory_space<vmem>>
        %dma_start3A_366 = arith.constant 384 : i32
        %dma_start3A_367 = tpu.memref_slice %arg6[%dma_start3A_366] : memref<2048xi32, #tpu.memory_space<vmem>> -> memref<128xi32, #tpu.memory_space<vmem>>
        %dma_start3A_368 = arith.constant 0 : i32
        %dma_start3A_369 = arith.constant 0 : i32
        %dma_start3A_370 = tpu.memref_slice %arg3[%dma_start3A_368, %dma_start3A_369] : memref<126976x16xf32, #tpu.memory_space<hbm>> -> memref<126976x16xf32, #tpu.memory_space<hbm>>
        tpu.enqueue_indirect_dma source(%dma_start3A_370 : memref<126976x16xf32, #tpu.memory_space<hbm>>) target(%dma_start3A_365 : memref<128x16xf32, #tpu.memory_space<vmem>>) offsets(%dma_start3A_367 : memref<128xi32, #tpu.memory_space<vmem>>) semaphore(%arg23 : memref<!tpu.dma_semaphore, #tpu.memory_space<semaphore_mem>>)
        %dma_start3A_371 = arith.constant 512 : i32
        %dma_start3A_372 = arith.constant 0 : i32
        %dma_start3A_373 = tpu.memref_slice %arg12[%dma_start3A_371, %dma_start3A_372] : memref<2048x16xf32, #tpu.memory_space<vmem>> -> memref<128x16xf32, #tpu.memory_space<vmem>>
        %dma_start3A_374 = arith.constant 512 : i32
        %dma_start3A_375 = tpu.memref_slice %arg6[%dma_start3A_374] : memref<2048xi32, #tpu.memory_space<vmem>> -> memref<128xi32, #tpu.memory_space<vmem>>
        %dma_start3A_376 = arith.constant 0 : i32
        %dma_start3A_377 = arith.constant 0 : i32
        %dma_start3A_378 = tpu.memref_slice %arg3[%dma_start3A_376, %dma_start3A_377] : memref<126976x16xf32, #tpu.memory_space<hbm>> -> memref<126976x16xf32, #tpu.memory_space<hbm>>
        tpu.enqueue_indirect_dma source(%dma_start3A_378 : memref<126976x16xf32, #tpu.memory_space<hbm>>) target(%dma_start3A_373 : memref<128x16xf32, #tpu.memory_space<vmem>>) offsets(%dma_start3A_375 : memref<128xi32, #tpu.memory_space<vmem>>) semaphore(%arg23 : memref<!tpu.dma_semaphore, #tpu.memory_space<semaphore_mem>>)
        %dma_start3A_379 = arith.constant 640 : i32
        %dma_start3A_380 = arith.constant 0 : i32
        %dma_start3A_381 = tpu.memref_slice %arg12[%dma_start3A_379, %dma_start3A_380] : memref<2048x16xf32, #tpu.memory_space<vmem>> -> memref<128x16xf32, #tpu.memory_space<vmem>>
        %dma_start3A_382 = arith.constant 640 : i32
        %dma_start3A_383 = tpu.memref_slice %arg6[%dma_start3A_382] : memref<2048xi32, #tpu.memory_space<vmem>> -> memref<128xi32, #tpu.memory_space<vmem>>
        %dma_start3A_384 = arith.constant 0 : i32
        %dma_start3A_385 = arith.constant 0 : i32
        %dma_start3A_386 = tpu.memref_slice %arg3[%dma_start3A_384, %dma_start3A_385] : memref<126976x16xf32, #tpu.memory_space<hbm>> -> memref<126976x16xf32, #tpu.memory_space<hbm>>
        tpu.enqueue_indirect_dma source(%dma_start3A_386 : memref<126976x16xf32, #tpu.memory_space<hbm>>) target(%dma_start3A_381 : memref<128x16xf32, #tpu.memory_space<vmem>>) offsets(%dma_start3A_383 : memref<128xi32, #tpu.memory_space<vmem>>) semaphore(%arg23 : memref<!tpu.dma_semaphore, #tpu.memory_space<semaphore_mem>>)
        %dma_start3A_387 = arith.constant 768 : i32
        %dma_start3A_388 = arith.constant 0 : i32
        %dma_start3A_389 = tpu.memref_slice %arg12[%dma_start3A_387, %dma_start3A_388] : memref<2048x16xf32, #tpu.memory_space<vmem>> -> memref<128x16xf32, #tpu.memory_space<vmem>>
        %dma_start3A_390 = arith.constant 768 : i32
        %dma_start3A_391 = tpu.memref_slice %arg6[%dma_start3A_390] : memref<2048xi32, #tpu.memory_space<vmem>> -> memref<128xi32, #tpu.memory_space<vmem>>
        %dma_start3A_392 = arith.constant 0 : i32
        %dma_start3A_393 = arith.constant 0 : i32
        %dma_start3A_394 = tpu.memref_slice %arg3[%dma_start3A_392, %dma_start3A_393] : memref<126976x16xf32, #tpu.memory_space<hbm>> -> memref<126976x16xf32, #tpu.memory_space<hbm>>
        tpu.enqueue_indirect_dma source(%dma_start3A_394 : memref<126976x16xf32, #tpu.memory_space<hbm>>) target(%dma_start3A_389 : memref<128x16xf32, #tpu.memory_space<vmem>>) offsets(%dma_start3A_391 : memref<128xi32, #tpu.memory_space<vmem>>) semaphore(%arg23 : memref<!tpu.dma_semaphore, #tpu.memory_space<semaphore_mem>>)
        %dma_start3A_395 = arith.constant 896 : i32
        %dma_start3A_396 = arith.constant 0 : i32
        %dma_start3A_397 = tpu.memref_slice %arg12[%dma_start3A_395, %dma_start3A_396] : memref<2048x16xf32, #tpu.memory_space<vmem>> -> memref<128x16xf32, #tpu.memory_space<vmem>>
        %dma_start3A_398 = arith.constant 896 : i32
        %dma_start3A_399 = tpu.memref_slice %arg6[%dma_start3A_398] : memref<2048xi32, #tpu.memory_space<vmem>> -> memref<128xi32, #tpu.memory_space<vmem>>
        %dma_start3A_400 = arith.constant 0 : i32
        %dma_start3A_401 = arith.constant 0 : i32
        %dma_start3A_402 = tpu.memref_slice %arg3[%dma_start3A_400, %dma_start3A_401] : memref<126976x16xf32, #tpu.memory_space<hbm>> -> memref<126976x16xf32, #tpu.memory_space<hbm>>
        tpu.enqueue_indirect_dma source(%dma_start3A_402 : memref<126976x16xf32, #tpu.memory_space<hbm>>) target(%dma_start3A_397 : memref<128x16xf32, #tpu.memory_space<vmem>>) offsets(%dma_start3A_399 : memref<128xi32, #tpu.memory_space<vmem>>) semaphore(%arg23 : memref<!tpu.dma_semaphore, #tpu.memory_space<semaphore_mem>>)
        %dma_start3A_403 = arith.constant 1024 : i32
        %dma_start3A_404 = arith.constant 0 : i32
        %dma_start3A_405 = tpu.memref_slice %arg12[%dma_start3A_403, %dma_start3A_404] : memref<2048x16xf32, #tpu.memory_space<vmem>> -> memref<128x16xf32, #tpu.memory_space<vmem>>
        %dma_start3A_406 = arith.constant 1024 : i32
        %dma_start3A_407 = tpu.memref_slice %arg6[%dma_start3A_406] : memref<2048xi32, #tpu.memory_space<vmem>> -> memref<128xi32, #tpu.memory_space<vmem>>
        %dma_start3A_408 = arith.constant 0 : i32
        %dma_start3A_409 = arith.constant 0 : i32
        %dma_start3A_410 = tpu.memref_slice %arg3[%dma_start3A_408, %dma_start3A_409] : memref<126976x16xf32, #tpu.memory_space<hbm>> -> memref<126976x16xf32, #tpu.memory_space<hbm>>
        tpu.enqueue_indirect_dma source(%dma_start3A_410 : memref<126976x16xf32, #tpu.memory_space<hbm>>) target(%dma_start3A_405 : memref<128x16xf32, #tpu.memory_space<vmem>>) offsets(%dma_start3A_407 : memref<128xi32, #tpu.memory_space<vmem>>) semaphore(%arg23 : memref<!tpu.dma_semaphore, #tpu.memory_space<semaphore_mem>>)
        %dma_start3A_411 = arith.constant 1152 : i32
        %dma_start3A_412 = arith.constant 0 : i32
        %dma_start3A_413 = tpu.memref_slice %arg12[%dma_start3A_411, %dma_start3A_412] : memref<2048x16xf32, #tpu.memory_space<vmem>> -> memref<128x16xf32, #tpu.memory_space<vmem>>
        %dma_start3A_414 = arith.constant 1152 : i32
        %dma_start3A_415 = tpu.memref_slice %arg6[%dma_start3A_414] : memref<2048xi32, #tpu.memory_space<vmem>> -> memref<128xi32, #tpu.memory_space<vmem>>
        %dma_start3A_416 = arith.constant 0 : i32
        %dma_start3A_417 = arith.constant 0 : i32
        %dma_start3A_418 = tpu.memref_slice %arg3[%dma_start3A_416, %dma_start3A_417] : memref<126976x16xf32, #tpu.memory_space<hbm>> -> memref<126976x16xf32, #tpu.memory_space<hbm>>
        tpu.enqueue_indirect_dma source(%dma_start3A_418 : memref<126976x16xf32, #tpu.memory_space<hbm>>) target(%dma_start3A_413 : memref<128x16xf32, #tpu.memory_space<vmem>>) offsets(%dma_start3A_415 : memref<128xi32, #tpu.memory_space<vmem>>) semaphore(%arg23 : memref<!tpu.dma_semaphore, #tpu.memory_space<semaphore_mem>>)
        %dma_start3A_419 = arith.constant 1280 : i32
        %dma_start3A_420 = arith.constant 0 : i32
        %dma_start3A_421 = tpu.memref_slice %arg12[%dma_start3A_419, %dma_start3A_420] : memref<2048x16xf32, #tpu.memory_space<vmem>> -> memref<128x16xf32, #tpu.memory_space<vmem>>
        %dma_start3A_422 = arith.constant 1280 : i32
        %dma_start3A_423 = tpu.memref_slice %arg6[%dma_start3A_422] : memref<2048xi32, #tpu.memory_space<vmem>> -> memref<128xi32, #tpu.memory_space<vmem>>
        %dma_start3A_424 = arith.constant 0 : i32
        %dma_start3A_425 = arith.constant 0 : i32
        %dma_start3A_426 = tpu.memref_slice %arg3[%dma_start3A_424, %dma_start3A_425] : memref<126976x16xf32, #tpu.memory_space<hbm>> -> memref<126976x16xf32, #tpu.memory_space<hbm>>
        tpu.enqueue_indirect_dma source(%dma_start3A_426 : memref<126976x16xf32, #tpu.memory_space<hbm>>) target(%dma_start3A_421 : memref<128x16xf32, #tpu.memory_space<vmem>>) offsets(%dma_start3A_423 : memref<128xi32, #tpu.memory_space<vmem>>) semaphore(%arg23 : memref<!tpu.dma_semaphore, #tpu.memory_space<semaphore_mem>>)
        %dma_start3A_427 = arith.constant 1408 : i32
        %dma_start3A_428 = arith.constant 0 : i32
        %dma_start3A_429 = tpu.memref_slice %arg12[%dma_start3A_427, %dma_start3A_428] : memref<2048x16xf32, #tpu.memory_space<vmem>> -> memref<128x16xf32, #tpu.memory_space<vmem>>
        %dma_start3A_430 = arith.constant 1408 : i32
        %dma_start3A_431 = tpu.memref_slice %arg6[%dma_start3A_430] : memref<2048xi32, #tpu.memory_space<vmem>> -> memref<128xi32, #tpu.memory_space<vmem>>
        %dma_start3A_432 = arith.constant 0 : i32
        %dma_start3A_433 = arith.constant 0 : i32
        %dma_start3A_434 = tpu.memref_slice %arg3[%dma_start3A_432, %dma_start3A_433] : memref<126976x16xf32, #tpu.memory_space<hbm>> -> memref<126976x16xf32, #tpu.memory_space<hbm>>
        tpu.enqueue_indirect_dma source(%dma_start3A_434 : memref<126976x16xf32, #tpu.memory_space<hbm>>) target(%dma_start3A_429 : memref<128x16xf32, #tpu.memory_space<vmem>>) offsets(%dma_start3A_431 : memref<128xi32, #tpu.memory_space<vmem>>) semaphore(%arg23 : memref<!tpu.dma_semaphore, #tpu.memory_space<semaphore_mem>>)
        %dma_start3A_435 = arith.constant 1536 : i32
        %dma_start3A_436 = arith.constant 0 : i32
        %dma_start3A_437 = tpu.memref_slice %arg12[%dma_start3A_435, %dma_start3A_436] : memref<2048x16xf32, #tpu.memory_space<vmem>> -> memref<128x16xf32, #tpu.memory_space<vmem>>
        %dma_start3A_438 = arith.constant 1536 : i32
        %dma_start3A_439 = tpu.memref_slice %arg6[%dma_start3A_438] : memref<2048xi32, #tpu.memory_space<vmem>> -> memref<128xi32, #tpu.memory_space<vmem>>
        %dma_start3A_440 = arith.constant 0 : i32
        %dma_start3A_441 = arith.constant 0 : i32
        %dma_start3A_442 = tpu.memref_slice %arg3[%dma_start3A_440, %dma_start3A_441] : memref<126976x16xf32, #tpu.memory_space<hbm>> -> memref<126976x16xf32, #tpu.memory_space<hbm>>
        tpu.enqueue_indirect_dma source(%dma_start3A_442 : memref<126976x16xf32, #tpu.memory_space<hbm>>) target(%dma_start3A_437 : memref<128x16xf32, #tpu.memory_space<vmem>>) offsets(%dma_start3A_439 : memref<128xi32, #tpu.memory_space<vmem>>) semaphore(%arg23 : memref<!tpu.dma_semaphore, #tpu.memory_space<semaphore_mem>>)
        %dma_start3A_443 = arith.constant 1664 : i32
        %dma_start3A_444 = arith.constant 0 : i32
        %dma_start3A_445 = tpu.memref_slice %arg12[%dma_start3A_443, %dma_start3A_444] : memref<2048x16xf32, #tpu.memory_space<vmem>> -> memref<128x16xf32, #tpu.memory_space<vmem>>
        %dma_start3A_446 = arith.constant 1664 : i32
        %dma_start3A_447 = tpu.memref_slice %arg6[%dma_start3A_446] : memref<2048xi32, #tpu.memory_space<vmem>> -> memref<128xi32, #tpu.memory_space<vmem>>
        %dma_start3A_448 = arith.constant 0 : i32
        %dma_start3A_449 = arith.constant 0 : i32
        %dma_start3A_450 = tpu.memref_slice %arg3[%dma_start3A_448, %dma_start3A_449] : memref<126976x16xf32, #tpu.memory_space<hbm>> -> memref<126976x16xf32, #tpu.memory_space<hbm>>
        tpu.enqueue_indirect_dma source(%dma_start3A_450 : memref<126976x16xf32, #tpu.memory_space<hbm>>) target(%dma_start3A_445 : memref<128x16xf32, #tpu.memory_space<vmem>>) offsets(%dma_start3A_447 : memref<128xi32, #tpu.memory_space<vmem>>) semaphore(%arg23 : memref<!tpu.dma_semaphore, #tpu.memory_space<semaphore_mem>>)
        %dma_start3A_451 = arith.constant 1792 : i32
        %dma_start3A_452 = arith.constant 0 : i32
        %dma_start3A_453 = tpu.memref_slice %arg12[%dma_start3A_451, %dma_start3A_452] : memref<2048x16xf32, #tpu.memory_space<vmem>> -> memref<128x16xf32, #tpu.memory_space<vmem>>
        %dma_start3A_454 = arith.constant 1792 : i32
        %dma_start3A_455 = tpu.memref_slice %arg6[%dma_start3A_454] : memref<2048xi32, #tpu.memory_space<vmem>> -> memref<128xi32, #tpu.memory_space<vmem>>
        %dma_start3A_456 = arith.constant 0 : i32
        %dma_start3A_457 = arith.constant 0 : i32
        %dma_start3A_458 = tpu.memref_slice %arg3[%dma_start3A_456, %dma_start3A_457] : memref<126976x16xf32, #tpu.memory_space<hbm>> -> memref<126976x16xf32, #tpu.memory_space<hbm>>
        tpu.enqueue_indirect_dma source(%dma_start3A_458 : memref<126976x16xf32, #tpu.memory_space<hbm>>) target(%dma_start3A_453 : memref<128x16xf32, #tpu.memory_space<vmem>>) offsets(%dma_start3A_455 : memref<128xi32, #tpu.memory_space<vmem>>) semaphore(%arg23 : memref<!tpu.dma_semaphore, #tpu.memory_space<semaphore_mem>>)
        %dma_start3A_459 = arith.constant 1920 : i32
        %dma_start3A_460 = arith.constant 0 : i32
        %dma_start3A_461 = tpu.memref_slice %arg12[%dma_start3A_459, %dma_start3A_460] : memref<2048x16xf32, #tpu.memory_space<vmem>> -> memref<128x16xf32, #tpu.memory_space<vmem>>
        %dma_start3A_462 = arith.constant 1920 : i32
        %dma_start3A_463 = tpu.memref_slice %arg6[%dma_start3A_462] : memref<2048xi32, #tpu.memory_space<vmem>> -> memref<128xi32, #tpu.memory_space<vmem>>
        %dma_start3A_464 = arith.constant 0 : i32
        %dma_start3A_465 = arith.constant 0 : i32
        %dma_start3A_466 = tpu.memref_slice %arg3[%dma_start3A_464, %dma_start3A_465] : memref<126976x16xf32, #tpu.memory_space<hbm>> -> memref<126976x16xf32, #tpu.memory_space<hbm>>
        tpu.enqueue_indirect_dma source(%dma_start3A_466 : memref<126976x16xf32, #tpu.memory_space<hbm>>) target(%dma_start3A_461 : memref<128x16xf32, #tpu.memory_space<vmem>>) offsets(%dma_start3A_463 : memref<128xi32, #tpu.memory_space<vmem>>) semaphore(%arg23 : memref<!tpu.dma_semaphore, #tpu.memory_space<semaphore_mem>>)
        %parallel_loop3A_467 = arith.constant 0 : i32
        %parallel_loop3A_468 = arith.constant 128 : i32
        %parallel_loop3A_469 = arith.constant 1 : i32
        scf.for %parallel_loop3A_470 = %parallel_loop3A_467 to %parallel_loop3A_468 step %parallel_loop3A_469  : i32 {
          %parallel_loop3A_471 = arith.constant 16 : i32
          %parallel_loop3A_472 = arith.muli %parallel_loop3A_470, %parallel_loop3A_471 : i32
          %parallel_loop3A_473 = arith.index_cast %parallel_loop3A_472 : i32 to index
          %parallel_loop3A_474 = tpu.vector_load %arg5[%parallel_loop3A_473] {strides = array<i32>} : memref<2048xf32, #tpu.memory_space<vmem>>, vector<16xf32>,
          %parallel_loop3A_475 = arith.constant 9.999990e+05 : f32
          %parallel_loop3A_476 = vector.broadcast %parallel_loop3A_475 : f32 to vector<16xf32>
          %parallel_loop3A_477 = arith.mulf %parallel_loop3A_474, %parallel_loop3A_476 : vector<16xf32>
          %parallel_loop3A_478 = arith.fptosi %parallel_loop3A_477 : vector<16xf32> to vector<16xi32>
          %parallel_loop3A_479 = arith.sitofp %parallel_loop3A_478 : vector<16xi32> to vector<16xf32>
          %parallel_loop3A_480 = arith.subf %parallel_loop3A_477, %parallel_loop3A_479 : vector<16xf32>
          %parallel_loop3A_481 = arith.constant 0.000000e+00 : f32
          %parallel_loop3A_482 = vector.broadcast %parallel_loop3A_481 : f32 to vector<16xf32>
          %parallel_loop3A_483 = arith.maximumf %parallel_loop3A_480, %parallel_loop3A_482 : vector<16xf32>
          %parallel_loop3A_484 = arith.constant 0.99999988 : f32
          %parallel_loop3A_485 = vector.broadcast %parallel_loop3A_484 : f32 to vector<16xf32>
          %parallel_loop3A_486 = arith.minimumf %parallel_loop3A_483, %parallel_loop3A_485 : vector<16xf32>
          %parallel_loop3A_487 = arith.mulf %parallel_loop3A_486, %parallel_loop3A_486 : vector<16xf32>
          %parallel_loop3A_488 = arith.mulf %parallel_loop3A_487, %parallel_loop3A_486 : vector<16xf32>
          %parallel_loop3A_489 = arith.constant 1.000000e+00 : f32
          %parallel_loop3A_490 = vector.broadcast %parallel_loop3A_489 : f32 to vector<16xf32>
          %parallel_loop3A_491 = arith.subf %parallel_loop3A_490, %parallel_loop3A_486 : vector<16xf32>
          %parallel_loop3A_492 = arith.mulf %parallel_loop3A_491, %parallel_loop3A_491 : vector<16xf32>
          %parallel_loop3A_493 = arith.mulf %parallel_loop3A_492, %parallel_loop3A_491 : vector<16xf32>
          %parallel_loop3A_494 = arith.constant 0.166666672 : f32
          %parallel_loop3A_495 = vector.broadcast %parallel_loop3A_494 : f32 to vector<16xf32>
          %parallel_loop3A_496 = arith.mulf %parallel_loop3A_493, %parallel_loop3A_495 : vector<16xf32>
          %parallel_loop3A_497 = arith.index_cast %parallel_loop3A_472 : i32 to index
          %parallel_loop3A_498 = tpu.vector_load %arg8[%parallel_loop3A_497] {strides = array<i32>} : memref<2048xf32, #tpu.memory_space<vmem>>, vector<16xf32>,
          tpu.vector_store %arg8[%parallel_loop3A_497], %parallel_loop3A_496 {strides = array<i32>} : memref<2048xf32, #tpu.memory_space<vmem>>, vector<16xf32>,
          %parallel_loop3A_499 = arith.constant 3.000000e+00 : f32
          %parallel_loop3A_500 = vector.broadcast %parallel_loop3A_499 : f32 to vector<16xf32>
          %parallel_loop3A_501 = arith.mulf %parallel_loop3A_500, %parallel_loop3A_488 : vector<16xf32>
          %parallel_loop3A_502 = arith.constant 6.000000e+00 : f32
          %parallel_loop3A_503 = vector.broadcast %parallel_loop3A_502 : f32 to vector<16xf32>
          %parallel_loop3A_504 = arith.mulf %parallel_loop3A_503, %parallel_loop3A_487 : vector<16xf32>
          %parallel_loop3A_505 = arith.subf %parallel_loop3A_501, %parallel_loop3A_504 : vector<16xf32>
          %parallel_loop3A_506 = arith.constant 4.000000e+00 : f32
          %parallel_loop3A_507 = vector.broadcast %parallel_loop3A_506 : f32 to vector<16xf32>
          %parallel_loop3A_508 = arith.addf %parallel_loop3A_505, %parallel_loop3A_507 : vector<16xf32>
          %parallel_loop3A_509 = arith.constant 0.166666672 : f32
          %parallel_loop3A_510 = vector.broadcast %parallel_loop3A_509 : f32 to vector<16xf32>
          %parallel_loop3A_511 = arith.mulf %parallel_loop3A_508, %parallel_loop3A_510 : vector<16xf32>
          %parallel_loop3A_512 = arith.index_cast %parallel_loop3A_472 : i32 to index
          %parallel_loop3A_513 = tpu.vector_load %arg9[%parallel_loop3A_512] {strides = array<i32>} : memref<2048xf32, #tpu.memory_space<vmem>>, vector<16xf32>,
          tpu.vector_store %arg9[%parallel_loop3A_512], %parallel_loop3A_511 {strides = array<i32>} : memref<2048xf32, #tpu.memory_space<vmem>>, vector<16xf32>,
          %parallel_loop3A_514 = arith.constant -3.000000e+00 : f32
          %parallel_loop3A_515 = vector.broadcast %parallel_loop3A_514 : f32 to vector<16xf32>
          %parallel_loop3A_516 = arith.mulf %parallel_loop3A_515, %parallel_loop3A_488 : vector<16xf32>
          %parallel_loop3A_517 = arith.constant 3.000000e+00 : f32
          %parallel_loop3A_518 = vector.broadcast %parallel_loop3A_517 : f32 to vector<16xf32>
          %parallel_loop3A_519 = arith.mulf %parallel_loop3A_518, %parallel_loop3A_487 : vector<16xf32>
          %parallel_loop3A_520 = arith.addf %parallel_loop3A_516, %parallel_loop3A_519 : vector<16xf32>
          %parallel_loop3A_521 = arith.constant 3.000000e+00 : f32
          %parallel_loop3A_522 = vector.broadcast %parallel_loop3A_521 : f32 to vector<16xf32>
          %parallel_loop3A_523 = arith.mulf %parallel_loop3A_522, %parallel_loop3A_486 : vector<16xf32>
          %parallel_loop3A_524 = arith.addf %parallel_loop3A_520, %parallel_loop3A_523 : vector<16xf32>
          %parallel_loop3A_525 = arith.constant 1.000000e+00 : f32
          %parallel_loop3A_526 = vector.broadcast %parallel_loop3A_525 : f32 to vector<16xf32>
          %parallel_loop3A_527 = arith.addf %parallel_loop3A_524, %parallel_loop3A_526 : vector<16xf32>
          %parallel_loop3A_528 = arith.constant 0.166666672 : f32
          %parallel_loop3A_529 = vector.broadcast %parallel_loop3A_528 : f32 to vector<16xf32>
          %parallel_loop3A_530 = arith.mulf %parallel_loop3A_527, %parallel_loop3A_529 : vector<16xf32>
          %parallel_loop3A_531 = arith.index_cast %parallel_loop3A_472 : i32 to index
          %parallel_loop3A_532 = tpu.vector_load %arg10[%parallel_loop3A_531] {strides = array<i32>} : memref<2048xf32, #tpu.memory_space<vmem>>, vector<16xf32>,
          tpu.vector_store %arg10[%parallel_loop3A_531], %parallel_loop3A_530 {strides = array<i32>} : memref<2048xf32, #tpu.memory_space<vmem>>, vector<16xf32>,
          %parallel_loop3A_533 = arith.constant 0.166666672 : f32
          %parallel_loop3A_534 = vector.broadcast %parallel_loop3A_533 : f32 to vector<16xf32>
          %parallel_loop3A_535 = arith.mulf %parallel_loop3A_488, %parallel_loop3A_534 : vector<16xf32>
          %parallel_loop3A_536 = arith.index_cast %parallel_loop3A_472 : i32 to index
          %parallel_loop3A_537 = tpu.vector_load %arg11[%parallel_loop3A_536] {strides = array<i32>} : memref<2048xf32, #tpu.memory_space<vmem>>, vector<16xf32>,
          tpu.vector_store %arg11[%parallel_loop3A_536], %parallel_loop3A_535 {strides = array<i32>} : memref<2048xf32, #tpu.memory_space<vmem>>, vector<16xf32>,
        } {sc.loop_unroll_factor = 8 : i64, sc.parallel_access}
      } else {
      }
      %mul3A_311 = arith.constant 2048 : i32
      %mul3A_312 = arith.muli %add3A_150, %mul3A_311 : i32
      %add3A_313 = arith.addi %mul3A_2, %mul3A_312 : i32
      %add3A_314 = arith.constant 2 : i32
      %add3A_315 = arith.addi %add3A_150, %add3A_314 : i32
      %lt3A_316 = arith.constant 50 : i32
      %lt3A_317 = arith.cmpi slt, %add3A_315, %lt3A_316 : i32
      %convert_element_type3A_318 = arith.extui %lt3A_317 : i1 to i32
      %cond3A_319 = arith.constant 0 : i32
      %cond3A_320 = arith.cmpi ne, %convert_element_type3A_318, %cond3A_319 : i32
      scf.if %cond3A_320 {
        %add3A_330 = arith.constant 4096 : i32
        %add3A_331 = arith.addi %add3A_313, %add3A_330 : i32
        %dma_start3A_332 = tpu.memref_slice %arg2[%add3A_331] : memref<3276800xf32, #tpu.memory_space<hbm>> -> memref<2048xf32, #tpu.memory_space<hbm>>
        %dma_start3A_333 = tpu.memref_slice %arg2[%add3A_331] : memref<3276800xf32, #tpu.memory_space<hbm>> -> memref<2048xf32, #tpu.memory_space<hbm>>
        tpu.enqueue_dma source(%dma_start3A_333 : memref<2048xf32, #tpu.memory_space<hbm>>) target(%arg14 : memref<2048xf32, #tpu.memory_space<vmem>>) target_semaphore(%arg26 : memref<!tpu.dma_semaphore, #tpu.memory_space<semaphore_mem>>)
      } else {
      }
      %dma_wait3A_321 = arith.constant 0 : i32
      %dma_wait3A_322 = arith.constant 0 : i32
      %dma_wait3A_323 = tpu.memref_slice %arg3[%dma_wait3A_321, %dma_wait3A_322] : memref<126976x16xf32, #tpu.memory_space<hbm>> -> memref<2048x16xf32, #tpu.memory_space<hbm>>
      %dma_wait3A_324 = arith.constant 0 : i32
      %dma_wait3A_325 = arith.constant 0 : i32
      %dma_wait3A_326 = tpu.memref_slice %arg3[%dma_wait3A_324, %dma_wait3A_325] : memref<126976x16xf32, #tpu.memory_space<hbm>> -> memref<2048x16xf32, #tpu.memory_space<hbm>>
      tpu.wait_dma2 semaphore(%arg24 : memref<!tpu.dma_semaphore, #tpu.memory_space<semaphore_mem>>) src(%dma_wait3A_326 : memref<2048x16xf32, #tpu.memory_space<hbm>>) dst(%arg21 : memref<2048x16xf32, #tpu.memory_space<vmem>>)
      %parallel_loop3A_327 = arith.constant 0 : i32
      %parallel_loop3A_328 = arith.constant 128 : i32
      %parallel_loop3A_329 = arith.constant 1 : i32
      scf.for %parallel_loop3A_330 = %parallel_loop3A_327 to %parallel_loop3A_328 step %parallel_loop3A_329  : i32 {
        %parallel_loop3A_331 = arith.constant 16 : i32
        %parallel_loop3A_332 = arith.muli %parallel_loop3A_330, %parallel_loop3A_331 : i32
        %parallel_loop3A_333 = arith.constant 16 : i32
        %parallel_loop3A_334 = arith.muli %parallel_loop3A_330, %parallel_loop3A_333 : i32
        %parallel_loop3A_335 = tpu.iota {dimensions = array<i32: 0>} : vector<16xi32>
        %parallel_loop3A_336 = vector.broadcast %parallel_loop3A_334 : i32 to vector<16xi32>
        %parallel_loop3A_337 = arith.addi %parallel_loop3A_336, %parallel_loop3A_335 : vector<16xi32>
        %parallel_loop3A_338 = arith.index_cast %parallel_loop3A_332 : i32 to index
        %parallel_loop3A_339 = tpu.vector_load %arg16[%parallel_loop3A_338] {strides = array<i32>} : memref<2048xi32, #tpu.memory_space<vmem>>, vector<16xi32>,
        %parallel_loop3A_340 = arith.constant 0 : i32
        %parallel_loop3A_341 = vector.broadcast %parallel_loop3A_340 : i32 to vector<16xi32>
        %parallel_loop3A_342 = arith.shrsi %parallel_loop3A_339, %parallel_loop3A_341 : vector<16xi32>
        %parallel_loop3A_343 = arith.constant 15 : i32
        %parallel_loop3A_344 = vector.broadcast %parallel_loop3A_343 : i32 to vector<16xi32>
        %parallel_loop3A_345 = arith.andi %parallel_loop3A_342, %parallel_loop3A_344 : vector<16xi32>
        %parallel_loop3A_346 = tpu.vector_load_idx %arg21[%parallel_loop3A_337, %parallel_loop3A_345] : memref<2048x16xf32, #tpu.memory_space<vmem>>[vector<16xi32>, vector<16xi32>], vector<16xf32>,
        %parallel_loop3A_347 = arith.index_cast %parallel_loop3A_332 : i32 to index
        %parallel_loop3A_348 = tpu.vector_load %arg17[%parallel_loop3A_347] {strides = array<i32>} : memref<2048xf32, #tpu.memory_space<vmem>>, vector<16xf32>,
        %parallel_loop3A_349 = arith.mulf %parallel_loop3A_348, %parallel_loop3A_346 : vector<16xf32>
        %parallel_loop3A_350 = arith.constant 4 : i32
        %parallel_loop3A_351 = vector.broadcast %parallel_loop3A_350 : i32 to vector<16xi32>
        %parallel_loop3A_352 = arith.shrsi %parallel_loop3A_339, %parallel_loop3A_351 : vector<16xi32>
        %parallel_loop3A_353 = arith.constant 15 : i32
        %parallel_loop3A_354 = vector.broadcast %parallel_loop3A_353 : i32 to vector<16xi32>
        %parallel_loop3A_355 = arith.andi %parallel_loop3A_352, %parallel_loop3A_354 : vector<16xi32>
        %parallel_loop3A_356 = tpu.vector_load_idx %arg21[%parallel_loop3A_337, %parallel_loop3A_355] : memref<2048x16xf32, #tpu.memory_space<vmem>>[vector<16xi32>, vector<16xi32>], vector<16xf32>,
        %parallel_loop3A_357 = arith.index_cast %parallel_loop3A_332 : i32 to index
        %parallel_loop3A_358 = tpu.vector_load %arg18[%parallel_loop3A_357] {strides = array<i32>} : memref<2048xf32, #tpu.memory_space<vmem>>, vector<16xf32>,
        %parallel_loop3A_359 = arith.mulf %parallel_loop3A_358, %parallel_loop3A_356 : vector<16xf32>
        %parallel_loop3A_360 = arith.addf %parallel_loop3A_349, %parallel_loop3A_359 : vector<16xf32>
        %parallel_loop3A_361 = arith.constant 8 : i32
        %parallel_loop3A_362 = vector.broadcast %parallel_loop3A_361 : i32 to vector<16xi32>
        %parallel_loop3A_363 = arith.shrsi %parallel_loop3A_339, %parallel_loop3A_362 : vector<16xi32>
        %parallel_loop3A_364 = arith.constant 15 : i32
        %parallel_loop3A_365 = vector.broadcast %parallel_loop3A_364 : i32 to vector<16xi32>
        %parallel_loop3A_366 = arith.andi %parallel_loop3A_363, %parallel_loop3A_365 : vector<16xi32>
        %parallel_loop3A_367 = tpu.vector_load_idx %arg21[%parallel_loop3A_337, %parallel_loop3A_366] : memref<2048x16xf32, #tpu.memory_space<vmem>>[vector<16xi32>, vector<16xi32>], vector<16xf32>,
        %parallel_loop3A_368 = arith.index_cast %parallel_loop3A_332 : i32 to index
        %parallel_loop3A_369 = tpu.vector_load %arg19[%parallel_loop3A_368] {strides = array<i32>} : memref<2048xf32, #tpu.memory_space<vmem>>, vector<16xf32>,
        %parallel_loop3A_370 = arith.mulf %parallel_loop3A_369, %parallel_loop3A_367 : vector<16xf32>
        %parallel_loop3A_371 = arith.addf %parallel_loop3A_360, %parallel_loop3A_370 : vector<16xf32>
        %parallel_loop3A_372 = arith.constant 12 : i32
        %parallel_loop3A_373 = vector.broadcast %parallel_loop3A_372 : i32 to vector<16xi32>
        %parallel_loop3A_374 = arith.shrsi %parallel_loop3A_339, %parallel_loop3A_373 : vector<16xi32>
        %parallel_loop3A_375 = arith.constant 15 : i32
        %parallel_loop3A_376 = vector.broadcast %parallel_loop3A_375 : i32 to vector<16xi32>
        %parallel_loop3A_377 = arith.andi %parallel_loop3A_374, %parallel_loop3A_376 : vector<16xi32>
        %parallel_loop3A_378 = tpu.vector_load_idx %arg21[%parallel_loop3A_337, %parallel_loop3A_377] : memref<2048x16xf32, #tpu.memory_space<vmem>>[vector<16xi32>, vector<16xi32>], vector<16xf32>,
        %parallel_loop3A_379 = arith.index_cast %parallel_loop3A_332 : i32 to index
        %parallel_loop3A_380 = tpu.vector_load %arg20[%parallel_loop3A_379] {strides = array<i32>} : memref<2048xf32, #tpu.memory_space<vmem>>, vector<16xf32>,
        %parallel_loop3A_381 = arith.mulf %parallel_loop3A_380, %parallel_loop3A_378 : vector<16xf32>
        %parallel_loop3A_382 = arith.addf %parallel_loop3A_371, %parallel_loop3A_381 : vector<16xf32>
        %parallel_loop3A_383 = arith.index_cast %parallel_loop3A_332 : i32 to index
        %parallel_loop3A_384 = tpu.vector_load %arg22[%parallel_loop3A_383] {strides = array<i32>} : memref<2048xf32, #tpu.memory_space<vmem>>, vector<16xf32>,
        tpu.vector_store %arg22[%parallel_loop3A_383], %parallel_loop3A_382 {strides = array<i32>} : memref<2048xf32, #tpu.memory_space<vmem>>, vector<16xf32>,
      } {sc.loop_unroll_factor = 8 : i64, sc.parallel_access}
      "tpu.region"() ({
        %run_scoped3A = tpu.sem_alloc : memref<!tpu.dma_semaphore, #tpu.memory_space<semaphore_mem>>
        %dma_start3A_330 = tpu.memref_slice %arg4[%add3A_313] : memref<3276800xf32, #tpu.memory_space<hbm>> -> memref<2048xf32, #tpu.memory_space<hbm>>
        %dma_start3A_331 = tpu.memref_slice %arg4[%add3A_313] : memref<3276800xf32, #tpu.memory_space<hbm>> -> memref<2048xf32, #tpu.memory_space<hbm>>
        tpu.enqueue_dma source(%arg22 : memref<2048xf32, #tpu.memory_space<vmem>>) target(%dma_start3A_331 : memref<2048xf32, #tpu.memory_space<hbm>>) target_semaphore(%run_scoped3A : memref<!tpu.dma_semaphore, #tpu.memory_space<semaphore_mem>>)
        %dma_wait3A_332 = tpu.memref_slice %arg4[%add3A_313] : memref<3276800xf32, #tpu.memory_space<hbm>> -> memref<2048xf32, #tpu.memory_space<hbm>>
        %dma_wait3A_333 = tpu.memref_slice %arg4[%add3A_313] : memref<3276800xf32, #tpu.memory_space<hbm>> -> memref<2048xf32, #tpu.memory_space<hbm>>
        tpu.wait_dma2 semaphore(%run_scoped3A : memref<!tpu.dma_semaphore, #tpu.memory_space<semaphore_mem>>) src(%arg22 : memref<2048xf32, #tpu.memory_space<vmem>>) dst(%dma_wait3A_333 : memref<2048xf32, #tpu.memory_space<hbm>>)
        tpu.yield
      }) : () -> ()
    }
    %scan3A_145 = arith.constant 25 : i32
    return
  }
}

</mosaic_0001>

<sc_bundles>
// kernel: kernel.4.cloned.1.call-start
scs
__scs_entry_jumppad:
0x0: {  	(pc) =	sbr.rel $0x88, $3  }
0x1: {  	(tag) =	ssettag $0x0;
	lr =	simm.s32 $0x1  }
0x2: {  	[smem:$0x3F9F] =	sst lr;
	_ =	strace $0xD0000000  }
0x3: {  	_ = 	snop  }
0x4: {  	_ = 	snop  }
0x5: {  	_ = 	snop  }
0x6: {  	_ = 	snop  }
0x7: {  	_ = 	snop  }
__scs_overlays_trampoline_lowered:
0x8: {  	[smem:$0x3FAE] =	sst s0  }
0x9: {  	[smem:$0x3FAF] =	sst s1  }
0xa: {  	[smem:$0x3FB0] =	sst s2  }
0xb: {  	[smem:$0x3FB1] =	sst s3  }
0xc: {  	[smem:$0x3FB2] =	sst s4  }
0xd: {  	[smem:$0x3FB3] =	sst s5  }
0xe: {  	[smem:$0x3FB4] =	sst s6  }
0xf: {  	[smem:$0x3FB5] =	sst s7  }
0x10: {  	[smem:$0x3FB6] =	sst s8  }
0x11: {  	[smem:$0x3FB7] =	sst s9;
	s0 =	simm.s32 @!p0 $0x0  }
0x12: {  	s1 =	sld [smem:$0x3F9D];
	s0 =	simm.s32 @p0 $0x1  }
0x13: {  	[smem:$0x3FB8] =	sst s0;
	s0 =	simm.s32 @!p1 $0x0  }
0x14: {  	s2 =	sld [smem:$0x3F9C];
	s0 =	simm.s32 @p1 $0x1  }
0x15: {  	[smem:$0x3FB9] =	sst s0;
	s0 =	simm.s32 @!p2 $0x0  }
0x16: {  	s3 =	sld [smem:$0x3FDB];
	s0 =	simm.s32 @p2 $0x1  }
0x17: {  	s4 =	simm.s32 $0x1BF5;
	[smem:$0x3FBB] =	sst s0  }
0x18: {  	s0 =	sld [smem:$0x3F9E];
	_ =	swait.ge [sflag:s4], $0x0  }
0x19: {  	s7 =	sld [smem:$0x3F9F]  }
0x1a: {  	s8 =	sadd.s32 $0xFFFFE003, lr  }
0x1b: {  	s9 =	sadd.s32 $0xFFFFFEF7, lr;
	s5 =	simm.s32 $0xFFFFFFFF;
	p2 =	slt.u32 s8, $0xFFFFF086  }
0x1c: {  	p1 =	slt.u32 s9, $0xF7A;
	s5 =	simm.s32 @!p2 $0x0  }
0x1d: {  	s5 =	simm.s32 @p1 $0x1;
	p0 =	seq.s32 s7, s2  }
0x1e: {  	s7 =	smul.u32 @!p0 $0xF7A, s2;
	p2 =	seq.s32 @!p0 s5, $0x0  }
0x1f: {  	s9 =	smul.u32 $0xF7A, s1;
	s8 =	simm.s32 @!p0 $0x1BF5;
	p2 =	por !p2, p0  }
0x20: {  	[sflag:s8] =	ssyncset.s32 @!p0 $0xFFFFF086;
	s6 =	sadd.s32 @!p0 s3, s7;
	s7 =	simm.s32 @!p0 $0x108  }
0x21: {  	s3 =	sadd.s32 s3, s9;
	s6 =	sadd.s32 @!p0 $0x88, s6;
	s7 =	simm.s32 @p2 $0x1082  }
0x22: {  	[simem:s7], [sflag:s8] =	dma.local @!p0 [hbm:s6], $0xF7A  }
0x23: {  	s9 =	sor.u32 $0xD0000000, s2;
	s6 =	simm.s32 $0x108;
	_ =	swait.ge @!p0 [sflag:s8], $0x0  }
0x24: {  	s3 =	sadd.s32 $0x88, s3;
	s6 =	simm.s32 @!p1 $0x1082;
	[sflag:s4] =	ssyncset.s32 $0xFFFFF086  }
0x25: {  	[simem:s6], [sflag:s4] =	dma.local [hbm:s3], $0xF7A  }
0x26: {  	[smem:$0x3F9F] =	sst s1;
	(tag) =	ssettag s2;
	_ =	strace s9  }
0x27: {  	s1 =	sld [smem:$0x3FAF]  }
0x28: {  	s2 =	sld [smem:$0x3FB0]  }
0x29: {  	s4 =	sld [smem:$0x3FB2]  }
0x2a: {  	p0 =	seq.s32 s5, $0x0;
	s5 =	sld [smem:$0x3FB3]  }
0x2b: {  	s6 =	sld [smem:$0x3FB4]  }
0x2c: {  	s7 =	sld [smem:$0x3FB5]  }
0x2d: {  	s3 =	simm.s32 $0x108;
	s8 =	sld [smem:$0x3FB6]  }
0x2e: {  	s3 =	simm.s32 @!p0 $0x1082;
	s9 =	sld [smem:$0x3FB7]  }
0x2f: {  	lr =	sadd.s32 s0, s3;
	s0 =	sld [smem:$0x3FAE]  }
0x30: {  	s3 =	sld [smem:$0x3FB1]  }
0x31: {  	[smem:$0x3FBA] =	sst s10  }
0x32: {  	s10 =	sld [smem:$0x3FB8];
	_ =	sdelay $0x3  }
0x33: {  	p0 =	seq.s32 s10, $0x1;
	s10 =	sld [smem:$0x3FBA];
	_ =	sdelay $0x3  }
0x34: {  	[smem:$0x3FBA] =	sst s10  }
0x35: {  	s10 =	sld [smem:$0x3FB9];
	_ =	sdelay $0x3  }
0x36: {  	p1 =	seq.s32 s10, $0x1;
	s10 =	sld [smem:$0x3FBA];
	_ =	sdelay $0x3  }
0x37: {  	[smem:$0x3FBA] =	sst s10  }
0x38: {  	s10 =	sld [smem:$0x3FBB]  }
0x39: {  	_ = 	snop;
	(pc) =	sbr.ind lr, $3  }
0x3a: {  	_ = 	snop  }
0x3b: {  	_ = 	snop  }
0x3c: {  	p2 =	seq.s32 s10, $0x1;
	s10 =	sld [smem:$0x3FBA]  }
0x3d: {  	_ =	shalt  }
0x3e: {  	_ =	shalt  }
0x3f: {  	_ =	shalt  }
0x40: {  	_ =	shalt  }
0x41: {  	_ =	shalt  }
0x42: {  	_ =	shalt  }
0x43: {  	_ =	shalt  }
0x44: {  	_ =	shalt  }
0x45: {  	_ =	shalt  }
0x46: {  	_ =	shalt  }
0x47: {  	_ =	shalt  }
0x48: {  	_ =	shalt  }
0x49: {  	_ =	shalt  }
0x4a: {  	_ =	shalt  }
0x4b: {  	_ =	shalt  }
0x4c: {  	_ =	shalt  }
0x4d: {  	_ =	shalt  }
0x4e: {  	_ =	shalt  }
0x4f: {  	_ =	shalt  }
0x50: {  	_ =	shalt  }
0x51: {  	_ =	shalt  }
0x52: {  	_ =	shalt  }
0x53: {  	_ =	shalt  }
0x54: {  	_ =	shalt  }
0x55: {  	_ =	shalt  }
0x56: {  	_ =	shalt  }
0x57: {  	_ =	shalt  }
0x58: {  	_ =	shalt  }
0x59: {  	_ =	shalt  }
0x5a: {  	_ =	shalt  }
0x5b: {  	_ =	shalt  }
0x5c: {  	_ =	shalt  }
0x5d: {  	_ =	shalt  }
0x5e: {  	_ =	shalt  }
0x5f: {  	_ =	shalt  }
0x60: {  	_ =	shalt  }
0x61: {  	_ =	shalt  }
0x62: {  	_ =	shalt  }
0x63: {  	_ =	shalt  }
0x64: {  	_ =	shalt  }
0x65: {  	_ =	shalt  }
0x66: {  	_ =	shalt  }
0x67: {  	_ =	shalt  }
0x68: {  	_ =	shalt  }
0x69: {  	_ =	shalt  }
0x6a: {  	_ =	shalt  }
0x6b: {  	_ =	shalt  }
0x6c: {  	_ =	shalt  }
0x6d: {  	_ =	shalt  }
0x6e: {  	_ =	shalt  }
0x6f: {  	_ =	shalt  }
0x70: {  	_ =	shalt  }
0x71: {  	_ =	shalt  }
0x72: {  	_ =	shalt  }
0x73: {  	_ =	shalt  }
0x74: {  	_ =	shalt  }
0x75: {  	_ =	shalt  }
0x76: {  	_ =	shalt  }
0x77: {  	_ =	shalt  }
0x78: {  	_ =	shalt  }
0x79: {  	_ =	shalt  }
0x7a: {  	_ =	shalt  }
0x7b: {  	_ =	shalt  }
0x7c: {  	_ =	shalt  }
0x7d: {  	_ =	shalt  }
0x7e: {  	_ =	shalt  }
0x7f: {  	_ =	shalt  }
0x80: {  	_ =	shalt  }
0x81: {  	_ =	shalt  }
0x82: {  	_ =	shalt  }
0x83: {  	_ =	shalt  }
0x84: {  	_ =	shalt  }
0x85: {  	_ =	shalt  }
0x86: {  	_ =	shalt  }
0x87: {  	_ =	shalt  }
.Lfunc_end0:
.L_simem_size_0:
called_computation_lowered:
.L_overlay_start_0:
0x88: {  	s2 =	sld [smem:$0x3FD9]  }
0x89: {  	s3 =	sld [smem:$0x3FFE];
	_ =	sdelay $0x1  }
0x8a: {  	s1 =	srdreg.scid  }
0x8b: {  	s0 =	sand.u32 $0x1, s1  }
0x8c: {  	s16 =	sshll.u32 s0, $0xA;
	s2 =	sadd.s32 s3, s2  }
0x8d: {  	s2 =	sadd.s32 s2, s16  }
0x8e: {  	[smem:$0x3FC6] =	sst s2  }
0x8f: {  	_ = 	snop  }
0x90: {  	(tm) =	ssettm $0x1  }
0x91: {  	s17 =	sld [smem:$0x3FFB];
	_ =	sdelay $0x3  }
0x92: {  	_ =	strace s17  }
0x93: {  	s2 =	sld [smem:$0x3FFC];
	_ =	sdelay $0x3  }
0x94: {  	_ =	strace s2  }
0x95: {  	s2 =	sld [smem:$0x3FFD];
	_ =	sdelay $0x3  }
0x96: {  	_ =	strace s2  }
0x97: {  	_ =	strace $0x8FFFFFFF  }
0x98: {  	s18 =	sld [smem:$0x3FDB];
	_ =	sdelay $0x1  }
0x99: {  	s19 =	simm.s32 $_scs_section_size  }
0x9a: {  	s4 =	simm.s32 $_size__tile_overlayer_lowered;
	s5 =	simm.s32 $_tile_overlayer_lowered  }
0x9b: {  	s22 =	simm.s32 $0x1BFF;
	s21 =	sshll.u32 s5, $0x1;
	s2 =	sadd.s32 s19, s18  }
0x9c: {  	s6 =	simm.s32 $0x0;
	s20 =	sshll.u32 s4, $0x1;
	s4 =	sadd.s32 s21, s2  }
0x9d: {  	[timem:s6], [sflag:s22] =	dma.local [hbm:s4], s20  }
0x9e: {  	_ =	swait.ge [sflag:s22], s20  }
0x9f: {  	s3 =	ssub.s32 $0x0, s20;
	[sflag:s22] =	ssyncset.done $0x0  }
0xa0: {  	[sflag:s22] =	ssyncadd.s32 s3;
	_ =	sdelay $0x1  }
0xa1: {  	s23 =	simm.s32 $0x1B8B  }
0xa2: {  	_ =	swait.ge [sflag:s23], $0x1  }
0xa3: {  	[sflag:s23] =	ssyncset.done $0x0  }
0xa4: {  	s25 =	simm.s32 $0x1B8E;
	s24 =	sld [smem:$0x3FFE];
	[sflag:s23] =	ssyncadd.s32 $0xFFFFFFFF  }
0xa5: {  	s26 =	simm.s32 $execute0_lowered;
	[smem:$0x3FD2] =	sst s25  }
0xa6: {  	s4 =	sshll.u32 s26, $0x1;
	_ =	strace $0x80000046;
	[dreg:$0x1] =	wrdreg $0xFFFFFFFF  }
0xa7: {  	s28 =	simm.s32 $_size_execute0_lowered;
	s2 =	sadd.s32 s2, s4;
	[dreg:$0x0] =	wrdreg $0x0  }
0xa8: {  	s4 =	sshll.u32 s28, $0x1;
	[dreg:$0x2] =	wrdreg s2  }
0xa9: {  	[dreg:$0x3] =	wrdreg s4  }
0xaa: {  	[dreg:$0x4] =	wrdreg $0xC0  }
0xab: {  	_ =	task [dreg:s6], $0x5FFFF  }
0xac: {  	[dreg:$0x1] =	wrdreg $0xFFFFFFFF  }
0xad: {  	[dreg:$0x0] =	wrdreg $0x60  }
0xae: {  	[dreg:$0x2] =	wrdreg s24  }
0xaf: {  	[dreg:$0x3] =	wrdreg $0x9  }
0xb0: {  	_ =	task.clear_ibuf [dreg:s6], $0x4FFFF;
	_ =	strace $0x90000046  }
0xb1: {  	s29 =	simm.s32 $0x9;
	_ =	strace $0x80000048  }
0xb2: {  	_ =	swait.ge [sflag:s29], $0x1  }
0xb3: {  	[sflag:s29] =	ssyncadd.s32 $0xFFFFFFFF  }
0xb4: {  	_ =	strace $0x90000048  }
0xb5: {  	_ =	sfence  }
0xb6: {  	s30 =	sld [smem:$0x0];
	_ =	sdelay $0x2  }
0xb7: {  	s31 =	sshll.u32 s1, $0xD;
	s1 =	sshrl.u32 s1, $0x2  }
0xb8: {  	s3 =	sand.u32 $0x4000, s31;
	s1 =	sadd.s32 s1, s30  }
0xb9: {  	s0 =	sor.u32 s3, s0;
	s1 =	sshll.u32 s1, $0x11  }
0xba: {  	s0 =	sor.u32 s1, s0  }
0xbb: {  	s0 =	sadd.s32 $0x8F2B, s0  }
0xbc: {  	[sflag:s0] =	ssyncadd.remote.s32 $0x1  }
0xbd: {  	_ =	sfence.sel $0xFFFF  }
0xbe: {  	[dreg:$0x0] =	wrdreg $0xFFFFFFFF;
	(pc) =	sbr.abs _section_cstart, $3  }
0xbf: {  	[dreg:$0x1] =	wrdreg $0xFFFFFFFF  }
0xc0: {  	_ =	task.clear_ibuf [dreg:s6], $0x2FFFF;
	_ =	strace $0x9FFFFFFF  }
0xc1: {  	(tm) =	ssettm $0x7FFFFFFF  }
tec
execute0_lowered:
.L_overlay_start_1:
0x0: {  	(tag) =	ssettag $0x1  }
0x1: {  	s6 =	rddreg [dreg:$0x0]  }
0x2: {  	s0 =	rddreg [dreg:$0x1]  }
0x3: {  	s2 =	simm.s32 $0x0;
	s3 =	srdreg.scid;
	s1 =	stileid.u32  }
0x4: {  	s9 =	simm.s32 $0x1;
	s10 =	simm.s32 $0x1F00;
	s11 =	simm.s32 $0x2  }
0x5: {  	s12 =	simm.s32 $0x0;
	s3 =	sand.u32 $0x1, s3;
	s4 =	sshll.u32 s1, $0x1  }
0x6: {  	[smem:$0x7FF] =	sst s2;
	s7 =	ssub.s32 $0x2, s3;
	s4 =	sor.u32 s3, s4  }
0x7: {  	s5 =	sadd.s32 $0x20A00, s6;
	s8 =	sshrl.u32 s7, $0x1;
	s4 =	smul.u32 $0xF80, s4  }
0x8: {  	_ =	strace $0x80000047;
	s3 =	sadd.s32 $0x1800, s6;
	s8 =	ssub.s32 s7, s8  }
0x9: {  	s6 =	sadd.s32 $0x1801, s6;
	s7 =	sadd.s32 $0x1F0, s4;
	s8 =	smax.u32 s8, $0x1  }
.LBB2_1:
0xa: {  	s13 =	simm.s32 $0x0  }
.LBB2_2:
0xb: {  	s14 =	smul.u32 $0x3E0, s13;
	_ =	sdelay $0x1  }
0xc: {  	s15 =	sadd.s32 s4, s14  }
0xd: {  	s17 =	simm.s32 $0x0;
	s16 =	sadd.s32 s3, s15  }
0xe: {  	s18 =	simm.s32 $0x1;
	s19 =	simm.s32 $0x10;
	s20 =	sadd.s32 $0x0, s16  }
.LBB2_3:
0xf: {  	[tilespmem:s17], [sflag:$0x1] =	stream.linear.gather [hbm4b:s20+s2], $0x8, $0x38;
	[tilespmem:$0x3E00] =	vst v63  }
0x10: {  	s20 =	smov.u32 s18;
	s17 =	smov.u32 s19;
	p0 =	sne.s32 s18, $0x1EF  }
.Ltmp0:
0x11: {  	s18 =	sadd.s32 $0x1, s18;
	(pc) =	sbr.rel @p0 .LBB2_3-.Ltmp0, $2  }
0x12: {  	_ =	sdelay $0x2  }
0x13: {  	s19 =	sadd.s32 $0x10, s19;
	s20 =	sadd.s32 s20, s16  }
0x14: {  	[tilespmem:s17], [sflag:$0x1] =	stream.linear.gather [hbm4b:s20+s2], $0x8, $0x38;
	[tilespmem:$0x3E00] =	vst v63  }
0x15: {  	s16 =	sadd.s32 s15, s6;
	s17 =	simm.s32 $0x8  }
0x16: {  	s18 =	simm.s32 $0x1;
	s19 =	simm.s32 $0x18;
	s20 =	sadd.s32 $0x0, s16  }
.LBB2_5:
0x17: {  	[tilespmem:s17], [sflag:$0x1] =	stream.linear.gather [hbm4b:s20+s2], $0x8, $0x38;
	[tilespmem:$0x3E00] =	vst v63  }
0x18: {  	s20 =	smov.u32 s18;
	s17 =	smov.u32 s19;
	p0 =	sne.s32 s18, $0x1EF  }
.Ltmp1:
0x19: {  	s18 =	sadd.s32 $0x1, s18;
	(pc) =	sbr.rel @p0 .LBB2_5-.Ltmp1, $2  }
0x1a: {  	_ =	sdelay $0x2  }
0x1b: {  	s19 =	sadd.s32 $0x10, s19;
	s20 =	sadd.s32 s20, s16  }
0x1c: {  	[tilespmem:s17], [sflag:$0x1] =	stream.linear.gather [hbm4b:s20+s2], $0x8, $0x38;
	[tilespmem:$0x3E00] =	vst v63  }
0x1d: {  	_ =	swait.ge [sflag:s9], $0xF80  }
0x1e: {  	[sflag:s9] =	ssyncset.done $0x0  }
0x1f: {  	[sflag:s9] =	ssyncadd.s32 $0xFFFFF080  }
0x20: {  	_ =	swait.ge [sflag:s9], $0xF80  }
0x21: {  	s15 =	sshll.u32 s15, $0x1;
	s16 =	simm.s32 $0x0;
	[sflag:s9] =	ssyncset.done $0x0  }
0x22: {  	s14 =	sadd.s32 s14, s7;
	s15 =	sadd.s32 s5, s15;
	[sflag:s9] =	ssyncadd.s32 $0xFFFFF080  }
0x23: {  	[hbm4b:s15+s16] =	stream.linear.scatter [tilespmem:s16], [sflag:$0x2], $0x1F00, $0x38;
	[tilespmem:$0x3E00] =	vst v63  }
0x24: {  	s17 =	simm.s32 $0x1;
	s15 =	sadd.s32 s3, s14  }
0x25: {  	s18 =	simm.s32 $0x1F10;
	s16 =	simm.s32 $0x1F00;
	s19 =	sadd.s32 $0x0, s15  }
.LBB2_7:
0x26: {  	[tilespmem:s16], [sflag:$0x1] =	stream.linear.gather [hbm4b:s19+s2], $0x8, $0x38;
	[tilespmem:$0x3E00] =	vst v63  }
0x27: {  	s19 =	smov.u32 s17;
	s16 =	smov.u32 s18;
	p0 =	sne.s32 s17, $0x1EF  }
.Ltmp2:
0x28: {  	s17 =	sadd.s32 $0x1, s17;
	(pc) =	sbr.rel @p0 .LBB2_7-.Ltmp2, $2  }
0x29: {  	_ =	sdelay $0x2  }
0x2a: {  	s18 =	sadd.s32 $0x10, s18;
	s19 =	sadd.s32 s19, s15  }
0x2b: {  	[tilespmem:s16], [sflag:$0x1] =	stream.linear.gather [hbm4b:s19+s2], $0x8, $0x38;
	[tilespmem:$0x3E00] =	vst v63  }
0x2c: {  	s15 =	sadd.s32 s14, s6;
	s16 =	simm.s32 $0x1F08  }
0x2d: {  	s17 =	simm.s32 $0x1;
	s18 =	simm.s32 $0x1F18;
	s19 =	sadd.s32 $0x0, s15  }
.LBB2_9:
0x2e: {  	[tilespmem:s16], [sflag:$0x1] =	stream.linear.gather [hbm4b:s19+s2], $0x8, $0x38;
	[tilespmem:$0x3E00] =	vst v63  }
0x2f: {  	s19 =	smov.u32 s17;
	s16 =	smov.u32 s18;
	p0 =	sne.s32 s17, $0x1EF  }
.Ltmp3:
0x30: {  	s17 =	sadd.s32 $0x1, s17;
	(pc) =	sbr.rel @p0 .LBB2_9-.Ltmp3, $2  }
0x31: {  	_ =	sdelay $0x2  }
0x32: {  	s18 =	sadd.s32 $0x10, s18;
	s19 =	sadd.s32 s19, s15  }
0x33: {  	[tilespmem:s16], [sflag:$0x1] =	stream.linear.gather [hbm4b:s19+s2], $0x8, $0x38;
	[tilespmem:$0x3E00] =	vst v63  }
0x34: {  	_ =	swait.ge [sflag:s9], $0xF80  }
0x35: {  	[sflag:s9] =	ssyncset.done $0x0  }
0x36: {  	[sflag:s9] =	ssyncadd.s32 $0xFFFFF080  }
0x37: {  	s14 =	sshll.u32 s14, $0x1;
	_ =	swait.ge [sflag:s9], $0xF80  }
0x38: {  	s14 =	sand.u32 $0x1FFFFFE0, s14;
	[sflag:s9] =	ssyncset.done $0x0  }
0x39: {  	s14 =	sadd.s32 s5, s14;
	[sflag:s9] =	ssyncadd.s32 $0xFFFFF080  }
0x3a: {  	[hbm4b:s14+s2] =	stream.linear.scatter [tilespmem:s10], [sflag:$0x2], $0x1F00, $0x38;
	[tilespmem:$0x3E00] =	vst v63  }
0x3b: {  	_ =	swait.ge [sflag:s11], $0xF80  }
0x3c: {  	[sflag:s11] =	ssyncset.done $0x0  }
0x3d: {  	[sflag:s11] =	ssyncadd.s32 $0xFFFFF080  }
0x3e: {  	_ =	swait.ge [sflag:s11], $0xF80  }
0x3f: {  	[sflag:s11] =	ssyncset.done $0x0  }
0x40: {  	s13 =	sadd.s32 $0x1, s13;
	[sflag:s11] =	ssyncadd.s32 $0xFFFFF080  }
0x41: {  	p0 =	sne.s32 s13, $0x4;
	_ =	swait.ge [sflag:s11], $0xF80  }
.Ltmp4:
0x42: {  	[sflag:s11] =	ssyncset.done $0x0;
	(pc) =	sbr.rel @p0 .LBB2_2-.Ltmp4, $4  }
0x43: {  	[sflag:s11] =	ssyncadd.s32 $0xFFFFF080  }
0x44: {  	_ =	swait.ge [sflag:s11], $0xF80  }
0x45: {  	[sflag:s11] =	ssyncset.done $0x0  }
0x46: {  	[sflag:s11] =	ssyncadd.s32 $0xFFFFF080  }
0x47: {  	s12 =	sadd.s32 $0x1, s12  }
0x48: {  	p0 =	sne.s32 s12, s8  }
.Ltmp5:
0x49: {  	_ = 	snop;
	(pc) =	sbr.rel @p0 .LBB2_1-.Ltmp5, $1  }
0x4a: {  	_ =	sdelay $0x3  }
0x4b: {  	_ =	sfence.sel $0x180000  }
0x4c: {  	[bflag:$0x0] =	sbarrier.arrive $0xFFFF  }
0x4d: {  	p0 =	sne.s32 s1, $0x0;
	_ =	strace $0x90000047  }
0x4e: {  	s0 =	sadd.s32 @!p0 $0x100000, s0;
	[bflag:$0x2] =	sbarrier.arrive $0xFFFF  }
0x4f: {  	[sflag:s0] =	ssyncadd.tile.s32 @!p0 $0x1;
	_ =	shalt  }
.Lfunc_end2:
_tile_overlayer_lowered:
.L_overlay_start_2:
0x50: {  	(tag) =	ssettag $0x2  }
0x51: {  	s0 =	rddreg [dreg:$0x0];
	s2 =	stileid.u32  }
0x52: {  	s1 =	rddreg [dreg:$0x1];
	p0 =	sne.s32 s2, $0x0  }
0x53: {  	s3 =	rddreg [dreg:$0x2];
	[bflag:$0x3] =	sbarrier.arrive $0xFFFF;
	s2 =	simm.s32 @!p0 $0x1C03  }
0x54: {  	[timem:s3], [sflag:s2] =	dma.local @!p0 [hbm:s0], s1  }
0x55: {  	s0 =	simm.s32 @!p0 $0x3  }
0x56: {  	_ =	swait.ge @!p0 [sflag:s0], s1  }
0x57: {  	s1 =	ssub.s32 @!p0 $0x0, s1;
	[sflag:s0] =	ssyncset.done @!p0 $0x0  }
0x58: {  	[sflag:s0] =	ssyncadd.s32 @!p0 s1  }
0x59: {  	[bflag:$0x3] =	sbarrier.arrive $0xFFFF  }
0x5a: {  	_ =	shalt  }

// kernel: kernel.7.cloned.1.call-start
scs
__scs_entry_jumppad:
0x0: {  	(pc) =	sbr.rel $0x88, $3  }
0x1: {  	(tag) =	ssettag $0x0;
	lr =	simm.s32 $0x1  }
0x2: {  	[smem:$0x3F9F] =	sst lr;
	_ =	strace $0xD0000000  }
0x3: {  	_ = 	snop  }
0x4: {  	_ = 	snop  }
0x5: {  	_ = 	snop  }
0x6: {  	_ = 	snop  }
0x7: {  	_ = 	snop  }
__scs_overlays_trampoline_lowered:
0x8: {  	[smem:$0x3FAE] =	sst s0  }
0x9: {  	[smem:$0x3FAF] =	sst s1  }
0xa: {  	[smem:$0x3FB0] =	sst s2  }
0xb: {  	[smem:$0x3FB1] =	sst s3  }
0xc: {  	[smem:$0x3FB2] =	sst s4  }
0xd: {  	[smem:$0x3FB3] =	sst s5  }
0xe: {  	[smem:$0x3FB4] =	sst s6  }
0xf: {  	[smem:$0x3FB5] =	sst s7  }
0x10: {  	[smem:$0x3FB6] =	sst s8  }
0x11: {  	[smem:$0x3FB7] =	sst s9;
	s0 =	simm.s32 @!p0 $0x0  }
0x12: {  	s1 =	sld [smem:$0x3F9D];
	s0 =	simm.s32 @p0 $0x1  }
0x13: {  	[smem:$0x3FB8] =	sst s0;
	s0 =	simm.s32 @!p1 $0x0  }
0x14: {  	s2 =	sld [smem:$0x3F9C];
	s0 =	simm.s32 @p1 $0x1  }
0x15: {  	[smem:$0x3FB9] =	sst s0;
	s0 =	simm.s32 @!p2 $0x0  }
0x16: {  	s3 =	sld [smem:$0x3FDB];
	s0 =	simm.s32 @p2 $0x1  }
0x17: {  	s4 =	simm.s32 $0x1BF5;
	[smem:$0x3FBB] =	sst s0  }
0x18: {  	s0 =	sld [smem:$0x3F9E];
	_ =	swait.ge [sflag:s4], $0x0  }
0x19: {  	s7 =	sld [smem:$0x3F9F]  }
0x1a: {  	s8 =	sadd.s32 $0xFFFFE003, lr  }
0x1b: {  	s9 =	sadd.s32 $0xFFFFFEF7, lr;
	s5 =	simm.s32 $0xFFFFFFFF;
	p2 =	slt.u32 s8, $0xFFFFF086  }
0x1c: {  	p1 =	slt.u32 s9, $0xF7A;
	s5 =	simm.s32 @!p2 $0x0  }
0x1d: {  	s5 =	simm.s32 @p1 $0x1;
	p0 =	seq.s32 s7, s2  }
0x1e: {  	s7 =	smul.u32 @!p0 $0xF7A, s2;
	p2 =	seq.s32 @!p0 s5, $0x0  }
0x1f: {  	s9 =	smul.u32 $0xF7A, s1;
	s8 =	simm.s32 @!p0 $0x1BF5;
	p2 =	por !p2, p0  }
0x20: {  	[sflag:s8] =	ssyncset.s32 @!p0 $0xFFFFF086;
	s6 =	sadd.s32 @!p0 s3, s7;
	s7 =	simm.s32 @!p0 $0x108  }
0x21: {  	s3 =	sadd.s32 s3, s9;
	s6 =	sadd.s32 @!p0 $0x88, s6;
	s7 =	simm.s32 @p2 $0x1082  }
0x22: {  	[simem:s7], [sflag:s8] =	dma.local @!p0 [hbm:s6], $0xF7A  }
0x23: {  	s9 =	sor.u32 $0xD0000000, s2;
	s6 =	simm.s32 $0x108;
	_ =	swait.ge @!p0 [sflag:s8], $0x0  }
0x24: {  	s3 =	sadd.s32 $0x88, s3;
	s6 =	simm.s32 @!p1 $0x1082;
	[sflag:s4] =	ssyncset.s32 $0xFFFFF086  }
0x25: {  	[simem:s6], [sflag:s4] =	dma.local [hbm:s3], $0xF7A  }
0x26: {  	[smem:$0x3F9F] =	sst s1;
	(tag) =	ssettag s2;
	_ =	strace s9  }
0x27: {  	s1 =	sld [smem:$0x3FAF]  }
0x28: {  	s2 =	sld [smem:$0x3FB0]  }
0x29: {  	s4 =	sld [smem:$0x3FB2]  }
0x2a: {  	p0 =	seq.s32 s5, $0x0;
	s5 =	sld [smem:$0x3FB3]  }
0x2b: {  	s6 =	sld [smem:$0x3FB4]  }
0x2c: {  	s7 =	sld [smem:$0x3FB5]  }
0x2d: {  	s3 =	simm.s32 $0x108;
	s8 =	sld [smem:$0x3FB6]  }
0x2e: {  	s3 =	simm.s32 @!p0 $0x1082;
	s9 =	sld [smem:$0x3FB7]  }
0x2f: {  	lr =	sadd.s32 s0, s3;
	s0 =	sld [smem:$0x3FAE]  }
0x30: {  	s3 =	sld [smem:$0x3FB1]  }
0x31: {  	[smem:$0x3FBA] =	sst s10  }
0x32: {  	s10 =	sld [smem:$0x3FB8];
	_ =	sdelay $0x3  }
0x33: {  	p0 =	seq.s32 s10, $0x1;
	s10 =	sld [smem:$0x3FBA];
	_ =	sdelay $0x3  }
0x34: {  	[smem:$0x3FBA] =	sst s10  }
0x35: {  	s10 =	sld [smem:$0x3FB9];
	_ =	sdelay $0x3  }
0x36: {  	p1 =	seq.s32 s10, $0x1;
	s10 =	sld [smem:$0x3FBA];
	_ =	sdelay $0x3  }
0x37: {  	[smem:$0x3FBA] =	sst s10  }
0x38: {  	s10 =	sld [smem:$0x3FBB]  }
0x39: {  	_ = 	snop;
	(pc) =	sbr.ind lr, $3  }
0x3a: {  	_ = 	snop  }
0x3b: {  	_ = 	snop  }
0x3c: {  	p2 =	seq.s32 s10, $0x1;
	s10 =	sld [smem:$0x3FBA]  }
0x3d: {  	_ =	shalt  }
0x3e: {  	_ =	shalt  }
0x3f: {  	_ =	shalt  }
0x40: {  	_ =	shalt  }
0x41: {  	_ =	shalt  }
0x42: {  	_ =	shalt  }
0x43: {  	_ =	shalt  }
0x44: {  	_ =	shalt  }
0x45: {  	_ =	shalt  }
0x46: {  	_ =	shalt  }
0x47: {  	_ =	shalt  }
0x48: {  	_ =	shalt  }
0x49: {  	_ =	shalt  }
0x4a: {  	_ =	shalt  }
0x4b: {  	_ =	shalt  }
0x4c: {  	_ =	shalt  }
0x4d: {  	_ =	shalt  }
0x4e: {  	_ =	shalt  }
0x4f: {  	_ =	shalt  }
0x50: {  	_ =	shalt  }
0x51: {  	_ =	shalt  }
0x52: {  	_ =	shalt  }
0x53: {  	_ =	shalt  }
0x54: {  	_ =	shalt  }
0x55: {  	_ =	shalt  }
0x56: {  	_ =	shalt  }
0x57: {  	_ =	shalt  }
0x58: {  	_ =	shalt  }
0x59: {  	_ =	shalt  }
0x5a: {  	_ =	shalt  }
0x5b: {  	_ =	shalt  }
0x5c: {  	_ =	shalt  }
0x5d: {  	_ =	shalt  }
0x5e: {  	_ =	shalt  }
0x5f: {  	_ =	shalt  }
0x60: {  	_ =	shalt  }
0x61: {  	_ =	shalt  }
0x62: {  	_ =	shalt  }
0x63: {  	_ =	shalt  }
0x64: {  	_ =	shalt  }
0x65: {  	_ =	shalt  }
0x66: {  	_ =	shalt  }
0x67: {  	_ =	shalt  }
0x68: {  	_ =	shalt  }
0x69: {  	_ =	shalt  }
0x6a: {  	_ =	shalt  }
0x6b: {  	_ =	shalt  }
0x6c: {  	_ =	shalt  }
0x6d: {  	_ =	shalt  }
0x6e: {  	_ =	shalt  }
0x6f: {  	_ =	shalt  }
0x70: {  	_ =	shalt  }
0x71: {  	_ =	shalt  }
0x72: {  	_ =	shalt  }
0x73: {  	_ =	shalt  }
0x74: {  	_ =	shalt  }
0x75: {  	_ =	shalt  }
0x76: {  	_ =	shalt  }
0x77: {  	_ =	shalt  }
0x78: {  	_ =	shalt  }
0x79: {  	_ =	shalt  }
0x7a: {  	_ =	shalt  }
0x7b: {  	_ =	shalt  }
0x7c: {  	_ =	shalt  }
0x7d: {  	_ =	shalt  }
0x7e: {  	_ =	shalt  }
0x7f: {  	_ =	shalt  }
0x80: {  	_ =	shalt  }
0x81: {  	_ =	shalt  }
0x82: {  	_ =	shalt  }
0x83: {  	_ =	shalt  }
0x84: {  	_ =	shalt  }
0x85: {  	_ =	shalt  }
0x86: {  	_ =	shalt  }
0x87: {  	_ =	shalt  }
.Lfunc_end0:
.L_simem_size_0:
called_computation.1_lowered:
.L_overlay_start_0:
0x88: {  	s2 =	sld [smem:$0x3FD9]  }
0x89: {  	s3 =	sld [smem:$0x3FFE];
	_ =	sdelay $0x1  }
0x8a: {  	s1 =	srdreg.scid  }
0x8b: {  	s0 =	sand.u32 $0x1, s1  }
0x8c: {  	s17 =	sshll.u32 s0, $0xA;
	s2 =	sadd.s32 s3, s2  }
0x8d: {  	s2 =	sadd.s32 s2, s17  }
0x8e: {  	[smem:$0x3FC6] =	sst s2  }
0x8f: {  	_ = 	snop  }
0x90: {  	s2 =	sld [smem:$0x3FD0];
	(tm) =	ssettm $0x1  }
0x91: {  	s18 =	sld [smem:$0x3FFB];
	_ =	sdelay $0x3  }
0x92: {  	_ =	strace s18  }
0x93: {  	s3 =	sld [smem:$0x3FFC];
	_ =	sdelay $0x3  }
0x94: {  	_ =	strace s3  }
0x95: {  	s3 =	sld [smem:$0x3FFD];
	_ =	sdelay $0x3  }
0x96: {  	_ =	strace s3  }
0x97: {  	_ =	strace $0x8FFFFFFF  }
0x98: {  	s19 =	sld [smem:$0x3FDB];
	_ =	sdelay $0x1  }
0x99: {  	s4 =	simm.s32 $_scs_section_size  }
0x9a: {  	s5 =	simm.s32 $_size__tile_overlayer_lowered;
	s6 =	simm.s32 $_tile_overlayer_lowered  }
0x9b: {  	s22 =	simm.s32 $0x1BFF;
	s21 =	sshll.u32 s6, $0x1;
	s3 =	sadd.s32 s4, s19  }
0x9c: {  	s7 =	simm.s32 $0x0;
	s20 =	sshll.u32 s5, $0x1;
	s5 =	sadd.s32 s21, s3  }
0x9d: {  	[timem:s7], [sflag:s22] =	dma.local [hbm:s5], s20  }
0x9e: {  	_ =	swait.ge [sflag:s22], s20  }
0x9f: {  	s4 =	ssub.s32 $0x0, s20;
	[sflag:s22] =	ssyncset.done $0x0  }
0xa0: {  	[sflag:s22] =	ssyncadd.s32 s4;
	_ =	sdelay $0x1  }
0xa1: {  	s23 =	simm.s32 $0x1B8B  }
0xa2: {  	_ =	swait.ge [sflag:s23], $0x1  }
0xa3: {  	[sflag:s23] =	ssyncset.done $0x0  }
0xa4: {  	s25 =	simm.s32 $0x1B8E;
	s24 =	sld [smem:$0x3FFE];
	[sflag:s23] =	ssyncadd.s32 $0xFFFFFFFF  }
0xa5: {  	s26 =	simm.s32 $execute0_lowered;
	[smem:$0x3FD2] =	sst s25  }
0xa6: {  	s5 =	sshll.u32 s26, $0x1;
	_ =	strace $0x80000049;
	[dreg:$0x1] =	wrdreg $0xFFFFFFFF  }
0xa7: {  	s28 =	simm.s32 $_size_execute0_lowered;
	s3 =	sadd.s32 s3, s5;
	[dreg:$0x0] =	wrdreg $0x0  }
0xa8: {  	s5 =	sshll.u32 s28, $0x1;
	[dreg:$0x2] =	wrdreg s3  }
0xa9: {  	[dreg:$0x3] =	wrdreg s5  }
0xaa: {  	[dreg:$0x4] =	wrdreg $0xC0  }
0xab: {  	_ =	task [dreg:s7], $0x5FFFF  }
0xac: {  	[dreg:$0x1] =	wrdreg $0xFFFFFFFF  }
0xad: {  	[dreg:$0x0] =	wrdreg $0x60  }
0xae: {  	[dreg:$0x2] =	wrdreg s2  }
0xaf: {  	[dreg:$0x3] =	wrdreg s24  }
0xb0: {  	[dreg:$0x4] =	wrdreg $0x9  }
0xb1: {  	_ =	task.clear_ibuf [dreg:s7], $0x5FFFF;
	_ =	strace $0x90000049  }
0xb2: {  	s29 =	simm.s32 $0x9;
	_ =	strace $0x8000004B  }
0xb3: {  	_ =	swait.ge [sflag:s29], $0x1  }
0xb4: {  	[sflag:s29] =	ssyncadd.s32 $0xFFFFFFFF  }
0xb5: {  	_ =	strace $0x9000004B  }
0xb6: {  	_ =	sfence  }
0xb7: {  	s30 =	sld [smem:$0x0];
	_ =	sdelay $0x2  }
0xb8: {  	s31 =	sshll.u32 s1, $0xD;
	s1 =	sshrl.u32 s1, $0x2  }
0xb9: {  	s3 =	sand.u32 $0x4000, s31;
	s1 =	sadd.s32 s1, s30  }
0xba: {  	s0 =	sor.u32 s3, s0;
	s1 =	sshll.u32 s1, $0x11  }
0xbb: {  	s0 =	sor.u32 s1, s0  }
0xbc: {  	s0 =	sadd.s32 $0x8F2B, s0  }
0xbd: {  	[sflag:s0] =	ssyncadd.remote.s32 $0x1  }
0xbe: {  	_ =	sfence.sel $0xFFFF  }
0xbf: {  	[dreg:$0x0] =	wrdreg $0xFFFFFFFF;
	(pc) =	sbr.abs _section_cstart, $3  }
0xc0: {  	[dreg:$0x1] =	wrdreg $0xFFFFFFFF  }
0xc1: {  	_ =	task.clear_ibuf [dreg:s7], $0x2FFFF;
	_ =	strace $0x9FFFFFFF  }
0xc2: {  	(tm) =	ssettm $0x7FFFFFFF  }
0xc3: {  	_ =	shalt  }
tec
execute0_lowered:
.L_overlay_start_1:
0x0: {  	(tag) =	ssettag $0x1  }
0x1: {  	s2 =	rddreg [dreg:$0x0]  }
0x2: {  	s0 =	srdreg.scid;
	s3 =	stileid.u32  }
0x3: {  	s1 =	rddreg [dreg:$0x1];
	s12 =	simm.s32 $0x5;
	s13 =	simm.s32 $0x80  }
0x4: {  	s15 =	simm.s32 $0x3800;
	s24 =	simm.s32 $0x4;
	s26 =	simm.s32 $0xF800  }
0x5: {  	s14 =	simm.s32 $0x1;
	s0 =	sand.u32 $0x1, s0;
	s4 =	sshll.u32 s3, $0x1  }
0x6: {  	s17 =	simm.s32 $0x2;
	s4 =	sor.u32 s0, s4;
	s0 =	ssub.s32 $0x2, s0  }
0x7: {  	s19 =	simm.s32 $0x3;
	s4 =	smul.u32 $0x19000, s4;
	s30 =	sshrl.u32 s0, $0x1  }
0x8: {  	s3 =	simm.s32 $0x0;
	s5 =	sadd.s32 $0x20A00, s1;
	s0 =	ssub.s32 s0, s30  }
0x9: {  	[smem:$0x7FF] =	sst s3;
	s7 =	sshrl.u32 s4, $0x3;
	s0 =	smax.u32 s0, $0x1  }
0xa: {  	_ =	strace $0x8000004A;
	s7 =	sadd.s32 s2, s7;
	[dreg:$0x5] =	wrdreg s0  }
0xb: {  	v0 =	vlaneseq.u32;
	s6 =	sadd.s32 $0x5EA00, s1;
	[dreg:$0x3] =	wrdreg s7;
	s31 =	sadd.s32 $0x100, s7  }
0xc: {  	v0 =	vmul.u32 $0x10, v0;
	s1 =	simm.s32 $0x0;
	s22 =	sadd.s32 $0x18800, s4;
	[dreg:$0x4] =	wrdreg s31  }
.LBB2_1:
0xd: {  	[dreg:$0x6] =	wrdreg s1  }
0xe: {  	s0 =	rddreg [dreg:$0x4];
	s29 =	simm.s32 $0xC000  }
0xf: {  	[tilespmem:s29], [sflag:$0x4] =	stream.linear.gather [hbm4b:s0+s3], $0x800, $0x38;
	[tilespmem:$0x18000] =	vst v63  }
0x10: {  	s30 =	rddreg [dreg:$0x3]  }
0x11: {  	[tilespmem:s3], [sflag:$0x5] =	stream.linear.gather [hbm4b:s30+s3], $0x800, $0x38;
	[tilespmem:$0x18000] =	vst v63  }
0x12: {  	_ =	swait.ge [sflag:s12], $0x800  }
0x13: {  	[sflag:s12] =	ssyncset.done $0x0  }
0x14: {  	s31 =	simm.s32 $0x40;
	[sflag:s12] =	ssyncadd.s32 $0xFFFFF800  }
0x15: {  	v1 =	vld [tilespmem:s31+$0x30]  }
0x16: {  	v2 =	vld [tilespmem:s31+$0xFFFFFFD0]  }
0x17: {  	v3 =	vld [tilespmem:s31+$0xFFFFFFE0]  }
0x18: {  	v4 =	vld [tilespmem:s31+$0xFFFFFFF0]  }
0x19: {  	v5 =	vld [tilespmem:s31+$0x0]  }
0x1a: {  	v6 =	vld [tilespmem:s31+$0x10]  }
0x1b: {  	v7 =	vld [tilespmem:s31+$0x20]  }
0x1c: {  	v8 =	vld [tilespmem:s31+$0xFFFFFFC0]  }
0x1d: {  	v1 =	vmul.f32 $9.999990000e+05, v1  }
0x1e: {  	v2 =	vmul.f32 $9.999990000e+05, v2;
	v3 =	vmul.f32 $9.999990000e+05, v3  }
0x1f: {  	v4 =	vmul.f32 $9.999990000e+05, v4;
	v5 =	vmul.f32 $9.999990000e+05, v5  }
0x20: {  	v6 =	vmul.f32 $9.999990000e+05, v6;
	v7 =	vmul.f32 $9.999990000e+05, v7  }
0x21: {  	v8 =	vmul.f32 $9.999990000e+05, v8;
	v1 =	vtrunc.f32 v1  }
0x22: {  	v2 =	vtrunc.f32 v2;
	v3 =	vtrunc.f32 v3  }
0x23: {  	v4 =	vtrunc.f32 v4;
	v5 =	vtrunc.f32 v5  }
0x24: {  	v6 =	vtrunc.f32 v6;
	v7 =	vtrunc.f32 v7  }
0x25: {  	v8 =	vtrunc.f32 v8;
	v1 =	vcvt.f32.s32 v1  }
0x26: {  	v2 =	vcvt.f32.s32 v2;
	v12 =	vcvt.f32.s32 v8  }
0x27: {  	v3 =	vcvt.f32.s32 v3;
	v4 =	vcvt.f32.s32 v4  }
0x28: {  	v5 =	vcvt.f32.s32 v5;
	v6 =	vcvt.f32.s32 v6  }
0x29: {  	v7 =	vcvt.f32.s32 v7;
	vm0 =	vgt.s32 v1, $0x0;
	vm9 =	vgt.s32 v12, $0x0  }
0x2a: {  	vm1 =	vgt.s32 v2, $0x0;
	vm2 =	vgt.s32 v3, $0x0;
	vm3 =	vgt.s32 v4, $0x0  }
0x2b: {  	vm4 =	vgt.s32 v5, $0x0;
	vm5 =	vgt.s32 v6, $0x0;
	vm6 =	vgt.s32 v7, $0x0  }
0x2c: {  	v1 =	vnsel vm0, $0x0, v1;
	v14 =	vnsel vm4, $0x0, v5;
	v15 =	vnsel vm5, $0x0, v6  }
0x2d: {  	v18 =	vnsel vm6, $0x0, v7;
	v9 =	vmin.u32 v1, $0xF423F;
	v1 =	vmin.u32 v1, $0xF423D  }
0x2e: {  	v21 =	vmin.u32 v14, $0xF423F;
	v23 =	vmin.u32 v15, $0xF423F;
	v24 =	vmin.u32 v18, $0xF423F  }
0x2f: {  	v14 =	vmin.u32 v14, $0xF423D;
	v15 =	vmin.u32 v15, $0xF423D;
	v18 =	vmin.u32 v18, $0xF423D  }
0x30: {  	v10 =	vadd.s32 $0xFFFFFFFF, v9;
	v28 =	vadd.s32 $0xFFFFFFFF, v21;
	v29 =	vadd.s32 $0xFFFFFFFF, v23  }
0x31: {  	v30 =	vadd.s32 $0xFFFFFFFF, v24;
	v11 =	vshra.s32 v10, $0x3;
	vm8 =	vgt.s32 v10, $0x0  }
0x32: {  	v31 =	vshra.s32 v28, $0x3;
	v32 =	vshra.s32 v29, $0x3;
	vm7 =	vgt.s32 v11, $0x0  }
0x33: {  	v33 =	vshra.s32 v30, $0x3;
	v10 =	vnsel vm8, $0x0, v10;
	v8 =	vnsel vm7, $0x0, v11  }
0x34: {  	vm14 =	vgt.s32 v31, $0x0;
	vm15 =	vgt.s32 v32, $0x0;
	v11 =	vshll.u32 v8, $0x3  }
0x35: {  	vm8 =	vgt.s32 v33, $0x0;
	v10 =	vsub.s32 v10, v11;
	v9 =	vsub.s32 v9, v11  }
0x36: {  	v1 =	vsub.s32 v1, v11;
	v11 =	vnsel vm1, $0x0, v2;
	v13 =	vshll.u32 v9, $0x8  }
0x37: {  	v9 =	vshll.u32 v9, $0x4;
	v1 =	vshll.u32 v1, $0xC;
	v17 =	vmin.u32 v11, $0xF423F  }
0x38: {  	v11 =	vmin.u32 v11, $0xF423D;
	v9 =	vor.u32 v10, v9;
	v10 =	vadd.s32 $0x100, v13  }
0x39: {  	v1 =	vadd.s32 $0x2000, v1;
	v13 =	vnsel vm3, $0x0, v4;
	v25 =	vadd.s32 $0xFFFFFFFF, v17  }
0x3a: {  	v9 =	vor.u32 v10, v9;
	v10 =	vnsel vm9, $0x0, v12;
	v12 =	vnsel vm2, $0x0, v3  }
0x3b: {  	v20 =	vmin.u32 v13, $0xF423F;
	v2 =	vshra.s32 v25, $0x3;
	v13 =	vmin.u32 v13, $0xF423D  }
0x3c: {  	v9 =	vor.u32 v1, v9;
	v16 =	vmin.u32 v10, $0xF423F;
	v19 =	vmin.u32 v12, $0xF423F  }
0x3d: {  	v27 =	vadd.s32 $0xFFFFFFFF, v20;
	vm11 =	vgt.s32 v2, $0x0;
	v10 =	vmin.u32 v10, $0xF423D  }
0x3e: {  	v12 =	vmin.u32 v12, $0xF423D;
	v22 =	vadd.s32 $0xFFFFFFFF, v16;
	v26 =	vadd.s32 $0xFFFFFFFF, v19  }
0x3f: {  	v4 =	vshra.s32 v27, $0x3;
	v6 =	vnsel vm11, $0x0, v2;
	v2 =	vnsel vm15, $0x0, v32  }
0x40: {  	vm15 =	vgt.s32 v30, $0x0;
	v1 =	vshra.s32 v22, $0x3;
	v3 =	vshra.s32 v26, $0x3  }
0x41: {  	vm13 =	vgt.s32 v4, $0x0;
	v60 =	vshll.u32 v6, $0x3;
	v36 =	vshll.u32 v2, $0x3  }
0x42: {  	vm9 =	vgt.s32 v22, $0x0;
	vm11 =	vgt.s32 v26, $0x0;
	v30 =	vnsel vm15, $0x0, v30  }
0x43: {  	vm10 =	vgt.s32 v1, $0x0;
	vm12 =	vgt.s32 v3, $0x0;
	v4 =	vnsel vm13, $0x0, v4  }
0x44: {  	vm13 =	vgt.s32 v28, $0x0;
	v22 =	vnsel vm9, $0x0, v22;
	v17 =	vsub.s32 v17, v60  }
0x45: {  	v23 =	vsub.s32 v23, v36;
	v26 =	vnsel vm11, $0x0, v26;
	v7 =	vnsel vm10, $0x0, v1  }
0x46: {  	v5 =	vnsel vm12, $0x0, v3;
	v3 =	vnsel vm14, $0x0, v31;
	v1 =	vnsel vm8, $0x0, v33  }
0x47: {  	v34 =	vshll.u32 v4, $0x3;
	vm10 =	vgt.s32 v25, $0x0;
	vm12 =	vgt.s32 v27, $0x0  }
0x48: {  	vm14 =	vgt.s32 v29, $0x0;
	v28 =	vnsel vm13, $0x0, v28;
	v39 =	vshll.u32 v17, $0x8  }
0x49: {  	v17 =	vshll.u32 v17, $0x4;
	v46 =	vshll.u32 v23, $0x4;
	v31 =	vshll.u32 v7, $0x3  }
0x4a: {  	v61 =	vshll.u32 v5, $0x3;
	v35 =	vshll.u32 v3, $0x3;
	v37 =	vshll.u32 v1, $0x3  }
0x4b: {  	v25 =	vnsel vm10, $0x0, v25;
	v20 =	vsub.s32 v20, v34;
	v27 =	vnsel vm12, $0x0, v27  }
0x4c: {  	v29 =	vnsel vm14, $0x0, v29;
	v62 =	vsub.s32 v13, v34;
	v16 =	vsub.s32 v16, v31  }
0x4d: {  	v19 =	vsub.s32 v19, v61;
	v21 =	vsub.s32 v21, v35;
	v24 =	vsub.s32 v24, v37  }
0x4e: {  	v42 =	vshll.u32 v20, $0x8;
	v43 =	vshll.u32 v20, $0x4;
	v10 =	vsub.s32 v10, v31  }
0x4f: {  	v20 =	vsub.s32 v25, v60;
	v25 =	vsub.s32 v11, v60;
	v13 =	vsub.s32 v28, v35  }
0x50: {  	v63 =	vsub.s32 v14, v35;
	v14 =	vsub.s32 v29, v36;
	v29 =	vsub.s32 v15, v36  }
0x51: {  	v28 =	vsub.s32 v30, v37;
	v30 =	vsub.s32 v18, v37;
	v38 =	vadd.s32 $0x1, v16  }
0x52: {  	v16 =	vshll.u32 v16, $0x4;
	v40 =	vshll.u32 v19, $0x8;
	v41 =	vshll.u32 v19, $0x4  }
0x53: {  	v44 =	vshll.u32 v21, $0x8;
	v45 =	vshll.u32 v21, $0x4;
	v19 =	vsub.s32 v22, v31  }
0x54: {  	v31 =	vshll.u32 v23, $0x8;
	v11 =	vshll.u32 v24, $0x8;
	v24 =	vshll.u32 v24, $0x4  }
0x55: {  	s1 =	simm.s32 $0x1040;
	v21 =	vsub.s32 v26, v61;
	v26 =	vsub.s32 v12, v61;
	v12 =	vsub.s32 v27, v34  }
0x56: {  	s0 =	simm.s32 $0x840;
	[tilespmem:s1+$0x30] =	vst v9;
	v20 =	vor.u32 v20, v17;
	v23 =	vadd.s32 $0x100, v39;
	v17 =	vadd.s32 $0x100, v42  }
0x57: {  	[tilespmem:s0+$0x30] =	vst v8;
	v27 =	vadd.s32 $0x2, v10;
	v9 =	vshll.u32 v29, $0xC;
	v8 =	vshll.u32 v30, $0xC  }
0x58: {  	v19 =	vor.u32 v19, v16;
	v22 =	vshll.u32 v38, $0x8;
	v18 =	vor.u32 v21, v41  }
0x59: {  	v21 =	vadd.s32 $0x100, v40;
	v15 =	vor.u32 v12, v43;
	v13 =	vor.u32 v13, v45  }
0x5a: {  	v16 =	vadd.s32 $0x100, v44;
	v12 =	vor.u32 v14, v46;
	v14 =	vadd.s32 $0x100, v31  }
0x5b: {  	v10 =	vor.u32 v28, v24;
	v11 =	vadd.s32 $0x100, v11;
	v28 =	vshll.u32 v25, $0xC  }
0x5c: {  	s8 =	simm.s32 $0x0;
	s9 =	simm.s32 $0xC0;
	v26 =	vshll.u32 v26, $0xC;
	v25 =	vshll.u32 v62, $0xC;
	v24 =	vshll.u32 v63, $0xC  }
.LBB2_2:
0x5d: {  	v29 =	vld [tilespmem:s9+$0x30];
	v19 =	vor.u32 v22, v19;
	v20 =	vor.u32 v23, v20;
	v18 =	vor.u32 v21, v18  }
0x5e: {  	s8 =	sadd.s32 $0x8, s8;
	v15 =	vor.u32 v17, v15;
	v13 =	vor.u32 v16, v13;
	v12 =	vor.u32 v14, v12;
	v21 =	vld [tilespmem:s9+$0xFFFFFFD0]  }
0x5f: {  	v16 =	vshll.u32 v27, $0xC;
	v17 =	vadd.s32 $0x2000, v28;
	v10 =	vor.u32 v11, v10;
	p0 =	slt.u32 s8, $0x78;
	v14 =	vld [tilespmem:s9+$0xFFFFFFE0]  }
0x60: {  	v22 =	vadd.s32 $0x2000, v26;
	v23 =	vadd.s32 $0x2000, v25;
	v24 =	vadd.s32 $0x2000, v24;
	v11 =	vld [tilespmem:s9+$0xFFFFFFF0]  }
0x61: {  	v9 =	vadd.s32 $0x2000, v9;
	v8 =	vadd.s32 $0x2000, v8;
	v16 =	vor.u32 v16, v19;
	v25 =	vld [tilespmem:s9+$0x0]  }
0x62: {  	v19 =	vld [tilespmem:s9+$0x10];
	v26 =	vmul.f32 $9.999990000e+05, v29;
	[tilespmem:s1+$0xFFFFFFC0] =	vst v16;
	v16 =	vor.u32 v17, v20;
	v17 =	vor.u32 v22, v18  }
0x63: {  	v13 =	vor.u32 v24, v13;
	v18 =	vmul.f32 $9.999990000e+05, v21;
	v20 =	vld [tilespmem:s9+$0x20];
	[tilespmem:s0+$0xFFFFFFC0] =	vst v7;
	v7 =	vor.u32 v23, v15  }
0x64: {  	v9 =	vor.u32 v9, v12;
	v15 =	vld [tilespmem:s9+$0xFFFFFFC0];
	v14 =	vmul.f32 $9.999990000e+05, v14;
	v21 =	vtrunc.f32 v26;
	[tilespmem:s1+$0xFFFFFFD0] =	vst v16  }
0x65: {  	v11 =	vmul.f32 $9.999990000e+05, v11;
	v12 =	vcvt.f32.s32 v21;
	[tilespmem:s0+$0xFFFFFFD0] =	vst v6;
	v6 =	vor.u32 v8, v10  }
0x66: {  	v8 =	vtrunc.f32 v18;
	v10 =	vmul.f32 $9.999990000e+05, v25;
	[tilespmem:s1+$0xFFFFFFE0] =	vst v17  }
0x67: {  	v14 =	vtrunc.f32 v14;
	v16 =	vmul.f32 $9.999990000e+05, v19;
	vm0 =	vgt.s32 v12, $0x0;
	[tilespmem:s0+$0xFFFFFFE0] =	vst v5  }
0x68: {  	v5 =	vtrunc.f32 v11;
	v11 =	vmul.f32 $9.999990000e+05, v20;
	v12 =	vnsel vm0, $0x0, v12;
	[tilespmem:s1+$0xFFFFFFF0] =	vst v7  }
0x69: {  	v10 =	vtrunc.f32 v10;
	v7 =	vmul.f32 $9.999990000e+05, v15;
	v15 =	vmin.u32 v12, $0xF423F;
	[tilespmem:s0+$0xFFFFFFF0] =	vst v4  }
0x6a: {  	v4 =	vtrunc.f32 v16;
	v11 =	vtrunc.f32 v11;
	v16 =	vadd.s32 $0xFFFFFFFF, v15;
	[tilespmem:s1+$0x0] =	vst v13  }
0x6b: {  	v8 =	vcvt.f32.s32 v8;
	v7 =	vtrunc.f32 v7;
	v13 =	vshra.s32 v16, $0x3;
	[tilespmem:s0+$0x0] =	vst v3  }
0x6c: {  	v3 =	vcvt.f32.s32 v7;
	v7 =	vcvt.f32.s32 v14;
	vm0 =	vgt.s32 v13, $0x0;
	[tilespmem:s1+$0x10] =	vst v9  }
0x6d: {  	v5 =	vcvt.f32.s32 v5;
	v9 =	vnsel vm0, $0x0, v13;
	vm0 =	vgt.s32 v16, $0x0;
	[tilespmem:s0+$0x10] =	vst v2  }
0x6e: {  	v2 =	vcvt.f32.s32 v10;
	v10 =	vshll.u32 v9, $0x3;
	v13 =	vnsel vm0, $0x0, v16;
	[tilespmem:s1+$0x20] =	vst v6  }
0x6f: {  	v12 =	vmin.u32 v12, $0xF423D;
	v6 =	vsub.s32 v13, v10;
	v13 =	vsub.s32 v15, v10;
	[tilespmem:s0+$0x20] =	vst v1  }
0x70: {  	v10 =	vsub.s32 v12, v10;
	v1 =	vshll.u32 v13, $0x8;
	v12 =	vshll.u32 v13, $0x4  }
0x71: {  	v10 =	vshll.u32 v10, $0xC;
	v6 =	vor.u32 v6, v12;
	v1 =	vadd.s32 $0x100, v1  }
0x72: {  	v4 =	vcvt.f32.s32 v4;
	v1 =	vor.u32 v1, v6;
	v6 =	vadd.s32 $0x2000, v10  }
0x73: {  	vm0 =	vgt.s32 v3, $0x0;
	s1 =	sadd.s32 $0x80, s1;
	v10 =	vcvt.f32.s32 v11;
	v1 =	vor.u32 v6, v1  }
0x74: {  	vm1 =	vgt.s32 v8, $0x0;
	vm3 =	vgt.s32 v5, $0x0;
	vm2 =	vgt.s32 v7, $0x0;
	s0 =	sadd.s32 $0x80, s0;
	[tilespmem:s1+$0x30] =	vst v1  }
0x75: {  	vm5 =	vgt.s32 v4, $0x0;
	vm4 =	vgt.s32 v2, $0x0;
	vm6 =	vgt.s32 v10, $0x0;
	[tilespmem:s0+$0x30] =	vst v9  }
0x76: {  	v8 =	vnsel vm1, $0x0, v8;
	v11 =	vnsel vm2, $0x0, v7;
	v9 =	vnsel vm0, $0x0, v3  }
0x77: {  	v14 =	vnsel vm5, $0x0, v4;
	v13 =	vnsel vm4, $0x0, v2;
	v12 =	vnsel vm3, $0x0, v5  }
0x78: {  	v16 =	vmin.u32 v8, $0xF423F;
	v10 =	vnsel vm6, $0x0, v10;
	v15 =	vmin.u32 v9, $0xF423F  }
0x79: {  	v19 =	vmin.u32 v13, $0xF423F;
	v18 =	vmin.u32 v12, $0xF423F;
	v17 =	vmin.u32 v11, $0xF423F  }
0x7a: {  	v21 =	vmin.u32 v14, $0xF423F;
	v22 =	vmin.u32 v10, $0xF423F;
	v20 =	vadd.s32 $0xFFFFFFFF, v15  }
0x7b: {  	v23 =	vadd.s32 $0xFFFFFFFF, v16;
	v25 =	vadd.s32 $0xFFFFFFFF, v18;
	v24 =	vadd.s32 $0xFFFFFFFF, v17  }
0x7c: {  	v27 =	vadd.s32 $0xFFFFFFFF, v21;
	v26 =	vadd.s32 $0xFFFFFFFF, v19;
	v28 =	vadd.s32 $0xFFFFFFFF, v22  }
0x7d: {  	v2 =	vshra.s32 v23, $0x3;
	v3 =	vshra.s32 v24, $0x3;
	v1 =	vshra.s32 v20, $0x3  }
0x7e: {  	v30 =	vshra.s32 v27, $0x3;
	v29 =	vshra.s32 v26, $0x3;
	v4 =	vshra.s32 v25, $0x3  }
0x7f: {  	vm1 =	vgt.s32 v2, $0x0;
	v31 =	vshra.s32 v28, $0x3;
	vm0 =	vgt.s32 v1, $0x0  }
0x80: {  	vm4 =	vgt.s32 v29, $0x0;
	vm3 =	vgt.s32 v4, $0x0;
	vm2 =	vgt.s32 v3, $0x0  }
0x81: {  	vm5 =	vgt.s32 v31, $0x0;
	v7 =	vnsel vm0, $0x0, v1;
	vm0 =	vgt.s32 v30, $0x0  }
0x82: {  	v6 =	vnsel vm1, $0x0, v2;
	v4 =	vnsel vm3, $0x0, v4;
	v5 =	vnsel vm2, $0x0, v3  }
0x83: {  	v3 =	vnsel vm4, $0x0, v29;
	v1 =	vnsel vm5, $0x0, v31;
	v2 =	vnsel vm0, $0x0, v30  }
0x84: {  	v31 =	vshll.u32 v5, $0x3;
	v29 =	vshll.u32 v7, $0x3;
	v30 =	vshll.u32 v6, $0x3  }
0x85: {  	v32 =	vshll.u32 v4, $0x3;
	v33 =	vshll.u32 v3, $0x3;
	v34 =	vshll.u32 v2, $0x3  }
0x86: {  	vm1 =	vgt.s32 v23, $0x0;
	vm0 =	vgt.s32 v20, $0x0;
	v35 =	vshll.u32 v1, $0x3  }
0x87: {  	vm3 =	vgt.s32 v25, $0x0;
	vm2 =	vgt.s32 v24, $0x0;
	vm4 =	vgt.s32 v26, $0x0  }
0x88: {  	vm6 =	vgt.s32 v28, $0x0;
	vm5 =	vgt.s32 v27, $0x0;
	v15 =	vsub.s32 v15, v29  }
0x89: {  	v18 =	vsub.s32 v18, v32;
	v17 =	vsub.s32 v17, v31;
	v16 =	vsub.s32 v16, v30  }
0x8a: {  	v19 =	vsub.s32 v19, v33;
	v22 =	vsub.s32 v22, v35;
	v21 =	vsub.s32 v21, v34  }
0x8b: {  	v23 =	vnsel vm1, $0x0, v23;
	v24 =	vnsel vm2, $0x0, v24;
	v20 =	vnsel vm0, $0x0, v20  }
0x8c: {  	v25 =	vnsel vm3, $0x0, v25;
	v26 =	vnsel vm4, $0x0, v26;
	v27 =	vnsel vm5, $0x0, v27  }
0x8d: {  	v8 =	vmin.u32 v8, $0xF423D;
	v9 =	vmin.u32 v9, $0xF423D;
	v28 =	vnsel vm6, $0x0, v28  }
0x8e: {  	v13 =	vmin.u32 v13, $0xF423D;
	v12 =	vmin.u32 v12, $0xF423D;
	v11 =	vmin.u32 v11, $0xF423D  }
0x8f: {  	v14 =	vmin.u32 v14, $0xF423D;
	v10 =	vmin.u32 v10, $0xF423D;
	v36 =	vadd.s32 $0x1, v15  }
0x90: {  	v15 =	vshll.u32 v15, $0x4;
	v37 =	vshll.u32 v16, $0x8;
	v16 =	vshll.u32 v16, $0x4  }
0x91: {  	v39 =	vshll.u32 v18, $0x8;
	v38 =	vshll.u32 v17, $0x8;
	v17 =	vshll.u32 v17, $0x4  }
0x92: {  	v40 =	vshll.u32 v18, $0x4;
	v41 =	vshll.u32 v19, $0x8;
	v42 =	vshll.u32 v19, $0x4  }
0x93: {  	v45 =	vshll.u32 v22, $0x8;
	v43 =	vshll.u32 v21, $0x8;
	v44 =	vshll.u32 v21, $0x4  }
0x94: {  	v9 =	vsub.s32 v9, v29;
	v18 =	vsub.s32 v20, v29;
	v29 =	vshll.u32 v22, $0x4  }
0x95: {  	v8 =	vsub.s32 v8, v30;
	v20 =	vsub.s32 v23, v30;
	v21 =	vsub.s32 v24, v31  }
0x96: {  	v24 =	vsub.s32 v11, v31;
	v11 =	vsub.s32 v25, v32;
	v25 =	vsub.s32 v12, v32  }
0x97: {  	v30 =	vsub.s32 v13, v33;
	v12 =	vsub.s32 v26, v33;
	v26 =	vsub.s32 v27, v34  }
0x98: {  	v28 =	vsub.s32 v28, v35;
	v31 =	vsub.s32 v14, v34;
	v32 =	vsub.s32 v10, v35  }
0x99: {  	v19 =	vor.u32 v18, v15;
	v22 =	vshll.u32 v36, $0x8;
	v20 =	vor.u32 v20, v16  }
0x9a: {  	v23 =	vadd.s32 $0x100, v37;
	v18 =	vor.u32 v21, v17;
	v21 =	vadd.s32 $0x100, v38  }
.Ltmp0:
0x9b: {  	v15 =	vor.u32 v11, v40;
	v17 =	vadd.s32 $0x100, v39;
	v13 =	vor.u32 v12, v42;
	(pc) =	sbr.rel @p0 .LBB2_2-.Ltmp0, $4  }
0x9c: {  	v16 =	vadd.s32 $0x100, v41;
	v12 =	vor.u32 v26, v44;
	v14 =	vadd.s32 $0x100, v43  }
0x9d: {  	v27 =	vadd.s32 $0x2, v9;
	v10 =	vor.u32 v28, v29;
	v11 =	vadd.s32 $0x100, v45  }
0x9e: {  	v28 =	vshll.u32 v8, $0xC;
	v26 =	vshll.u32 v24, $0xC;
	v25 =	vshll.u32 v25, $0xC  }
0x9f: {  	s9 =	sadd.s32 $0x80, s9;
	v24 =	vshll.u32 v30, $0xC;
	v9 =	vshll.u32 v31, $0xC;
	v8 =	vshll.u32 v32, $0xC  }
0xa0: {  	v19 =	vor.u32 v22, v19;
	v22 =	vshll.u32 v27, $0xC  }
0xa1: {  	v19 =	vor.u32 v22, v19  }
0xa2: {  	v20 =	vor.u32 v23, v20;
	v22 =	vadd.s32 $0x2000, v28;
	[tilespmem:s1+$0xFFFFFFC0] =	vst v19  }
0xa3: {  	v19 =	vor.u32 v22, v20;
	[tilespmem:s0+$0xFFFFFFC0] =	vst v7  }
0xa4: {  	v7 =	vor.u32 v21, v18;
	v18 =	vadd.s32 $0x2000, v26;
	[tilespmem:s1+$0xFFFFFFD0] =	vst v19  }
0xa5: {  	v7 =	vor.u32 v18, v7;
	[tilespmem:s0+$0xFFFFFFD0] =	vst v6  }
0xa6: {  	v6 =	vor.u32 v17, v15;
	v15 =	vadd.s32 $0x2000, v25;
	[tilespmem:s1+$0xFFFFFFE0] =	vst v7  }
0xa7: {  	v6 =	vor.u32 v15, v6;
	[tilespmem:s0+$0xFFFFFFE0] =	vst v5  }
0xa8: {  	v7 =	vadd.s32 $0x2000, v24;
	v5 =	vor.u32 v16, v13;
	[tilespmem:s1+$0xFFFFFFF0] =	vst v6  }
0xa9: {  	v5 =	vor.u32 v7, v5;
	[tilespmem:s0+$0xFFFFFFF0] =	vst v4  }
0xaa: {  	v6 =	vadd.s32 $0x2000, v9;
	v4 =	vor.u32 v14, v12;
	[tilespmem:s1+$0x0] =	vst v5  }
0xab: {  	v4 =	vor.u32 v6, v4;
	[tilespmem:s0+$0x0] =	vst v3  }
0xac: {  	v5 =	vadd.s32 $0x2000, v8;
	v3 =	vor.u32 v11, v10;
	[tilespmem:s1+$0x10] =	vst v4  }
0xad: {  	v3 =	vor.u32 v5, v3;
	[tilespmem:s0+$0x10] =	vst v2  }
0xae: {  	[tilespmem:s1+$0x20] =	vst v3  }
0xaf: {  	s16 =	simm.s32 $0x800;
	[tilespmem:s0+$0x20] =	vst v1  }
0xb0: {  	[tilespmem:s15], [sflag:$0x1] =	stream.indirect.gather [hbm4b:s5+s13], $0x10, s16, s13, $0xb8;
	[tilespmem:$0x18000] =	vst v63  }
0xb1: {  	s18 =	simm.s32 $0x880;
	s20 =	simm.s32 $0x4000  }
0xb2: {  	[tilespmem:s20], [sflag:$0x1] =	stream.indirect.gather [hbm4b:s5+s13], $0x10, s18, s13, $0xb8;
	[tilespmem:$0x18000] =	vst v63  }
0xb3: {  	s21 =	simm.s32 $0x900;
	s23 =	simm.s32 $0x4800  }
0xb4: {  	[tilespmem:s23], [sflag:$0x1] =	stream.indirect.gather [hbm4b:s5+s13], $0x10, s21, s13, $0xb8;
	[tilespmem:$0x18000] =	vst v63  }
0xb5: {  	s25 =	simm.s32 $0x980;
	s31 =	simm.s32 $0x5000  }
0xb6: {  	[tilespmem:s31], [sflag:$0x1] =	stream.indirect.gather [hbm4b:s5+s13], $0x10, s25, s13, $0xb8;
	[tilespmem:$0x18000] =	vst v63  }
0xb7: {  	s7 =	simm.s32 $0xA00;
	s8 =	simm.s32 $0x5800  }
0xb8: {  	[tilespmem:s8], [sflag:$0x1] =	stream.indirect.gather [hbm4b:s5+s13], $0x10, s7, s13, $0xb8;
	[tilespmem:$0x18000] =	vst v63  }
0xb9: {  	s9 =	simm.s32 $0xA80;
	s10 =	simm.s32 $0x6000  }
0xba: {  	[tilespmem:s10], [sflag:$0x1] =	stream.indirect.gather [hbm4b:s5+s13], $0x10, s9, s13, $0xb8;
	[tilespmem:$0x18000] =	vst v63  }
0xbb: {  	s11 =	simm.s32 $0xB00;
	s16 =	simm.s32 $0x6800  }
0xbc: {  	[tilespmem:s16], [sflag:$0x1] =	stream.indirect.gather [hbm4b:s5+s13], $0x10, s11, s13, $0xb8;
	[tilespmem:$0x18000] =	vst v63  }
0xbd: {  	s18 =	simm.s32 $0xB80;
	s20 =	simm.s32 $0x7000  }
0xbe: {  	[tilespmem:s20], [sflag:$0x1] =	stream.indirect.gather [hbm4b:s5+s13], $0x10, s18, s13, $0xb8;
	[tilespmem:$0x18000] =	vst v63  }
0xbf: {  	s21 =	simm.s32 $0xC00;
	s23 =	simm.s32 $0x7800  }
0xc0: {  	[tilespmem:s23], [sflag:$0x1] =	stream.indirect.gather [hbm4b:s5+s13], $0x10, s21, s13, $0xb8;
	[tilespmem:$0x18000] =	vst v63  }
0xc1: {  	s25 =	simm.s32 $0xC80;
	s31 =	simm.s32 $0x8000  }
0xc2: {  	[tilespmem:s31], [sflag:$0x1] =	stream.indirect.gather [hbm4b:s5+s13], $0x10, s25, s13, $0xb8;
	[tilespmem:$0x18000] =	vst v63  }
0xc3: {  	s1 =	simm.s32 $0xD00;
	s7 =	simm.s32 $0x8800  }
0xc4: {  	[tilespmem:s7], [sflag:$0x1] =	stream.indirect.gather [hbm4b:s5+s13], $0x10, s1, s13, $0xb8;
	[tilespmem:$0x18000] =	vst v63  }
0xc5: {  	s8 =	simm.s32 $0xD80;
	s9 =	simm.s32 $0x9000  }
0xc6: {  	[tilespmem:s9], [sflag:$0x1] =	stream.indirect.gather [hbm4b:s5+s13], $0x10, s8, s13, $0xb8;
	[tilespmem:$0x18000] =	vst v63  }
0xc7: {  	s10 =	simm.s32 $0xE00;
	s11 =	simm.s32 $0x9800  }
0xc8: {  	[tilespmem:s11], [sflag:$0x1] =	stream.indirect.gather [hbm4b:s5+s13], $0x10, s10, s13, $0xb8;
	[tilespmem:$0x18000] =	vst v63  }
0xc9: {  	s16 =	simm.s32 $0xE80;
	s18 =	simm.s32 $0xA000  }
0xca: {  	[tilespmem:s18], [sflag:$0x1] =	stream.indirect.gather [hbm4b:s5+s13], $0x10, s16, s13, $0xb8;
	[tilespmem:$0x18000] =	vst v63  }
0xcb: {  	s20 =	simm.s32 $0xF00;
	s21 =	simm.s32 $0xA800  }
0xcc: {  	[tilespmem:s21], [sflag:$0x1] =	stream.indirect.gather [hbm4b:s5+s13], $0x10, s20, s13, $0xb8;
	[tilespmem:$0x18000] =	vst v63  }
0xcd: {  	s23 =	simm.s32 $0xF80;
	s25 =	simm.s32 $0xB000;
	s31 =	simm.s32 $0x40  }
0xce: {  	[tilespmem:s25], [sflag:$0x1] =	stream.indirect.gather [hbm4b:s5+s13], $0x10, s23, s13, $0xb8;
	[tilespmem:$0x18000] =	vst v63  }
0xcf: {  	v1 =	vld [tilespmem:s31+$0xFFFFFFD0]  }
0xd0: {  	v2 =	vld [tilespmem:s31+$0x20]  }
0xd1: {  	v3 =	vld [tilespmem:s31+$0xFFFFFFC0]  }
0xd2: {  	v4 =	vld [tilespmem:s31+$0x30]  }
0xd3: {  	v5 =	vld [tilespmem:s31+$0xFFFFFFF0]  }
0xd4: {  	v8 =	vld [tilespmem:s31+$0x10]  }
0xd5: {  	v13 =	vld [tilespmem:s31+$0xFFFFFFE0];
	_ =	sdelay $0x1  }
0xd6: {  	v1 =	vmul.f32 $9.999990000e+05, v1;
	v6 =	vmul.f32 $9.999990000e+05, v3  }
0xd7: {  	v2 =	vmul.f32 $9.999990000e+05, v2;
	v4 =	vmul.f32 $9.999990000e+05, v4  }
0xd8: {  	v5 =	vmul.f32 $9.999990000e+05, v5;
	v8 =	vmul.f32 $9.999990000e+05, v8  }
0xd9: {  	v3 =	vld [tilespmem:s31+$0x0];
	v13 =	vmul.f32 $9.999990000e+05, v13;
	v7 =	vtrunc.f32 v1  }
0xda: {  	v9 =	vtrunc.f32 v6;
	v10 =	vtrunc.f32 v4  }
0xdb: {  	v11 =	vtrunc.f32 v2;
	v12 =	vtrunc.f32 v5  }
0xdc: {  	v18 =	vtrunc.f32 v13;
	v10 =	vcvt.f32.s32 v10  }
0xdd: {  	v7 =	vcvt.f32.s32 v7;
	v11 =	vcvt.f32.s32 v11  }
0xde: {  	v9 =	vcvt.f32.s32 v9;
	v3 =	vmul.f32 $9.999990000e+05, v3  }
0xdf: {  	v10 =	vcvt.s32.f32 v10;
	v7 =	vcvt.s32.f32 v7  }
0xe0: {  	v9 =	vcvt.s32.f32 v9;
	v14 =	vtrunc.f32 v3  }
0xe1: {  	v4 =	vsub.f32 v4, v10;
	v1 =	vsub.f32 v1, v7;
	v7 =	vcvt.s32.f32 v11  }
0xe2: {  	v10 =	vcvt.f32.s32 v12;
	v12 =	vtrunc.f32 v8  }
0xe3: {  	v11 =	vcvt.f32.s32 v14;
	v4 =	vmax.f32 v4, $0.0e+00;
	v1 =	vmax.f32 v1, $0.0e+00  }
0xe4: {  	v14 =	vmin.f32 v4, $9.999998800e-01;
	v15 =	vmin.f32 v1, $9.999998800e-01;
	v1 =	vcvt.s32.f32 v10  }
0xe5: {  	v4 =	vmul.f32 v14, v14;
	v10 =	vmul.f32 v15, v15  }
0xe6: {  	v16 =	vsub.f32 $1.000000000e+00, v14;
	v1 =	vsub.f32 v5, v1;
	v5 =	vcvt.s32.f32 v11  }
0xe7: {  	v11 =	vcvt.f32.s32 v18;
	v17 =	vmul.f32 v4, v14  }
0xe8: {  	v2 =	vsub.f32 v2, v7;
	v7 =	vmul.f32 $6.000000000e+00, v4;
	v18 =	vmul.f32 v16, v16  }
0xe9: {  	v22 =	vsub.f32 $1.000000000e+00, v15;
	v19 =	vmul.f32 v10, v15;
	v20 =	vmul.f32 $6.000000000e+00, v10  }
0xea: {  	v2 =	vmax.f32 v2, $0.0e+00;
	v26 =	vmul.f32 $3.000000000e+00, v4;
	v14 =	vmul.f32 $3.000000000e+00, v14  }
0xeb: {  	v31 =	vmul.f32 v22, v22;
	v1 =	vmax.f32 v1, $0.0e+00;
	v11 =	vcvt.s32.f32 v11  }
0xec: {  	v5 =	vsub.f32 v3, v5;
	v21 =	vmin.f32 v1, $9.999998800e-01;
	v1 =	vcvt.f32.s32 v12  }
0xed: {  	v12 =	vmul.f32 v18, v16;
	v16 =	vmin.f32 v2, $9.999998800e-01;
	v38 =	vmul.f32 $3.000000000e+00, v19  }
0xee: {  	v2 =	vmax.f32 v5, $0.0e+00;
	v5 =	vmul.f32 $3.000000000e+00, v17;
	v23 =	vmul.f32 v16, v16  }
0xef: {  	v3 =	vsub.f32 $1.000000000e+00, v21;
	v24 =	vmul.f32 v21, v21;
	v17 =	vmul.f32 $1.666666720e-01, v17  }
0xf0: {  	v18 =	vmul.f32 $1.666666720e-01, v12;
	v12 =	vmul.f32 $3.000000000e+00, v10;
	v10 =	vmin.f32 v2, $9.999998800e-01  }
0xf1: {  	v11 =	vsub.f32 v13, v11;
	v1 =	vcvt.s32.f32 v1;
	v25 =	vmul.f32 v10, v10  }
0xf2: {  	v53 =	vsub.f32 v38, v20;
	v2 =	vmul.f32 v23, v16;
	v4 =	vmul.f32 $3.000000000e+00, v10  }
0xf3: {  	v27 =	vsub.f32 $1.000000000e+00, v10;
	v28 =	vmul.f32 $3.000000000e+00, v23;
	v34 =	vmul.f32 v24, v21  }
0xf4: {  	v21 =	vmul.f32 $3.000000000e+00, v21;
	v11 =	vmax.f32 v11, $0.0e+00;
	v23 =	vmul.f32 $6.000000000e+00, v23  }
0xf5: {  	v8 =	vsub.f32 v8, v1;
	v52 =	vmin.f32 v11, $9.999998800e-01;
	v1 =	vmul.f32 v25, v10  }
0xf6: {  	v10 =	vsub.f32 v26, v5;
	v26 =	vmul.f32 $3.000000000e+00, v15;
	v15 =	vmul.f32 v27, v27  }
0xf7: {  	v5 =	vsub.f32 v5, v7;
	v7 =	vmul.f32 v3, v3;
	v37 =	vmul.f32 $3.000000000e+00, v34  }
0xf8: {  	s23 =	simm.s32 $0x1840;
	v56 =	vmul.f32 $3.000000000e+00, v2;
	v58 =	vmul.f32 v52, v52;
	v8 =	vmax.f32 v8, $0.0e+00  }
0xf9: {  	[tilespmem:s23+$0x30] =	vst v18;
	v62 =	vmul.f32 $3.000000000e+00, v52;
	v18 =	vmul.f32 $1.666666720e-01, v34;
	v29 =	vmin.f32 v8, $9.999998800e-01  }
0xfa: {  	v8 =	vadd.f32 v10, v14;
	v14 =	vmul.f32 $6.000000000e+00, v25;
	v30 =	vmul.f32 $3.000000000e+00, v1  }
0xfb: {  	v5 =	vadd.f32 $4.000000000e+00, v5;
	v10 =	vmul.f32 $3.000000000e+00, v24;
	v24 =	vmul.f32 $6.000000000e+00, v24  }
0xfc: {  	v12 =	vsub.f32 v12, v38;
	v27 =	vmul.f32 v15, v27;
	v25 =	vmul.f32 $3.000000000e+00, v25  }
0xfd: {  	v59 =	vmul.f32 $6.000000000e+00, v58;
	v32 =	vmul.f32 $1.666666720e-01, v5;
	v5 =	vsub.f32 v6, v9  }
0xfe: {  	v35 =	vmul.f32 v29, v29;
	v8 =	vadd.f32 $1.000000000e+00, v8;
	v6 =	vmul.f32 $3.000000000e+00, v29  }
0xff: {  	v9 =	vsub.f32 $1.000000000e+00, v16;
	v54 =	vsub.f32 v30, v14;
	v5 =	vmax.f32 v5, $0.0e+00  }
0x100: {  	v14 =	vmul.f32 v31, v22;
	v16 =	vmul.f32 $3.000000000e+00, v16;
	v5 =	vmin.f32 v5, $9.999998800e-01  }
0x101: {  	v10 =	vsub.f32 v10, v37;
	v27 =	vmul.f32 $1.666666720e-01, v27;
	v36 =	vmul.f32 v5, v5  }
0x102: {  	v22 =	vsub.f32 $1.000000000e+00, v52;
	v20 =	vmul.f32 $6.000000000e+00, v35;
	v13 =	vmul.f32 v9, v9  }
0x103: {  	v24 =	vsub.f32 v37, v24;
	v33 =	vmul.f32 $1.666666720e-01, v8;
	v39 =	vmul.f32 v36, v5  }
0x104: {  	v8 =	vsub.f32 $1.000000000e+00, v29;
	v13 =	vmul.f32 v13, v9;
	v9 =	vmul.f32 v35, v29  }
0x105: {  	v10 =	vadd.f32 v10, v21;
	v41 =	vmul.f32 $3.000000000e+00, v36;
	v42 =	vmul.f32 $3.000000000e+00, v39  }
0x106: {  	v57 =	vmul.f32 $1.666666720e-01, v14;
	v40 =	vsub.f32 $1.000000000e+00, v5;
	v43 =	vmul.f32 $3.000000000e+00, v9  }
0x107: {  	v21 =	vmul.f32 $3.000000000e+00, v5;
	v29 =	vmul.f32 $1.666666720e-01, v13;
	v13 =	vsub.f32 v41, v42  }
0x108: {  	v10 =	vadd.f32 $1.000000000e+00, v10;
	v14 =	vsub.f32 v43, v20;
	v20 =	vmul.f32 $1.666666720e-01, v19  }
0x109: {  	v19 =	vadd.f32 $4.000000000e+00, v53;
	v11 =	vadd.f32 v13, v21;
	v21 =	vmul.f32 $3.000000000e+00, v35  }
0x10a: {  	v24 =	vadd.f32 $4.000000000e+00, v24;
	v10 =	vmul.f32 $1.666666720e-01, v10;
	v55 =	vmul.f32 v40, v40  }
0x10b: {  	v19 =	vmul.f32 $1.666666720e-01, v19;
	v15 =	vsub.f32 v21, v43;
	v21 =	vadd.f32 v12, v26  }
0x10c: {  	s25 =	simm.s32 $0x2040;
	[tilespmem:s23+$0xFFFFFFD0] =	vst v57;
	v13 =	vmul.f32 $6.000000000e+00, v36;
	v36 =	vadd.f32 $4.000000000e+00, v54;
	v12 =	vmul.f32 v58, v52  }
0x10d: {  	[tilespmem:s25+$0xFFFFFFD0] =	vst v19;
	v19 =	vsub.f32 v25, v30;
	v26 =	vmul.f32 v22, v22;
	v21 =	vadd.f32 $1.000000000e+00, v21  }
0x10e: {  	v13 =	vsub.f32 v42, v13;
	v42 =	vmul.f32 $3.000000000e+00, v58;
	v60 =	vmul.f32 $3.000000000e+00, v12  }
0x10f: {  	v26 =	vmul.f32 v26, v22;
	v22 =	vmul.f32 $1.666666720e-01, v21;
	v21 =	vsub.f32 v28, v56  }
0x110: {  	s9 =	simm.s32 $0x2840;
	[tilespmem:s25+$0x30] =	vst v32;
	v31 =	vmul.f32 v55, v40;
	v28 =	vsub.f32 v60, v59;
	v61 =	vsub.f32 v42, v60  }
0x111: {  	s21 =	simm.s32 $0x3040;
	[tilespmem:s9+$0x30] =	vst v33;
	v5 =	vmul.f32 $1.666666720e-01, v39;
	v11 =	vadd.f32 $1.000000000e+00, v11;
	v16 =	vadd.f32 v21, v16  }
0x112: {  	[tilespmem:s21+$0x30] =	vst v17;
	v17 =	vadd.f32 $4.000000000e+00, v28;
	v21 =	vadd.f32 v61, v62;
	v28 =	vmul.f32 $1.666666720e-01, v31  }
0x113: {  	v25 =	vmul.f32 v8, v8;
	v11 =	vmul.f32 $1.666666720e-01, v11;
	v63 =	vadd.f32 $1.000000000e+00, v16  }
0x114: {  	v16 =	vmul.f32 $1.666666720e-01, v17;
	v17 =	vadd.f32 $1.000000000e+00, v21;
	[tilespmem:s23+$0xFFFFFFC0] =	vst v28;
	v28 =	vsub.f32 v56, v23  }
0x115: {  	s28 =	simm.s32 $0x28C0;
	s29 =	simm.s32 $0x30C0;
	s30 =	simm.s32 $0x1840;
	[tilespmem:s23+$0x0] =	vst v27;
	v13 =	vadd.f32 $4.000000000e+00, v13;
	v26 =	vmul.f32 $1.666666720e-01, v26;
	v21 =	vmul.f32 $1.666666720e-01, v36  }
0x116: {  	s0 =	simm.s32 $0x0;
	s1 =	simm.s32 $0x2040;
	s8 =	simm.s32 $0xC0;
	[tilespmem:s23+$0x20] =	vst v29;
	v17 =	vmul.f32 $1.666666720e-01, v17;
	v23 =	vmul.f32 $1.666666720e-01, v63;
	v27 =	vadd.f32 $4.000000000e+00, v28  }
.LBB2_4:
0x117: {  	v28 =	vld [tilespmem:s8+$0xFFFFFFD0];
	s0 =	sadd.s32 $0x8, s0;
	[tilespmem:s23+$0xFFFFFFE0] =	vst v26;
	v3 =	vmul.f32 v7, v3;
	v6 =	vadd.f32 v15, v6;
	v7 =	vmul.f32 $1.666666720e-01, v9;
	s30 =	sadd.s32 $0x80, s30;
	s25 =	sadd.s32 $0x80, s25  }
0x118: {  	v9 =	vld [tilespmem:s8+$0x20];
	p0 =	slt.u32 s0, $0x78;
	[tilespmem:s9+$0xFFFFFFD0] =	vst v22;
	v4 =	vadd.f32 v19, v4;
	v8 =	vmul.f32 v25, v8;
	v15 =	vmul.f32 $1.666666720e-01, v27  }
0x119: {  	v1 =	vmul.f32 $1.666666720e-01, v1;
	v19 =	vld [tilespmem:s8+$0xFFFFFFC0];
	[tilespmem:s21+$0xFFFFFFD0] =	vst v20;
	v3 =	vmul.f32 $1.666666720e-01, v3;
	v6 =	vadd.f32 $1.000000000e+00, v6  }
0x11a: {  	v22 =	vmul.f32 $1.666666720e-01, v24;
	v20 =	vld [tilespmem:s8+$0x30];
	v4 =	vadd.f32 $1.000000000e+00, v4;
	v8 =	vmul.f32 $1.666666720e-01, v8;
	[tilespmem:s1+$0x20] =	vst v15  }
0x11b: {  	v13 =	vmul.f32 $1.666666720e-01, v13;
	v2 =	vmul.f32 $1.666666720e-01, v2;
	v15 =	vld [tilespmem:s8+$0xFFFFFFF0];
	[tilespmem:s23+$0xFFFFFFF0] =	vst v3;
	v3 =	vadd.f32 $4.000000000e+00, v14  }
0x11c: {  	v14 =	vmul.f32 $9.999990000e+05, v28;
	v24 =	vld [tilespmem:s8+$0xFFFFFFE0];
	v4 =	vmul.f32 $1.666666720e-01, v4;
	[tilespmem:s9+$0x20] =	vst v23  }
0x11d: {  	v23 =	vld [tilespmem:s8+$0x10];
	[tilespmem:s1+$0xFFFFFFF0] =	vst v22;
	v3 =	vmul.f32 $1.666666720e-01, v3;
	v22 =	vmul.f32 $1.666666720e-01, v6  }
0x11e: {  	v12 =	vmul.f32 $1.666666720e-01, v12;
	v6 =	vmul.f32 $9.999990000e+05, v19;
	v19 =	vld [tilespmem:s8+$0x0];
	[tilespmem:s21+$0x20] =	vst v2  }
0x11f: {  	v2 =	vmul.f32 $9.999990000e+05, v9;
	v9 =	vmul.f32 $9.999990000e+05, v20;
	[tilespmem:s1+$0x0] =	vst v21  }
0x120: {  	v20 =	vtrunc.f32 v14;
	v15 =	vmul.f32 $9.999990000e+05, v15;
	[tilespmem:s9+$0xFFFFFFF0] =	vst v10  }
0x121: {  	v10 =	vtrunc.f32 v6;
	v21 =	vtrunc.f32 v9;
	[tilespmem:s21+$0xFFFFFFF0] =	vst v18  }
0x122: {  	v18 =	vtrunc.f32 v2;
	v21 =	vcvt.f32.s32 v21;
	[tilespmem:s1+$0xFFFFFFC0] =	vst v13  }
0x123: {  	v13 =	vcvt.f32.s32 v20;
	v18 =	vcvt.f32.s32 v18;
	[tilespmem:s9+$0xFFFFFFC0] =	vst v11  }
0x124: {  	v11 =	vmul.f32 $9.999990000e+05, v19;
	v19 =	vcvt.s32.f32 v21;
	[tilespmem:s23+$0x10] =	vst v8;
	s23 =	smov.u32 s30  }
0x125: {  	v8 =	vcvt.s32.f32 v13;
	v13 =	vtrunc.f32 v15;
	[tilespmem:s1+$0x10] =	vst v3  }
0x126: {  	v20 =	vmul.f32 $9.999990000e+05, v23;
	v3 =	vtrunc.f32 v11;
	v9 =	vsub.f32 v9, v19;
	[tilespmem:s1+$0xFFFFFFE0] =	vst v16;
	s1 =	smov.u32 s25  }
0x127: {  	v10 =	vcvt.f32.s32 v10;
	v8 =	vsub.f32 v14, v8;
	v14 =	vcvt.s32.f32 v18;
	[tilespmem:s9+$0xFFFFFFE0] =	vst v17  }
0x128: {  	v13 =	vcvt.f32.s32 v13;
	v3 =	vcvt.f32.s32 v3;
	v9 =	vmax.f32 v9, $0.0e+00;
	[tilespmem:s21+$0xFFFFFFC0] =	vst v5  }
0x129: {  	v5 =	vmax.f32 v8, $0.0e+00;
	v8 =	vtrunc.f32 v20;
	v9 =	vmin.f32 v9, $9.999998800e-01;
	[tilespmem:s9+$0x0] =	vst v4  }
0x12a: {  	v5 =	vmin.f32 v5, $9.999998800e-01;
	v4 =	vcvt.s32.f32 v13;
	v13 =	vmul.f32 v9, v9;
	[tilespmem:s9+$0x10] =	vst v22;
	s9 =	smov.u32 s28  }
0x12b: {  	v19 =	vmul.f32 $9.999990000e+05, v24;
	v17 =	vmul.f32 v5, v5;
	v18 =	vsub.f32 $1.000000000e+00, v9;
	[tilespmem:s21+$0x0] =	vst v1  }
0x12c: {  	v1 =	vsub.f32 v2, v14;
	v14 =	vmul.f32 v13, v9;
	v21 =	vmul.f32 $6.000000000e+00, v13;
	[tilespmem:s21+$0xFFFFFFE0] =	vst v12  }
0x12d: {  	v2 =	vtrunc.f32 v19;
	v4 =	vsub.f32 v15, v4;
	v12 =	vcvt.s32.f32 v3;
	[tilespmem:s21+$0x10] =	vst v7;
	s21 =	smov.u32 s29  }
0x12e: {  	v2 =	vcvt.f32.s32 v2;
	v3 =	vmul.f32 v18, v18;
	v1 =	vmax.f32 v1, $0.0e+00  }
0x12f: {  	v16 =	vmul.f32 v17, v5;
	v15 =	vmul.f32 $6.000000000e+00, v17;
	v4 =	vmax.f32 v4, $0.0e+00  }
0x130: {  	v22 =	vmin.f32 v4, $9.999998800e-01;
	v4 =	vcvt.f32.s32 v8;
	v7 =	vmul.f32 v3, v18  }
0x131: {  	v2 =	vcvt.s32.f32 v2;
	v8 =	vsub.f32 v11, v12;
	v3 =	vsub.f32 $1.000000000e+00, v22  }
0x132: {  	v18 =	vmin.f32 v1, $9.999998800e-01;
	v4 =	vcvt.s32.f32 v4;
	v11 =	vmul.f32 $1.666666720e-01, v7  }
0x133: {  	v12 =	vsub.f32 $1.000000000e+00, v5;
	v1 =	vmax.f32 v8, $0.0e+00;
	v7 =	vmul.f32 $3.000000000e+00, v14  }
0x134: {  	v23 =	vmul.f32 $3.000000000e+00, v17;
	v17 =	vmul.f32 v18, v18;
	v1 =	vmin.f32 v1, $9.999998800e-01  }
0x135: {  	v24 =	vmul.f32 v22, v22;
	v25 =	vmul.f32 v1, v1;
	v8 =	vsub.f32 v20, v4  }
0x136: {  	v13 =	vmul.f32 $3.000000000e+00, v13;
	v20 =	vsub.f32 v19, v2;
	v2 =	vmul.f32 v17, v18  }
0x137: {  	v9 =	vmul.f32 $3.000000000e+00, v9;
	v26 =	vsub.f32 $1.000000000e+00, v1;
	v4 =	vmul.f32 $3.000000000e+00, v1  }
0x138: {  	v13 =	vsub.f32 v13, v7;
	v1 =	vmul.f32 v25, v1;
	v8 =	vmax.f32 v8, $0.0e+00  }
0x139: {  	v27 =	vmul.f32 $3.000000000e+00, v5;
	v28 =	vmul.f32 $3.000000000e+00, v17;
	v5 =	vsub.f32 v7, v21  }
0x13a: {  	v21 =	vmul.f32 v26, v26;
	v29 =	vmin.f32 v8, $9.999998800e-01;
	v8 =	vadd.f32 v13, v9  }
0x13b: {  	v5 =	vadd.f32 $4.000000000e+00, v5;
	v9 =	vcvt.s32.f32 v10;
	v13 =	vmul.f32 $6.000000000e+00, v25  }
0x13c: {  	v7 =	vmul.f32 v3, v3;
	v19 =	vmul.f32 $3.000000000e+00, v1;
	v10 =	vadd.f32 $1.000000000e+00, v8  }
0x13d: {  	v30 =	vmul.f32 v12, v12;
	v5 =	vmul.f32 $1.666666720e-01, v5;
	v8 =	vsub.f32 $1.000000000e+00, v29  }
0x13e: {  	v9 =	vsub.f32 v6, v9;
	v6 =	vmul.f32 $3.000000000e+00, v29;
	v10 =	vmul.f32 $1.666666720e-01, v10;
	[tilespmem:s30+$0x30] =	vst v11  }
0x13f: {  	v32 =	vsub.f32 $1.000000000e+00, v18;
	v31 =	vmul.f32 v24, v22;
	v11 =	vmul.f32 v29, v29;
	[tilespmem:s25+$0x30] =	vst v5  }
0x140: {  	v5 =	vmax.f32 v9, $0.0e+00;
	v9 =	vmul.f32 $3.000000000e+00, v24;
	[tilespmem:s28+$0x30] =	vst v10;
	v10 =	vmul.f32 $1.666666720e-01, v14  }
0x141: {  	v33 =	vmul.f32 $3.000000000e+00, v31;
	v14 =	vmin.f32 v5, $9.999998800e-01;
	v5 =	vmul.f32 v32, v32  }
0x142: {  	v36 =	vmul.f32 $3.000000000e+00, v16;
	v34 =	vmul.f32 v14, v14;
	v35 =	vsub.f32 $1.000000000e+00, v14;
	[tilespmem:s29+$0x30] =	vst v10  }
0x143: {  	v22 =	vmul.f32 $3.000000000e+00, v22;
	v10 =	vsub.f32 v9, v33;
	v5 =	vmul.f32 v5, v32  }
0x144: {  	v20 =	vmax.f32 v20, $0.0e+00;
	v9 =	vmul.f32 v11, v29;
	v32 =	vmul.f32 v34, v14  }
0x145: {  	v29 =	vmul.f32 $3.000000000e+00, v34;
	v10 =	vadd.f32 v10, v22;
	v37 =	vmul.f32 $1.666666720e-01, v5  }
0x146: {  	v38 =	vmin.f32 v20, $9.999998800e-01;
	v20 =	vmul.f32 $3.000000000e+00, v9;
	v22 =	vmul.f32 $3.000000000e+00, v32  }
0x147: {  	v24 =	vmul.f32 $6.000000000e+00, v24;
	v5 =	vmul.f32 $1.666666720e-01, v32;
	v10 =	vadd.f32 $1.000000000e+00, v10  }
0x148: {  	v14 =	vmul.f32 $3.000000000e+00, v14;
	v32 =	vmul.f32 $3.000000000e+00, v11;
	v29 =	vsub.f32 v29, v22  }
0x149: {  	v39 =	vsub.f32 v36, v15;
	v40 =	vsub.f32 v19, v13;
	v10 =	vmul.f32 $1.666666720e-01, v10  }
0x14a: {  	v41 =	vmul.f32 v35, v35;
	v13 =	vmul.f32 $6.000000000e+00, v34;
	v14 =	vadd.f32 v29, v14  }
0x14b: {  	v12 =	vmul.f32 v30, v12;
	v30 =	vmul.f32 $6.000000000e+00, v11;
	v29 =	vsub.f32 $1.000000000e+00, v38  }
0x14c: {  	v34 =	vmul.f32 $3.000000000e+00, v2;
	v11 =	vsub.f32 v22, v13;
	v14 =	vadd.f32 $1.000000000e+00, v14  }
0x14d: {  	v21 =	vmul.f32 v21, v26;
	v22 =	vmul.f32 $1.666666720e-01, v12;
	v12 =	vsub.f32 v23, v36  }
0x14e: {  	v15 =	vsub.f32 v32, v20;
	v13 =	vadd.f32 $4.000000000e+00, v11;
	v11 =	vmul.f32 $1.666666720e-01, v14  }
0x14f: {  	v23 =	vmul.f32 v38, v38;
	v12 =	vadd.f32 v12, v27;
	v14 =	vsub.f32 v20, v30  }
0x150: {  	v25 =	vmul.f32 $3.000000000e+00, v25;
	v26 =	vadd.f32 $4.000000000e+00, v39;
	v27 =	vmul.f32 v29, v29  }
0x151: {  	v32 =	vmul.f32 $3.000000000e+00, v18;
	v30 =	vadd.f32 $1.000000000e+00, v12;
	v12 =	vmul.f32 v23, v38  }
0x152: {  	v24 =	vsub.f32 v33, v24;
	v18 =	vmul.f32 $6.000000000e+00, v23;
	v23 =	vmul.f32 $3.000000000e+00, v23  }
0x153: {  	v33 =	vadd.f32 $4.000000000e+00, v40;
	v20 =	vmul.f32 $1.666666720e-01, v16;
	v16 =	vmul.f32 $3.000000000e+00, v12;
	[tilespmem:s30+$0xFFFFFFD0] =	vst v22  }
0x154: {  	v28 =	vsub.f32 v28, v34;
	v27 =	vmul.f32 v27, v29;
	v22 =	vmul.f32 $1.666666720e-01, v30  }
0x155: {  	v29 =	vsub.f32 v16, v18;
	v16 =	vsub.f32 v23, v16;
	v23 =	vmul.f32 $3.000000000e+00, v38  }
0x156: {  	v28 =	vadd.f32 v28, v32;
	v18 =	vmul.f32 $1.666666720e-01, v31;
	v30 =	vmul.f32 v41, v35  }
0x157: {  	v17 =	vmul.f32 $6.000000000e+00, v17;
	v29 =	vadd.f32 $4.000000000e+00, v29;
	v23 =	vadd.f32 v16, v23  }
.Ltmp1:
0x158: {  	v28 =	vadd.f32 $1.000000000e+00, v28;
	v31 =	vmul.f32 $1.666666720e-01, v21;
	v30 =	vmul.f32 $1.666666720e-01, v30;
	(pc) =	sbr.rel @p0 .LBB2_4-.Ltmp1, $4  }
0x159: {  	v21 =	vmul.f32 $1.666666720e-01, v33;
	v16 =	vmul.f32 $1.666666720e-01, v29;
	v23 =	vadd.f32 $1.000000000e+00, v23;
	[tilespmem:s30+$0x20] =	vst v37  }
0x15a: {  	v29 =	vmul.f32 $1.666666720e-01, v26;
	v26 =	vmul.f32 $1.666666720e-01, v27;
	v27 =	vsub.f32 v34, v17;
	[tilespmem:s30+$0xFFFFFFC0] =	vst v30  }
0x15b: {  	s20 =	simm.s32 $0x0;
	v24 =	vadd.f32 $4.000000000e+00, v24;
	v17 =	vmul.f32 $1.666666720e-01, v23;
	v23 =	vmul.f32 $1.666666720e-01, v28;
	[tilespmem:s30+$0x0] =	vst v31  }
0x15c: {  	s8 =	sadd.s32 $0x80, s8;
	v19 =	vsub.f32 v25, v19;
	v25 =	vmul.f32 v8, v8;
	s28 =	sadd.s32 $0x80, s28;
	s29 =	sadd.s32 $0x80, s29;
	v27 =	vadd.f32 $4.000000000e+00, v27;
	[tilespmem:s25+$0xFFFFFFD0] =	vst v29  }
0x15d: {  	[tilespmem:s23+$0xFFFFFFE0] =	vst v26  }
0x15e: {  	[tilespmem:s9+$0xFFFFFFD0] =	vst v22  }
0x15f: {  	[tilespmem:s1+$0x0] =	vst v21  }
0x160: {  	v3 =	vmul.f32 v7, v3;
	[tilespmem:s21+$0xFFFFFFD0] =	vst v20  }
0x161: {  	v60 =	vmul.f32 $1.666666720e-01, v27;
	[tilespmem:s1+$0xFFFFFFE0] =	vst v16  }
0x162: {  	v3 =	vmul.f32 $1.666666720e-01, v3;
	[tilespmem:s9+$0xFFFFFFE0] =	vst v17  }
0x163: {  	[tilespmem:s1+$0x20] =	vst v60  }
0x164: {  	v61 =	vmul.f32 $1.666666720e-01, v24;
	[tilespmem:s23+$0xFFFFFFF0] =	vst v3  }
0x165: {  	v2 =	vmul.f32 $1.666666720e-01, v2;
	[tilespmem:s9+$0x20] =	vst v23  }
0x166: {  	[tilespmem:s1+$0xFFFFFFF0] =	vst v61  }
0x167: {  	v3 =	vmul.f32 $1.666666720e-01, v13;
	[tilespmem:s21+$0x20] =	vst v2;
	v2 =	vmul.f32 v25, v8  }
0x168: {  	[tilespmem:s9+$0xFFFFFFF0] =	vst v10  }
0x169: {  	[tilespmem:s1+$0xFFFFFFC0] =	vst v3;
	v3 =	vadd.f32 v19, v4;
	v2 =	vmul.f32 $1.666666720e-01, v2  }
0x16a: {  	v62 =	vadd.f32 $4.000000000e+00, v14;
	v6 =	vadd.f32 v15, v6;
	[tilespmem:s21+$0xFFFFFFF0] =	vst v18  }
0x16b: {  	[tilespmem:s23+$0x10] =	vst v2;
	v2 =	vadd.f32 $1.000000000e+00, v3  }
0x16c: {  	v63 =	vmul.f32 $1.666666720e-01, v62;
	[tilespmem:s9+$0xFFFFFFC0] =	vst v11;
	v3 =	vadd.f32 $1.000000000e+00, v6  }
0x16d: {  	[tilespmem:s21+$0xFFFFFFC0] =	vst v5;
	v2 =	vmul.f32 $1.666666720e-01, v2  }
0x16e: {  	[tilespmem:s1+$0x10] =	vst v63;
	v3 =	vmul.f32 $1.666666720e-01, v3  }
0x16f: {  	v1 =	vmul.f32 $1.666666720e-01, v1;
	[tilespmem:s9+$0x0] =	vst v2  }
0x170: {  	v2 =	vmul.f32 $1.666666720e-01, v12;
	[tilespmem:s9+$0x10] =	vst v3  }
0x171: {  	v3 =	vmul.f32 $1.666666720e-01, v9;
	[tilespmem:s21+$0x0] =	vst v1  }
0x172: {  	[tilespmem:s21+$0xFFFFFFE0] =	vst v2  }
0x173: {  	[tilespmem:s21+$0x10] =	vst v3  }
.LBB2_6:
0x174: {  	_ =	swait.ge [sflag:s24], $0x800  }
0x175: {  	[sflag:s24] =	ssyncset.done $0x0  }
0x176: {  	s0 =	simm.s32 $0xC040;
	[sflag:s24] =	ssyncadd.s32 $0xFFFFF800  }
0x177: {  	v1 =	vld [tilespmem:s0+$0x30]  }
0x178: {  	v2 =	vld [tilespmem:s0+$0xFFFFFFD0]  }
0x179: {  	v3 =	vld [tilespmem:s0+$0xFFFFFFE0]  }
0x17a: {  	v4 =	vld [tilespmem:s0+$0xFFFFFFF0]  }
0x17b: {  	v5 =	vld [tilespmem:s0+$0x0]  }
0x17c: {  	v6 =	vld [tilespmem:s0+$0x10]  }
0x17d: {  	v7 =	vld [tilespmem:s0+$0x20]  }
0x17e: {  	v8 =	vld [tilespmem:s0+$0xFFFFFFC0]  }
0x17f: {  	v1 =	vmul.f32 $9.999990000e+05, v1  }
0x180: {  	v2 =	vmul.f32 $9.999990000e+05, v2;
	v3 =	vmul.f32 $9.999990000e+05, v3  }
0x181: {  	v4 =	vmul.f32 $9.999990000e+05, v4;
	v5 =	vmul.f32 $9.999990000e+05, v5  }
0x182: {  	v6 =	vmul.f32 $9.999990000e+05, v6;
	v7 =	vmul.f32 $9.999990000e+05, v7  }
0x183: {  	v8 =	vmul.f32 $9.999990000e+05, v8;
	v1 =	vtrunc.f32 v1  }
0x184: {  	v2 =	vtrunc.f32 v2;
	v3 =	vtrunc.f32 v3  }
0x185: {  	v4 =	vtrunc.f32 v4;
	v5 =	vtrunc.f32 v5  }
0x186: {  	v6 =	vtrunc.f32 v6;
	v7 =	vtrunc.f32 v7  }
0x187: {  	v8 =	vtrunc.f32 v8;
	v1 =	vcvt.f32.s32 v1  }
0x188: {  	v2 =	vcvt.f32.s32 v2;
	v12 =	vcvt.f32.s32 v8  }
0x189: {  	v3 =	vcvt.f32.s32 v3;
	v4 =	vcvt.f32.s32 v4  }
0x18a: {  	v5 =	vcvt.f32.s32 v5;
	v6 =	vcvt.f32.s32 v6  }
0x18b: {  	v7 =	vcvt.f32.s32 v7;
	vm0 =	vgt.s32 v1, $0x0;
	vm9 =	vgt.s32 v12, $0x0  }
0x18c: {  	vm1 =	vgt.s32 v2, $0x0;
	vm2 =	vgt.s32 v3, $0x0;
	vm3 =	vgt.s32 v4, $0x0  }
0x18d: {  	vm4 =	vgt.s32 v5, $0x0;
	vm5 =	vgt.s32 v6, $0x0;
	vm6 =	vgt.s32 v7, $0x0  }
0x18e: {  	v1 =	vnsel vm0, $0x0, v1;
	v14 =	vnsel vm4, $0x0, v5;
	v15 =	vnsel vm5, $0x0, v6  }
0x18f: {  	v18 =	vnsel vm6, $0x0, v7;
	v9 =	vmin.u32 v1, $0xF423F;
	v1 =	vmin.u32 v1, $0xF423D  }
0x190: {  	v21 =	vmin.u32 v14, $0xF423F;
	v23 =	vmin.u32 v15, $0xF423F;
	v24 =	vmin.u32 v18, $0xF423F  }
0x191: {  	v14 =	vmin.u32 v14, $0xF423D;
	v15 =	vmin.u32 v15, $0xF423D;
	v18 =	vmin.u32 v18, $0xF423D  }
0x192: {  	v10 =	vadd.s32 $0xFFFFFFFF, v9;
	v28 =	vadd.s32 $0xFFFFFFFF, v21;
	v29 =	vadd.s32 $0xFFFFFFFF, v23  }
0x193: {  	v30 =	vadd.s32 $0xFFFFFFFF, v24;
	v11 =	vshra.s32 v10, $0x3;
	vm8 =	vgt.s32 v10, $0x0  }
0x194: {  	v31 =	vshra.s32 v28, $0x3;
	v32 =	vshra.s32 v29, $0x3;
	vm7 =	vgt.s32 v11, $0x0  }
0x195: {  	v33 =	vshra.s32 v30, $0x3;
	v10 =	vnsel vm8, $0x0, v10;
	v8 =	vnsel vm7, $0x0, v11  }
0x196: {  	vm14 =	vgt.s32 v31, $0x0;
	vm15 =	vgt.s32 v32, $0x0;
	v11 =	vshll.u32 v8, $0x3  }
0x197: {  	vm8 =	vgt.s32 v33, $0x0;
	v10 =	vsub.s32 v10, v11;
	v9 =	vsub.s32 v9, v11  }
0x198: {  	v1 =	vsub.s32 v1, v11;
	v11 =	vnsel vm1, $0x0, v2;
	v13 =	vshll.u32 v9, $0x8  }
0x199: {  	v9 =	vshll.u32 v9, $0x4;
	v1 =	vshll.u32 v1, $0xC;
	v17 =	vmin.u32 v11, $0xF423F  }
0x19a: {  	v11 =	vmin.u32 v11, $0xF423D;
	v9 =	vor.u32 v10, v9;
	v10 =	vadd.s32 $0x100, v13  }
0x19b: {  	v1 =	vadd.s32 $0x2000, v1;
	v13 =	vnsel vm3, $0x0, v4;
	v25 =	vadd.s32 $0xFFFFFFFF, v17  }
0x19c: {  	v9 =	vor.u32 v10, v9;
	v10 =	vnsel vm9, $0x0, v12;
	v12 =	vnsel vm2, $0x0, v3  }
0x19d: {  	v20 =	vmin.u32 v13, $0xF423F;
	v2 =	vshra.s32 v25, $0x3;
	v13 =	vmin.u32 v13, $0xF423D  }
0x19e: {  	v9 =	vor.u32 v1, v9;
	v16 =	vmin.u32 v10, $0xF423F;
	v19 =	vmin.u32 v12, $0xF423F  }
0x19f: {  	v27 =	vadd.s32 $0xFFFFFFFF, v20;
	vm11 =	vgt.s32 v2, $0x0;
	v10 =	vmin.u32 v10, $0xF423D  }
0x1a0: {  	v12 =	vmin.u32 v12, $0xF423D;
	v22 =	vadd.s32 $0xFFFFFFFF, v16;
	v26 =	vadd.s32 $0xFFFFFFFF, v19  }
0x1a1: {  	v4 =	vshra.s32 v27, $0x3;
	v6 =	vnsel vm11, $0x0, v2;
	v2 =	vnsel vm15, $0x0, v32  }
0x1a2: {  	vm15 =	vgt.s32 v30, $0x0;
	v1 =	vshra.s32 v22, $0x3;
	v3 =	vshra.s32 v26, $0x3  }
0x1a3: {  	vm13 =	vgt.s32 v4, $0x0;
	v60 =	vshll.u32 v6, $0x3;
	v36 =	vshll.u32 v2, $0x3  }
0x1a4: {  	vm9 =	vgt.s32 v22, $0x0;
	vm11 =	vgt.s32 v26, $0x0;
	v30 =	vnsel vm15, $0x0, v30  }
0x1a5: {  	vm10 =	vgt.s32 v1, $0x0;
	vm12 =	vgt.s32 v3, $0x0;
	v4 =	vnsel vm13, $0x0, v4  }
0x1a6: {  	vm13 =	vgt.s32 v28, $0x0;
	v22 =	vnsel vm9, $0x0, v22;
	v17 =	vsub.s32 v17, v60  }
0x1a7: {  	v23 =	vsub.s32 v23, v36;
	v26 =	vnsel vm11, $0x0, v26;
	v7 =	vnsel vm10, $0x0, v1  }
0x1a8: {  	v5 =	vnsel vm12, $0x0, v3;
	v3 =	vnsel vm14, $0x0, v31;
	v1 =	vnsel vm8, $0x0, v33  }
0x1a9: {  	v34 =	vshll.u32 v4, $0x3;
	vm10 =	vgt.s32 v25, $0x0;
	vm12 =	vgt.s32 v27, $0x0  }
0x1aa: {  	vm14 =	vgt.s32 v29, $0x0;
	v28 =	vnsel vm13, $0x0, v28;
	v39 =	vshll.u32 v17, $0x8  }
0x1ab: {  	v17 =	vshll.u32 v17, $0x4;
	v46 =	vshll.u32 v23, $0x4;
	v31 =	vshll.u32 v7, $0x3  }
0x1ac: {  	v61 =	vshll.u32 v5, $0x3;
	v35 =	vshll.u32 v3, $0x3;
	v37 =	vshll.u32 v1, $0x3  }
0x1ad: {  	v25 =	vnsel vm10, $0x0, v25;
	v20 =	vsub.s32 v20, v34;
	v27 =	vnsel vm12, $0x0, v27  }
0x1ae: {  	v29 =	vnsel vm14, $0x0, v29;
	v62 =	vsub.s32 v13, v34;
	v16 =	vsub.s32 v16, v31  }
0x1af: {  	v19 =	vsub.s32 v19, v61;
	v21 =	vsub.s32 v21, v35;
	v24 =	vsub.s32 v24, v37  }
0x1b0: {  	v42 =	vshll.u32 v20, $0x8;
	v43 =	vshll.u32 v20, $0x4;
	v10 =	vsub.s32 v10, v31  }
0x1b1: {  	v20 =	vsub.s32 v25, v60;
	v25 =	vsub.s32 v11, v60;
	v13 =	vsub.s32 v28, v35  }
0x1b2: {  	v63 =	vsub.s32 v14, v35;
	v14 =	vsub.s32 v29, v36;
	v29 =	vsub.s32 v15, v36  }
0x1b3: {  	v28 =	vsub.s32 v30, v37;
	v30 =	vsub.s32 v18, v37;
	v38 =	vadd.s32 $0x1, v16  }
0x1b4: {  	v16 =	vshll.u32 v16, $0x4;
	v40 =	vshll.u32 v19, $0x8;
	v41 =	vshll.u32 v19, $0x4  }
0x1b5: {  	v44 =	vshll.u32 v21, $0x8;
	v45 =	vshll.u32 v21, $0x4;
	v19 =	vsub.s32 v22, v31  }
0x1b6: {  	v31 =	vshll.u32 v23, $0x8;
	v11 =	vshll.u32 v24, $0x8;
	v24 =	vshll.u32 v24, $0x4  }
0x1b7: {  	s1 =	simm.s32 $0xD040;
	v21 =	vsub.s32 v26, v61;
	v26 =	vsub.s32 v12, v61;
	v12 =	vsub.s32 v27, v34  }
0x1b8: {  	s0 =	simm.s32 $0xC840;
	[tilespmem:s1+$0x30] =	vst v9;
	v20 =	vor.u32 v20, v17;
	v23 =	vadd.s32 $0x100, v39;
	v17 =	vadd.s32 $0x100, v42  }
0x1b9: {  	[tilespmem:s0+$0x30] =	vst v8;
	v27 =	vadd.s32 $0x2, v10;
	v9 =	vshll.u32 v29, $0xC;
	v8 =	vshll.u32 v30, $0xC  }
0x1ba: {  	v19 =	vor.u32 v19, v16;
	v22 =	vshll.u32 v38, $0x8;
	v18 =	vor.u32 v21, v41  }
0x1bb: {  	v21 =	vadd.s32 $0x100, v40;
	v15 =	vor.u32 v12, v43;
	v13 =	vor.u32 v13, v45  }
0x1bc: {  	v16 =	vadd.s32 $0x100, v44;
	v12 =	vor.u32 v14, v46;
	v14 =	vadd.s32 $0x100, v31  }
0x1bd: {  	v10 =	vor.u32 v28, v24;
	v11 =	vadd.s32 $0x100, v11;
	v28 =	vshll.u32 v25, $0xC  }
0x1be: {  	s8 =	simm.s32 $0x0;
	s9 =	simm.s32 $0xC0C0;
	v26 =	vshll.u32 v26, $0xC;
	v25 =	vshll.u32 v62, $0xC;
	v24 =	vshll.u32 v63, $0xC  }
.LBB2_7:
0x1bf: {  	v29 =	vld [tilespmem:s9+$0x30];
	v19 =	vor.u32 v22, v19;
	v20 =	vor.u32 v23, v20;
	v18 =	vor.u32 v21, v18  }
0x1c0: {  	s8 =	sadd.s32 $0x8, s8;
	v15 =	vor.u32 v17, v15;
	v13 =	vor.u32 v16, v13;
	v12 =	vor.u32 v14, v12;
	v21 =	vld [tilespmem:s9+$0xFFFFFFD0]  }
0x1c1: {  	v16 =	vshll.u32 v27, $0xC;
	v17 =	vadd.s32 $0x2000, v28;
	v10 =	vor.u32 v11, v10;
	p0 =	slt.u32 s8, $0x78;
	v14 =	vld [tilespmem:s9+$0xFFFFFFE0]  }
0x1c2: {  	v22 =	vadd.s32 $0x2000, v26;
	v23 =	vadd.s32 $0x2000, v25;
	v24 =	vadd.s32 $0x2000, v24;
	v11 =	vld [tilespmem:s9+$0xFFFFFFF0]  }
0x1c3: {  	v9 =	vadd.s32 $0x2000, v9;
	v8 =	vadd.s32 $0x2000, v8;
	v16 =	vor.u32 v16, v19;
	v25 =	vld [tilespmem:s9+$0x0]  }
0x1c4: {  	v19 =	vld [tilespmem:s9+$0x10];
	v26 =	vmul.f32 $9.999990000e+05, v29;
	[tilespmem:s1+$0xFFFFFFC0] =	vst v16;
	v16 =	vor.u32 v17, v20;
	v17 =	vor.u32 v22, v18  }
0x1c5: {  	v13 =	vor.u32 v24, v13;
	v18 =	vmul.f32 $9.999990000e+05, v21;
	v20 =	vld [tilespmem:s9+$0x20];
	[tilespmem:s0+$0xFFFFFFC0] =	vst v7;
	v7 =	vor.u32 v23, v15  }
0x1c6: {  	v9 =	vor.u32 v9, v12;
	v15 =	vld [tilespmem:s9+$0xFFFFFFC0];
	v14 =	vmul.f32 $9.999990000e+05, v14;
	v21 =	vtrunc.f32 v26;
	[tilespmem:s1+$0xFFFFFFD0] =	vst v16  }
0x1c7: {  	v11 =	vmul.f32 $9.999990000e+05, v11;
	v12 =	vcvt.f32.s32 v21;
	[tilespmem:s0+$0xFFFFFFD0] =	vst v6;
	v6 =	vor.u32 v8, v10  }
0x1c8: {  	v8 =	vtrunc.f32 v18;
	v10 =	vmul.f32 $9.999990000e+05, v25;
	[tilespmem:s1+$0xFFFFFFE0] =	vst v17  }
0x1c9: {  	v14 =	vtrunc.f32 v14;
	v16 =	vmul.f32 $9.999990000e+05, v19;
	vm0 =	vgt.s32 v12, $0x0;
	[tilespmem:s0+$0xFFFFFFE0] =	vst v5  }
0x1ca: {  	v5 =	vtrunc.f32 v11;
	v11 =	vmul.f32 $9.999990000e+05, v20;
	v12 =	vnsel vm0, $0x0, v12;
	[tilespmem:s1+$0xFFFFFFF0] =	vst v7  }
0x1cb: {  	v10 =	vtrunc.f32 v10;
	v7 =	vmul.f32 $9.999990000e+05, v15;
	v15 =	vmin.u32 v12, $0xF423F;
	[tilespmem:s0+$0xFFFFFFF0] =	vst v4  }
0x1cc: {  	v4 =	vtrunc.f32 v16;
	v11 =	vtrunc.f32 v11;
	v16 =	vadd.s32 $0xFFFFFFFF, v15;
	[tilespmem:s1+$0x0] =	vst v13  }
0x1cd: {  	v8 =	vcvt.f32.s32 v8;
	v7 =	vtrunc.f32 v7;
	v13 =	vshra.s32 v16, $0x3;
	[tilespmem:s0+$0x0] =	vst v3  }
0x1ce: {  	v3 =	vcvt.f32.s32 v7;
	v7 =	vcvt.f32.s32 v14;
	vm0 =	vgt.s32 v13, $0x0;
	[tilespmem:s1+$0x10] =	vst v9  }
0x1cf: {  	v5 =	vcvt.f32.s32 v5;
	v9 =	vnsel vm0, $0x0, v13;
	vm0 =	vgt.s32 v16, $0x0;
	[tilespmem:s0+$0x10] =	vst v2  }
0x1d0: {  	v2 =	vcvt.f32.s32 v10;
	v10 =	vshll.u32 v9, $0x3;
	v13 =	vnsel vm0, $0x0, v16;
	[tilespmem:s1+$0x20] =	vst v6  }
0x1d1: {  	v12 =	vmin.u32 v12, $0xF423D;
	v6 =	vsub.s32 v13, v10;
	v13 =	vsub.s32 v15, v10;
	[tilespmem:s0+$0x20] =	vst v1  }
0x1d2: {  	v10 =	vsub.s32 v12, v10;
	v1 =	vshll.u32 v13, $0x8;
	v12 =	vshll.u32 v13, $0x4  }
0x1d3: {  	v10 =	vshll.u32 v10, $0xC;
	v6 =	vor.u32 v6, v12;
	v1 =	vadd.s32 $0x100, v1  }
0x1d4: {  	v4 =	vcvt.f32.s32 v4;
	v1 =	vor.u32 v1, v6;
	v6 =	vadd.s32 $0x2000, v10  }
0x1d5: {  	vm0 =	vgt.s32 v3, $0x0;
	s1 =	sadd.s32 $0x80, s1;
	v10 =	vcvt.f32.s32 v11;
	v1 =	vor.u32 v6, v1  }
0x1d6: {  	vm1 =	vgt.s32 v8, $0x0;
	vm3 =	vgt.s32 v5, $0x0;
	vm2 =	vgt.s32 v7, $0x0;
	s0 =	sadd.s32 $0x80, s0;
	[tilespmem:s1+$0x30] =	vst v1  }
0x1d7: {  	vm5 =	vgt.s32 v4, $0x0;
	vm4 =	vgt.s32 v2, $0x0;
	vm6 =	vgt.s32 v10, $0x0;
	[tilespmem:s0+$0x30] =	vst v9  }
0x1d8: {  	v8 =	vnsel vm1, $0x0, v8;
	v11 =	vnsel vm2, $0x0, v7;
	v9 =	vnsel vm0, $0x0, v3  }
0x1d9: {  	v14 =	vnsel vm5, $0x0, v4;
	v13 =	vnsel vm4, $0x0, v2;
	v12 =	vnsel vm3, $0x0, v5  }
0x1da: {  	v16 =	vmin.u32 v8, $0xF423F;
	v10 =	vnsel vm6, $0x0, v10;
	v15 =	vmin.u32 v9, $0xF423F  }
0x1db: {  	v19 =	vmin.u32 v13, $0xF423F;
	v18 =	vmin.u32 v12, $0xF423F;
	v17 =	vmin.u32 v11, $0xF423F  }
0x1dc: {  	v21 =	vmin.u32 v14, $0xF423F;
	v22 =	vmin.u32 v10, $0xF423F;
	v20 =	vadd.s32 $0xFFFFFFFF, v15  }
0x1dd: {  	v23 =	vadd.s32 $0xFFFFFFFF, v16;
	v25 =	vadd.s32 $0xFFFFFFFF, v18;
	v24 =	vadd.s32 $0xFFFFFFFF, v17  }
0x1de: {  	v27 =	vadd.s32 $0xFFFFFFFF, v21;
	v26 =	vadd.s32 $0xFFFFFFFF, v19;
	v28 =	vadd.s32 $0xFFFFFFFF, v22  }
0x1df: {  	v2 =	vshra.s32 v23, $0x3;
	v3 =	vshra.s32 v24, $0x3;
	v1 =	vshra.s32 v20, $0x3  }
0x1e0: {  	v30 =	vshra.s32 v27, $0x3;
	v29 =	vshra.s32 v26, $0x3;
	v4 =	vshra.s32 v25, $0x3  }
0x1e1: {  	vm1 =	vgt.s32 v2, $0x0;
	v31 =	vshra.s32 v28, $0x3;
	vm0 =	vgt.s32 v1, $0x0  }
0x1e2: {  	vm4 =	vgt.s32 v29, $0x0;
	vm3 =	vgt.s32 v4, $0x0;
	vm2 =	vgt.s32 v3, $0x0  }
0x1e3: {  	vm5 =	vgt.s32 v31, $0x0;
	v7 =	vnsel vm0, $0x0, v1;
	vm0 =	vgt.s32 v30, $0x0  }
0x1e4: {  	v6 =	vnsel vm1, $0x0, v2;
	v4 =	vnsel vm3, $0x0, v4;
	v5 =	vnsel vm2, $0x0, v3  }
0x1e5: {  	v3 =	vnsel vm4, $0x0, v29;
	v1 =	vnsel vm5, $0x0, v31;
	v2 =	vnsel vm0, $0x0, v30  }
0x1e6: {  	v31 =	vshll.u32 v5, $0x3;
	v29 =	vshll.u32 v7, $0x3;
	v30 =	vshll.u32 v6, $0x3  }
0x1e7: {  	v32 =	vshll.u32 v4, $0x3;
	v33 =	vshll.u32 v3, $0x3;
	v34 =	vshll.u32 v2, $0x3  }
0x1e8: {  	vm1 =	vgt.s32 v23, $0x0;
	vm0 =	vgt.s32 v20, $0x0;
	v35 =	vshll.u32 v1, $0x3  }
0x1e9: {  	vm3 =	vgt.s32 v25, $0x0;
	vm2 =	vgt.s32 v24, $0x0;
	vm4 =	vgt.s32 v26, $0x0  }
0x1ea: {  	vm6 =	vgt.s32 v28, $0x0;
	vm5 =	vgt.s32 v27, $0x0;
	v15 =	vsub.s32 v15, v29  }
0x1eb: {  	v18 =	vsub.s32 v18, v32;
	v17 =	vsub.s32 v17, v31;
	v16 =	vsub.s32 v16, v30  }
0x1ec: {  	v19 =	vsub.s32 v19, v33;
	v22 =	vsub.s32 v22, v35;
	v21 =	vsub.s32 v21, v34  }
0x1ed: {  	v23 =	vnsel vm1, $0x0, v23;
	v24 =	vnsel vm2, $0x0, v24;
	v20 =	vnsel vm0, $0x0, v20  }
0x1ee: {  	v25 =	vnsel vm3, $0x0, v25;
	v26 =	vnsel vm4, $0x0, v26;
	v27 =	vnsel vm5, $0x0, v27  }
0x1ef: {  	v8 =	vmin.u32 v8, $0xF423D;
	v9 =	vmin.u32 v9, $0xF423D;
	v28 =	vnsel vm6, $0x0, v28  }
0x1f0: {  	v13 =	vmin.u32 v13, $0xF423D;
	v12 =	vmin.u32 v12, $0xF423D;
	v11 =	vmin.u32 v11, $0xF423D  }
0x1f1: {  	v14 =	vmin.u32 v14, $0xF423D;
	v10 =	vmin.u32 v10, $0xF423D;
	v36 =	vadd.s32 $0x1, v15  }
0x1f2: {  	v15 =	vshll.u32 v15, $0x4;
	v37 =	vshll.u32 v16, $0x8;
	v16 =	vshll.u32 v16, $0x4  }
0x1f3: {  	v39 =	vshll.u32 v18, $0x8;
	v38 =	vshll.u32 v17, $0x8;
	v17 =	vshll.u32 v17, $0x4  }
0x1f4: {  	v40 =	vshll.u32 v18, $0x4;
	v41 =	vshll.u32 v19, $0x8;
	v42 =	vshll.u32 v19, $0x4  }
0x1f5: {  	v45 =	vshll.u32 v22, $0x8;
	v43 =	vshll.u32 v21, $0x8;
	v44 =	vshll.u32 v21, $0x4  }
0x1f6: {  	v9 =	vsub.s32 v9, v29;
	v18 =	vsub.s32 v20, v29;
	v29 =	vshll.u32 v22, $0x4  }
0x1f7: {  	v8 =	vsub.s32 v8, v30;
	v20 =	vsub.s32 v23, v30;
	v21 =	vsub.s32 v24, v31  }
0x1f8: {  	v24 =	vsub.s32 v11, v31;
	v11 =	vsub.s32 v25, v32;
	v25 =	vsub.s32 v12, v32  }
0x1f9: {  	v30 =	vsub.s32 v13, v33;
	v12 =	vsub.s32 v26, v33;
	v26 =	vsub.s32 v27, v34  }
0x1fa: {  	v28 =	vsub.s32 v28, v35;
	v31 =	vsub.s32 v14, v34;
	v32 =	vsub.s32 v10, v35  }
0x1fb: {  	v19 =	vor.u32 v18, v15;
	v22 =	vshll.u32 v36, $0x8;
	v20 =	vor.u32 v20, v16  }
0x1fc: {  	v23 =	vadd.s32 $0x100, v37;
	v18 =	vor.u32 v21, v17;
	v21 =	vadd.s32 $0x100, v38  }
.Ltmp2:
0x1fd: {  	v15 =	vor.u32 v11, v40;
	v17 =	vadd.s32 $0x100, v39;
	v13 =	vor.u32 v12, v42;
	(pc) =	sbr.rel @p0 .LBB2_7-.Ltmp2, $4  }
0x1fe: {  	v16 =	vadd.s32 $0x100, v41;
	v12 =	vor.u32 v26, v44;
	v14 =	vadd.s32 $0x100, v43  }
0x1ff: {  	v27 =	vadd.s32 $0x2, v9;
	v10 =	vor.u32 v28, v29;
	v11 =	vadd.s32 $0x100, v45  }
0x200: {  	v28 =	vshll.u32 v8, $0xC;
	v26 =	vshll.u32 v24, $0xC;
	v25 =	vshll.u32 v25, $0xC  }
0x201: {  	s9 =	sadd.s32 $0x80, s9;
	v24 =	vshll.u32 v30, $0xC;
	v9 =	vshll.u32 v31, $0xC;
	v8 =	vshll.u32 v32, $0xC  }
0x202: {  	v19 =	vor.u32 v22, v19;
	v22 =	vshll.u32 v27, $0xC  }
0x203: {  	v19 =	vor.u32 v22, v19  }
0x204: {  	v20 =	vor.u32 v23, v20;
	v22 =	vadd.s32 $0x2000, v28;
	[tilespmem:s1+$0xFFFFFFC0] =	vst v19  }
0x205: {  	v19 =	vor.u32 v22, v20;
	[tilespmem:s0+$0xFFFFFFC0] =	vst v7  }
0x206: {  	v7 =	vor.u32 v21, v18;
	v18 =	vadd.s32 $0x2000, v26;
	[tilespmem:s1+$0xFFFFFFD0] =	vst v19  }
0x207: {  	v7 =	vor.u32 v18, v7;
	[tilespmem:s0+$0xFFFFFFD0] =	vst v6  }
0x208: {  	v6 =	vor.u32 v17, v15;
	v15 =	vadd.s32 $0x2000, v25;
	[tilespmem:s1+$0xFFFFFFE0] =	vst v7  }
0x209: {  	v6 =	vor.u32 v15, v6;
	[tilespmem:s0+$0xFFFFFFE0] =	vst v5  }
0x20a: {  	v7 =	vadd.s32 $0x2000, v24;
	v5 =	vor.u32 v16, v13;
	[tilespmem:s1+$0xFFFFFFF0] =	vst v6  }
0x20b: {  	v5 =	vor.u32 v7, v5;
	[tilespmem:s0+$0xFFFFFFF0] =	vst v4  }
0x20c: {  	v6 =	vadd.s32 $0x2000, v9;
	v4 =	vor.u32 v14, v12;
	[tilespmem:s1+$0x0] =	vst v5  }
0x20d: {  	v4 =	vor.u32 v6, v4;
	[tilespmem:s0+$0x0] =	vst v3  }
0x20e: {  	v5 =	vadd.s32 $0x2000, v8;
	v3 =	vor.u32 v11, v10;
	[tilespmem:s1+$0x10] =	vst v4  }
0x20f: {  	v3 =	vor.u32 v5, v3;
	[tilespmem:s0+$0x10] =	vst v2  }
0x210: {  	[tilespmem:s1+$0x20] =	vst v3  }
0x211: {  	s9 =	simm.s32 $0xC800;
	[tilespmem:s0+$0x20] =	vst v1  }
0x212: {  	[tilespmem:s26], [sflag:$0x2] =	stream.indirect.gather [hbm4b:s5+s13], $0x10, s9, s13, $0xb8;
	[tilespmem:$0x18000] =	vst v63  }
0x213: {  	s10 =	simm.s32 $0xC880;
	s11 =	simm.s32 $0x10000  }
0x214: {  	[tilespmem:s11], [sflag:$0x2] =	stream.indirect.gather [hbm4b:s5+s13], $0x10, s10, s13, $0xb8;
	[tilespmem:$0x18000] =	vst v63  }
0x215: {  	s16 =	simm.s32 $0xC900;
	s18 =	simm.s32 $0x10800  }
0x216: {  	[tilespmem:s18], [sflag:$0x2] =	stream.indirect.gather [hbm4b:s5+s13], $0x10, s16, s13, $0xb8;
	[tilespmem:$0x18000] =	vst v63  }
0x217: {  	s21 =	simm.s32 $0xC980;
	s23 =	simm.s32 $0x11000  }
0x218: {  	[tilespmem:s23], [sflag:$0x2] =	stream.indirect.gather [hbm4b:s5+s13], $0x10, s21, s13, $0xb8;
	[tilespmem:$0x18000] =	vst v63  }
0x219: {  	s25 =	simm.s32 $0xCA00;
	s31 =	simm.s32 $0x11800  }
0x21a: {  	[tilespmem:s31], [sflag:$0x2] =	stream.indirect.gather [hbm4b:s5+s13], $0x10, s25, s13, $0xb8;
	[tilespmem:$0x18000] =	vst v63  }
0x21b: {  	s7 =	simm.s32 $0x12000;
	s1 =	simm.s32 $0xCA80  }
0x21c: {  	[tilespmem:s7], [sflag:$0x2] =	stream.indirect.gather [hbm4b:s5+s13], $0x10, s1, s13, $0xb8;
	[tilespmem:$0x18000] =	vst v63  }
0x21d: {  	s8 =	simm.s32 $0xCB00;
	s9 =	simm.s32 $0x12800  }
0x21e: {  	[tilespmem:s9], [sflag:$0x2] =	stream.indirect.gather [hbm4b:s5+s13], $0x10, s8, s13, $0xb8;
	[tilespmem:$0x18000] =	vst v63  }
0x21f: {  	s10 =	simm.s32 $0xCB80;
	s11 =	simm.s32 $0x13000  }
0x220: {  	[tilespmem:s11], [sflag:$0x2] =	stream.indirect.gather [hbm4b:s5+s13], $0x10, s10, s13, $0xb8;
	[tilespmem:$0x18000] =	vst v63  }
0x221: {  	s16 =	simm.s32 $0xCC00;
	s18 =	simm.s32 $0x13800  }
0x222: {  	[tilespmem:s18], [sflag:$0x2] =	stream.indirect.gather [hbm4b:s5+s13], $0x10, s16, s13, $0xb8;
	[tilespmem:$0x18000] =	vst v63  }
0x223: {  	s21 =	simm.s32 $0xCC80;
	s23 =	simm.s32 $0x14000  }
0x224: {  	[tilespmem:s23], [sflag:$0x2] =	stream.indirect.gather [hbm4b:s5+s13], $0x10, s21, s13, $0xb8;
	[tilespmem:$0x18000] =	vst v63  }
0x225: {  	s25 =	simm.s32 $0xCD00;
	s31 =	simm.s32 $0x14800  }
0x226: {  	[tilespmem:s31], [sflag:$0x2] =	stream.indirect.gather [hbm4b:s5+s13], $0x10, s25, s13, $0xb8;
	[tilespmem:$0x18000] =	vst v63  }
0x227: {  	s7 =	simm.s32 $0xCD80;
	s8 =	simm.s32 $0x15000  }
0x228: {  	[tilespmem:s8], [sflag:$0x2] =	stream.indirect.gather [hbm4b:s5+s13], $0x10, s7, s13, $0xb8;
	[tilespmem:$0x18000] =	vst v63  }
0x229: {  	s9 =	simm.s32 $0xCE00;
	s10 =	simm.s32 $0x15800  }
0x22a: {  	[tilespmem:s10], [sflag:$0x2] =	stream.indirect.gather [hbm4b:s5+s13], $0x10, s9, s13, $0xb8;
	[tilespmem:$0x18000] =	vst v63  }
0x22b: {  	s11 =	simm.s32 $0xCE80;
	s16 =	simm.s32 $0x16000  }
0x22c: {  	[tilespmem:s16], [sflag:$0x2] =	stream.indirect.gather [hbm4b:s5+s13], $0x10, s11, s13, $0xb8;
	[tilespmem:$0x18000] =	vst v63  }
0x22d: {  	s18 =	simm.s32 $0xCF00;
	s21 =	simm.s32 $0x16800  }
0x22e: {  	[tilespmem:s21], [sflag:$0x2] =	stream.indirect.gather [hbm4b:s5+s13], $0x10, s18, s13, $0xb8;
	[tilespmem:$0x18000] =	vst v63  }
0x22f: {  	s23 =	simm.s32 $0xCF80;
	s25 =	simm.s32 $0x17000;
	s31 =	simm.s32 $0xC040  }
0x230: {  	[tilespmem:s25], [sflag:$0x2] =	stream.indirect.gather [hbm4b:s5+s13], $0x10, s23, s13, $0xb8;
	[tilespmem:$0x18000] =	vst v63  }
0x231: {  	v1 =	vld [tilespmem:s31+$0xFFFFFFE0]  }
0x232: {  	v2 =	vld [tilespmem:s31+$0x20]  }
0x233: {  	v3 =	vld [tilespmem:s31+$0x0]  }
0x234: {  	v4 =	vld [tilespmem:s31+$0xFFFFFFC0]  }
0x235: {  	v5 =	vld [tilespmem:s31+$0x30]  }
0x236: {  	v6 =	vld [tilespmem:s31+$0x10]  }
0x237: {  	v10 =	vld [tilespmem:s31+$0xFFFFFFD0];
	_ =	sdelay $0x1  }
0x238: {  	v2 =	vmul.f32 $9.999990000e+05, v2;
	v1 =	vmul.f32 $9.999990000e+05, v1  }
0x239: {  	v3 =	vmul.f32 $9.999990000e+05, v3;
	v4 =	vmul.f32 $9.999990000e+05, v4  }
0x23a: {  	v5 =	vmul.f32 $9.999990000e+05, v5;
	v6 =	vmul.f32 $9.999990000e+05, v6  }
0x23b: {  	v10 =	vmul.f32 $9.999990000e+05, v10;
	v7 =	vtrunc.f32 v2  }
0x23c: {  	v8 =	vtrunc.f32 v1;
	v9 =	vtrunc.f32 v3  }
0x23d: {  	v11 =	vtrunc.f32 v5;
	v12 =	vtrunc.f32 v4  }
0x23e: {  	v14 =	vtrunc.f32 v10;
	v7 =	vcvt.f32.s32 v7  }
0x23f: {  	v8 =	vcvt.f32.s32 v8;
	v11 =	vcvt.f32.s32 v11  }
0x240: {  	v9 =	vcvt.f32.s32 v9;
	v7 =	vcvt.s32.f32 v7  }
0x241: {  	v8 =	vcvt.s32.f32 v8;
	v11 =	vcvt.s32.f32 v11  }
0x242: {  	v9 =	vcvt.s32.f32 v9;
	v2 =	vsub.f32 v2, v7;
	v7 =	vcvt.f32.s32 v12  }
0x243: {  	v12 =	vtrunc.f32 v6;
	v8 =	vsub.f32 v1, v8;
	v5 =	vsub.f32 v5, v11;
	v11 =	vld [tilespmem:s31+$0xFFFFFFF0]  }
0x244: {  	v14 =	vcvt.f32.s32 v14;
	v3 =	vsub.f32 v3, v9;
	v9 =	vcvt.f32.s32 v12  }
0x245: {  	v2 =	vmax.f32 v2, $0.0e+00;
	v7 =	vcvt.s32.f32 v7;
	v8 =	vmax.f32 v8, $0.0e+00  }
0x246: {  	v3 =	vmax.f32 v3, $0.0e+00;
	v5 =	vmax.f32 v5, $0.0e+00;
	v2 =	vmin.f32 v2, $9.999998800e-01  }
0x247: {  	v8 =	vmin.f32 v8, $9.999998800e-01;
	v9 =	vcvt.s32.f32 v9;
	v13 =	vmul.f32 v2, v2  }
0x248: {  	v15 =	vsub.f32 $1.000000000e+00, v2;
	v19 =	vmul.f32 $3.000000000e+00, v8;
	v11 =	vmul.f32 $9.999990000e+05, v11  }
0x249: {  	v18 =	vsub.f32 $1.000000000e+00, v8;
	v12 =	vmul.f32 v13, v2;
	v16 =	vmul.f32 $6.000000000e+00, v13  }
0x24a: {  	v4 =	vsub.f32 v4, v7;
	v2 =	vmul.f32 $3.000000000e+00, v2;
	v13 =	vmul.f32 $3.000000000e+00, v13  }
0x24b: {  	v6 =	vsub.f32 v6, v9;
	v9 =	vmul.f32 v18, v18;
	v17 =	vmul.f32 $3.000000000e+00, v12  }
0x24c: {  	v4 =	vmax.f32 v4, $0.0e+00;
	v1 =	vmul.f32 $1.666666720e-01, v12;
	v12 =	vcvt.s32.f32 v14  }
0x24d: {  	v4 =	vmin.f32 v4, $9.999998800e-01;
	v14 =	vmul.f32 v15, v15;
	v7 =	vmul.f32 v9, v18  }
0x24e: {  	v9 =	vtrunc.f32 v11;
	v49 =	vsub.f32 $1.000000000e+00, v4;
	v29 =	vmul.f32 v4, v4  }
0x24f: {  	v31 =	vmul.f32 $3.000000000e+00, v4;
	v9 =	vcvt.f32.s32 v9;
	v10 =	vsub.f32 v10, v12  }
0x250: {  	v12 =	vmin.f32 v3, $9.999998800e-01;
	v3 =	vmul.f32 v14, v15;
	v15 =	vmul.f32 v8, v8  }
0x251: {  	v6 =	vmax.f32 v6, $0.0e+00;
	v20 =	vmul.f32 $1.666666720e-01, v7;
	v53 =	vmul.f32 v49, v49  }
0x252: {  	v16 =	vsub.f32 v17, v16;
	v33 =	vmul.f32 $3.000000000e+00, v29;
	v7 =	vcvt.s32.f32 v9  }
0x253: {  	v22 =	vsub.f32 $1.000000000e+00, v12;
	v60 =	vmul.f32 v12, v12;
	v14 =	vmul.f32 $1.666666720e-01, v3  }
0x254: {  	v3 =	vsub.f32 v13, v17;
	v8 =	vmul.f32 v15, v8;
	v21 =	vmul.f32 $3.000000000e+00, v15  }
0x255: {  	v13 =	vmin.f32 v6, $9.999998800e-01;
	v15 =	vmul.f32 $6.000000000e+00, v15;
	v24 =	vmul.f32 v53, v49  }
0x256: {  	v10 =	vmax.f32 v10, $0.0e+00;
	v18 =	vmul.f32 v13, v13;
	v50 =	vmul.f32 v22, v22  }
0x257: {  	v10 =	vmin.f32 v10, $9.999998800e-01;
	v61 =	vmul.f32 $3.000000000e+00, v60;
	v62 =	vmul.f32 $6.000000000e+00, v60  }
0x258: {  	v16 =	vadd.f32 $4.000000000e+00, v16;
	v28 =	vmul.f32 v60, v12;
	v6 =	vmul.f32 v10, v10  }
0x259: {  	v9 =	vmul.f32 $3.000000000e+00, v10;
	v47 =	vsub.f32 $1.000000000e+00, v10;
	v48 =	vmul.f32 $3.000000000e+00, v8  }
0x25a: {  	v3 =	vadd.f32 v3, v2;
	v30 =	vmul.f32 $1.666666720e-01, v8;
	v24 =	vmul.f32 $1.666666720e-01, v24  }
0x25b: {  	v16 =	vmul.f32 $1.666666720e-01, v16;
	v52 =	vmul.f32 $6.000000000e+00, v18;
	v21 =	vsub.f32 v21, v48  }
0x25c: {  	v23 =	vmul.f32 $3.000000000e+00, v6;
	v51 =	vmul.f32 $6.000000000e+00, v6;
	v8 =	vsub.f32 v48, v15  }
0x25d: {  	v2 =	vmul.f32 v6, v10;
	v3 =	vadd.f32 $1.000000000e+00, v3;
	v6 =	vadd.f32 v21, v19  }
0x25e: {  	v22 =	vmul.f32 v50, v22;
	v10 =	vmul.f32 $3.000000000e+00, v13;
	v8 =	vadd.f32 $4.000000000e+00, v8  }
0x25f: {  	v21 =	vmul.f32 $3.000000000e+00, v12;
	v15 =	vmul.f32 $1.666666720e-01, v3;
	v3 =	vadd.f32 $1.000000000e+00, v6  }
0x260: {  	v59 =	vsub.f32 $1.000000000e+00, v13;
	v19 =	vmul.f32 $3.000000000e+00, v2;
	v6 =	vmul.f32 v47, v47  }
0x261: {  	v17 =	vmul.f32 $1.666666720e-01, v8;
	v8 =	vsub.f32 v11, v7;
	v32 =	vmul.f32 $1.666666720e-01, v3  }
0x262: {  	v3 =	vmin.f32 v5, $9.999998800e-01;
	v5 =	vmul.f32 v18, v13;
	v7 =	vmul.f32 v6, v47  }
0x263: {  	v8 =	vmax.f32 v8, $0.0e+00;
	v18 =	vmul.f32 $3.000000000e+00, v18;
	v11 =	vsub.f32 $1.000000000e+00, v3  }
0x264: {  	v6 =	vmul.f32 v3, v3;
	v36 =	vmin.f32 v8, $9.999998800e-01;
	v8 =	vmul.f32 v29, v4  }
0x265: {  	v23 =	vsub.f32 v23, v19;
	v29 =	vmul.f32 $6.000000000e+00, v29;
	v34 =	vmul.f32 $3.000000000e+00, v5  }
0x266: {  	v54 =	vsub.f32 $1.000000000e+00, v36;
	v55 =	vmul.f32 v36, v36;
	v35 =	vmul.f32 v11, v11  }
0x267: {  	v19 =	vsub.f32 v19, v51;
	v4 =	vmul.f32 v6, v3;
	v56 =	vmul.f32 $3.000000000e+00, v8  }
0x268: {  	v9 =	vadd.f32 v23, v9;
	v23 =	vmul.f32 v54, v54;
	v57 =	vmul.f32 v55, v36  }
0x269: {  	s21 =	simm.s32 $0xD840;
	v18 =	vsub.f32 v18, v34;
	v58 =	vmul.f32 $6.000000000e+00, v55;
	v11 =	vmul.f32 v35, v11  }
0x26a: {  	[tilespmem:s21+$0xFFFFFFE0] =	vst v20;
	v13 =	vmul.f32 $3.000000000e+00, v55;
	v33 =	vsub.f32 v33, v56;
	v20 =	vsub.f32 v56, v29  }
0x26b: {  	s25 =	simm.s32 $0xE040;
	[tilespmem:s21+$0x20] =	vst v14;
	v18 =	vadd.f32 v18, v10;
	v10 =	vmul.f32 $1.666666720e-01, v11;
	v11 =	vmul.f32 $3.000000000e+00, v57  }
0x26c: {  	[tilespmem:s25+$0xFFFFFFE0] =	vst v17;
	v23 =	vmul.f32 v23, v54;
	v17 =	vadd.f32 v33, v31;
	v20 =	vadd.f32 $4.000000000e+00, v20  }
0x26d: {  	s9 =	simm.s32 $0xE840;
	[tilespmem:s25+$0x20] =	vst v16;
	v26 =	vsub.f32 v11, v58;
	v11 =	vsub.f32 v13, v11;
	v13 =	vmul.f32 $3.000000000e+00, v36  }
0x26e: {  	[tilespmem:s9+$0x20] =	vst v15;
	v25 =	vsub.f32 v34, v52;
	v15 =	vmul.f32 $3.000000000e+00, v4;
	v23 =	vmul.f32 $1.666666720e-01, v23  }
0x26f: {  	[tilespmem:s21+$0xFFFFFFC0] =	vst v24;
	v17 =	vadd.f32 $1.000000000e+00, v17;
	v12 =	vmul.f32 $1.666666720e-01, v20;
	v11 =	vadd.f32 v11, v13  }
0x270: {  	v20 =	vmul.f32 v59, v59;
	[tilespmem:s21+$0xFFFFFFF0] =	vst v23;
	v23 =	vmul.f32 $3.000000000e+00, v28;
	v26 =	vadd.f32 $4.000000000e+00, v26  }
0x271: {  	s23 =	simm.s32 $0xF040;
	[tilespmem:s9+$0xFFFFFFE0] =	vst v32;
	v13 =	vadd.f32 $4.000000000e+00, v19;
	v63 =	vmul.f32 $1.666666720e-01, v17;
	v11 =	vadd.f32 $1.000000000e+00, v11  }
0x272: {  	[tilespmem:s23+$0xFFFFFFE0] =	vst v30;
	v19 =	vmul.f32 $1.666666720e-01, v22;
	v22 =	vsub.f32 v61, v23;
	v16 =	vmul.f32 $1.666666720e-01, v26  }
0x273: {  	s29 =	simm.s32 $0xE8C0;
	[tilespmem:s25+$0xFFFFFFC0] =	vst v12;
	v17 =	vmul.f32 $1.666666720e-01, v11;
	v11 =	vadd.f32 $1.000000000e+00, v18;
	v18 =	vsub.f32 v23, v62  }
0x274: {  	s30 =	simm.s32 $0xF0C0;
	s28 =	simm.s32 $0xD840;
	v14 =	vmul.f32 $1.666666720e-01, v57;
	v12 =	vmul.f32 v20, v59;
	[tilespmem:s9+$0xFFFFFFC0] =	vst v63;
	v21 =	vadd.f32 v22, v21  }
0x275: {  	s0 =	simm.s32 $0x0;
	s1 =	simm.s32 $0xE040;
	s8 =	simm.s32 $0xC0C0;
	[tilespmem:s25+$0xFFFFFFF0] =	vst v16;
	v16 =	vadd.f32 $4.000000000e+00, v25;
	v20 =	vadd.f32 $4.000000000e+00, v18;
	v18 =	vmul.f32 $1.666666720e-01, v28  }
.LBB2_9:
0x276: {  	v22 =	vld [tilespmem:s8+$0xFFFFFFE0];
	s0 =	sadd.s32 $0x8, s0;
	v8 =	vmul.f32 $1.666666720e-01, v8;
	v7 =	vmul.f32 $1.666666720e-01, v7;
	[tilespmem:s23+$0x20] =	vst v1;
	s21 =	sadd.s32 $0x80, s21;
	s25 =	sadd.s32 $0x80, s25  }
0x277: {  	v5 =	vmul.f32 $1.666666720e-01, v5;
	v1 =	vld [tilespmem:s8+$0x30];
	p0 =	slt.u32 s0, $0x78;
	[tilespmem:s28+$0x0] =	vst v19;
	v19 =	vmul.f32 $1.666666720e-01, v20;
	v20 =	vadd.f32 $1.000000000e+00, v21  }
0x278: {  	v2 =	vmul.f32 $1.666666720e-01, v2;
	v16 =	vmul.f32 $1.666666720e-01, v16;
	v21 =	vld [tilespmem:s8+$0x20];
	[tilespmem:s9+$0xFFFFFFF0] =	vst v17  }
0x279: {  	v9 =	vadd.f32 $1.000000000e+00, v9;
	v11 =	vmul.f32 $1.666666720e-01, v11;
	v17 =	vld [tilespmem:s8+$0x0];
	[tilespmem:s1+$0x0] =	vst v19;
	v19 =	vmul.f32 $1.666666720e-01, v20  }
0x27a: {  	v13 =	vmul.f32 $1.666666720e-01, v13;
	v20 =	vld [tilespmem:s8+$0xFFFFFFC0];
	[tilespmem:s23+$0xFFFFFFF0] =	vst v14;
	v14 =	vmul.f32 $3.000000000e+00, v6  }
0x27b: {  	v9 =	vmul.f32 $1.666666720e-01, v9;
	v6 =	vmul.f32 $6.000000000e+00, v6;
	v23 =	vld [tilespmem:s8+$0xFFFFFFD0];
	[tilespmem:s9+$0x0] =	vst v19  }
0x27c: {  	v3 =	vmul.f32 $3.000000000e+00, v3;
	v19 =	vmul.f32 $9.999990000e+05, v22;
	v22 =	vld [tilespmem:s8+$0xFFFFFFF0];
	[tilespmem:s23+$0x0] =	vst v18;
	v14 =	vsub.f32 v14, v15  }
0x27d: {  	v12 =	vmul.f32 $1.666666720e-01, v12;
	v4 =	vmul.f32 $1.666666720e-01, v4;
	v6 =	vsub.f32 v15, v6;
	[tilespmem:s28+$0x30] =	vst v10  }
0x27e: {  	v10 =	vmul.f32 $9.999990000e+05, v17;
	v15 =	vld [tilespmem:s8+$0x10];
	v17 =	vmul.f32 $9.999990000e+05, v21;
	[tilespmem:s28+$0xFFFFFFD0] =	vst v7;
	v3 =	vadd.f32 v14, v3  }
0x27f: {  	v14 =	vmul.f32 $9.999990000e+05, v1;
	v1 =	vadd.f32 $4.000000000e+00, v6;
	v7 =	vmul.f32 $9.999990000e+05, v20;
	[tilespmem:s1+$0xFFFFFFD0] =	vst v13  }
0x280: {  	v6 =	vtrunc.f32 v19;
	v13 =	vtrunc.f32 v17;
	[tilespmem:s9+$0xFFFFFFD0] =	vst v9;
	v3 =	vadd.f32 $1.000000000e+00, v3  }
0x281: {  	v1 =	vmul.f32 $1.666666720e-01, v1;
	v9 =	vcvt.f32.s32 v13;
	[tilespmem:s23+$0xFFFFFFD0] =	vst v2  }
0x282: {  	v2 =	vtrunc.f32 v10;
	v13 =	vtrunc.f32 v14;
	[tilespmem:s28+$0x10] =	vst v12;
	s28 =	smov.u32 s21  }
0x283: {  	v9 =	vcvt.s32.f32 v9;
	[tilespmem:s1+$0x30] =	vst v1;
	v1 =	vmul.f32 $1.666666720e-01, v3  }
0x284: {  	v2 =	vcvt.f32.s32 v2;
	v3 =	vtrunc.f32 v7;
	[tilespmem:s1+$0x10] =	vst v16;
	s1 =	smov.u32 s25  }
0x285: {  	v6 =	vcvt.f32.s32 v6;
	v12 =	vmul.f32 $9.999990000e+05, v15;
	v9 =	vsub.f32 v17, v9;
	[tilespmem:s9+$0x30] =	vst v1  }
0x286: {  	v1 =	vcvt.f32.s32 v3;
	v3 =	vcvt.f32.s32 v13;
	[tilespmem:s9+$0x10] =	vst v11;
	s9 =	smov.u32 s29  }
0x287: {  	v6 =	vcvt.s32.f32 v6;
	v11 =	vtrunc.f32 v12;
	v9 =	vmax.f32 v9, $0.0e+00;
	[tilespmem:s23+$0x10] =	vst v5  }
0x288: {  	v2 =	vcvt.s32.f32 v2;
	v5 =	vmul.f32 $9.999990000e+05, v23;
	v9 =	vmin.f32 v9, $9.999998800e-01;
	[tilespmem:s23+$0xFFFFFFC0] =	vst v8  }
0x289: {  	v8 =	vcvt.s32.f32 v1;
	v13 =	vmul.f32 v9, v9;
	[tilespmem:s23+$0x30] =	vst v4;
	s23 =	smov.u32 s30  }
0x28a: {  	v3 =	vcvt.s32.f32 v3;
	v1 =	vtrunc.f32 v5;
	v4 =	vsub.f32 $1.000000000e+00, v9  }
0x28b: {  	v2 =	vsub.f32 v10, v2;
	v10 =	vcvt.f32.s32 v11;
	v11 =	vmul.f32 v13, v9  }
0x28c: {  	v6 =	vsub.f32 v19, v6;
	v15 =	vcvt.f32.s32 v1;
	v16 =	vmul.f32 $6.000000000e+00, v13  }
0x28d: {  	v3 =	vsub.f32 v14, v3;
	v17 =	vmul.f32 $3.000000000e+00, v11;
	v1 =	vmul.f32 $1.666666720e-01, v11  }
0x28e: {  	v6 =	vmax.f32 v6, $0.0e+00;
	v9 =	vmul.f32 $3.000000000e+00, v9;
	v11 =	vcvt.s32.f32 v15  }
0x28f: {  	v6 =	vmin.f32 v6, $9.999998800e-01;
	v10 =	vcvt.s32.f32 v10;
	v14 =	vmul.f32 v4, v4  }
0x290: {  	v18 =	vmul.f32 $3.000000000e+00, v6;
	v19 =	vmul.f32 $3.000000000e+00, v13;
	v15 =	vsub.f32 $1.000000000e+00, v6  }
0x291: {  	v2 =	vmax.f32 v2, $0.0e+00;
	v10 =	vsub.f32 v12, v10;
	v5 =	vsub.f32 v5, v11  }
0x292: {  	v12 =	vmul.f32 v15, v15;
	v11 =	vmin.f32 v2, $9.999998800e-01;
	v2 =	vmul.f32 v14, v4  }
0x293: {  	v14 =	vmul.f32 $9.999990000e+05, v22;
	v4 =	vmax.f32 v5, $0.0e+00;
	v5 =	vmax.f32 v10, $0.0e+00  }
0x294: {  	v7 =	vsub.f32 v7, v8;
	v13 =	vmul.f32 $1.666666720e-01, v2;
	v2 =	vsub.f32 v19, v17  }
0x295: {  	v3 =	vmax.f32 v3, $0.0e+00;
	v8 =	vmul.f32 v12, v15;
	v10 =	vtrunc.f32 v14  }
0x296: {  	v7 =	vmax.f32 v7, $0.0e+00;
	v4 =	vmin.f32 v4, $9.999998800e-01;
	v5 =	vmin.f32 v5, $9.999998800e-01  }
0x297: {  	v15 =	vmin.f32 v7, $9.999998800e-01;
	v10 =	vcvt.f32.s32 v10;
	v7 =	vmul.f32 v4, v4  }
0x298: {  	v20 =	vmul.f32 v6, v6;
	v19 =	vsub.f32 $1.000000000e+00, v4;
	v21 =	vmul.f32 v5, v5  }
0x299: {  	v8 =	vmul.f32 $1.666666720e-01, v8;
	v12 =	vsub.f32 $1.000000000e+00, v5;
	v10 =	vcvt.s32.f32 v10  }
0x29a: {  	v23 =	vmul.f32 $3.000000000e+00, v20;
	v24 =	vsub.f32 $1.000000000e+00, v11;
	v22 =	vmul.f32 $3.000000000e+00, v4  }
0x29b: {  	v6 =	vmul.f32 v20, v6;
	v25 =	vsub.f32 $1.000000000e+00, v15;
	v26 =	vmul.f32 $3.000000000e+00, v7  }
0x29c: {  	v20 =	vmul.f32 $6.000000000e+00, v20;
	v27 =	vmul.f32 v24, v24  }
0x29d: {  	v29 =	vmul.f32 $3.000000000e+00, v6;
	v9 =	vadd.f32 v2, v9;
	v28 =	vmul.f32 $6.000000000e+00, v7  }
0x29e: {  	v6 =	vmul.f32 $1.666666720e-01, v6;
	v16 =	vsub.f32 v17, v16;
	v30 =	vmul.f32 v15, v15  }
0x29f: {  	v20 =	vsub.f32 v29, v20;
	v23 =	vsub.f32 v23, v29;
	v17 =	vmul.f32 $3.000000000e+00, v15  }
0x2a0: {  	v16 =	vadd.f32 $4.000000000e+00, v16;
	v2 =	vmul.f32 v7, v4;
	v4 =	vadd.f32 $1.000000000e+00, v9  }
0x2a1: {  	v7 =	vadd.f32 $4.000000000e+00, v20;
	v9 =	vadd.f32 v23, v18;
	v18 =	vmul.f32 $3.000000000e+00, v11  }
0x2a2: {  	v20 =	vmul.f32 $3.000000000e+00, v5;
	v23 =	vmul.f32 $1.666666720e-01, v4  }
0x2a3: {  	v4 =	vmul.f32 $3.000000000e+00, v2;
	v7 =	vmul.f32 $1.666666720e-01, v7;
	v9 =	vadd.f32 $1.000000000e+00, v9  }
0x2a4: {  	v29 =	vmul.f32 v19, v19;
	v31 =	vmul.f32 $6.000000000e+00, v21;
	[tilespmem:s21+$0xFFFFFFE0] =	vst v8  }
0x2a5: {  	v3 =	vmin.f32 v3, $9.999998800e-01;
	v26 =	vsub.f32 v26, v4;
	v8 =	vmul.f32 $1.666666720e-01, v9;
	[tilespmem:s25+$0xFFFFFFE0] =	vst v7  }
0x2a6: {  	v5 =	vmul.f32 v21, v5;
	v9 =	vsub.f32 $1.000000000e+00, v3;
	v7 =	vmul.f32 v29, v19  }
0x2a7: {  	v19 =	vmul.f32 v25, v25;
	v29 =	vmul.f32 $3.000000000e+00, v30;
	[tilespmem:s29+$0xFFFFFFE0] =	vst v8;
	v8 =	vsub.f32 v14, v10  }
0x2a8: {  	v28 =	vsub.f32 v4, v28;
	v10 =	vmul.f32 $3.000000000e+00, v5;
	[tilespmem:s30+$0xFFFFFFE0] =	vst v6;
	v6 =	vmul.f32 v3, v3  }
0x2a9: {  	v14 =	vmul.f32 v19, v25;
	v19 =	vmul.f32 v9, v9;
	v4 =	vmax.f32 v8, $0.0e+00  }
0x2aa: {  	v8 =	vmul.f32 v30, v15;
	v15 =	vmin.f32 v4, $9.999998800e-01;
	v4 =	vmul.f32 v6, v3  }
0x2ab: {  	v21 =	vmul.f32 $3.000000000e+00, v21;
	v19 =	vmul.f32 v19, v9;
	v25 =	vsub.f32 $1.000000000e+00, v15  }
0x2ac: {  	v14 =	vmul.f32 $1.666666720e-01, v14;
	v9 =	vadd.f32 v26, v22;
	v22 =	vmul.f32 v15, v15  }
0x2ad: {  	v21 =	vsub.f32 v21, v10;
	v26 =	vmul.f32 $3.000000000e+00, v8;
	v32 =	vmul.f32 v25, v25  }
0x2ae: {  	v31 =	vsub.f32 v10, v31;
	[tilespmem:s21+$0xFFFFFFC0] =	vst v14;
	v14 =	vmul.f32 $6.000000000e+00, v30;
	v30 =	vmul.f32 v22, v15  }
0x2af: {  	v10 =	vmul.f32 $1.666666720e-01, v19;
	v29 =	vsub.f32 v29, v26;
	v25 =	vmul.f32 v32, v25  }
0x2b0: {  	v20 =	vadd.f32 v21, v20;
	v32 =	vmul.f32 $6.000000000e+00, v22;
	v19 =	vmul.f32 $3.000000000e+00, v30  }
0x2b1: {  	v16 =	vmul.f32 $1.666666720e-01, v16;
	v21 =	vmul.f32 $3.000000000e+00, v22;
	v14 =	vsub.f32 v26, v14  }
0x2b2: {  	v24 =	vmul.f32 v27, v24;
	v17 =	vadd.f32 v29, v17;
	v22 =	vmul.f32 v11, v11  }
0x2b3: {  	v15 =	vmul.f32 $3.000000000e+00, v15;
	v26 =	vsub.f32 v19, v32;
	v19 =	vsub.f32 v21, v19  }
0x2b4: {  	v25 =	vmul.f32 $1.666666720e-01, v25;
	v27 =	vmul.f32 $3.000000000e+00, v22;
	v21 =	vadd.f32 $4.000000000e+00, v14  }
0x2b5: {  	v29 =	vmul.f32 $6.000000000e+00, v22;
	v26 =	vadd.f32 $4.000000000e+00, v26;
	v15 =	vadd.f32 v19, v15  }
0x2b6: {  	v17 =	vadd.f32 $1.000000000e+00, v17;
	v22 =	vmul.f32 v22, v11;
	v14 =	vmul.f32 $1.666666720e-01, v30;
	[tilespmem:s21+$0x20] =	vst v13  }
0x2b7: {  	v11 =	vmul.f32 $1.666666720e-01, v21;
	v21 =	vmul.f32 v12, v12;
	v15 =	vadd.f32 $1.000000000e+00, v15;
	[tilespmem:s25+$0x20] =	vst v16  }
.Ltmp3:
0x2b8: {  	v13 =	vadd.f32 $4.000000000e+00, v28;
	v16 =	vmul.f32 $1.666666720e-01, v26;
	[tilespmem:s21+$0xFFFFFFF0] =	vst v25;
	v25 =	vmul.f32 $3.000000000e+00, v22;
	(pc) =	sbr.rel @p0 .LBB2_9-.Ltmp3, $4  }
0x2b9: {  	v26 =	vmul.f32 $1.666666720e-01, v17;
	v17 =	vmul.f32 $1.666666720e-01, v15;
	[tilespmem:s25+$0xFFFFFFC0] =	vst v11;
	v11 =	vadd.f32 $1.000000000e+00, v20  }
0x2ba: {  	v19 =	vmul.f32 $1.666666720e-01, v24;
	[tilespmem:s25+$0xFFFFFFF0] =	vst v16;
	v20 =	vsub.f32 v25, v29;
	v24 =	vsub.f32 v27, v25  }
0x2bb: {  	v12 =	vmul.f32 v21, v12;
	v15 =	vmul.f32 $3.000000000e+00, v4;
	v16 =	vadd.f32 $4.000000000e+00, v31;
	[tilespmem:s29+$0x20] =	vst v23  }
0x2bc: {  	s8 =	sadd.s32 $0x80, s8;
	s30 =	sadd.s32 $0x80, s30;
	s29 =	sadd.s32 $0x80, s29;
	[tilespmem:s9+$0xFFFFFFC0] =	vst v26;
	v20 =	vadd.f32 $4.000000000e+00, v20;
	v21 =	vadd.f32 v24, v18;
	v18 =	vmul.f32 $1.666666720e-01, v22  }
0x2bd: {  	[tilespmem:s23+$0x20] =	vst v1  }
0x2be: {  	[tilespmem:s28+$0x0] =	vst v19;
	v1 =	vmul.f32 $1.666666720e-01, v20;
	v19 =	vadd.f32 $1.000000000e+00, v21  }
0x2bf: {  	[tilespmem:s9+$0xFFFFFFF0] =	vst v17  }
0x2c0: {  	[tilespmem:s1+$0x0] =	vst v1;
	v1 =	vmul.f32 $1.666666720e-01, v19  }
0x2c1: {  	[tilespmem:s23+$0xFFFFFFF0] =	vst v14  }
0x2c2: {  	v14 =	vmul.f32 $3.000000000e+00, v6;
	[tilespmem:s9+$0x0] =	vst v1;
	v1 =	vmul.f32 $6.000000000e+00, v6  }
0x2c3: {  	v3 =	vmul.f32 $3.000000000e+00, v3;
	[tilespmem:s28+$0x30] =	vst v10;
	v6 =	vmul.f32 $1.666666720e-01, v7;
	v7 =	vadd.f32 $1.000000000e+00, v9  }
0x2c4: {  	v9 =	vmul.f32 $1.666666720e-01, v13;
	v13 =	vsub.f32 v14, v15;
	[tilespmem:s23+$0x0] =	vst v18;
	v1 =	vsub.f32 v15, v1  }
0x2c5: {  	v7 =	vmul.f32 $1.666666720e-01, v7;
	[tilespmem:s28+$0xFFFFFFD0] =	vst v6  }
0x2c6: {  	v3 =	vadd.f32 v13, v3;
	v6 =	vmul.f32 $1.666666720e-01, v12;
	[tilespmem:s1+$0xFFFFFFD0] =	vst v9;
	v1 =	vadd.f32 $4.000000000e+00, v1  }
0x2c7: {  	v2 =	vmul.f32 $1.666666720e-01, v2;
	[tilespmem:s9+$0xFFFFFFD0] =	vst v7  }
0x2c8: {  	v3 =	vadd.f32 $1.000000000e+00, v3;
	[tilespmem:s28+$0x10] =	vst v6;
	v1 =	vmul.f32 $1.666666720e-01, v1  }
0x2c9: {  	[tilespmem:s23+$0xFFFFFFD0] =	vst v2;
	v2 =	vmul.f32 $1.666666720e-01, v16  }
0x2ca: {  	[tilespmem:s1+$0x30] =	vst v1;
	v1 =	vmul.f32 $1.666666720e-01, v3  }
0x2cb: {  	[tilespmem:s1+$0x10] =	vst v2;
	v3 =	vmul.f32 $1.666666720e-01, v11  }
0x2cc: {  	s21 =	sshll.u32 s20, $0xC;
	v2 =	vmul.f32 $1.666666720e-01, v5;
	[tilespmem:s9+$0x30] =	vst v1  }
0x2cd: {  	p0 =	seq.s32 s20, $0x18;
	v1 =	vmul.f32 $1.666666720e-01, v8;
	[tilespmem:s9+$0x10] =	vst v3;
	s9 =	sadd.s32 s4, s21  }
0x2ce: {  	v3 =	vmul.f32 $1.666666720e-01, v4;
	[tilespmem:s23+$0x10] =	vst v2;
	s0 =	sshrl.u32 @!p0 s9, $0x3  }
0x2cf: {  	[tilespmem:s23+$0xFFFFFFC0] =	vst v1;
	s0 =	sadd.s32 @!p0 s2, s0  }
0x2d0: {  	s1 =	simm.s32 @!p0 $0x0;
	[tilespmem:s23+$0x30] =	vst v3;
	s0 =	sadd.s32 @!p0 $0x200, s0  }
0x2d1: {  	[tilespmem:s1], [sflag:$0x3] =	stream.linear.gather @!p0 [hbm4b:s0+s1], $0x800, $0x38;
	[tilespmem:$0x18000] =	vst v63  }
0x2d2: {  	_ =	swait.ge [sflag:s14], $0x8000  }
0x2d3: {  	[sflag:s14] =	ssyncset.done $0x0  }
0x2d4: {  	s8 =	simm.s32 $0x1040;
	[sflag:s14] =	ssyncadd.s32 $0xFFFF8000  }
0x2d5: {  	v8 =	vld [tilespmem:s8+$0x30]  }
0x2d6: {  	v2 =	vld [tilespmem:s8+$0xFFFFFFC0]  }
0x2d7: {  	v3 =	vld [tilespmem:s8+$0xFFFFFFD0]  }
0x2d8: {  	v5 =	vld [tilespmem:s8+$0xFFFFFFE0]  }
0x2d9: {  	v7 =	vld [tilespmem:s8+$0xFFFFFFF0]  }
0x2da: {  	s25 =	simm.s32 $0x1840;
	v6 =	vld [tilespmem:s8+$0x0]  }
0x2db: {  	s28 =	simm.s32 $0x2040;
	v13 =	vld [tilespmem:s25+$0x30]  }
0x2dc: {  	s30 =	simm.s32 $0x2840;
	v16 =	vld [tilespmem:s28+$0x30]  }
0x2dd: {  	s29 =	simm.s32 $0x3040;
	s18 =	simm.s32 $0x0;
	v17 =	vld [tilespmem:s30+$0x30]  }
0x2de: {  	s16 =	simm.s32 $0x40;
	v20 =	vmov s18;
	v23 =	vld [tilespmem:s29+$0x30]  }
0x2df: {  	s11 =	simm.s32 $0x20;
	v22 =	vmov s16;
	v20 =	vshll.u32 v20, $0x4;
	s23 =	simm.s32 $0x70;
	v34 =	vld [tilespmem:s28+$0xFFFFFFD0]  }
0x2e0: {  	v22 =	vshll.u32 v22, $0x4;
	v18 =	vmov s11;
	v1 =	vmov s23;
	v35 =	vld [tilespmem:s28+$0xFFFFFFE0]  }
0x2e1: {  	v20 =	vor.u32 v0, v20;
	v18 =	vshll.u32 v18, $0x4;
	v1 =	vshll.u32 v1, $0x4;
	v36 =	vld [tilespmem:s25+$0xFFFFFFF0]  }
0x2e2: {  	v22 =	vor.u32 v0, v22;
	v18 =	vor.u32 v0, v18;
	v9 =	vor.u32 v0, v1;
	v37 =	vld [tilespmem:s28+$0xFFFFFFF0]  }
0x2e3: {  	v38 =	vld [tilespmem:s25+$0x0];
	v1 =	vand.u32 $0xF, v8;
	v4 =	vshrl.u32 v8, $0x4;
	v26 =	vshrl.u32 v2, $0x4  }
0x2e4: {  	v39 =	vld [tilespmem:s28+$0x0];
	v28 =	vshrl.u32 v5, $0x4;
	v41 =	vand.u32 $0xF, v2;
	v43 =	vand.u32 $0xF, v5  }
0x2e5: {  	v40 =	vld [tilespmem:s25+$0x10];
	v45 =	vand.u32 $0xF, v6;
	v48 =	vshrl.u32 v2, $0x8;
	v49 =	vshrl.u32 v5, $0x8  }
0x2e6: {  	v52 =	vld [tilespmem:s28+$0x10];
	v2 =	vshrl.u32 v2, $0xC;
	v5 =	vshrl.u32 v5, $0xC;
	v10 =	vor.u32 v9, v1  }
0x2e7: {  	v54 =	vld [tilespmem:s25+$0x20];
	v1 =	vand.u32 $0xF, v4;
	v26 =	vand.u32 $0xF, v26;
	v28 =	vand.u32 $0xF, v28  }
0x2e8: {  	v56 =	vld [tilespmem:s28+$0x20];
	v41 =	vor.u32 v20, v41;
	v43 =	vor.u32 v18, v43;
	v48 =	vand.u32 $0xF, v48  }
0x2e9: {  	v63 =	vld [tilespmem:s30+$0x0];
	v49 =	vand.u32 $0xF, v49;
	v2 =	vand.u32 $0xF, v2;
	v5 =	vand.u32 $0xF, v5  }
0x2ea: {  	v4 =	vld [tilespmem:s8+$0x10];
	v11 =	vor.u32 v9, v1;
	v1 =	vshrl.u32 v8, $0x8;
	v8 =	vshrl.u32 v8, $0xC  }
0x2eb: {  	v26 =	vor.u32 v20, v26;
	v48 =	vor.u32 v20, v48;
	v2 =	vor.u32 v20, v2;
	v20 =	vld [tilespmem:s30+$0xFFFFFFE0]  }
0x2ec: {  	v28 =	vor.u32 v18, v28;
	v49 =	vor.u32 v18, v49;
	v5 =	vor.u32 v18, v5;
	v18 =	vld [tilespmem:s30+$0xFFFFFFF0]  }
0x2ed: {  	v45 =	vor.u32 v22, v45;
	v12 =	vand.u32 $0xF, v1;
	v1 =	vld [tilespmem:s8+$0x20];
	v8 =	vand.u32 $0xF, v8  }
0x2ee: {  	v12 =	vor.u32 v9, v12;
	v8 =	vor.u32 v9, v8;
	v9 =	vld [tilespmem:s25+$0xFFFFFFD0]  }
0x2ef: {  	v14 =	vld.idx.msk [tilespmem:v10+s15+$0x0], $0xffff  }
0x2f0: {  	v41 =	vld.idx.msk [tilespmem:v41+s15+$0x0], $0xffff  }
0x2f1: {  	v30 =	vshrl.u32 v6, $0x4;
	v43 =	vld.idx.msk [tilespmem:v43+s15+$0x0], $0xffff  }
0x2f2: {  	v30 =	vand.u32 $0xF, v30;
	v45 =	vld.idx.msk [tilespmem:v45+s15+$0x0], $0xffff  }
0x2f3: {  	s10 =	simm.s32 $0x10;
	v30 =	vor.u32 v22, v30;
	v15 =	vld.idx.msk [tilespmem:v11+s15+$0x0], $0xffff  }
0x2f4: {  	s8 =	simm.s32 $0x30;
	v10 =	vmov s10;
	v11 =	vld [tilespmem:s28+$0xFFFFFFC0]  }
0x2f5: {  	s31 =	simm.s32 $0x50;
	v62 =	vmov s8;
	v33 =	vshll.u32 v10, $0x4;
	v10 =	vld [tilespmem:s25+$0xFFFFFFE0]  }
0x2f6: {  	v24 =	vmov s31;
	v29 =	vshrl.u32 v7, $0x4;
	v21 =	vshll.u32 v62, $0x4;
	v26 =	vld.idx.msk [tilespmem:v26+s15+$0x0], $0xffff  }
0x2f7: {  	v24 =	vshll.u32 v24, $0x4;
	v29 =	vand.u32 $0xF, v29;
	v21 =	vor.u32 v0, v21;
	v28 =	vld.idx.msk [tilespmem:v28+s15+$0x0], $0xffff  }
0x2f8: {  	v24 =	vor.u32 v0, v24;
	v44 =	vand.u32 $0xF, v7;
	v29 =	vor.u32 v21, v29;
	v30 =	vld.idx.msk [tilespmem:v30+s15+$0x0], $0xffff  }
0x2f9: {  	v27 =	vshrl.u32 v3, $0x4;
	v46 =	vand.u32 $0xF, v4;
	v44 =	vor.u32 v21, v44;
	v48 =	vld.idx.msk [tilespmem:v48+s15+$0x0], $0xffff  }
0x2fa: {  	v42 =	vand.u32 $0xF, v3;
	v31 =	vshrl.u32 v4, $0x4;
	v46 =	vor.u32 v24, v46;
	v12 =	vld.idx.msk [tilespmem:v12+s15+$0x0], $0xffff  }
0x2fb: {  	v50 =	vshrl.u32 v7, $0x8;
	v27 =	vand.u32 $0xF, v27;
	s10 =	simm.s32 $0x60;
	v31 =	vand.u32 $0xF, v31;
	v19 =	vld.idx.msk [tilespmem:v8+s15+$0x0], $0xffff  }
0x2fc: {  	v50 =	vand.u32 $0xF, v50;
	v25 =	vmov s10;
	v31 =	vor.u32 v24, v31;
	v8 =	vld [tilespmem:s25+$0xFFFFFFC0]  }
0x2fd: {  	v50 =	vor.u32 v21, v50;
	v32 =	vshrl.u32 v1, $0x4;
	v33 =	vor.u32 v0, v33;
	v29 =	vld.idx.msk [tilespmem:v29+s15+$0x0], $0xffff  }
0x2fe: {  	v25 =	vshll.u32 v25, $0x4;
	v55 =	vshrl.u32 v1, $0x8;
	v27 =	vor.u32 v33, v27;
	v44 =	vld.idx.msk [tilespmem:v44+s15+$0x0], $0xffff  }
0x2ff: {  	v42 =	vor.u32 v33, v42;
	v13 =	vmul.f32 v13, v14;
	v14 =	vshrl.u32 v3, $0x8;
	v46 =	vld.idx.msk [tilespmem:v46+s15+$0x0], $0xffff  }
0x300: {  	v3 =	vshrl.u32 v3, $0xC;
	v15 =	vmul.f32 v16, v15;
	v16 =	vand.u32 $0xF, v55;
	v55 =	vld [tilespmem:s30+$0x20]  }
0x301: {  	v32 =	vand.u32 $0xF, v32;
	v14 =	vand.u32 $0xF, v14;
	v3 =	vand.u32 $0xF, v3;
	v31 =	vld.idx.msk [tilespmem:v31+s15+$0x0], $0xffff  }
0x302: {  	v25 =	vor.u32 v0, v25;
	v14 =	vor.u32 v33, v14;
	v3 =	vor.u32 v33, v3;
	v33 =	vld [tilespmem:s30+$0x10]  }
0x303: {  	v51 =	vshrl.u32 v6, $0x8;
	v47 =	vand.u32 $0xF, v1;
	v32 =	vor.u32 v25, v32;
	v27 =	vld.idx.msk [tilespmem:v27+s15+$0x0], $0xffff  }
0x304: {  	v51 =	vand.u32 $0xF, v51;
	v53 =	vshrl.u32 v4, $0x8;
	v47 =	vor.u32 v25, v47;
	v42 =	vld.idx.msk [tilespmem:v42+s15+$0x0], $0xffff  }
0x305: {  	v51 =	vor.u32 v22, v51;
	v53 =	vand.u32 $0xF, v53;
	v13 =	vadd.f32 v15, v13;
	v15 =	vld.idx.msk [tilespmem:v49+s15+$0x0], $0xffff  }
0x306: {  	v53 =	vor.u32 v24, v53;
	v49 =	vld.idx.msk [tilespmem:v50+s15+$0x0], $0xffff  }
0x307: {  	v12 =	vmul.f32 v17, v12;
	v17 =	vld [tilespmem:s30+$0xFFFFFFD0]  }
0x308: {  	v16 =	vor.u32 v25, v16;
	v32 =	vld.idx.msk [tilespmem:v32+s15+$0x0], $0xffff  }
0x309: {  	v7 =	vshrl.u32 v7, $0xC;
	v6 =	vshrl.u32 v6, $0xC;
	v47 =	vld.idx.msk [tilespmem:v47+s15+$0x0], $0xffff  }
0x30a: {  	v4 =	vshrl.u32 v4, $0xC;
	v12 =	vadd.f32 v12, v13;
	v13 =	vmul.f32 v23, v19;
	v19 =	vld.idx.msk [tilespmem:v51+s15+$0x0], $0xffff  }
0x30b: {  	v7 =	vand.u32 $0xF, v7;
	v6 =	vand.u32 $0xF, v6;
	v4 =	vand.u32 $0xF, v4;
	v23 =	vld.idx.msk [tilespmem:v53+s15+$0x0], $0xffff  }
0x30c: {  	v6 =	vor.u32 v22, v6;
	v7 =	vor.u32 v21, v7;
	v4 =	vor.u32 v24, v4;
	v14 =	vld.idx.msk [tilespmem:v14+s15+$0x0], $0xffff  }
0x30d: {  	v1 =	vshrl.u32 v1, $0xC;
	v58 =	vmul.f32 v39, v30;
	v8 =	vmul.f32 v8, v41;
	v51 =	vld.idx.msk [tilespmem:v16+s15+$0x0], $0xffff  }
0x30e: {  	v1 =	vand.u32 $0xF, v1;
	v53 =	vmul.f32 v35, v28;
	v57 =	vmul.f32 v37, v29;
	v16 =	vld [tilespmem:s30+$0xFFFFFFC0]  }
0x30f: {  	v59 =	vmul.f32 v40, v46;
	v50 =	vadd.f32 v13, v12;
	v12 =	vmul.f32 v11, v26;
	v11 =	vld.idx.msk [tilespmem:v2+s15+$0x0], $0xffff  }
0x310: {  	v25 =	vor.u32 v25, v1;
	v13 =	vld.idx.msk [tilespmem:v3+s15+$0x0], $0xffff;
	v2 =	vmul.f32 v10, v43;
	v3 =	vmul.f32 v36, v44  }
0x311: {  	v10 =	vld.idx.msk [tilespmem:v5+s15+$0x0], $0xffff;
	v5 =	vmul.f32 v38, v45;
	v34 =	vmul.f32 v34, v27  }
0x312: {  	v1 =	vmul.f32 v9, v42;
	v8 =	vadd.f32 v12, v8;
	v12 =	vld.idx.msk [tilespmem:v7+s15+$0x0], $0xffff;
	v7 =	vmul.f32 v52, v31  }
0x313: {  	v26 =	vadd.f32 v53, v2;
	v60 =	vmul.f32 v54, v47;
	v61 =	vmul.f32 v56, v32;
	v2 =	vld.idx.msk [tilespmem:v4+s15+$0x0], $0xffff  }
0x314: {  	v4 =	vadd.f32 v58, v5;
	v9 =	vadd.f32 v34, v1;
	v1 =	vld.idx.msk [tilespmem:v6+s15+$0x0], $0xffff;
	v16 =	vmul.f32 v16, v48  }
0x315: {  	v6 =	vadd.f32 v57, v3;
	v3 =	vld.idx.msk [tilespmem:v25+s15+$0x0], $0xffff;
	v5 =	vadd.f32 v7, v59;
	v7 =	vmul.f32 v17, v14  }
0x316: {  	v62 =	vadd.f32 v61, v60;
	v14 =	vld [tilespmem:s29+$0xFFFFFFC0];
	v16 =	vadd.f32 v16, v8;
	v8 =	vmul.f32 v20, v15  }
0x317: {  	v17 =	vadd.f32 v7, v9;
	v9 =	vmul.f32 v18, v49;
	v18 =	vmul.f32 v63, v19;
	v15 =	vld [tilespmem:s29+$0xFFFFFFD0]  }
0x318: {  	v20 =	vmul.f32 v33, v23;
	v63 =	vmul.f32 v55, v51;
	v19 =	vld [tilespmem:s29+$0xFFFFFFE0];
	v7 =	vadd.f32 v8, v26  }
0x319: {  	s1 =	simm.s32 $0xB840;
	v8 =	vadd.f32 v9, v6;
	v4 =	vadd.f32 v18, v4;
	v18 =	vld [tilespmem:s29+$0xFFFFFFF0]  }
0x31a: {  	s31 =	simm.s32 $0xB840;
	s0 =	simm.s32 $0x0;
	s8 =	simm.s32 $0x10C0;
	[tilespmem:s1+$0x30] =	vst v50;
	v5 =	vadd.f32 v20, v5;
	v6 =	vadd.f32 v63, v62;
	v9 =	vld [tilespmem:s29+$0x0]  }
.LBB2_11:
0x31b: {  	v21 =	vld [tilespmem:s8+$0x30];
	s0 =	sadd.s32 $0x8, s0;
	v11 =	vmul.f32 v14, v11  }
0x31c: {  	v14 =	vld [tilespmem:s8+$0xFFFFFFC0];
	p1 =	slt.u32 s0, $0x78;
	v13 =	vmul.f32 v15, v13  }
0x31d: {  	s23 =	sadd.s32 $0x80, s23;
	v15 =	vld [tilespmem:s8+$0xFFFFFFD0];
	v20 =	vadd.f32 v11, v16;
	v10 =	vmul.f32 v19, v10  }
0x31e: {  	s10 =	sadd.s32 $0xFFFFFFA0, s23;
	s7 =	sadd.s32 $0xFFFFFFB0, s23;
	s11 =	sadd.s32 $0xFFFFFFC0, s23;
	v19 =	vmov s23;
	v16 =	vld [tilespmem:s8+$0xFFFFFFE0];
	v13 =	vadd.f32 v13, v17;
	v11 =	vmul.f32 v18, v12  }
0x31f: {  	s16 =	sadd.s32 $0xFFFFFFF0, s23;
	v22 =	vmov s10;
	v23 =	vmov s7;
	s7 =	sadd.s32 $0xFFFFFFD0, s23;
	s10 =	sadd.s32 $0xFFFFFFE0, s23;
	v12 =	vshll.u32 v19, $0x4;
	v17 =	vld [tilespmem:s8+$0xFFFFFFF0];
	[tilespmem:s1+$0xFFFFFFC0] =	vst v20  }
0x320: {  	s18 =	sadd.s32 $0xFFFFFF90, s23;
	v24 =	vor.u32 v0, v12;
	v18 =	vld [tilespmem:s8+$0x0];
	v12 =	vand.u32 $0xF, v21;
	v20 =	vshrl.u32 v21, $0x4;
	[tilespmem:s1+$0xFFFFFFD0] =	vst v13  }
0x321: {  	v25 =	vmov s18;
	v19 =	vld [tilespmem:s8+$0x10];
	v26 =	vor.u32 v24, v12;
	v12 =	vand.u32 $0xF, v20  }
0x322: {  	v27 =	vmov s11;
	v20 =	vld [tilespmem:s8+$0x20];
	v28 =	vor.u32 v24, v12;
	v12 =	vshrl.u32 v21, $0x8  }
0x323: {  	v29 =	vmov s7;
	v30 =	vmov s10;
	v13 =	vand.u32 $0xF, v12;
	v12 =	vld [tilespmem:s29+$0x10]  }
0x324: {  	s25 =	sadd.s32 $0x80, s25;
	v31 =	vmov s16;
	v21 =	vshrl.u32 v21, $0xC;
	v32 =	vor.u32 v24, v13;
	v13 =	vld [tilespmem:s29+$0x20]  }
0x325: {  	v33 =	vshrl.u32 v14, $0x4;
	v34 =	vshrl.u32 v15, $0x4;
	v21 =	vand.u32 $0xF, v21;
	v35 =	vld [tilespmem:s25+$0x30]  }
0x326: {  	v36 =	vshrl.u32 v16, $0x4;
	v37 =	vshrl.u32 v17, $0x4;
	v21 =	vor.u32 v24, v21;
	v26 =	vld.idx.msk [tilespmem:v26+s15+$0x0], $0xffff  }
0x327: {  	s28 =	sadd.s32 $0x80, s28;
	v24 =	vshrl.u32 v18, $0x4;
	v38 =	vshrl.u32 v19, $0x4;
	v39 =	vshrl.u32 v20, $0x4;
	v28 =	vld.idx.msk [tilespmem:v28+s15+$0x0], $0xffff  }
0x328: {  	v25 =	vshll.u32 v25, $0x4;
	v40 =	vshll.u32 v22, $0x4;
	v23 =	vshll.u32 v23, $0x4;
	v22 =	vld [tilespmem:s28+$0x30]  }
0x329: {  	s30 =	sadd.s32 $0x80, s30;
	v27 =	vshll.u32 v27, $0x4;
	v29 =	vshll.u32 v29, $0x4;
	v30 =	vshll.u32 v30, $0x4;
	v32 =	vld.idx.msk [tilespmem:v32+s15+$0x0], $0xffff  }
0x32a: {  	v31 =	vshll.u32 v31, $0x4;
	v33 =	vand.u32 $0xF, v33;
	v34 =	vand.u32 $0xF, v34;
	v41 =	vld [tilespmem:s30+$0x30]  }
0x32b: {  	v36 =	vand.u32 $0xF, v36;
	s29 =	sadd.s32 $0x80, s29;
	v37 =	vand.u32 $0xF, v37;
	v24 =	vand.u32 $0xF, v24;
	v42 =	vld.idx.msk [tilespmem:v21+s15+$0x0], $0xffff  }
0x32c: {  	v43 =	vand.u32 $0xF, v14;
	v38 =	vand.u32 $0xF, v38;
	v39 =	vand.u32 $0xF, v39;
	v44 =	vld [tilespmem:s29+$0x30]  }
0x32d: {  	v45 =	vand.u32 $0xF, v15;
	v26 =	vmul.f32 v35, v26;
	v21 =	vld [tilespmem:s25+$0xFFFFFFC0];
	v28 =	vmul.f32 v22, v28  }
0x32e: {  	v46 =	vand.u32 $0xF, v16;
	v47 =	vand.u32 $0xF, v17;
	v48 =	vand.u32 $0xF, v18;
	v35 =	vld [tilespmem:s28+$0xFFFFFFC0]  }
0x32f: {  	v49 =	vand.u32 $0xF, v19;
	v22 =	vld [tilespmem:s25+$0xFFFFFFD0];
	v26 =	vadd.f32 v28, v26;
	v28 =	vmul.f32 v41, v32  }
0x330: {  	v25 =	vor.u32 v0, v25;
	v32 =	vor.u32 v0, v40;
	v41 =	vand.u32 $0xF, v20;
	v40 =	vld [tilespmem:s28+$0xFFFFFFD0]  }
0x331: {  	v23 =	vor.u32 v0, v23;
	v50 =	vld [tilespmem:s25+$0xFFFFFFE0];
	v26 =	vadd.f32 v28, v26;
	v28 =	vmul.f32 v44, v42  }
0x332: {  	v27 =	vor.u32 v0, v27;
	v29 =	vor.u32 v0, v29;
	v30 =	vor.u32 v0, v30;
	v42 =	vld [tilespmem:s28+$0xFFFFFFE0]  }
0x333: {  	v31 =	vor.u32 v0, v31;
	v33 =	vor.u32 v25, v33;
	v44 =	vld [tilespmem:s25+$0xFFFFFFF0];
	v26 =	vadd.f32 v28, v26  }
0x334: {  	s1 =	sadd.s32 $0x80, s1;
	v28 =	vor.u32 v32, v34;
	v34 =	vor.u32 v23, v36;
	v36 =	vor.u32 v27, v37;
	v37 =	vld [tilespmem:s28+$0xFFFFFFF0]  }
0x335: {  	v24 =	vor.u32 v29, v24;
	v38 =	vor.u32 v30, v38;
	v39 =	vor.u32 v31, v39;
	v51 =	vld [tilespmem:s25+$0x0];
	[tilespmem:s1+$0x30] =	vst v26  }
0x336: {  	v26 =	vor.u32 v25, v43;
	v43 =	vor.u32 v32, v45;
	v45 =	vor.u32 v23, v46;
	v46 =	vld [tilespmem:s28+$0x0]  }
0x337: {  	v47 =	vor.u32 v27, v47;
	v48 =	vor.u32 v29, v48;
	v49 =	vor.u32 v30, v49;
	v52 =	vld [tilespmem:s25+$0x10]  }
0x338: {  	v53 =	vshrl.u32 v14, $0x8;
	v54 =	vshrl.u32 v15, $0x8;
	v41 =	vor.u32 v31, v41;
	v33 =	vld.idx.msk [tilespmem:v33+s15+$0x0], $0xffff  }
0x339: {  	v55 =	vshrl.u32 v16, $0x8;
	v56 =	vshrl.u32 v17, $0x8;
	v57 =	vshrl.u32 v18, $0x8;
	v28 =	vld.idx.msk [tilespmem:v28+s15+$0x0], $0xffff  }
0x33a: {  	v53 =	vand.u32 $0xF, v53;
	v58 =	vshrl.u32 v19, $0x8;
	v59 =	vshrl.u32 v20, $0x8;
	v34 =	vld.idx.msk [tilespmem:v34+s15+$0x0], $0xffff  }
0x33b: {  	v54 =	vand.u32 $0xF, v54;
	v55 =	vand.u32 $0xF, v55;
	v56 =	vand.u32 $0xF, v56;
	v36 =	vld.idx.msk [tilespmem:v36+s15+$0x0], $0xffff  }
0x33c: {  	v57 =	vand.u32 $0xF, v57;
	v58 =	vand.u32 $0xF, v58;
	v59 =	vand.u32 $0xF, v59;
	v24 =	vld.idx.msk [tilespmem:v24+s15+$0x0], $0xffff  }
0x33d: {  	v53 =	vor.u32 v25, v53;
	v55 =	vor.u32 v23, v55;
	v54 =	vor.u32 v32, v54;
	v38 =	vld.idx.msk [tilespmem:v38+s15+$0x0], $0xffff  }
0x33e: {  	v56 =	vor.u32 v27, v56;
	v57 =	vor.u32 v29, v57;
	v58 =	vor.u32 v30, v58;
	v39 =	vld.idx.msk [tilespmem:v39+s15+$0x0], $0xffff  }
0x33f: {  	v14 =	vshrl.u32 v14, $0xC;
	v15 =	vshrl.u32 v15, $0xC;
	v59 =	vor.u32 v31, v59;
	v26 =	vld.idx.msk [tilespmem:v26+s15+$0x0], $0xffff  }
0x340: {  	v16 =	vshrl.u32 v16, $0xC;
	v17 =	vshrl.u32 v17, $0xC;
	v18 =	vshrl.u32 v18, $0xC;
	v43 =	vld.idx.msk [tilespmem:v43+s15+$0x0], $0xffff  }
0x341: {  	v14 =	vand.u32 $0xF, v14;
	v19 =	vshrl.u32 v19, $0xC;
	v20 =	vshrl.u32 v20, $0xC;
	v45 =	vld.idx.msk [tilespmem:v45+s15+$0x0], $0xffff  }
0x342: {  	v15 =	vand.u32 $0xF, v15;
	v16 =	vand.u32 $0xF, v16;
	v17 =	vand.u32 $0xF, v17;
	v47 =	vld.idx.msk [tilespmem:v47+s15+$0x0], $0xffff  }
0x343: {  	v18 =	vand.u32 $0xF, v18;
	v19 =	vand.u32 $0xF, v19;
	v20 =	vand.u32 $0xF, v20;
	v48 =	vld.idx.msk [tilespmem:v48+s15+$0x0], $0xffff  }
0x344: {  	v14 =	vor.u32 v25, v14;
	v15 =	vor.u32 v32, v15;
	v23 =	vor.u32 v23, v16;
	v16 =	vld.idx.msk [tilespmem:v49+s15+$0x0], $0xffff  }
0x345: {  	v18 =	vor.u32 v29, v18;
	v19 =	vor.u32 v30, v19;
	v25 =	vor.u32 v27, v17;
	v17 =	vld.idx.msk [tilespmem:v41+s15+$0x0], $0xffff  }
0x346: {  	v20 =	vor.u32 v31, v20;
	v27 =	vmul.f32 v35, v33;
	v28 =	vmul.f32 v40, v28;
	v29 =	vld [tilespmem:s28+$0x10]  }
0x347: {  	v7 =	vadd.f32 v10, v7;
	v30 =	vmul.f32 v42, v34;
	v31 =	vmul.f32 v37, v36;
	v32 =	vld [tilespmem:s25+$0x20]  }
0x348: {  	v8 =	vadd.f32 v11, v8;
	v10 =	vmul.f32 v21, v26;
	v21 =	vmul.f32 v46, v24;
	v24 =	vld [tilespmem:s28+$0x20]  }
0x349: {  	v22 =	vmul.f32 v22, v43;
	v26 =	vmul.f32 v50, v45;
	v11 =	vld.idx.msk [tilespmem:v53+s15+$0x0], $0xffff;
	[tilespmem:s31+$0xFFFFFFE0] =	vst v7  }
0x34a: {  	v33 =	vmul.f32 v51, v48;
	v7 =	vadd.f32 v27, v10;
	v27 =	vmul.f32 v44, v47;
	v10 =	vld.idx.msk [tilespmem:v54+s15+$0x0], $0xffff  }
0x34b: {  	v22 =	vadd.f32 v28, v22;
	v16 =	vmul.f32 v52, v16;
	v28 =	vld.idx.msk [tilespmem:v55+s15+$0x0], $0xffff;
	v29 =	vmul.f32 v29, v38  }
0x34c: {  	v26 =	vadd.f32 v30, v26;
	v27 =	vadd.f32 v31, v27;
	v30 =	vld.idx.msk [tilespmem:v56+s15+$0x0], $0xffff;
	v17 =	vmul.f32 v32, v17  }
0x34d: {  	v21 =	vadd.f32 v21, v33;
	v31 =	vld.idx.msk [tilespmem:v57+s15+$0x0], $0xffff;
	v29 =	vadd.f32 v29, v16;
	v16 =	vmul.f32 v24, v39  }
0x34e: {  	v1 =	vmul.f32 v9, v1;
	v2 =	vmul.f32 v12, v2;
	v24 =	vld.idx.msk [tilespmem:v58+s15+$0x0], $0xffff;
	[tilespmem:s31+$0xFFFFFFF0] =	vst v8  }
0x34f: {  	v3 =	vmul.f32 v13, v3;
	v9 =	vadd.f32 v16, v17;
	v32 =	vld.idx.msk [tilespmem:v59+s15+$0x0], $0xffff  }
0x350: {  	v1 =	vadd.f32 v1, v4;
	v2 =	vadd.f32 v2, v5;
	v8 =	vld [tilespmem:s30+$0xFFFFFFC0]  }
0x351: {  	v3 =	vadd.f32 v3, v6;
	v4 =	vld [tilespmem:s30+$0xFFFFFFD0]  }
0x352: {  	v5 =	vld [tilespmem:s30+$0xFFFFFFE0];
	[tilespmem:s31+$0x0] =	vst v1  }
0x353: {  	v1 =	vld [tilespmem:s30+$0xFFFFFFF0];
	[tilespmem:s31+$0x10] =	vst v2  }
0x354: {  	v2 =	vld [tilespmem:s30+$0x0];
	[tilespmem:s31+$0x20] =	vst v3;
	s31 =	smov.u32 s1  }
0x355: {  	v3 =	vmul.f32 v8, v11;
	v6 =	vld [tilespmem:s30+$0x10]  }
0x356: {  	v4 =	vmul.f32 v4, v10;
	v33 =	vld [tilespmem:s30+$0x20]  }
0x357: {  	v16 =	vadd.f32 v3, v7;
	v11 =	vld.idx.msk [tilespmem:v14+s15+$0x0], $0xffff;
	v3 =	vmul.f32 v5, v28  }
0x358: {  	v17 =	vadd.f32 v4, v22;
	v13 =	vld.idx.msk [tilespmem:v15+s15+$0x0], $0xffff;
	v1 =	vmul.f32 v1, v30  }
0x359: {  	v7 =	vadd.f32 v3, v26;
	v10 =	vld.idx.msk [tilespmem:v23+s15+$0x0], $0xffff;
	v2 =	vmul.f32 v2, v31  }
0x35a: {  	v8 =	vadd.f32 v1, v27;
	v12 =	vld.idx.msk [tilespmem:v25+s15+$0x0], $0xffff;
	v3 =	vmul.f32 v6, v24  }
0x35b: {  	v4 =	vadd.f32 v2, v21;
	v1 =	vld.idx.msk [tilespmem:v18+s15+$0x0], $0xffff;
	v6 =	vmul.f32 v33, v32  }
0x35c: {  	v5 =	vadd.f32 v3, v29;
	v2 =	vld.idx.msk [tilespmem:v19+s15+$0x0], $0xffff  }
0x35d: {  	v6 =	vadd.f32 v6, v9;
	v3 =	vld.idx.msk [tilespmem:v20+s15+$0x0], $0xffff  }
.Ltmp4:
0x35e: {  	v14 =	vld [tilespmem:s29+$0xFFFFFFC0];
	(pc) =	sbr.rel @p1 .LBB2_11-.Ltmp4, $4  }
0x35f: {  	v15 =	vld [tilespmem:s29+$0xFFFFFFD0]  }
0x360: {  	v19 =	vld [tilespmem:s29+$0xFFFFFFE0]  }
0x361: {  	v18 =	vld [tilespmem:s29+$0xFFFFFFF0]  }
0x362: {  	s8 =	sadd.s32 $0x80, s8;
	v9 =	vld [tilespmem:s29+$0x0]  }
0x363: {  	v11 =	vmul.f32 v14, v11;
	v62 =	vld [tilespmem:s29+$0x10]  }
0x364: {  	v63 =	vld [tilespmem:s29+$0x20];
	v13 =	vmul.f32 v15, v13  }
0x365: {  	v11 =	vadd.f32 v11, v16;
	v10 =	vmul.f32 v19, v10  }
0x366: {  	v13 =	vadd.f32 v13, v17;
	v12 =	vmul.f32 v18, v12  }
0x367: {  	[tilespmem:s1+$0xFFFFFFC0] =	vst v11;
	v7 =	vadd.f32 v10, v7;
	v1 =	vmul.f32 v9, v1  }
0x368: {  	[tilespmem:s1+$0xFFFFFFD0] =	vst v13;
	v8 =	vadd.f32 v12, v8;
	v2 =	vmul.f32 v62, v2  }
0x369: {  	v3 =	vmul.f32 v63, v3;
	[tilespmem:s31+$0xFFFFFFE0] =	vst v7;
	v1 =	vadd.f32 v1, v4  }
0x36a: {  	[tilespmem:s31+$0xFFFFFFF0] =	vst v8;
	v2 =	vadd.f32 v2, v5  }
0x36b: {  	v3 =	vadd.f32 v3, v6;
	[tilespmem:s31+$0x0] =	vst v1  }
0x36c: {  	s0 =	sshrl.u32 s9, $0x3;
	[tilespmem:s31+$0x10] =	vst v2  }
.Ltmp5:
0x36d: {  	s0 =	sadd.s32 s6, s0;
	[tilespmem:s31+$0x20] =	vst v3;
	s31 =	simm.s32 $0xB800;
	(pc) =	sbr.rel @p0 .LBB2_18-.Ltmp5, $4  }
0x36e: {  	[hbm4b:s0+s3] =	stream.linear.scatter [tilespmem:s31], [sflag:$0x5], $0x800, $0x38;
	[tilespmem:$0x18000] =	vst v63  }
0x36f: {  	_ =	swait.ge [sflag:s12], $0x800  }
0x370: {  	[sflag:s12] =	ssyncset.done $0x0  }
0x371: {  	s9 =	smov.u32 s22;
	[sflag:s12] =	ssyncadd.s32 $0xFFFFF800  }
0x372: {  	_ =	swait.ge [sflag:s19], $0x800  }
0x373: {  	[sflag:s19] =	ssyncset.done $0x0  }
0x374: {  	s0 =	simm.s32 $0x40;
	[sflag:s19] =	ssyncadd.s32 $0xFFFFF800  }
0x375: {  	v1 =	vld [tilespmem:s0+$0x30]  }
0x376: {  	v2 =	vld [tilespmem:s0+$0xFFFFFFD0]  }
0x377: {  	v3 =	vld [tilespmem:s0+$0xFFFFFFE0]  }
0x378: {  	v4 =	vld [tilespmem:s0+$0xFFFFFFF0]  }
0x379: {  	v5 =	vld [tilespmem:s0+$0x0]  }
0x37a: {  	v6 =	vld [tilespmem:s0+$0x10]  }
0x37b: {  	v7 =	vld [tilespmem:s0+$0x20]  }
0x37c: {  	v8 =	vld [tilespmem:s0+$0xFFFFFFC0]  }
0x37d: {  	v1 =	vmul.f32 $9.999990000e+05, v1  }
0x37e: {  	v2 =	vmul.f32 $9.999990000e+05, v2;
	v3 =	vmul.f32 $9.999990000e+05, v3  }
0x37f: {  	v4 =	vmul.f32 $9.999990000e+05, v4;
	v5 =	vmul.f32 $9.999990000e+05, v5  }
0x380: {  	v6 =	vmul.f32 $9.999990000e+05, v6;
	v7 =	vmul.f32 $9.999990000e+05, v7  }
0x381: {  	v8 =	vmul.f32 $9.999990000e+05, v8;
	v1 =	vtrunc.f32 v1  }
0x382: {  	v2 =	vtrunc.f32 v2;
	v3 =	vtrunc.f32 v3  }
0x383: {  	v4 =	vtrunc.f32 v4;
	v5 =	vtrunc.f32 v5  }
0x384: {  	v6 =	vtrunc.f32 v6;
	v7 =	vtrunc.f32 v7  }
0x385: {  	v8 =	vtrunc.f32 v8;
	v1 =	vcvt.f32.s32 v1  }
0x386: {  	v2 =	vcvt.f32.s32 v2;
	v12 =	vcvt.f32.s32 v8  }
0x387: {  	v3 =	vcvt.f32.s32 v3;
	v4 =	vcvt.f32.s32 v4  }
0x388: {  	v5 =	vcvt.f32.s32 v5;
	v6 =	vcvt.f32.s32 v6  }
0x389: {  	v7 =	vcvt.f32.s32 v7;
	vm0 =	vgt.s32 v1, $0x0;
	vm9 =	vgt.s32 v12, $0x0  }
0x38a: {  	vm1 =	vgt.s32 v2, $0x0;
	vm2 =	vgt.s32 v3, $0x0;
	vm3 =	vgt.s32 v4, $0x0  }
0x38b: {  	vm4 =	vgt.s32 v5, $0x0;
	vm5 =	vgt.s32 v6, $0x0;
	vm6 =	vgt.s32 v7, $0x0  }
0x38c: {  	v1 =	vnsel vm0, $0x0, v1;
	v14 =	vnsel vm4, $0x0, v5;
	v15 =	vnsel vm5, $0x0, v6  }
0x38d: {  	v18 =	vnsel vm6, $0x0, v7;
	v9 =	vmin.u32 v1, $0xF423F;
	v1 =	vmin.u32 v1, $0xF423D  }
0x38e: {  	v21 =	vmin.u32 v14, $0xF423F;
	v23 =	vmin.u32 v15, $0xF423F;
	v24 =	vmin.u32 v18, $0xF423F  }
0x38f: {  	v14 =	vmin.u32 v14, $0xF423D;
	v15 =	vmin.u32 v15, $0xF423D;
	v18 =	vmin.u32 v18, $0xF423D  }
0x390: {  	v10 =	vadd.s32 $0xFFFFFFFF, v9;
	v28 =	vadd.s32 $0xFFFFFFFF, v21;
	v29 =	vadd.s32 $0xFFFFFFFF, v23  }
0x391: {  	v30 =	vadd.s32 $0xFFFFFFFF, v24;
	v11 =	vshra.s32 v10, $0x3;
	vm8 =	vgt.s32 v10, $0x0  }
0x392: {  	v31 =	vshra.s32 v28, $0x3;
	v32 =	vshra.s32 v29, $0x3;
	vm7 =	vgt.s32 v11, $0x0  }
0x393: {  	v33 =	vshra.s32 v30, $0x3;
	v10 =	vnsel vm8, $0x0, v10;
	v8 =	vnsel vm7, $0x0, v11  }
0x394: {  	vm14 =	vgt.s32 v31, $0x0;
	vm15 =	vgt.s32 v32, $0x0;
	v11 =	vshll.u32 v8, $0x3  }
0x395: {  	vm8 =	vgt.s32 v33, $0x0;
	v10 =	vsub.s32 v10, v11;
	v9 =	vsub.s32 v9, v11  }
0x396: {  	v1 =	vsub.s32 v1, v11;
	v11 =	vnsel vm1, $0x0, v2;
	v13 =	vshll.u32 v9, $0x8  }
0x397: {  	v9 =	vshll.u32 v9, $0x4;
	v1 =	vshll.u32 v1, $0xC;
	v17 =	vmin.u32 v11, $0xF423F  }
0x398: {  	v11 =	vmin.u32 v11, $0xF423D;
	v9 =	vor.u32 v10, v9;
	v10 =	vadd.s32 $0x100, v13  }
0x399: {  	v1 =	vadd.s32 $0x2000, v1;
	v13 =	vnsel vm3, $0x0, v4;
	v25 =	vadd.s32 $0xFFFFFFFF, v17  }
0x39a: {  	v9 =	vor.u32 v10, v9;
	v10 =	vnsel vm9, $0x0, v12;
	v12 =	vnsel vm2, $0x0, v3  }
0x39b: {  	v20 =	vmin.u32 v13, $0xF423F;
	v2 =	vshra.s32 v25, $0x3;
	v13 =	vmin.u32 v13, $0xF423D  }
0x39c: {  	v9 =	vor.u32 v1, v9;
	v16 =	vmin.u32 v10, $0xF423F;
	v19 =	vmin.u32 v12, $0xF423F  }
0x39d: {  	v27 =	vadd.s32 $0xFFFFFFFF, v20;
	vm11 =	vgt.s32 v2, $0x0;
	v10 =	vmin.u32 v10, $0xF423D  }
0x39e: {  	v12 =	vmin.u32 v12, $0xF423D;
	v22 =	vadd.s32 $0xFFFFFFFF, v16;
	v26 =	vadd.s32 $0xFFFFFFFF, v19  }
0x39f: {  	v4 =	vshra.s32 v27, $0x3;
	v6 =	vnsel vm11, $0x0, v2;
	v2 =	vnsel vm15, $0x0, v32  }
0x3a0: {  	vm15 =	vgt.s32 v30, $0x0;
	v1 =	vshra.s32 v22, $0x3;
	v3 =	vshra.s32 v26, $0x3  }
0x3a1: {  	vm13 =	vgt.s32 v4, $0x0;
	v60 =	vshll.u32 v6, $0x3;
	v36 =	vshll.u32 v2, $0x3  }
0x3a2: {  	vm9 =	vgt.s32 v22, $0x0;
	vm11 =	vgt.s32 v26, $0x0;
	v30 =	vnsel vm15, $0x0, v30  }
0x3a3: {  	vm10 =	vgt.s32 v1, $0x0;
	vm12 =	vgt.s32 v3, $0x0;
	v4 =	vnsel vm13, $0x0, v4  }
0x3a4: {  	vm13 =	vgt.s32 v28, $0x0;
	v22 =	vnsel vm9, $0x0, v22;
	v17 =	vsub.s32 v17, v60  }
0x3a5: {  	v23 =	vsub.s32 v23, v36;
	v26 =	vnsel vm11, $0x0, v26;
	v7 =	vnsel vm10, $0x0, v1  }
0x3a6: {  	v5 =	vnsel vm12, $0x0, v3;
	v3 =	vnsel vm14, $0x0, v31;
	v1 =	vnsel vm8, $0x0, v33  }
0x3a7: {  	v34 =	vshll.u32 v4, $0x3;
	vm10 =	vgt.s32 v25, $0x0;
	vm12 =	vgt.s32 v27, $0x0  }
0x3a8: {  	vm14 =	vgt.s32 v29, $0x0;
	v28 =	vnsel vm13, $0x0, v28;
	v39 =	vshll.u32 v17, $0x8  }
0x3a9: {  	v17 =	vshll.u32 v17, $0x4;
	v46 =	vshll.u32 v23, $0x4;
	v31 =	vshll.u32 v7, $0x3  }
0x3aa: {  	v61 =	vshll.u32 v5, $0x3;
	v35 =	vshll.u32 v3, $0x3;
	v37 =	vshll.u32 v1, $0x3  }
0x3ab: {  	v25 =	vnsel vm10, $0x0, v25;
	v20 =	vsub.s32 v20, v34;
	v27 =	vnsel vm12, $0x0, v27  }
0x3ac: {  	v29 =	vnsel vm14, $0x0, v29;
	v62 =	vsub.s32 v13, v34;
	v16 =	vsub.s32 v16, v31  }
0x3ad: {  	v19 =	vsub.s32 v19, v61;
	v21 =	vsub.s32 v21, v35;
	v24 =	vsub.s32 v24, v37  }
0x3ae: {  	v42 =	vshll.u32 v20, $0x8;
	v43 =	vshll.u32 v20, $0x4;
	v10 =	vsub.s32 v10, v31  }
0x3af: {  	v20 =	vsub.s32 v25, v60;
	v25 =	vsub.s32 v11, v60;
	v13 =	vsub.s32 v28, v35  }
0x3b0: {  	v63 =	vsub.s32 v14, v35;
	v14 =	vsub.s32 v29, v36;
	v29 =	vsub.s32 v15, v36  }
0x3b1: {  	v28 =	vsub.s32 v30, v37;
	v30 =	vsub.s32 v18, v37;
	v38 =	vadd.s32 $0x1, v16  }
0x3b2: {  	v16 =	vshll.u32 v16, $0x4;
	v40 =	vshll.u32 v19, $0x8;
	v41 =	vshll.u32 v19, $0x4  }
0x3b3: {  	v44 =	vshll.u32 v21, $0x8;
	v45 =	vshll.u32 v21, $0x4;
	v19 =	vsub.s32 v22, v31  }
0x3b4: {  	v31 =	vshll.u32 v23, $0x8;
	v11 =	vshll.u32 v24, $0x8;
	v24 =	vshll.u32 v24, $0x4  }
0x3b5: {  	s1 =	simm.s32 $0x1040;
	v21 =	vsub.s32 v26, v61;
	v26 =	vsub.s32 v12, v61;
	v12 =	vsub.s32 v27, v34  }
0x3b6: {  	s0 =	simm.s32 $0x840;
	[tilespmem:s1+$0x30] =	vst v9;
	v20 =	vor.u32 v20, v17;
	v23 =	vadd.s32 $0x100, v39;
	v17 =	vadd.s32 $0x100, v42  }
0x3b7: {  	[tilespmem:s0+$0x30] =	vst v8;
	v27 =	vadd.s32 $0x2, v10;
	v9 =	vshll.u32 v29, $0xC;
	v8 =	vshll.u32 v30, $0xC  }
0x3b8: {  	v19 =	vor.u32 v19, v16;
	v22 =	vshll.u32 v38, $0x8;
	v18 =	vor.u32 v21, v41  }
0x3b9: {  	v21 =	vadd.s32 $0x100, v40;
	v15 =	vor.u32 v12, v43;
	v13 =	vor.u32 v13, v45  }
0x3ba: {  	v16 =	vadd.s32 $0x100, v44;
	v12 =	vor.u32 v14, v46;
	v14 =	vadd.s32 $0x100, v31  }
0x3bb: {  	v10 =	vor.u32 v28, v24;
	v11 =	vadd.s32 $0x100, v11;
	v28 =	vshll.u32 v25, $0xC  }
0x3bc: {  	s8 =	simm.s32 $0x0;
	s9 =	simm.s32 $0xC0;
	v26 =	vshll.u32 v26, $0xC;
	v25 =	vshll.u32 v62, $0xC;
	v24 =	vshll.u32 v63, $0xC  }
.LBB2_14:
0x3bd: {  	v29 =	vld [tilespmem:s9+$0x30];
	v19 =	vor.u32 v22, v19;
	v20 =	vor.u32 v23, v20;
	v18 =	vor.u32 v21, v18  }
0x3be: {  	s8 =	sadd.s32 $0x8, s8;
	v15 =	vor.u32 v17, v15;
	v13 =	vor.u32 v16, v13;
	v12 =	vor.u32 v14, v12;
	v21 =	vld [tilespmem:s9+$0xFFFFFFD0]  }
0x3bf: {  	v16 =	vshll.u32 v27, $0xC;
	v17 =	vadd.s32 $0x2000, v28;
	v10 =	vor.u32 v11, v10;
	p0 =	slt.u32 s8, $0x78;
	v14 =	vld [tilespmem:s9+$0xFFFFFFE0]  }
0x3c0: {  	v22 =	vadd.s32 $0x2000, v26;
	v23 =	vadd.s32 $0x2000, v25;
	v24 =	vadd.s32 $0x2000, v24;
	v11 =	vld [tilespmem:s9+$0xFFFFFFF0]  }
0x3c1: {  	v9 =	vadd.s32 $0x2000, v9;
	v8 =	vadd.s32 $0x2000, v8;
	v16 =	vor.u32 v16, v19;
	v25 =	vld [tilespmem:s9+$0x0]  }
0x3c2: {  	v19 =	vld [tilespmem:s9+$0x10];
	v26 =	vmul.f32 $9.999990000e+05, v29;
	[tilespmem:s1+$0xFFFFFFC0] =	vst v16;
	v16 =	vor.u32 v17, v20;
	v17 =	vor.u32 v22, v18  }
0x3c3: {  	v13 =	vor.u32 v24, v13;
	v18 =	vmul.f32 $9.999990000e+05, v21;
	v20 =	vld [tilespmem:s9+$0x20];
	[tilespmem:s0+$0xFFFFFFC0] =	vst v7;
	v7 =	vor.u32 v23, v15  }
0x3c4: {  	v9 =	vor.u32 v9, v12;
	v15 =	vld [tilespmem:s9+$0xFFFFFFC0];
	v14 =	vmul.f32 $9.999990000e+05, v14;
	v21 =	vtrunc.f32 v26;
	[tilespmem:s1+$0xFFFFFFD0] =	vst v16  }
0x3c5: {  	v11 =	vmul.f32 $9.999990000e+05, v11;
	v12 =	vcvt.f32.s32 v21;
	[tilespmem:s0+$0xFFFFFFD0] =	vst v6;
	v6 =	vor.u32 v8, v10  }
0x3c6: {  	v8 =	vtrunc.f32 v18;
	v10 =	vmul.f32 $9.999990000e+05, v25;
	[tilespmem:s1+$0xFFFFFFE0] =	vst v17  }
0x3c7: {  	v14 =	vtrunc.f32 v14;
	v16 =	vmul.f32 $9.999990000e+05, v19;
	vm0 =	vgt.s32 v12, $0x0;
	[tilespmem:s0+$0xFFFFFFE0] =	vst v5  }
0x3c8: {  	v5 =	vtrunc.f32 v11;
	v11 =	vmul.f32 $9.999990000e+05, v20;
	v12 =	vnsel vm0, $0x0, v12;
	[tilespmem:s1+$0xFFFFFFF0] =	vst v7  }
0x3c9: {  	v10 =	vtrunc.f32 v10;
	v7 =	vmul.f32 $9.999990000e+05, v15;
	v15 =	vmin.u32 v12, $0xF423F;
	[tilespmem:s0+$0xFFFFFFF0] =	vst v4  }
0x3ca: {  	v4 =	vtrunc.f32 v16;
	v11 =	vtrunc.f32 v11;
	v16 =	vadd.s32 $0xFFFFFFFF, v15;
	[tilespmem:s1+$0x0] =	vst v13  }
0x3cb: {  	v8 =	vcvt.f32.s32 v8;
	v7 =	vtrunc.f32 v7;
	v13 =	vshra.s32 v16, $0x3;
	[tilespmem:s0+$0x0] =	vst v3  }
0x3cc: {  	v3 =	vcvt.f32.s32 v7;
	v7 =	vcvt.f32.s32 v14;
	vm0 =	vgt.s32 v13, $0x0;
	[tilespmem:s1+$0x10] =	vst v9  }
0x3cd: {  	v5 =	vcvt.f32.s32 v5;
	v9 =	vnsel vm0, $0x0, v13;
	vm0 =	vgt.s32 v16, $0x0;
	[tilespmem:s0+$0x10] =	vst v2  }
0x3ce: {  	v2 =	vcvt.f32.s32 v10;
	v10 =	vshll.u32 v9, $0x3;
	v13 =	vnsel vm0, $0x0, v16;
	[tilespmem:s1+$0x20] =	vst v6  }
0x3cf: {  	v12 =	vmin.u32 v12, $0xF423D;
	v6 =	vsub.s32 v13, v10;
	v13 =	vsub.s32 v15, v10;
	[tilespmem:s0+$0x20] =	vst v1  }
0x3d0: {  	v10 =	vsub.s32 v12, v10;
	v1 =	vshll.u32 v13, $0x8;
	v12 =	vshll.u32 v13, $0x4  }
0x3d1: {  	v10 =	vshll.u32 v10, $0xC;
	v6 =	vor.u32 v6, v12;
	v1 =	vadd.s32 $0x100, v1  }
0x3d2: {  	v4 =	vcvt.f32.s32 v4;
	v1 =	vor.u32 v1, v6;
	v6 =	vadd.s32 $0x2000, v10  }
0x3d3: {  	vm0 =	vgt.s32 v3, $0x0;
	s1 =	sadd.s32 $0x80, s1;
	v10 =	vcvt.f32.s32 v11;
	v1 =	vor.u32 v6, v1  }
0x3d4: {  	vm1 =	vgt.s32 v8, $0x0;
	vm3 =	vgt.s32 v5, $0x0;
	vm2 =	vgt.s32 v7, $0x0;
	s0 =	sadd.s32 $0x80, s0;
	[tilespmem:s1+$0x30] =	vst v1  }
0x3d5: {  	vm5 =	vgt.s32 v4, $0x0;
	vm4 =	vgt.s32 v2, $0x0;
	vm6 =	vgt.s32 v10, $0x0;
	[tilespmem:s0+$0x30] =	vst v9  }
0x3d6: {  	v8 =	vnsel vm1, $0x0, v8;
	v11 =	vnsel vm2, $0x0, v7;
	v9 =	vnsel vm0, $0x0, v3  }
0x3d7: {  	v14 =	vnsel vm5, $0x0, v4;
	v13 =	vnsel vm4, $0x0, v2;
	v12 =	vnsel vm3, $0x0, v5  }
0x3d8: {  	v16 =	vmin.u32 v8, $0xF423F;
	v10 =	vnsel vm6, $0x0, v10;
	v15 =	vmin.u32 v9, $0xF423F  }
0x3d9: {  	v19 =	vmin.u32 v13, $0xF423F;
	v18 =	vmin.u32 v12, $0xF423F;
	v17 =	vmin.u32 v11, $0xF423F  }
0x3da: {  	v21 =	vmin.u32 v14, $0xF423F;
	v22 =	vmin.u32 v10, $0xF423F;
	v20 =	vadd.s32 $0xFFFFFFFF, v15  }
0x3db: {  	v23 =	vadd.s32 $0xFFFFFFFF, v16;
	v25 =	vadd.s32 $0xFFFFFFFF, v18;
	v24 =	vadd.s32 $0xFFFFFFFF, v17  }
0x3dc: {  	v27 =	vadd.s32 $0xFFFFFFFF, v21;
	v26 =	vadd.s32 $0xFFFFFFFF, v19;
	v28 =	vadd.s32 $0xFFFFFFFF, v22  }
0x3dd: {  	v2 =	vshra.s32 v23, $0x3;
	v3 =	vshra.s32 v24, $0x3;
	v1 =	vshra.s32 v20, $0x3  }
0x3de: {  	v30 =	vshra.s32 v27, $0x3;
	v29 =	vshra.s32 v26, $0x3;
	v4 =	vshra.s32 v25, $0x3  }
0x3df: {  	vm1 =	vgt.s32 v2, $0x0;
	v31 =	vshra.s32 v28, $0x3;
	vm0 =	vgt.s32 v1, $0x0  }
0x3e0: {  	vm4 =	vgt.s32 v29, $0x0;
	vm3 =	vgt.s32 v4, $0x0;
	vm2 =	vgt.s32 v3, $0x0  }
0x3e1: {  	vm5 =	vgt.s32 v31, $0x0;
	v7 =	vnsel vm0, $0x0, v1;
	vm0 =	vgt.s32 v30, $0x0  }
0x3e2: {  	v6 =	vnsel vm1, $0x0, v2;
	v4 =	vnsel vm3, $0x0, v4;
	v5 =	vnsel vm2, $0x0, v3  }
0x3e3: {  	v3 =	vnsel vm4, $0x0, v29;
	v1 =	vnsel vm5, $0x0, v31;
	v2 =	vnsel vm0, $0x0, v30  }
0x3e4: {  	v31 =	vshll.u32 v5, $0x3;
	v29 =	vshll.u32 v7, $0x3;
	v30 =	vshll.u32 v6, $0x3  }
0x3e5: {  	v32 =	vshll.u32 v4, $0x3;
	v33 =	vshll.u32 v3, $0x3;
	v34 =	vshll.u32 v2, $0x3  }
0x3e6: {  	vm1 =	vgt.s32 v23, $0x0;
	vm0 =	vgt.s32 v20, $0x0;
	v35 =	vshll.u32 v1, $0x3  }
0x3e7: {  	vm3 =	vgt.s32 v25, $0x0;
	vm2 =	vgt.s32 v24, $0x0;
	vm4 =	vgt.s32 v26, $0x0  }
0x3e8: {  	vm6 =	vgt.s32 v28, $0x0;
	vm5 =	vgt.s32 v27, $0x0;
	v15 =	vsub.s32 v15, v29  }
0x3e9: {  	v18 =	vsub.s32 v18, v32;
	v17 =	vsub.s32 v17, v31;
	v16 =	vsub.s32 v16, v30  }
0x3ea: {  	v19 =	vsub.s32 v19, v33;
	v22 =	vsub.s32 v22, v35;
	v21 =	vsub.s32 v21, v34  }
0x3eb: {  	v23 =	vnsel vm1, $0x0, v23;
	v24 =	vnsel vm2, $0x0, v24;
	v20 =	vnsel vm0, $0x0, v20  }
0x3ec: {  	v25 =	vnsel vm3, $0x0, v25;
	v26 =	vnsel vm4, $0x0, v26;
	v27 =	vnsel vm5, $0x0, v27  }
0x3ed: {  	v8 =	vmin.u32 v8, $0xF423D;
	v9 =	vmin.u32 v9, $0xF423D;
	v28 =	vnsel vm6, $0x0, v28  }
0x3ee: {  	v13 =	vmin.u32 v13, $0xF423D;
	v12 =	vmin.u32 v12, $0xF423D;
	v11 =	vmin.u32 v11, $0xF423D  }
0x3ef: {  	v14 =	vmin.u32 v14, $0xF423D;
	v10 =	vmin.u32 v10, $0xF423D;
	v36 =	vadd.s32 $0x1, v15  }
0x3f0: {  	v15 =	vshll.u32 v15, $0x4;
	v37 =	vshll.u32 v16, $0x8;
	v16 =	vshll.u32 v16, $0x4  }
0x3f1: {  	v39 =	vshll.u32 v18, $0x8;
	v38 =	vshll.u32 v17, $0x8;
	v17 =	vshll.u32 v17, $0x4  }
0x3f2: {  	v40 =	vshll.u32 v18, $0x4;
	v41 =	vshll.u32 v19, $0x8;
	v42 =	vshll.u32 v19, $0x4  }
0x3f3: {  	v45 =	vshll.u32 v22, $0x8;
	v43 =	vshll.u32 v21, $0x8;
	v44 =	vshll.u32 v21, $0x4  }
0x3f4: {  	v9 =	vsub.s32 v9, v29;
	v18 =	vsub.s32 v20, v29;
	v29 =	vshll.u32 v22, $0x4  }
0x3f5: {  	v8 =	vsub.s32 v8, v30;
	v20 =	vsub.s32 v23, v30;
	v21 =	vsub.s32 v24, v31  }
0x3f6: {  	v24 =	vsub.s32 v11, v31;
	v11 =	vsub.s32 v25, v32;
	v25 =	vsub.s32 v12, v32  }
0x3f7: {  	v30 =	vsub.s32 v13, v33;
	v12 =	vsub.s32 v26, v33;
	v26 =	vsub.s32 v27, v34  }
0x3f8: {  	v28 =	vsub.s32 v28, v35;
	v31 =	vsub.s32 v14, v34;
	v32 =	vsub.s32 v10, v35  }
0x3f9: {  	v19 =	vor.u32 v18, v15;
	v22 =	vshll.u32 v36, $0x8;
	v20 =	vor.u32 v20, v16  }
0x3fa: {  	v23 =	vadd.s32 $0x100, v37;
	v18 =	vor.u32 v21, v17;
	v21 =	vadd.s32 $0x100, v38  }
.Ltmp6:
0x3fb: {  	v15 =	vor.u32 v11, v40;
	v17 =	vadd.s32 $0x100, v39;
	v13 =	vor.u32 v12, v42;
	(pc) =	sbr.rel @p0 .LBB2_14-.Ltmp6, $4  }
0x3fc: {  	v16 =	vadd.s32 $0x100, v41;
	v12 =	vor.u32 v26, v44;
	v14 =	vadd.s32 $0x100, v43  }
0x3fd: {  	v27 =	vadd.s32 $0x2, v9;
	v10 =	vor.u32 v28, v29;
	v11 =	vadd.s32 $0x100, v45  }
0x3fe: {  	v28 =	vshll.u32 v8, $0xC;
	v26 =	vshll.u32 v24, $0xC;
	v25 =	vshll.u32 v25, $0xC  }
0x3ff: {  	s9 =	sadd.s32 $0x80, s9;
	v24 =	vshll.u32 v30, $0xC;
	v9 =	vshll.u32 v31, $0xC;
	v8 =	vshll.u32 v32, $0xC  }
0x400: {  	v19 =	vor.u32 v22, v19;
	v22 =	vshll.u32 v27, $0xC  }
0x401: {  	v19 =	vor.u32 v22, v19  }
0x402: {  	v20 =	vor.u32 v23, v20;
	v22 =	vadd.s32 $0x2000, v28;
	[tilespmem:s1+$0xFFFFFFC0] =	vst v19  }
0x403: {  	v19 =	vor.u32 v22, v20;
	[tilespmem:s0+$0xFFFFFFC0] =	vst v7  }
0x404: {  	v7 =	vor.u32 v21, v18;
	v18 =	vadd.s32 $0x2000, v26;
	[tilespmem:s1+$0xFFFFFFD0] =	vst v19  }
0x405: {  	v7 =	vor.u32 v18, v7;
	[tilespmem:s0+$0xFFFFFFD0] =	vst v6  }
0x406: {  	v6 =	vor.u32 v17, v15;
	v15 =	vadd.s32 $0x2000, v25;
	[tilespmem:s1+$0xFFFFFFE0] =	vst v7  }
0x407: {  	v6 =	vor.u32 v15, v6;
	[tilespmem:s0+$0xFFFFFFE0] =	vst v5  }
0x408: {  	v7 =	vadd.s32 $0x2000, v24;
	v5 =	vor.u32 v16, v13;
	[tilespmem:s1+$0xFFFFFFF0] =	vst v6  }
0x409: {  	v5 =	vor.u32 v7, v5;
	[tilespmem:s0+$0xFFFFFFF0] =	vst v4  }
0x40a: {  	v6 =	vadd.s32 $0x2000, v9;
	v4 =	vor.u32 v14, v12;
	[tilespmem:s1+$0x0] =	vst v5  }
0x40b: {  	v4 =	vor.u32 v6, v4;
	[tilespmem:s0+$0x0] =	vst v3  }
0x40c: {  	v5 =	vadd.s32 $0x2000, v8;
	v3 =	vor.u32 v11, v10;
	[tilespmem:s1+$0x10] =	vst v4  }
0x40d: {  	v3 =	vor.u32 v5, v3;
	[tilespmem:s0+$0x10] =	vst v2  }
0x40e: {  	[tilespmem:s1+$0x20] =	vst v3  }
0x40f: {  	s18 =	simm.s32 $0x800;
	[tilespmem:s0+$0x20] =	vst v1  }
0x410: {  	[tilespmem:s15], [sflag:$0x1] =	stream.indirect.gather [hbm4b:s5+s13], $0x10, s18, s13, $0xb8;
	[tilespmem:$0x18000] =	vst v63  }
0x411: {  	s23 =	simm.s32 $0x880;
	s25 =	simm.s32 $0x4000  }
0x412: {  	[tilespmem:s25], [sflag:$0x1] =	stream.indirect.gather [hbm4b:s5+s13], $0x10, s23, s13, $0xb8;
	[tilespmem:$0x18000] =	vst v63  }
0x413: {  	s7 =	simm.s32 $0x4800;
	s1 =	simm.s32 $0x900  }
0x414: {  	[tilespmem:s7], [sflag:$0x1] =	stream.indirect.gather [hbm4b:s5+s13], $0x10, s1, s13, $0xb8;
	[tilespmem:$0x18000] =	vst v63  }
0x415: {  	s8 =	simm.s32 $0x980;
	s9 =	simm.s32 $0x5000  }
0x416: {  	[tilespmem:s9], [sflag:$0x1] =	stream.indirect.gather [hbm4b:s5+s13], $0x10, s8, s13, $0xb8;
	[tilespmem:$0x18000] =	vst v63  }
0x417: {  	s10 =	simm.s32 $0xA00;
	s11 =	simm.s32 $0x5800  }
0x418: {  	[tilespmem:s11], [sflag:$0x1] =	stream.indirect.gather [hbm4b:s5+s13], $0x10, s10, s13, $0xb8;
	[tilespmem:$0x18000] =	vst v63  }
0x419: {  	s16 =	simm.s32 $0xA80;
	s18 =	simm.s32 $0x6000  }
0x41a: {  	[tilespmem:s18], [sflag:$0x1] =	stream.indirect.gather [hbm4b:s5+s13], $0x10, s16, s13, $0xb8;
	[tilespmem:$0x18000] =	vst v63  }
0x41b: {  	s23 =	simm.s32 $0xB00;
	s25 =	simm.s32 $0x6800  }
0x41c: {  	[tilespmem:s25], [sflag:$0x1] =	stream.indirect.gather [hbm4b:s5+s13], $0x10, s23, s13, $0xb8;
	[tilespmem:$0x18000] =	vst v63  }
0x41d: {  	s1 =	simm.s32 $0xB80;
	s7 =	simm.s32 $0x7000  }
0x41e: {  	[tilespmem:s7], [sflag:$0x1] =	stream.indirect.gather [hbm4b:s5+s13], $0x10, s1, s13, $0xb8;
	[tilespmem:$0x18000] =	vst v63  }
0x41f: {  	s8 =	simm.s32 $0xC00;
	s9 =	simm.s32 $0x7800  }
0x420: {  	[tilespmem:s9], [sflag:$0x1] =	stream.indirect.gather [hbm4b:s5+s13], $0x10, s8, s13, $0xb8;
	[tilespmem:$0x18000] =	vst v63  }
0x421: {  	s10 =	simm.s32 $0xC80;
	s11 =	simm.s32 $0x8000  }
0x422: {  	[tilespmem:s11], [sflag:$0x1] =	stream.indirect.gather [hbm4b:s5+s13], $0x10, s10, s13, $0xb8;
	[tilespmem:$0x18000] =	vst v63  }
0x423: {  	s16 =	simm.s32 $0xD00;
	s18 =	simm.s32 $0x8800  }
0x424: {  	[tilespmem:s18], [sflag:$0x1] =	stream.indirect.gather [hbm4b:s5+s13], $0x10, s16, s13, $0xb8;
	[tilespmem:$0x18000] =	vst v63  }
0x425: {  	s23 =	simm.s32 $0xD80;
	s25 =	simm.s32 $0x9000  }
0x426: {  	[tilespmem:s25], [sflag:$0x1] =	stream.indirect.gather [hbm4b:s5+s13], $0x10, s23, s13, $0xb8;
	[tilespmem:$0x18000] =	vst v63  }
0x427: {  	s7 =	simm.s32 $0xE00;
	s8 =	simm.s32 $0x9800  }
0x428: {  	[tilespmem:s8], [sflag:$0x1] =	stream.indirect.gather [hbm4b:s5+s13], $0x10, s7, s13, $0xb8;
	[tilespmem:$0x18000] =	vst v63  }
0x429: {  	s9 =	simm.s32 $0xE80;
	s10 =	simm.s32 $0xA000  }
0x42a: {  	[tilespmem:s10], [sflag:$0x1] =	stream.indirect.gather [hbm4b:s5+s13], $0x10, s9, s13, $0xb8;
	[tilespmem:$0x18000] =	vst v63  }
0x42b: {  	s11 =	simm.s32 $0xF00;
	s16 =	simm.s32 $0xA800  }
0x42c: {  	[tilespmem:s16], [sflag:$0x1] =	stream.indirect.gather [hbm4b:s5+s13], $0x10, s11, s13, $0xb8;
	[tilespmem:$0x18000] =	vst v63  }
0x42d: {  	s18 =	simm.s32 $0xF80;
	s23 =	simm.s32 $0xB000;
	s25 =	simm.s32 $0x40  }
0x42e: {  	[tilespmem:s23], [sflag:$0x1] =	stream.indirect.gather [hbm4b:s5+s13], $0x10, s18, s13, $0xb8;
	[tilespmem:$0x18000] =	vst v63  }
0x42f: {  	v1 =	vld [tilespmem:s25+$0xFFFFFFE0]  }
0x430: {  	v2 =	vld [tilespmem:s25+$0x20]  }
0x431: {  	v3 =	vld [tilespmem:s25+$0x0]  }
0x432: {  	v4 =	vld [tilespmem:s25+$0xFFFFFFC0]  }
0x433: {  	v5 =	vld [tilespmem:s25+$0x30]  }
0x434: {  	v6 =	vld [tilespmem:s25+$0x10]  }
0x435: {  	v10 =	vld [tilespmem:s25+$0xFFFFFFD0];
	_ =	sdelay $0x1  }
0x436: {  	v2 =	vmul.f32 $9.999990000e+05, v2;
	v1 =	vmul.f32 $9.999990000e+05, v1  }
0x437: {  	v3 =	vmul.f32 $9.999990000e+05, v3;
	v4 =	vmul.f32 $9.999990000e+05, v4  }
0x438: {  	v5 =	vmul.f32 $9.999990000e+05, v5;
	v6 =	vmul.f32 $9.999990000e+05, v6  }
0x439: {  	v10 =	vmul.f32 $9.999990000e+05, v10;
	v7 =	vtrunc.f32 v2  }
0x43a: {  	v8 =	vtrunc.f32 v1;
	v9 =	vtrunc.f32 v3  }
0x43b: {  	v11 =	vtrunc.f32 v5;
	v12 =	vtrunc.f32 v4  }
0x43c: {  	v14 =	vtrunc.f32 v10;
	v7 =	vcvt.f32.s32 v7  }
0x43d: {  	v8 =	vcvt.f32.s32 v8;
	v11 =	vcvt.f32.s32 v11  }
0x43e: {  	v9 =	vcvt.f32.s32 v9;
	v7 =	vcvt.s32.f32 v7  }
0x43f: {  	v8 =	vcvt.s32.f32 v8;
	v11 =	vcvt.s32.f32 v11  }
0x440: {  	v9 =	vcvt.s32.f32 v9;
	v2 =	vsub.f32 v2, v7;
	v7 =	vcvt.f32.s32 v12  }
0x441: {  	v12 =	vtrunc.f32 v6;
	v8 =	vsub.f32 v1, v8;
	v5 =	vsub.f32 v5, v11;
	v11 =	vld [tilespmem:s25+$0xFFFFFFF0]  }
0x442: {  	v14 =	vcvt.f32.s32 v14;
	v3 =	vsub.f32 v3, v9;
	v9 =	vcvt.f32.s32 v12  }
0x443: {  	v2 =	vmax.f32 v2, $0.0e+00;
	v7 =	vcvt.s32.f32 v7;
	v8 =	vmax.f32 v8, $0.0e+00  }
0x444: {  	v3 =	vmax.f32 v3, $0.0e+00;
	v5 =	vmax.f32 v5, $0.0e+00;
	v2 =	vmin.f32 v2, $9.999998800e-01  }
0x445: {  	v8 =	vmin.f32 v8, $9.999998800e-01;
	v9 =	vcvt.s32.f32 v9;
	v13 =	vmul.f32 v2, v2  }
0x446: {  	v15 =	vsub.f32 $1.000000000e+00, v2;
	v19 =	vmul.f32 $3.000000000e+00, v8;
	v11 =	vmul.f32 $9.999990000e+05, v11  }
0x447: {  	v18 =	vsub.f32 $1.000000000e+00, v8;
	v12 =	vmul.f32 v13, v2;
	v16 =	vmul.f32 $6.000000000e+00, v13  }
0x448: {  	v4 =	vsub.f32 v4, v7;
	v2 =	vmul.f32 $3.000000000e+00, v2;
	v13 =	vmul.f32 $3.000000000e+00, v13  }
0x449: {  	v6 =	vsub.f32 v6, v9;
	v9 =	vmul.f32 v18, v18;
	v17 =	vmul.f32 $3.000000000e+00, v12  }
0x44a: {  	v4 =	vmax.f32 v4, $0.0e+00;
	v1 =	vmul.f32 $1.666666720e-01, v12;
	v12 =	vcvt.s32.f32 v14  }
0x44b: {  	v4 =	vmin.f32 v4, $9.999998800e-01;
	v14 =	vmul.f32 v15, v15;
	v7 =	vmul.f32 v9, v18  }
0x44c: {  	v9 =	vtrunc.f32 v11;
	v49 =	vsub.f32 $1.000000000e+00, v4;
	v29 =	vmul.f32 v4, v4  }
0x44d: {  	v31 =	vmul.f32 $3.000000000e+00, v4;
	v9 =	vcvt.f32.s32 v9;
	v10 =	vsub.f32 v10, v12  }
0x44e: {  	v12 =	vmin.f32 v3, $9.999998800e-01;
	v3 =	vmul.f32 v14, v15;
	v15 =	vmul.f32 v8, v8  }
0x44f: {  	v6 =	vmax.f32 v6, $0.0e+00;
	v20 =	vmul.f32 $1.666666720e-01, v7;
	v53 =	vmul.f32 v49, v49  }
0x450: {  	v16 =	vsub.f32 v17, v16;
	v33 =	vmul.f32 $3.000000000e+00, v29;
	v7 =	vcvt.s32.f32 v9  }
0x451: {  	v22 =	vsub.f32 $1.000000000e+00, v12;
	v60 =	vmul.f32 v12, v12;
	v14 =	vmul.f32 $1.666666720e-01, v3  }
0x452: {  	v3 =	vsub.f32 v13, v17;
	v8 =	vmul.f32 v15, v8;
	v21 =	vmul.f32 $3.000000000e+00, v15  }
0x453: {  	v13 =	vmin.f32 v6, $9.999998800e-01;
	v15 =	vmul.f32 $6.000000000e+00, v15;
	v24 =	vmul.f32 v53, v49  }
0x454: {  	v10 =	vmax.f32 v10, $0.0e+00;
	v18 =	vmul.f32 v13, v13;
	v50 =	vmul.f32 v22, v22  }
0x455: {  	v10 =	vmin.f32 v10, $9.999998800e-01;
	v61 =	vmul.f32 $3.000000000e+00, v60;
	v62 =	vmul.f32 $6.000000000e+00, v60  }
0x456: {  	v16 =	vadd.f32 $4.000000000e+00, v16;
	v28 =	vmul.f32 v60, v12;
	v6 =	vmul.f32 v10, v10  }
0x457: {  	v9 =	vmul.f32 $3.000000000e+00, v10;
	v47 =	vsub.f32 $1.000000000e+00, v10;
	v48 =	vmul.f32 $3.000000000e+00, v8  }
0x458: {  	v3 =	vadd.f32 v3, v2;
	v30 =	vmul.f32 $1.666666720e-01, v8;
	v24 =	vmul.f32 $1.666666720e-01, v24  }
0x459: {  	v16 =	vmul.f32 $1.666666720e-01, v16;
	v52 =	vmul.f32 $6.000000000e+00, v18;
	v21 =	vsub.f32 v21, v48  }
0x45a: {  	v23 =	vmul.f32 $3.000000000e+00, v6;
	v51 =	vmul.f32 $6.000000000e+00, v6;
	v8 =	vsub.f32 v48, v15  }
0x45b: {  	v2 =	vmul.f32 v6, v10;
	v3 =	vadd.f32 $1.000000000e+00, v3;
	v6 =	vadd.f32 v21, v19  }
0x45c: {  	v22 =	vmul.f32 v50, v22;
	v10 =	vmul.f32 $3.000000000e+00, v13;
	v8 =	vadd.f32 $4.000000000e+00, v8  }
0x45d: {  	v21 =	vmul.f32 $3.000000000e+00, v12;
	v15 =	vmul.f32 $1.666666720e-01, v3;
	v3 =	vadd.f32 $1.000000000e+00, v6  }
0x45e: {  	v59 =	vsub.f32 $1.000000000e+00, v13;
	v19 =	vmul.f32 $3.000000000e+00, v2;
	v6 =	vmul.f32 v47, v47  }
0x45f: {  	v17 =	vmul.f32 $1.666666720e-01, v8;
	v8 =	vsub.f32 v11, v7;
	v32 =	vmul.f32 $1.666666720e-01, v3  }
0x460: {  	v3 =	vmin.f32 v5, $9.999998800e-01;
	v5 =	vmul.f32 v18, v13;
	v7 =	vmul.f32 v6, v47  }
0x461: {  	v8 =	vmax.f32 v8, $0.0e+00;
	v18 =	vmul.f32 $3.000000000e+00, v18;
	v11 =	vsub.f32 $1.000000000e+00, v3  }
0x462: {  	v6 =	vmul.f32 v3, v3;
	v36 =	vmin.f32 v8, $9.999998800e-01;
	v8 =	vmul.f32 v29, v4  }
0x463: {  	v23 =	vsub.f32 v23, v19;
	v29 =	vmul.f32 $6.000000000e+00, v29;
	v34 =	vmul.f32 $3.000000000e+00, v5  }
0x464: {  	v54 =	vsub.f32 $1.000000000e+00, v36;
	v55 =	vmul.f32 v36, v36;
	v35 =	vmul.f32 v11, v11  }
0x465: {  	v19 =	vsub.f32 v19, v51;
	v4 =	vmul.f32 v6, v3;
	v56 =	vmul.f32 $3.000000000e+00, v8  }
0x466: {  	v9 =	vadd.f32 v23, v9;
	v23 =	vmul.f32 v54, v54;
	v57 =	vmul.f32 v55, v36  }
0x467: {  	s25 =	simm.s32 $0x1840;
	v18 =	vsub.f32 v18, v34;
	v58 =	vmul.f32 $6.000000000e+00, v55;
	v11 =	vmul.f32 v35, v11  }
0x468: {  	[tilespmem:s25+$0xFFFFFFE0] =	vst v20;
	v13 =	vmul.f32 $3.000000000e+00, v55;
	v33 =	vsub.f32 v33, v56;
	v20 =	vsub.f32 v56, v29  }
0x469: {  	s28 =	simm.s32 $0x2040;
	[tilespmem:s25+$0x20] =	vst v14;
	v18 =	vadd.f32 v18, v10;
	v10 =	vmul.f32 $1.666666720e-01, v11;
	v11 =	vmul.f32 $3.000000000e+00, v57  }
0x46a: {  	[tilespmem:s28+$0xFFFFFFE0] =	vst v17;
	v23 =	vmul.f32 v23, v54;
	v17 =	vadd.f32 v33, v31;
	v20 =	vadd.f32 $4.000000000e+00, v20  }
0x46b: {  	s9 =	simm.s32 $0x2840;
	[tilespmem:s28+$0x20] =	vst v16;
	v26 =	vsub.f32 v11, v58;
	v11 =	vsub.f32 v13, v11;
	v13 =	vmul.f32 $3.000000000e+00, v36  }
0x46c: {  	[tilespmem:s9+$0x20] =	vst v15;
	v25 =	vsub.f32 v34, v52;
	v15 =	vmul.f32 $3.000000000e+00, v4;
	v23 =	vmul.f32 $1.666666720e-01, v23  }
0x46d: {  	[tilespmem:s25+$0xFFFFFFC0] =	vst v24;
	v17 =	vadd.f32 $1.000000000e+00, v17;
	v12 =	vmul.f32 $1.666666720e-01, v20;
	v11 =	vadd.f32 v11, v13  }
0x46e: {  	v20 =	vmul.f32 v59, v59;
	[tilespmem:s25+$0xFFFFFFF0] =	vst v23;
	v23 =	vmul.f32 $3.000000000e+00, v28;
	v26 =	vadd.f32 $4.000000000e+00, v26  }
0x46f: {  	s23 =	simm.s32 $0x3040;
	[tilespmem:s9+$0xFFFFFFE0] =	vst v32;
	v13 =	vadd.f32 $4.000000000e+00, v19;
	v63 =	vmul.f32 $1.666666720e-01, v17;
	v11 =	vadd.f32 $1.000000000e+00, v11  }
0x470: {  	[tilespmem:s23+$0xFFFFFFE0] =	vst v30;
	v19 =	vmul.f32 $1.666666720e-01, v22;
	v22 =	vsub.f32 v61, v23;
	v16 =	vmul.f32 $1.666666720e-01, v26  }
0x471: {  	s30 =	simm.s32 $0x28C0;
	[tilespmem:s28+$0xFFFFFFC0] =	vst v12;
	v17 =	vmul.f32 $1.666666720e-01, v11;
	v11 =	vadd.f32 $1.000000000e+00, v18;
	v18 =	vsub.f32 v23, v62  }
0x472: {  	s31 =	simm.s32 $0x30C0;
	s29 =	simm.s32 $0x1840;
	v14 =	vmul.f32 $1.666666720e-01, v57;
	v12 =	vmul.f32 v20, v59;
	[tilespmem:s9+$0xFFFFFFC0] =	vst v63;
	v21 =	vadd.f32 v22, v21  }
0x473: {  	s0 =	simm.s32 $0x0;
	s1 =	simm.s32 $0x2040;
	s8 =	simm.s32 $0xC0;
	[tilespmem:s28+$0xFFFFFFF0] =	vst v16;
	v16 =	vadd.f32 $4.000000000e+00, v25;
	v20 =	vadd.f32 $4.000000000e+00, v18;
	v18 =	vmul.f32 $1.666666720e-01, v28  }
.LBB2_16:
0x474: {  	v22 =	vld [tilespmem:s8+$0xFFFFFFE0];
	s0 =	sadd.s32 $0x8, s0;
	v8 =	vmul.f32 $1.666666720e-01, v8;
	v7 =	vmul.f32 $1.666666720e-01, v7;
	[tilespmem:s23+$0x20] =	vst v1;
	s25 =	sadd.s32 $0x80, s25;
	s28 =	sadd.s32 $0x80, s28  }
0x475: {  	v5 =	vmul.f32 $1.666666720e-01, v5;
	v1 =	vld [tilespmem:s8+$0x30];
	p0 =	slt.u32 s0, $0x78;
	[tilespmem:s29+$0x0] =	vst v19;
	v19 =	vmul.f32 $1.666666720e-01, v20;
	v20 =	vadd.f32 $1.000000000e+00, v21  }
0x476: {  	v2 =	vmul.f32 $1.666666720e-01, v2;
	v16 =	vmul.f32 $1.666666720e-01, v16;
	v21 =	vld [tilespmem:s8+$0x20];
	[tilespmem:s9+$0xFFFFFFF0] =	vst v17  }
0x477: {  	v9 =	vadd.f32 $1.000000000e+00, v9;
	v11 =	vmul.f32 $1.666666720e-01, v11;
	v17 =	vld [tilespmem:s8+$0x0];
	[tilespmem:s1+$0x0] =	vst v19;
	v19 =	vmul.f32 $1.666666720e-01, v20  }
0x478: {  	v13 =	vmul.f32 $1.666666720e-01, v13;
	v20 =	vld [tilespmem:s8+$0xFFFFFFC0];
	[tilespmem:s23+$0xFFFFFFF0] =	vst v14;
	v14 =	vmul.f32 $3.000000000e+00, v6  }
0x479: {  	v9 =	vmul.f32 $1.666666720e-01, v9;
	v6 =	vmul.f32 $6.000000000e+00, v6;
	v23 =	vld [tilespmem:s8+$0xFFFFFFD0];
	[tilespmem:s9+$0x0] =	vst v19  }
0x47a: {  	v3 =	vmul.f32 $3.000000000e+00, v3;
	v19 =	vmul.f32 $9.999990000e+05, v22;
	v22 =	vld [tilespmem:s8+$0xFFFFFFF0];
	[tilespmem:s23+$0x0] =	vst v18;
	v14 =	vsub.f32 v14, v15  }
0x47b: {  	v12 =	vmul.f32 $1.666666720e-01, v12;
	v4 =	vmul.f32 $1.666666720e-01, v4;
	v6 =	vsub.f32 v15, v6;
	[tilespmem:s29+$0x30] =	vst v10  }
0x47c: {  	v10 =	vmul.f32 $9.999990000e+05, v17;
	v15 =	vld [tilespmem:s8+$0x10];
	v17 =	vmul.f32 $9.999990000e+05, v21;
	[tilespmem:s29+$0xFFFFFFD0] =	vst v7;
	v3 =	vadd.f32 v14, v3  }
0x47d: {  	v14 =	vmul.f32 $9.999990000e+05, v1;
	v1 =	vadd.f32 $4.000000000e+00, v6;
	v7 =	vmul.f32 $9.999990000e+05, v20;
	[tilespmem:s1+$0xFFFFFFD0] =	vst v13  }
0x47e: {  	v6 =	vtrunc.f32 v19;
	v13 =	vtrunc.f32 v17;
	[tilespmem:s9+$0xFFFFFFD0] =	vst v9;
	v3 =	vadd.f32 $1.000000000e+00, v3  }
0x47f: {  	v1 =	vmul.f32 $1.666666720e-01, v1;
	v9 =	vcvt.f32.s32 v13;
	[tilespmem:s23+$0xFFFFFFD0] =	vst v2  }
0x480: {  	v2 =	vtrunc.f32 v10;
	v13 =	vtrunc.f32 v14;
	[tilespmem:s29+$0x10] =	vst v12;
	s29 =	smov.u32 s25  }
0x481: {  	v9 =	vcvt.s32.f32 v9;
	[tilespmem:s1+$0x30] =	vst v1;
	v1 =	vmul.f32 $1.666666720e-01, v3  }
0x482: {  	v2 =	vcvt.f32.s32 v2;
	v3 =	vtrunc.f32 v7;
	[tilespmem:s1+$0x10] =	vst v16;
	s1 =	smov.u32 s28  }
0x483: {  	v6 =	vcvt.f32.s32 v6;
	v12 =	vmul.f32 $9.999990000e+05, v15;
	v9 =	vsub.f32 v17, v9;
	[tilespmem:s9+$0x30] =	vst v1  }
0x484: {  	v1 =	vcvt.f32.s32 v3;
	v3 =	vcvt.f32.s32 v13;
	[tilespmem:s9+$0x10] =	vst v11;
	s9 =	smov.u32 s30  }
0x485: {  	v6 =	vcvt.s32.f32 v6;
	v11 =	vtrunc.f32 v12;
	v9 =	vmax.f32 v9, $0.0e+00;
	[tilespmem:s23+$0x10] =	vst v5  }
0x486: {  	v2 =	vcvt.s32.f32 v2;
	v5 =	vmul.f32 $9.999990000e+05, v23;
	v9 =	vmin.f32 v9, $9.999998800e-01;
	[tilespmem:s23+$0xFFFFFFC0] =	vst v8  }
0x487: {  	v8 =	vcvt.s32.f32 v1;
	v13 =	vmul.f32 v9, v9;
	[tilespmem:s23+$0x30] =	vst v4;
	s23 =	smov.u32 s31  }
0x488: {  	v3 =	vcvt.s32.f32 v3;
	v1 =	vtrunc.f32 v5;
	v4 =	vsub.f32 $1.000000000e+00, v9  }
0x489: {  	v2 =	vsub.f32 v10, v2;
	v10 =	vcvt.f32.s32 v11;
	v11 =	vmul.f32 v13, v9  }
0x48a: {  	v6 =	vsub.f32 v19, v6;
	v15 =	vcvt.f32.s32 v1;
	v16 =	vmul.f32 $6.000000000e+00, v13  }
0x48b: {  	v3 =	vsub.f32 v14, v3;
	v17 =	vmul.f32 $3.000000000e+00, v11;
	v1 =	vmul.f32 $1.666666720e-01, v11  }
0x48c: {  	v6 =	vmax.f32 v6, $0.0e+00;
	v9 =	vmul.f32 $3.000000000e+00, v9;
	v11 =	vcvt.s32.f32 v15  }
0x48d: {  	v6 =	vmin.f32 v6, $9.999998800e-01;
	v10 =	vcvt.s32.f32 v10;
	v14 =	vmul.f32 v4, v4  }
0x48e: {  	v18 =	vmul.f32 $3.000000000e+00, v6;
	v19 =	vmul.f32 $3.000000000e+00, v13;
	v15 =	vsub.f32 $1.000000000e+00, v6  }
0x48f: {  	v2 =	vmax.f32 v2, $0.0e+00;
	v10 =	vsub.f32 v12, v10;
	v5 =	vsub.f32 v5, v11  }
0x490: {  	v12 =	vmul.f32 v15, v15;
	v11 =	vmin.f32 v2, $9.999998800e-01;
	v2 =	vmul.f32 v14, v4  }
0x491: {  	v14 =	vmul.f32 $9.999990000e+05, v22;
	v4 =	vmax.f32 v5, $0.0e+00;
	v5 =	vmax.f32 v10, $0.0e+00  }
0x492: {  	v7 =	vsub.f32 v7, v8;
	v13 =	vmul.f32 $1.666666720e-01, v2;
	v2 =	vsub.f32 v19, v17  }
0x493: {  	v3 =	vmax.f32 v3, $0.0e+00;
	v8 =	vmul.f32 v12, v15;
	v10 =	vtrunc.f32 v14  }
0x494: {  	v7 =	vmax.f32 v7, $0.0e+00;
	v4 =	vmin.f32 v4, $9.999998800e-01;
	v5 =	vmin.f32 v5, $9.999998800e-01  }
0x495: {  	v15 =	vmin.f32 v7, $9.999998800e-01;
	v10 =	vcvt.f32.s32 v10;
	v7 =	vmul.f32 v4, v4  }
0x496: {  	v20 =	vmul.f32 v6, v6;
	v19 =	vsub.f32 $1.000000000e+00, v4;
	v21 =	vmul.f32 v5, v5  }
0x497: {  	v8 =	vmul.f32 $1.666666720e-01, v8;
	v12 =	vsub.f32 $1.000000000e+00, v5;
	v10 =	vcvt.s32.f32 v10  }
0x498: {  	v23 =	vmul.f32 $3.000000000e+00, v20;
	v24 =	vsub.f32 $1.000000000e+00, v11;
	v22 =	vmul.f32 $3.000000000e+00, v4  }
0x499: {  	v6 =	vmul.f32 v20, v6;
	v25 =	vsub.f32 $1.000000000e+00, v15;
	v26 =	vmul.f32 $3.000000000e+00, v7  }
0x49a: {  	v20 =	vmul.f32 $6.000000000e+00, v20;
	v27 =	vmul.f32 v24, v24  }
0x49b: {  	v29 =	vmul.f32 $3.000000000e+00, v6;
	v9 =	vadd.f32 v2, v9;
	v28 =	vmul.f32 $6.000000000e+00, v7  }
0x49c: {  	v6 =	vmul.f32 $1.666666720e-01, v6;
	v16 =	vsub.f32 v17, v16;
	v30 =	vmul.f32 v15, v15  }
0x49d: {  	v20 =	vsub.f32 v29, v20;
	v23 =	vsub.f32 v23, v29;
	v17 =	vmul.f32 $3.000000000e+00, v15  }
0x49e: {  	v16 =	vadd.f32 $4.000000000e+00, v16;
	v2 =	vmul.f32 v7, v4;
	v4 =	vadd.f32 $1.000000000e+00, v9  }
0x49f: {  	v7 =	vadd.f32 $4.000000000e+00, v20;
	v9 =	vadd.f32 v23, v18;
	v18 =	vmul.f32 $3.000000000e+00, v11  }
0x4a0: {  	v20 =	vmul.f32 $3.000000000e+00, v5;
	v23 =	vmul.f32 $1.666666720e-01, v4  }
0x4a1: {  	v4 =	vmul.f32 $3.000000000e+00, v2;
	v7 =	vmul.f32 $1.666666720e-01, v7;
	v9 =	vadd.f32 $1.000000000e+00, v9  }
0x4a2: {  	v29 =	vmul.f32 v19, v19;
	v31 =	vmul.f32 $6.000000000e+00, v21;
	[tilespmem:s25+$0xFFFFFFE0] =	vst v8  }
0x4a3: {  	v3 =	vmin.f32 v3, $9.999998800e-01;
	v26 =	vsub.f32 v26, v4;
	v8 =	vmul.f32 $1.666666720e-01, v9;
	[tilespmem:s28+$0xFFFFFFE0] =	vst v7  }
0x4a4: {  	v5 =	vmul.f32 v21, v5;
	v9 =	vsub.f32 $1.000000000e+00, v3;
	v7 =	vmul.f32 v29, v19  }
0x4a5: {  	v19 =	vmul.f32 v25, v25;
	v29 =	vmul.f32 $3.000000000e+00, v30;
	[tilespmem:s30+$0xFFFFFFE0] =	vst v8;
	v8 =	vsub.f32 v14, v10  }
0x4a6: {  	v28 =	vsub.f32 v4, v28;
	v10 =	vmul.f32 $3.000000000e+00, v5;
	[tilespmem:s31+$0xFFFFFFE0] =	vst v6;
	v6 =	vmul.f32 v3, v3  }
0x4a7: {  	v14 =	vmul.f32 v19, v25;
	v19 =	vmul.f32 v9, v9;
	v4 =	vmax.f32 v8, $0.0e+00  }
0x4a8: {  	v8 =	vmul.f32 v30, v15;
	v15 =	vmin.f32 v4, $9.999998800e-01;
	v4 =	vmul.f32 v6, v3  }
0x4a9: {  	v21 =	vmul.f32 $3.000000000e+00, v21;
	v19 =	vmul.f32 v19, v9;
	v25 =	vsub.f32 $1.000000000e+00, v15  }
0x4aa: {  	v14 =	vmul.f32 $1.666666720e-01, v14;
	v9 =	vadd.f32 v26, v22;
	v22 =	vmul.f32 v15, v15  }
0x4ab: {  	v21 =	vsub.f32 v21, v10;
	v26 =	vmul.f32 $3.000000000e+00, v8;
	v32 =	vmul.f32 v25, v25  }
0x4ac: {  	v31 =	vsub.f32 v10, v31;
	[tilespmem:s25+$0xFFFFFFC0] =	vst v14;
	v14 =	vmul.f32 $6.000000000e+00, v30;
	v30 =	vmul.f32 v22, v15  }
0x4ad: {  	v10 =	vmul.f32 $1.666666720e-01, v19;
	v29 =	vsub.f32 v29, v26;
	v25 =	vmul.f32 v32, v25  }
0x4ae: {  	v20 =	vadd.f32 v21, v20;
	v32 =	vmul.f32 $6.000000000e+00, v22;
	v19 =	vmul.f32 $3.000000000e+00, v30  }
0x4af: {  	v16 =	vmul.f32 $1.666666720e-01, v16;
	v21 =	vmul.f32 $3.000000000e+00, v22;
	v14 =	vsub.f32 v26, v14  }
0x4b0: {  	v24 =	vmul.f32 v27, v24;
	v17 =	vadd.f32 v29, v17;
	v22 =	vmul.f32 v11, v11  }
0x4b1: {  	v15 =	vmul.f32 $3.000000000e+00, v15;
	v26 =	vsub.f32 v19, v32;
	v19 =	vsub.f32 v21, v19  }
0x4b2: {  	v25 =	vmul.f32 $1.666666720e-01, v25;
	v27 =	vmul.f32 $3.000000000e+00, v22;
	v21 =	vadd.f32 $4.000000000e+00, v14  }
0x4b3: {  	v29 =	vmul.f32 $6.000000000e+00, v22;
	v26 =	vadd.f32 $4.000000000e+00, v26;
	v15 =	vadd.f32 v19, v15  }
0x4b4: {  	v17 =	vadd.f32 $1.000000000e+00, v17;
	v22 =	vmul.f32 v22, v11;
	v14 =	vmul.f32 $1.666666720e-01, v30;
	[tilespmem:s25+$0x20] =	vst v13  }
0x4b5: {  	v11 =	vmul.f32 $1.666666720e-01, v21;
	v21 =	vmul.f32 v12, v12;
	v15 =	vadd.f32 $1.000000000e+00, v15;
	[tilespmem:s28+$0x20] =	vst v16  }
.Ltmp7:
0x4b6: {  	v13 =	vadd.f32 $4.000000000e+00, v28;
	v16 =	vmul.f32 $1.666666720e-01, v26;
	[tilespmem:s25+$0xFFFFFFF0] =	vst v25;
	v25 =	vmul.f32 $3.000000000e+00, v22;
	(pc) =	sbr.rel @p0 .LBB2_16-.Ltmp7, $4  }
0x4b7: {  	v26 =	vmul.f32 $1.666666720e-01, v17;
	v17 =	vmul.f32 $1.666666720e-01, v15;
	[tilespmem:s28+$0xFFFFFFC0] =	vst v11;
	v11 =	vadd.f32 $1.000000000e+00, v20  }
0x4b8: {  	v19 =	vmul.f32 $1.666666720e-01, v24;
	[tilespmem:s28+$0xFFFFFFF0] =	vst v16;
	v20 =	vsub.f32 v25, v29;
	v24 =	vsub.f32 v27, v25  }
0x4b9: {  	v12 =	vmul.f32 v21, v12;
	v15 =	vmul.f32 $3.000000000e+00, v4;
	v16 =	vadd.f32 $4.000000000e+00, v31;
	[tilespmem:s30+$0x20] =	vst v23  }
0x4ba: {  	s8 =	sadd.s32 $0x80, s8;
	s31 =	sadd.s32 $0x80, s31;
	s30 =	sadd.s32 $0x80, s30;
	[tilespmem:s9+$0xFFFFFFC0] =	vst v26;
	v20 =	vadd.f32 $4.000000000e+00, v20;
	v21 =	vadd.f32 v24, v18;
	v18 =	vmul.f32 $1.666666720e-01, v22  }
0x4bb: {  	[tilespmem:s23+$0x20] =	vst v1  }
0x4bc: {  	[tilespmem:s29+$0x0] =	vst v19;
	v1 =	vmul.f32 $1.666666720e-01, v20;
	v57 =	vadd.f32 $1.000000000e+00, v21  }
0x4bd: {  	[tilespmem:s9+$0xFFFFFFF0] =	vst v17  }
0x4be: {  	[tilespmem:s1+$0x0] =	vst v1;
	v1 =	vmul.f32 $1.666666720e-01, v57  }
0x4bf: {  	v58 =	vmul.f32 $3.000000000e+00, v6;
	[tilespmem:s29+$0x30] =	vst v10  }
0x4c0: {  	v59 =	vmul.f32 $1.666666720e-01, v7;
	[tilespmem:s9+$0x0] =	vst v1;
	v1 =	vmul.f32 $6.000000000e+00, v6  }
0x4c1: {  	v60 =	vadd.f32 $1.000000000e+00, v9;
	v61 =	vmul.f32 $1.666666720e-01, v13;
	v63 =	vmul.f32 $1.666666720e-01, v12;
	[tilespmem:s23+$0xFFFFFFF0] =	vst v14  }
0x4c2: {  	v3 =	vmul.f32 $3.000000000e+00, v3;
	v62 =	vsub.f32 v58, v15;
	[tilespmem:s29+$0xFFFFFFD0] =	vst v59;
	v1 =	vsub.f32 v15, v1  }
0x4c3: {  	v7 =	vmul.f32 $1.666666720e-01, v60;
	[tilespmem:s29+$0x10] =	vst v63  }
0x4c4: {  	v2 =	vmul.f32 $1.666666720e-01, v2;
	[tilespmem:s1+$0xFFFFFFD0] =	vst v61;
	v3 =	vadd.f32 v62, v3;
	v1 =	vadd.f32 $4.000000000e+00, v1  }
0x4c5: {  	[tilespmem:s9+$0xFFFFFFD0] =	vst v7  }
0x4c6: {  	[tilespmem:s23+$0xFFFFFFD0] =	vst v2;
	v3 =	vadd.f32 $1.000000000e+00, v3;
	v1 =	vmul.f32 $1.666666720e-01, v1  }
0x4c7: {  	v2 =	vmul.f32 $1.666666720e-01, v16;
	[tilespmem:s23+$0x0] =	vst v18  }
0x4c8: {  	[tilespmem:s1+$0x30] =	vst v1;
	v1 =	vmul.f32 $1.666666720e-01, v3  }
0x4c9: {  	[tilespmem:s1+$0x10] =	vst v2;
	v3 =	vmul.f32 $1.666666720e-01, v11  }
0x4ca: {  	s0 =	sadd.s32 s21, s4;
	v2 =	vmul.f32 $1.666666720e-01, v5;
	[tilespmem:s9+$0x30] =	vst v1  }
0x4cb: {  	v1 =	vmul.f32 $1.666666720e-01, v8;
	[tilespmem:s9+$0x10] =	vst v3;
	s9 =	sadd.s32 $0x800, s0  }
0x4cc: {  	v3 =	vmul.f32 $1.666666720e-01, v4;
	[tilespmem:s23+$0x10] =	vst v2;
	s0 =	sshrl.u32 s9, $0x3  }
0x4cd: {  	[tilespmem:s23+$0xFFFFFFC0] =	vst v1;
	s0 =	sadd.s32 s2, s0  }
0x4ce: {  	s31 =	simm.s32 $0xC000;
	[tilespmem:s23+$0x30] =	vst v3;
	s0 =	sadd.s32 $0x200, s0  }
0x4cf: {  	[tilespmem:s31], [sflag:$0x4] =	stream.linear.gather [hbm4b:s0+s3], $0x800, $0x38;
	[tilespmem:$0x18000] =	vst v63  }
.LBB2_18:
0x4d0: {  	_ =	swait.ge [sflag:s17], $0x8000  }
0x4d1: {  	[sflag:s17] =	ssyncset.done $0x0  }
0x4d2: {  	s0 =	simm.s32 $0xD040;
	[sflag:s17] =	ssyncadd.s32 $0xFFFF8000  }
0x4d3: {  	v8 =	vld [tilespmem:s0+$0x30]  }
0x4d4: {  	v2 =	vld [tilespmem:s0+$0xFFFFFFC0]  }
0x4d5: {  	v3 =	vld [tilespmem:s0+$0xFFFFFFD0]  }
0x4d6: {  	v5 =	vld [tilespmem:s0+$0xFFFFFFE0]  }
0x4d7: {  	v7 =	vld [tilespmem:s0+$0xFFFFFFF0]  }
0x4d8: {  	s23 =	simm.s32 $0xD840;
	v6 =	vld [tilespmem:s0+$0x0]  }
0x4d9: {  	s25 =	simm.s32 $0xE040;
	v13 =	vld [tilespmem:s23+$0x30]  }
0x4da: {  	s21 =	simm.s32 $0x70;
	s29 =	simm.s32 $0xE840;
	s28 =	simm.s32 $0xF040;
	v16 =	vld [tilespmem:s25+$0x30]  }
0x4db: {  	s1 =	simm.s32 $0x20;
	s7 =	simm.s32 $0x30;
	s31 =	simm.s32 $0x0;
	v1 =	vmov s21;
	v17 =	vld [tilespmem:s29+$0x30]  }
0x4dc: {  	s18 =	simm.s32 $0x40;
	v18 =	vmov s1;
	v20 =	vmov s31;
	v21 =	vmov s7;
	v23 =	vld [tilespmem:s28+$0x30]  }
0x4dd: {  	v22 =	vmov s18;
	v1 =	vshll.u32 v1, $0x4;
	v20 =	vshll.u32 v20, $0x4;
	v34 =	vld [tilespmem:s25+$0xFFFFFFD0]  }
0x4de: {  	v18 =	vshll.u32 v18, $0x4;
	v21 =	vshll.u32 v21, $0x4;
	v22 =	vshll.u32 v22, $0x4;
	v35 =	vld [tilespmem:s25+$0xFFFFFFE0]  }
0x4df: {  	v9 =	vor.u32 v0, v1;
	v20 =	vor.u32 v0, v20;
	v36 =	vld [tilespmem:s23+$0xFFFFFFF0];
	v18 =	vor.u32 v0, v18  }
0x4e0: {  	v37 =	vld [tilespmem:s25+$0xFFFFFFF0];
	v21 =	vor.u32 v0, v21;
	v22 =	vor.u32 v0, v22;
	v1 =	vand.u32 $0xF, v8  }
0x4e1: {  	v38 =	vld [tilespmem:s23+$0x0];
	v4 =	vshrl.u32 v8, $0x4;
	v26 =	vshrl.u32 v2, $0x4;
	v28 =	vshrl.u32 v5, $0x4  }
0x4e2: {  	v39 =	vld [tilespmem:s25+$0x0];
	v41 =	vand.u32 $0xF, v2;
	v43 =	vand.u32 $0xF, v5;
	v44 =	vand.u32 $0xF, v7  }
0x4e3: {  	v40 =	vld [tilespmem:s23+$0x10];
	v45 =	vand.u32 $0xF, v6;
	v48 =	vshrl.u32 v2, $0x8;
	v49 =	vshrl.u32 v5, $0x8  }
0x4e4: {  	v52 =	vld [tilespmem:s25+$0x10];
	v2 =	vshrl.u32 v2, $0xC;
	v5 =	vshrl.u32 v5, $0xC;
	v10 =	vor.u32 v9, v1  }
0x4e5: {  	v54 =	vld [tilespmem:s23+$0x20];
	v1 =	vand.u32 $0xF, v4;
	v26 =	vand.u32 $0xF, v26;
	v28 =	vand.u32 $0xF, v28  }
0x4e6: {  	v56 =	vld [tilespmem:s25+$0x20];
	v41 =	vor.u32 v20, v41;
	v43 =	vor.u32 v18, v43;
	v48 =	vand.u32 $0xF, v48  }
0x4e7: {  	v63 =	vld [tilespmem:s29+$0x0];
	v49 =	vand.u32 $0xF, v49;
	v2 =	vand.u32 $0xF, v2;
	v5 =	vand.u32 $0xF, v5  }
0x4e8: {  	v4 =	vld [tilespmem:s0+$0x10];
	v11 =	vor.u32 v9, v1;
	v1 =	vshrl.u32 v8, $0x8;
	v8 =	vshrl.u32 v8, $0xC  }
0x4e9: {  	v26 =	vor.u32 v20, v26;
	v48 =	vor.u32 v20, v48;
	v2 =	vor.u32 v20, v2;
	v20 =	vld [tilespmem:s29+$0xFFFFFFE0]  }
0x4ea: {  	v28 =	vor.u32 v18, v28;
	v49 =	vor.u32 v18, v49;
	v5 =	vor.u32 v18, v5;
	v18 =	vld [tilespmem:s29+$0xFFFFFFF0]  }
0x4eb: {  	v44 =	vor.u32 v21, v44;
	v12 =	vand.u32 $0xF, v1;
	v1 =	vld [tilespmem:s0+$0x20];
	v8 =	vand.u32 $0xF, v8  }
0x4ec: {  	v45 =	vor.u32 v22, v45;
	v12 =	vor.u32 v9, v12;
	v8 =	vor.u32 v9, v8;
	v9 =	vld [tilespmem:s23+$0xFFFFFFD0]  }
0x4ed: {  	v14 =	vld.idx.msk [tilespmem:v10+s26+$0x0], $0xffff  }
0x4ee: {  	v41 =	vld.idx.msk [tilespmem:v41+s26+$0x0], $0xffff  }
0x4ef: {  	v43 =	vld.idx.msk [tilespmem:v43+s26+$0x0], $0xffff  }
0x4f0: {  	v29 =	vshrl.u32 v7, $0x4;
	v44 =	vld.idx.msk [tilespmem:v44+s26+$0x0], $0xffff  }
0x4f1: {  	v30 =	vshrl.u32 v6, $0x4;
	v29 =	vand.u32 $0xF, v29;
	v45 =	vld.idx.msk [tilespmem:v45+s26+$0x0], $0xffff  }
0x4f2: {  	s16 =	simm.s32 $0x10;
	v30 =	vand.u32 $0xF, v30;
	v29 =	vor.u32 v21, v29;
	v15 =	vld.idx.msk [tilespmem:v11+s26+$0x0], $0xffff  }
0x4f3: {  	v30 =	vor.u32 v22, v30;
	v10 =	vmov s16;
	v11 =	vld [tilespmem:s25+$0xFFFFFFC0]  }
0x4f4: {  	s8 =	simm.s32 $0x50;
	v33 =	vshll.u32 v10, $0x4;
	v10 =	vld [tilespmem:s23+$0xFFFFFFE0]  }
0x4f5: {  	s10 =	simm.s32 $0x60;
	v24 =	vmov s8;
	v26 =	vld.idx.msk [tilespmem:v26+s26+$0x0], $0xffff  }
0x4f6: {  	v25 =	vmov s10;
	v24 =	vshll.u32 v24, $0x4;
	v28 =	vld.idx.msk [tilespmem:v28+s26+$0x0], $0xffff  }
0x4f7: {  	v25 =	vshll.u32 v25, $0x4;
	v24 =	vor.u32 v0, v24;
	v46 =	vand.u32 $0xF, v4;
	v29 =	vld.idx.msk [tilespmem:v29+s26+$0x0], $0xffff  }
0x4f8: {  	v25 =	vor.u32 v0, v25;
	v31 =	vshrl.u32 v4, $0x4;
	v30 =	vld.idx.msk [tilespmem:v30+s26+$0x0], $0xffff;
	v46 =	vor.u32 v24, v46  }
0x4f9: {  	v27 =	vshrl.u32 v3, $0x4;
	v42 =	vand.u32 $0xF, v3;
	v31 =	vand.u32 $0xF, v31;
	v48 =	vld.idx.msk [tilespmem:v48+s26+$0x0], $0xffff  }
0x4fa: {  	v50 =	vshrl.u32 v7, $0x8;
	v27 =	vand.u32 $0xF, v27;
	v31 =	vor.u32 v24, v31;
	v12 =	vld.idx.msk [tilespmem:v12+s26+$0x0], $0xffff  }
0x4fb: {  	v50 =	vand.u32 $0xF, v50;
	v33 =	vor.u32 v0, v33;
	v47 =	vand.u32 $0xF, v1;
	v19 =	vld.idx.msk [tilespmem:v8+s26+$0x0], $0xffff  }
0x4fc: {  	v55 =	vshrl.u32 v1, $0x8;
	v8 =	vld [tilespmem:s23+$0xFFFFFFC0];
	v27 =	vor.u32 v33, v27;
	v42 =	vor.u32 v33, v42  }
0x4fd: {  	v47 =	vor.u32 v25, v47;
	v13 =	vmul.f32 v13, v14;
	v14 =	vshrl.u32 v3, $0x8;
	v46 =	vld.idx.msk [tilespmem:v46+s26+$0x0], $0xffff  }
0x4fe: {  	v3 =	vshrl.u32 v3, $0xC;
	v15 =	vmul.f32 v16, v15;
	v16 =	vand.u32 $0xF, v55;
	v55 =	vld [tilespmem:s29+$0x20]  }
0x4ff: {  	v50 =	vor.u32 v21, v50;
	v14 =	vand.u32 $0xF, v14;
	v3 =	vand.u32 $0xF, v3;
	v31 =	vld.idx.msk [tilespmem:v31+s26+$0x0], $0xffff  }
0x500: {  	v32 =	vshrl.u32 v1, $0x4;
	v14 =	vor.u32 v33, v14;
	v3 =	vor.u32 v33, v3;
	v33 =	vld [tilespmem:s29+$0x10]  }
0x501: {  	v51 =	vshrl.u32 v6, $0x8;
	v32 =	vand.u32 $0xF, v32;
	v27 =	vld.idx.msk [tilespmem:v27+s26+$0x0], $0xffff  }
0x502: {  	v51 =	vand.u32 $0xF, v51;
	v53 =	vshrl.u32 v4, $0x8;
	v32 =	vor.u32 v25, v32;
	v42 =	vld.idx.msk [tilespmem:v42+s26+$0x0], $0xffff  }
0x503: {  	v51 =	vor.u32 v22, v51;
	v53 =	vand.u32 $0xF, v53;
	v47 =	vld.idx.msk [tilespmem:v47+s26+$0x0], $0xffff  }
0x504: {  	v53 =	vor.u32 v24, v53;
	v13 =	vadd.f32 v15, v13;
	v15 =	vld.idx.msk [tilespmem:v49+s26+$0x0], $0xffff  }
0x505: {  	v49 =	vld.idx.msk [tilespmem:v50+s26+$0x0], $0xffff  }
0x506: {  	v16 =	vor.u32 v25, v16;
	v12 =	vmul.f32 v17, v12;
	v17 =	vld [tilespmem:s29+$0xFFFFFFD0]  }
0x507: {  	v7 =	vshrl.u32 v7, $0xC;
	v6 =	vshrl.u32 v6, $0xC;
	v32 =	vld.idx.msk [tilespmem:v32+s26+$0x0], $0xffff  }
0x508: {  	v4 =	vshrl.u32 v4, $0xC;
	v12 =	vadd.f32 v12, v13;
	v13 =	vmul.f32 v23, v19;
	v19 =	vld.idx.msk [tilespmem:v51+s26+$0x0], $0xffff  }
0x509: {  	v7 =	vand.u32 $0xF, v7;
	v6 =	vand.u32 $0xF, v6;
	v4 =	vand.u32 $0xF, v4;
	v23 =	vld.idx.msk [tilespmem:v53+s26+$0x0], $0xffff  }
0x50a: {  	v7 =	vor.u32 v21, v7;
	v6 =	vor.u32 v22, v6;
	v4 =	vor.u32 v24, v4;
	v14 =	vld.idx.msk [tilespmem:v14+s26+$0x0], $0xffff  }
0x50b: {  	v1 =	vshrl.u32 v1, $0xC;
	v57 =	vmul.f32 v37, v29;
	v58 =	vmul.f32 v39, v30;
	v51 =	vld.idx.msk [tilespmem:v16+s26+$0x0], $0xffff  }
0x50c: {  	v1 =	vand.u32 $0xF, v1;
	v8 =	vmul.f32 v8, v41;
	v53 =	vmul.f32 v35, v28;
	v16 =	vld [tilespmem:s29+$0xFFFFFFC0]  }
0x50d: {  	v59 =	vmul.f32 v40, v46;
	v50 =	vadd.f32 v13, v12;
	v12 =	vmul.f32 v11, v26;
	v11 =	vld.idx.msk [tilespmem:v2+s26+$0x0], $0xffff  }
0x50e: {  	v25 =	vor.u32 v25, v1;
	v13 =	vld.idx.msk [tilespmem:v3+s26+$0x0], $0xffff;
	v2 =	vmul.f32 v10, v43;
	v3 =	vmul.f32 v36, v44  }
0x50f: {  	v10 =	vld.idx.msk [tilespmem:v5+s26+$0x0], $0xffff;
	v5 =	vmul.f32 v38, v45;
	v34 =	vmul.f32 v34, v27  }
0x510: {  	v1 =	vmul.f32 v9, v42;
	v60 =	vmul.f32 v54, v47;
	v8 =	vadd.f32 v12, v8;
	v12 =	vld.idx.msk [tilespmem:v7+s26+$0x0], $0xffff  }
0x511: {  	v7 =	vmul.f32 v52, v31;
	v26 =	vadd.f32 v53, v2;
	v61 =	vmul.f32 v56, v32;
	v2 =	vld.idx.msk [tilespmem:v4+s26+$0x0], $0xffff  }
0x512: {  	v4 =	vadd.f32 v58, v5;
	v9 =	vadd.f32 v34, v1;
	v1 =	vld.idx.msk [tilespmem:v6+s26+$0x0], $0xffff;
	v16 =	vmul.f32 v16, v48  }
0x513: {  	v6 =	vadd.f32 v57, v3;
	v3 =	vld.idx.msk [tilespmem:v25+s26+$0x0], $0xffff;
	v5 =	vadd.f32 v7, v59;
	v7 =	vmul.f32 v17, v14  }
0x514: {  	v62 =	vadd.f32 v61, v60;
	v14 =	vld [tilespmem:s28+$0xFFFFFFC0];
	v16 =	vadd.f32 v16, v8;
	v8 =	vmul.f32 v20, v15  }
0x515: {  	v17 =	vadd.f32 v7, v9;
	v9 =	vmul.f32 v18, v49;
	v18 =	vmul.f32 v63, v19;
	v15 =	vld [tilespmem:s28+$0xFFFFFFD0]  }
0x516: {  	v20 =	vmul.f32 v33, v23;
	v63 =	vmul.f32 v55, v51;
	v19 =	vld [tilespmem:s28+$0xFFFFFFE0];
	v7 =	vadd.f32 v8, v26  }
0x517: {  	s20 =	sadd.s32 $0x1, s20;
	s1 =	simm.s32 $0x17840;
	v8 =	vadd.f32 v9, v6;
	v4 =	vadd.f32 v18, v4;
	v18 =	vld [tilespmem:s28+$0xFFFFFFF0]  }
0x518: {  	s30 =	simm.s32 $0x17840;
	s8 =	simm.s32 $0xD0C0;
	s0 =	simm.s32 $0x0;
	[tilespmem:s1+$0x30] =	vst v50;
	v5 =	vadd.f32 v20, v5;
	v6 =	vadd.f32 v63, v62;
	v9 =	vld [tilespmem:s28+$0x0]  }
.LBB2_19:
0x519: {  	v21 =	vld [tilespmem:s8+$0x30];
	s0 =	sadd.s32 $0x8, s0;
	v11 =	vmul.f32 v14, v11  }
0x51a: {  	v14 =	vld [tilespmem:s8+$0xFFFFFFC0];
	p0 =	slt.u32 s0, $0x78;
	v13 =	vmul.f32 v15, v13  }
0x51b: {  	s21 =	sadd.s32 $0x80, s21;
	v15 =	vld [tilespmem:s8+$0xFFFFFFD0];
	v20 =	vadd.f32 v11, v16;
	v10 =	vmul.f32 v19, v10  }
0x51c: {  	s7 =	sadd.s32 $0xFFFFFFA0, s21;
	s10 =	sadd.s32 $0xFFFFFFB0, s21;
	s11 =	sadd.s32 $0xFFFFFFC0, s21;
	v19 =	vmov s21;
	v16 =	vld [tilespmem:s8+$0xFFFFFFE0];
	v13 =	vadd.f32 v13, v17;
	v11 =	vmul.f32 v18, v12  }
0x51d: {  	s16 =	sadd.s32 $0xFFFFFFF0, s21;
	v22 =	vmov s7;
	v23 =	vmov s10;
	s7 =	sadd.s32 $0xFFFFFFD0, s21;
	s10 =	sadd.s32 $0xFFFFFFE0, s21;
	v12 =	vshll.u32 v19, $0x4;
	v17 =	vld [tilespmem:s8+$0xFFFFFFF0];
	[tilespmem:s1+$0xFFFFFFC0] =	vst v20  }
0x51e: {  	s18 =	sadd.s32 $0xFFFFFF90, s21;
	v24 =	vor.u32 v0, v12;
	v18 =	vld [tilespmem:s8+$0x0];
	v12 =	vand.u32 $0xF, v21;
	v20 =	vshrl.u32 v21, $0x4;
	[tilespmem:s1+$0xFFFFFFD0] =	vst v13  }
0x51f: {  	v25 =	vmov s18;
	v19 =	vld [tilespmem:s8+$0x10];
	v26 =	vor.u32 v24, v12;
	v12 =	vand.u32 $0xF, v20  }
0x520: {  	v27 =	vmov s11;
	v20 =	vld [tilespmem:s8+$0x20];
	v28 =	vor.u32 v24, v12;
	v12 =	vshrl.u32 v21, $0x8  }
0x521: {  	v29 =	vmov s7;
	v30 =	vmov s10;
	v13 =	vand.u32 $0xF, v12;
	v12 =	vld [tilespmem:s28+$0x10]  }
0x522: {  	s23 =	sadd.s32 $0x80, s23;
	v31 =	vmov s16;
	v21 =	vshrl.u32 v21, $0xC;
	v32 =	vor.u32 v24, v13;
	v13 =	vld [tilespmem:s28+$0x20]  }
0x523: {  	v33 =	vshrl.u32 v14, $0x4;
	v34 =	vshrl.u32 v15, $0x4;
	v21 =	vand.u32 $0xF, v21;
	v35 =	vld [tilespmem:s23+$0x30]  }
0x524: {  	v36 =	vshrl.u32 v16, $0x4;
	v37 =	vshrl.u32 v17, $0x4;
	v21 =	vor.u32 v24, v21;
	v26 =	vld.idx.msk [tilespmem:v26+s26+$0x0], $0xffff  }
0x525: {  	s25 =	sadd.s32 $0x80, s25;
	v24 =	vshrl.u32 v18, $0x4;
	v38 =	vshrl.u32 v19, $0x4;
	v39 =	vshrl.u32 v20, $0x4;
	v28 =	vld.idx.msk [tilespmem:v28+s26+$0x0], $0xffff  }
0x526: {  	v25 =	vshll.u32 v25, $0x4;
	v40 =	vshll.u32 v22, $0x4;
	v23 =	vshll.u32 v23, $0x4;
	v22 =	vld [tilespmem:s25+$0x30]  }
0x527: {  	s29 =	sadd.s32 $0x80, s29;
	v27 =	vshll.u32 v27, $0x4;
	v29 =	vshll.u32 v29, $0x4;
	v30 =	vshll.u32 v30, $0x4;
	v32 =	vld.idx.msk [tilespmem:v32+s26+$0x0], $0xffff  }
0x528: {  	v31 =	vshll.u32 v31, $0x4;
	v33 =	vand.u32 $0xF, v33;
	v34 =	vand.u32 $0xF, v34;
	v41 =	vld [tilespmem:s29+$0x30]  }
0x529: {  	v36 =	vand.u32 $0xF, v36;
	s28 =	sadd.s32 $0x80, s28;
	v37 =	vand.u32 $0xF, v37;
	v24 =	vand.u32 $0xF, v24;
	v42 =	vld.idx.msk [tilespmem:v21+s26+$0x0], $0xffff  }
0x52a: {  	v43 =	vand.u32 $0xF, v14;
	v38 =	vand.u32 $0xF, v38;
	v39 =	vand.u32 $0xF, v39;
	v44 =	vld [tilespmem:s28+$0x30]  }
0x52b: {  	v45 =	vand.u32 $0xF, v15;
	v26 =	vmul.f32 v35, v26;
	v21 =	vld [tilespmem:s23+$0xFFFFFFC0];
	v28 =	vmul.f32 v22, v28  }
0x52c: {  	v46 =	vand.u32 $0xF, v16;
	v47 =	vand.u32 $0xF, v17;
	v48 =	vand.u32 $0xF, v18;
	v35 =	vld [tilespmem:s25+$0xFFFFFFC0]  }
0x52d: {  	v49 =	vand.u32 $0xF, v19;
	v22 =	vld [tilespmem:s23+$0xFFFFFFD0];
	v26 =	vadd.f32 v28, v26;
	v28 =	vmul.f32 v41, v32  }
0x52e: {  	v25 =	vor.u32 v0, v25;
	v32 =	vor.u32 v0, v40;
	v41 =	vand.u32 $0xF, v20;
	v40 =	vld [tilespmem:s25+$0xFFFFFFD0]  }
0x52f: {  	v23 =	vor.u32 v0, v23;
	v50 =	vld [tilespmem:s23+$0xFFFFFFE0];
	v26 =	vadd.f32 v28, v26;
	v28 =	vmul.f32 v44, v42  }
0x530: {  	v27 =	vor.u32 v0, v27;
	v29 =	vor.u32 v0, v29;
	v30 =	vor.u32 v0, v30;
	v42 =	vld [tilespmem:s25+$0xFFFFFFE0]  }
0x531: {  	v31 =	vor.u32 v0, v31;
	v33 =	vor.u32 v25, v33;
	v44 =	vld [tilespmem:s23+$0xFFFFFFF0];
	v26 =	vadd.f32 v28, v26  }
0x532: {  	s1 =	sadd.s32 $0x80, s1;
	v28 =	vor.u32 v32, v34;
	v34 =	vor.u32 v23, v36;
	v36 =	vor.u32 v27, v37;
	v37 =	vld [tilespmem:s25+$0xFFFFFFF0]  }
0x533: {  	v24 =	vor.u32 v29, v24;
	v38 =	vor.u32 v30, v38;
	v39 =	vor.u32 v31, v39;
	v51 =	vld [tilespmem:s23+$0x0];
	[tilespmem:s1+$0x30] =	vst v26  }
0x534: {  	v26 =	vor.u32 v25, v43;
	v43 =	vor.u32 v32, v45;
	v45 =	vor.u32 v23, v46;
	v46 =	vld [tilespmem:s25+$0x0]  }
0x535: {  	v47 =	vor.u32 v27, v47;
	v48 =	vor.u32 v29, v48;
	v49 =	vor.u32 v30, v49;
	v52 =	vld [tilespmem:s23+$0x10]  }
0x536: {  	v53 =	vshrl.u32 v14, $0x8;
	v54 =	vshrl.u32 v15, $0x8;
	v41 =	vor.u32 v31, v41;
	v33 =	vld.idx.msk [tilespmem:v33+s26+$0x0], $0xffff  }
0x537: {  	v55 =	vshrl.u32 v16, $0x8;
	v56 =	vshrl.u32 v17, $0x8;
	v57 =	vshrl.u32 v18, $0x8;
	v28 =	vld.idx.msk [tilespmem:v28+s26+$0x0], $0xffff  }
0x538: {  	v53 =	vand.u32 $0xF, v53;
	v58 =	vshrl.u32 v19, $0x8;
	v59 =	vshrl.u32 v20, $0x8;
	v34 =	vld.idx.msk [tilespmem:v34+s26+$0x0], $0xffff  }
0x539: {  	v54 =	vand.u32 $0xF, v54;
	v55 =	vand.u32 $0xF, v55;
	v56 =	vand.u32 $0xF, v56;
	v36 =	vld.idx.msk [tilespmem:v36+s26+$0x0], $0xffff  }
0x53a: {  	v57 =	vand.u32 $0xF, v57;
	v58 =	vand.u32 $0xF, v58;
	v59 =	vand.u32 $0xF, v59;
	v24 =	vld.idx.msk [tilespmem:v24+s26+$0x0], $0xffff  }
0x53b: {  	v53 =	vor.u32 v25, v53;
	v55 =	vor.u32 v23, v55;
	v54 =	vor.u32 v32, v54;
	v38 =	vld.idx.msk [tilespmem:v38+s26+$0x0], $0xffff  }
0x53c: {  	v56 =	vor.u32 v27, v56;
	v57 =	vor.u32 v29, v57;
	v58 =	vor.u32 v30, v58;
	v39 =	vld.idx.msk [tilespmem:v39+s26+$0x0], $0xffff  }
0x53d: {  	v14 =	vshrl.u32 v14, $0xC;
	v15 =	vshrl.u32 v15, $0xC;
	v59 =	vor.u32 v31, v59;
	v26 =	vld.idx.msk [tilespmem:v26+s26+$0x0], $0xffff  }
0x53e: {  	v16 =	vshrl.u32 v16, $0xC;
	v17 =	vshrl.u32 v17, $0xC;
	v18 =	vshrl.u32 v18, $0xC;
	v43 =	vld.idx.msk [tilespmem:v43+s26+$0x0], $0xffff  }
0x53f: {  	v14 =	vand.u32 $0xF, v14;
	v19 =	vshrl.u32 v19, $0xC;
	v20 =	vshrl.u32 v20, $0xC;
	v45 =	vld.idx.msk [tilespmem:v45+s26+$0x0], $0xffff  }
0x540: {  	v15 =	vand.u32 $0xF, v15;
	v16 =	vand.u32 $0xF, v16;
	v17 =	vand.u32 $0xF, v17;
	v47 =	vld.idx.msk [tilespmem:v47+s26+$0x0], $0xffff  }
0x541: {  	v18 =	vand.u32 $0xF, v18;
	v19 =	vand.u32 $0xF, v19;
	v20 =	vand.u32 $0xF, v20;
	v48 =	vld.idx.msk [tilespmem:v48+s26+$0x0], $0xffff  }
0x542: {  	v14 =	vor.u32 v25, v14;
	v15 =	vor.u32 v32, v15;
	v23 =	vor.u32 v23, v16;
	v16 =	vld.idx.msk [tilespmem:v49+s26+$0x0], $0xffff  }
0x543: {  	v18 =	vor.u32 v29, v18;
	v19 =	vor.u32 v30, v19;
	v25 =	vor.u32 v27, v17;
	v17 =	vld.idx.msk [tilespmem:v41+s26+$0x0], $0xffff  }
0x544: {  	v20 =	vor.u32 v31, v20;
	v27 =	vmul.f32 v35, v33;
	v28 =	vmul.f32 v40, v28;
	v29 =	vld [tilespmem:s25+$0x10]  }
0x545: {  	v7 =	vadd.f32 v10, v7;
	v30 =	vmul.f32 v42, v34;
	v31 =	vmul.f32 v37, v36;
	v32 =	vld [tilespmem:s23+$0x20]  }
0x546: {  	v8 =	vadd.f32 v11, v8;
	v10 =	vmul.f32 v21, v26;
	v21 =	vmul.f32 v46, v24;
	v24 =	vld [tilespmem:s25+$0x20]  }
0x547: {  	v22 =	vmul.f32 v22, v43;
	v26 =	vmul.f32 v50, v45;
	v11 =	vld.idx.msk [tilespmem:v53+s26+$0x0], $0xffff;
	[tilespmem:s30+$0xFFFFFFE0] =	vst v7  }
0x548: {  	v33 =	vmul.f32 v51, v48;
	v7 =	vadd.f32 v27, v10;
	v27 =	vmul.f32 v44, v47;
	v10 =	vld.idx.msk [tilespmem:v54+s26+$0x0], $0xffff  }
0x549: {  	v22 =	vadd.f32 v28, v22;
	v16 =	vmul.f32 v52, v16;
	v28 =	vld.idx.msk [tilespmem:v55+s26+$0x0], $0xffff;
	v29 =	vmul.f32 v29, v38  }
0x54a: {  	v26 =	vadd.f32 v30, v26;
	v27 =	vadd.f32 v31, v27;
	v30 =	vld.idx.msk [tilespmem:v56+s26+$0x0], $0xffff;
	v17 =	vmul.f32 v32, v17  }
0x54b: {  	v21 =	vadd.f32 v21, v33;
	v31 =	vld.idx.msk [tilespmem:v57+s26+$0x0], $0xffff;
	v29 =	vadd.f32 v29, v16;
	v16 =	vmul.f32 v24, v39  }
0x54c: {  	v1 =	vmul.f32 v9, v1;
	v2 =	vmul.f32 v12, v2;
	v24 =	vld.idx.msk [tilespmem:v58+s26+$0x0], $0xffff;
	[tilespmem:s30+$0xFFFFFFF0] =	vst v8  }
0x54d: {  	v3 =	vmul.f32 v13, v3;
	v9 =	vadd.f32 v16, v17;
	v32 =	vld.idx.msk [tilespmem:v59+s26+$0x0], $0xffff  }
0x54e: {  	v1 =	vadd.f32 v1, v4;
	v2 =	vadd.f32 v2, v5;
	v8 =	vld [tilespmem:s29+$0xFFFFFFC0]  }
0x54f: {  	v3 =	vadd.f32 v3, v6;
	v4 =	vld [tilespmem:s29+$0xFFFFFFD0]  }
0x550: {  	v5 =	vld [tilespmem:s29+$0xFFFFFFE0];
	[tilespmem:s30+$0x0] =	vst v1  }
0x551: {  	v1 =	vld [tilespmem:s29+$0xFFFFFFF0];
	[tilespmem:s30+$0x10] =	vst v2  }
0x552: {  	v2 =	vld [tilespmem:s29+$0x0];
	[tilespmem:s30+$0x20] =	vst v3;
	s30 =	smov.u32 s1  }
0x553: {  	v3 =	vmul.f32 v8, v11;
	v6 =	vld [tilespmem:s29+$0x10]  }
0x554: {  	v4 =	vmul.f32 v4, v10;
	v33 =	vld [tilespmem:s29+$0x20]  }
0x555: {  	v16 =	vadd.f32 v3, v7;
	v11 =	vld.idx.msk [tilespmem:v14+s26+$0x0], $0xffff;
	v3 =	vmul.f32 v5, v28  }
0x556: {  	v17 =	vadd.f32 v4, v22;
	v13 =	vld.idx.msk [tilespmem:v15+s26+$0x0], $0xffff;
	v1 =	vmul.f32 v1, v30  }
0x557: {  	v7 =	vadd.f32 v3, v26;
	v10 =	vld.idx.msk [tilespmem:v23+s26+$0x0], $0xffff;
	v2 =	vmul.f32 v2, v31  }
0x558: {  	v8 =	vadd.f32 v1, v27;
	v12 =	vld.idx.msk [tilespmem:v25+s26+$0x0], $0xffff;
	v3 =	vmul.f32 v6, v24  }
0x559: {  	v4 =	vadd.f32 v2, v21;
	v1 =	vld.idx.msk [tilespmem:v18+s26+$0x0], $0xffff;
	v6 =	vmul.f32 v33, v32  }
0x55a: {  	v5 =	vadd.f32 v3, v29;
	v2 =	vld.idx.msk [tilespmem:v19+s26+$0x0], $0xffff  }
0x55b: {  	v6 =	vadd.f32 v6, v9;
	v3 =	vld.idx.msk [tilespmem:v20+s26+$0x0], $0xffff  }
.Ltmp8:
0x55c: {  	v14 =	vld [tilespmem:s28+$0xFFFFFFC0];
	(pc) =	sbr.rel @p0 .LBB2_19-.Ltmp8, $4  }
0x55d: {  	v15 =	vld [tilespmem:s28+$0xFFFFFFD0]  }
0x55e: {  	v19 =	vld [tilespmem:s28+$0xFFFFFFE0]  }
0x55f: {  	v18 =	vld [tilespmem:s28+$0xFFFFFFF0]  }
0x560: {  	s8 =	sadd.s32 $0x80, s8;
	v9 =	vld [tilespmem:s28+$0x0]  }
0x561: {  	v11 =	vmul.f32 v14, v11;
	v62 =	vld [tilespmem:s28+$0x10]  }
0x562: {  	v63 =	vld [tilespmem:s28+$0x20];
	v13 =	vmul.f32 v15, v13  }
0x563: {  	v11 =	vadd.f32 v11, v16;
	v10 =	vmul.f32 v19, v10  }
0x564: {  	v13 =	vadd.f32 v13, v17;
	v12 =	vmul.f32 v18, v12  }
0x565: {  	[tilespmem:s1+$0xFFFFFFC0] =	vst v11;
	v7 =	vadd.f32 v10, v7;
	v1 =	vmul.f32 v9, v1  }
0x566: {  	[tilespmem:s1+$0xFFFFFFD0] =	vst v13;
	v8 =	vadd.f32 v12, v8;
	v2 =	vmul.f32 v62, v2  }
0x567: {  	v3 =	vmul.f32 v63, v3;
	[tilespmem:s30+$0xFFFFFFE0] =	vst v7;
	v1 =	vadd.f32 v1, v4  }
0x568: {  	[tilespmem:s30+$0xFFFFFFF0] =	vst v8;
	v2 =	vadd.f32 v2, v5  }
0x569: {  	v3 =	vadd.f32 v3, v6;
	[tilespmem:s30+$0x0] =	vst v1  }
0x56a: {  	s0 =	sshrl.u32 s9, $0x3;
	p0 =	sne.s32 s20, $0x19;
	[tilespmem:s30+$0x10] =	vst v2  }
.Ltmp9:
0x56b: {  	s31 =	simm.s32 $0x17800;
	s0 =	sadd.s32 s6, s0;
	[tilespmem:s30+$0x20] =	vst v3;
	(pc) =	sbr.rel @p0 .LBB2_6-.Ltmp9, $4  }
0x56c: {  	[hbm4b:s0+s3] =	stream.linear.scatter [tilespmem:s31], [sflag:$0x5], $0x800, $0x38;
	[tilespmem:$0x18000] =	vst v63  }
0x56d: {  	_ =	swait.ge [sflag:s12], $0x800  }
0x56e: {  	[sflag:s12] =	ssyncset.done $0x0  }
0x56f: {  	[sflag:s12] =	ssyncadd.s32 $0xFFFFF800  }
0x570: {  	s1 =	rddreg [dreg:$0x6]  }
0x571: {  	s0 =	rddreg [dreg:$0x5];
	s1 =	sadd.s32 $0x1, s1  }
0x572: {  	p0 =	sne.s32 s1, s0  }
.Ltmp10:
0x573: {  	_ = 	snop;
	(pc) =	sbr.rel @p0 .LBB2_1-.Ltmp10, $1  }
0x574: {  	_ =	sdelay $0x3  }
0x575: {  	_ =	sfence.sel $0x180000  }
0x576: {  	[bflag:$0x0] =	sbarrier.arrive $0xFFFF  }
0x577: {  	_ =	strace $0x9000004A  }
0x578: {  	s0 =	stileid.u32;
	[bflag:$0x2] =	sbarrier.arrive $0xFFFF  }
0x579: {  	p0 =	sne.s32 s0, $0x0;
	s0 =	rddreg [dreg:$0x2]  }
0x57a: {  	s0 =	sadd.s32 @!p0 $0x100000, s0  }
0x57b: {  	[sflag:s0] =	ssyncadd.tile.s32 @!p0 $0x1;
	_ =	shalt  }
.Lfunc_end2:
_tile_overlayer_lowered:
.L_overlay_start_2:
0x57c: {  	(tag) =	ssettag $0x2  }
0x57d: {  	s0 =	rddreg [dreg:$0x0];
	s2 =	stileid.u32  }
0x57e: {  	s1 =	rddreg [dreg:$0x1];
	p0 =	sne.s32 s2, $0x0  }
0x57f: {  	s3 =	rddreg [dreg:$0x2];
	[bflag:$0x3] =	sbarrier.arrive $0xFFFF;
	s2 =	simm.s32 @!p0 $0x1C05  }
0x580: {  	[timem:s3], [sflag:s2] =	dma.local @!p0 [hbm:s0], s1  }
0x581: {  	s0 =	simm.s32 @!p0 $0x5  }
0x582: {  	_ =	swait.ge @!p0 [sflag:s0], s1  }
0x583: {  	s1 =	ssub.s32 @!p0 $0x0, s1;
	[sflag:s0] =	ssyncset.done @!p0 $0x0  }
0x584: {  	[sflag:s0] =	ssyncadd.s32 @!p0 s1  }
0x585: {  	[bflag:$0x3] =	sbarrier.arrive $0xFFFF  }
0x586: {  	_ =	shalt  }

</sc_bundles>
